<compile_context>
chip_gen: v7x
topology: tpu7x:2x2x1
jax: 0.10.2.dev20260603
libtpu: 0.0.44.dev20260713+nightly
codegen_flags: <defaults>
</compile_context>

<pallas_src>
import functools
import math

import jax
import jax.numpy as jnp
from jax import lax
from jax.experimental import pallas as pl
from jax.experimental.pallas import tpu as pltpu
from jax.experimental.pallas import tpu_sc as plsc

VTV_NF = 64


def _silu(z):
    return z * jax.nn.sigmoid(z)


def _make_sc_rows_scatter(e, n_seg):
    accr = -(-(n_seg + 128) // 128) * 128
    epc = e // 2
    ept = epc // 16
    gb = 128
    ngb = -(-ept // gb)
    zr = 64
    rpt = accr // 16
    mesh = plsc.VectorSubcoreMesh(core_axis_name="c", subcore_axis_name="s")

    def body(t1, nrw, ridx, zrs, out, idx_v, rows_v, zbuf, acc, sem):
        t = lax.axis_index("s")
        ci = lax.axis_index("c")
        base = ci * epc + t * ept
        pltpu.sync_copy(ridx.at[pl.ds(base, ept)], idx_v.at[pl.ds(0, ept)])
        pltpu.sync_copy(zrs, zbuf)

        def zero_acc():
            for z in range(rpt // zr):
                pltpu.sync_copy(zbuf, acc.at[pl.ds(t * rpt + z * zr, zr)])

        def seg_ids(g, k):
            ev = idx_v[pl.ds(g * gb + k * 16, 16)]
            li = lax.iota(jnp.int32, 16) + (g * gb + k * 16)
            dumpv = jnp.full((16,), n_seg, jnp.int32) + t * 8
            return jnp.where(li < ept, ev, dumpv)

        def phase(src, out_slot):
            zero_acc()
            plsc.subcore_barrier()

            def gbatch(g, _):
                pltpu.async_copy(src.at[pl.ds(base + g * gb, gb)], rows_v,
                                 sem).wait()
                for k in range(gb // 16):
                    pltpu.sync_copy(rows_v.at[pl.ds(k * 16, 16)],
                                    acc.at[seg_ids(g, k)], add=True)
                return 0
            lax.fori_loop(0, ngb, gbatch, 0)
            plsc.subcore_barrier()
            pltpu.sync_copy(acc.at[pl.ds(t * rpt, rpt)],
                            out.at[out_slot, pl.ds(t * rpt, rpt)])
            plsc.subcore_barrier()

        phase(t1, ci)
        phase(nrw, 2 + ci)

    f = pl.kernel(
        body,
        out_type=jax.ShapeDtypeStruct((4, accr, 128), jnp.float32),
        mesh=mesh,
        scratch_types=[
            pltpu.VMEM((ngb * gb,), jnp.int32),
            pltpu.VMEM((gb, 128), jnp.float32),
            pltpu.VMEM((zr, 128), jnp.float32),
            pltpu.VMEM_SHARED((accr, 128), jnp.float32),
            pltpu.SemaphoreType.DMA,
        ],
    )
    zrs = jnp.zeros((zr, 128), jnp.float32)
    return lambda t1, nrw, ridx: f(t1, nrw, ridx, zrs)


def _make_sc_pair_gather(e, d):
    ept = e // 32
    gb = 200
    nb = ept // gb
    mesh = plsc.VectorSubcoreMesh(core_axis_name="c", subcore_axis_name="s")

    def body(hsrc, ridx, cidx, hr, hc, ir_v, ic_v, rows_v, sem):
        t = lax.axis_index("s")
        ci = lax.axis_index("c")
        base = (ci * 16 + t) * ept
        pltpu.sync_copy(ridx.at[pl.ds(base, ept)], ir_v)
        pltpu.sync_copy(cidx.at[pl.ds(base, ept)], ic_v)

        def bat(b, _):
            pltpu.async_copy(hsrc.at[ir_v.at[pl.ds(b * gb, gb)]], rows_v,
                             sem).wait()
            pltpu.sync_copy(rows_v, hr.at[pl.ds(base + b * gb, gb)])
            pltpu.async_copy(hsrc.at[ic_v.at[pl.ds(b * gb, gb)]], rows_v,
                             sem).wait()
            pltpu.sync_copy(rows_v, hc.at[pl.ds(base + b * gb, gb)])
            return 0
        lax.fori_loop(0, nb, bat, 0)

    return pl.kernel(
        body,
        out_type=[jax.ShapeDtypeStruct((e, d), jnp.float32),
                  jax.ShapeDtypeStruct((e, d), jnp.float32)],
        mesh=mesh,
        scratch_types=[
            pltpu.VMEM((ept,), jnp.int32),
            pltpu.VMEM((ept,), jnp.int32),
            pltpu.VMEM((gb, d), jnp.float32),
            pltpu.SemaphoreType.DMA,
        ],
    )


def _make_sc_vtv(enb, e):
    ept = enb // 32
    mesh = plsc.VectorSubcoreMesh(core_axis_name="c", subcore_axis_name="s")

    def body(cdx, cdy, cdz, ridx, cidx, vtv, ir_v, ic_v,
             ax, ay, az, bx, by, bz, out_v, sem):
        t = lax.axis_index("s")
        ci = lax.axis_index("c")
        base = (ci * 16 + t) * ept
        pltpu.sync_copy(ridx.at[pl.ds(base, ept)], ir_v)
        pltpu.sync_copy(cidx.at[pl.ds(base, ept)], ic_v)
        for src, idx, dst in ((cdx, ir_v, ax), (cdy, ir_v, ay),
                              (cdz, ir_v, az), (cdx, ic_v, bx),
                              (cdy, ic_v, by), (cdz, ic_v, bz)):
            pltpu.async_copy(src.at[idx], dst, sem).wait()

        def dot(i, _):
            s = pl.ds(i * 16, 16)
            out_v[s] = ax[s] * bx[s] + ay[s] * by[s] + az[s] * bz[s]
            return 0
        lax.fori_loop(0, ept // 16, dot, 0)
        pltpu.sync_copy(out_v, vtv.at[pl.ds(base, ept)])

    return pl.kernel(
        body,
        out_type=jax.ShapeDtypeStruct((enb,), jnp.float32),
        mesh=mesh,
        scratch_types=[
            pltpu.VMEM((ept,), jnp.int32),
            pltpu.VMEM((ept,), jnp.int32),
        ] + [pltpu.VMEM((ept,), jnp.float32)] * 7 + [
            pltpu.SemaphoreType.DMA,
        ],
    )


def _edge_mlp_body(hr, hc, w1a, w1b, b1, w2, b2, out):
    z = jnp.dot(hr[...], w1a[...], preferred_element_type=jnp.float32)
    z += jnp.dot(hc[...], w1b[...], preferred_element_type=jnp.float32)
    z = _silu(z + b1[...])
    out[...] = jnp.dot(z, w2[...], preferred_element_type=jnp.float32) + b2[...]


def _edge_mlp(hr, hc, We1, be1, We2, be2, block):
    e = hr.shape[0]
    d = hr.shape[1]
    hid = We1.shape[1]
    w1a, w1b = We1[:d], We1[d:]
    grid = (e // block,)
    return pl.pallas_call(
        _edge_mlp_body,
        grid=grid,
        in_specs=[
            pl.BlockSpec((block, d), lambda i: (i, 0)),
            pl.BlockSpec((block, d), lambda i: (i, 0)),
            pl.BlockSpec((d, hid), lambda i: (0, 0)),
            pl.BlockSpec((d, hid), lambda i: (0, 0)),
            pl.BlockSpec((1, hid), lambda i: (0, 0)),
            pl.BlockSpec((hid, d), lambda i: (0, 0)),
            pl.BlockSpec((1, d), lambda i: (0, 0)),
        ],
        out_specs=pl.BlockSpec((block, d), lambda i: (i, 0)),
        out_shape=jax.ShapeDtypeStruct((e, d), jnp.float32),
    )(hr, hc, w1a, w1b, be1.reshape(1, -1), We2, be2.reshape(1, -1))


def _nb_mlp_body(vtv, nbfn, inv, ws1, wc1, wn1, b1, ws2, wc2, wn2, b2, m1, m2):
    ang = vtv[...] * inv[...]
    s = jnp.sin(ang).astype(jnp.bfloat16)
    c = jnp.cos(ang).astype(jnp.bfloat16)
    nb = nbfn[...].astype(jnp.bfloat16)
    z1 = (jnp.dot(s, ws1[...], preferred_element_type=jnp.float32)
          + jnp.dot(c, wc1[...], preferred_element_type=jnp.float32)
          + jnp.dot(nb, wn1[...], preferred_element_type=jnp.float32))
    m1[...] = _silu(z1 + b1[...])
    z2 = (jnp.dot(s, ws2[...], preferred_element_type=jnp.float32)
          + jnp.dot(c, wc2[...], preferred_element_type=jnp.float32)
          + jnp.dot(nb, wn2[...], preferred_element_type=jnp.float32))
    m2[...] = _silu(z2 + b2[...])


def _nb_mlp(vtv, nbfn, Wp1, bp1, Wp2, bp2, block):
    e = vtv.shape[0]
    d = nbfn.shape[1]
    nf = VTV_NF
    dividers = jnp.arange(nf // 2, dtype=jnp.float32)
    div_term = jnp.exp(jnp.log(jnp.float32(10000.0)) * (2.0 * dividers / nf))
    inv = ((nf / 2.0) / div_term).reshape(1, nf // 2)
    bf = jnp.bfloat16
    ws1, wc1, wn1 = Wp1[0:nf:2].astype(bf), Wp1[1:nf:2].astype(bf), Wp1[nf:].astype(bf)
    ws2, wc2, wn2 = Wp2[0:nf:2].astype(bf), Wp2[1:nf:2].astype(bf), Wp2[nf:].astype(bf)
    grid = (e // block,)
    half = nf // 2
    return pl.pallas_call(
        _nb_mlp_body,
        grid=grid,
        in_specs=[
            pl.BlockSpec((block, 1), lambda i: (i, 0)),
            pl.BlockSpec((block, d), lambda i: (i, 0)),
            pl.BlockSpec((1, half), lambda i: (0, 0)),
            pl.BlockSpec((half, d), lambda i: (0, 0)),
            pl.BlockSpec((half, d), lambda i: (0, 0)),
            pl.BlockSpec((d, d), lambda i: (0, 0)),
            pl.BlockSpec((1, d), lambda i: (0, 0)),
            pl.BlockSpec((half, d), lambda i: (0, 0)),
            pl.BlockSpec((half, d), lambda i: (0, 0)),
            pl.BlockSpec((d, d), lambda i: (0, 0)),
            pl.BlockSpec((1, d), lambda i: (0, 0)),
        ],
        out_specs=[
            pl.BlockSpec((block, d), lambda i: (i, 0)),
            pl.BlockSpec((block, d), lambda i: (i, 0)),
        ],
        out_shape=[
            jax.ShapeDtypeStruct((e, d), jnp.float32),
            jax.ShapeDtypeStruct((e, d), jnp.float32),
        ],
    )(vtv.reshape(e, 1), nbfn, inv, ws1, wc1, wn1, bp1.reshape(1, -1),
      ws2, wc2, wn2, bp2.reshape(1, -1))


def _colsum_body(x, out):
    @pl.when(pl.program_id(0) == 0)
    def _():
        out[...] = jnp.zeros_like(out)
    out[...] += jnp.sum(x[...], axis=0, keepdims=True)


def _colsum(x, block):
    e, d = x.shape
    return pl.pallas_call(
        _colsum_body,
        grid=(e // block,),
        in_specs=[pl.BlockSpec((block, d), lambda i: (i, 0))],
        out_specs=pl.BlockSpec((1, d), lambda i: (0, 0)),
        out_shape=jax.ShapeDtypeStruct((1, d), jnp.float32),
    )(x)


def _t1w_body(ppgn, meanb, cd, wa, wc1, bc1, wc2, t1, nrw):
    t = jnp.dot(ppgn[...], wa[...], preferred_element_type=jnp.float32) + meanb[...]
    t1[...] = t
    z = _silu(jnp.dot(t, wc1[...], preferred_element_type=jnp.float32) + bc1[...])
    w = jnp.dot(z, wc2[...], preferred_element_type=jnp.float32)
    b = t.shape[0]
    nrw[...] = jnp.concatenate(
        [cd[...] * w, jnp.ones((b, 1), jnp.float32),
         jnp.zeros((b, 124), jnp.float32)], axis=1)


def _t1w(ppgn, mean_row, cd, Wa, Wb, bi, Wc1, bc1, Wc2, block, epad):
    e, d = ppgn.shape
    hid = Wc1.shape[1]
    meanb = mean_row @ Wb + bi.reshape(1, -1)
    return pl.pallas_call(
        _t1w_body,
        grid=(e // block,),
        in_specs=[
            pl.BlockSpec((block, d), lambda i: (i, 0)),
            pl.BlockSpec((1, d), lambda i: (0, 0)),
            pl.BlockSpec((block, 3), lambda i: (i, 0)),
            pl.BlockSpec((d, d), lambda i: (0, 0)),
            pl.BlockSpec((d, hid), lambda i: (0, 0)),
            pl.BlockSpec((1, hid), lambda i: (0, 0)),
            pl.BlockSpec((hid, 1), lambda i: (0, 0)),
        ],
        out_specs=[
            pl.BlockSpec((block, d), lambda i: (i, 0)),
            pl.BlockSpec((block, d), lambda i: (i, 0)),
        ],
        out_shape=[
            jax.ShapeDtypeStruct((epad, d), jnp.float32),
            jax.ShapeDtypeStruct((epad, d), jnp.float32),
        ],
    )(ppgn, meanb, cd, Wa, Wc1, bc1.reshape(1, -1), Wc2)


def _node_mlp_body(t0, h, w1, b1, w2, b2, out):
    z = _silu(jnp.dot(t0[...], w1[...], preferred_element_type=jnp.float32) + b1[...])
    out[...] = h[...] + jnp.dot(z, w2[...], preferred_element_type=jnp.float32) + b2[...]


def _node_mlp(t0, h, Wn1, bn1, Wn2, bn2, block):
    n, d = t0.shape
    hid = Wn1.shape[1]
    return pl.pallas_call(
        _node_mlp_body,
        grid=(n // block,),
        in_specs=[
            pl.BlockSpec((block, d), lambda i: (i, 0)),
            pl.BlockSpec((block, d), lambda i: (i, 0)),
            pl.BlockSpec((d, hid), lambda i: (0, 0)),
            pl.BlockSpec((1, hid), lambda i: (0, 0)),
            pl.BlockSpec((hid, d), lambda i: (0, 0)),
            pl.BlockSpec((1, d), lambda i: (0, 0)),
        ],
        out_specs=pl.BlockSpec((block, d), lambda i: (i, 0)),
        out_shape=jax.ShapeDtypeStruct((n, d), jnp.float32),
    )(t0, h, Wn1, bn1.reshape(1, -1), Wn2, bn2.reshape(1, -1))


def kernel(h, x, edges, nb_edge, edge_attr, nb_num_nodes, We1, be1, We2, be2,
           Wp1, bp1, Wp2, bp2, Wa, Wb, bi, Wc1, bc1, Wc2, Wn1, bn1, Wn2, bn2):
    rows, cols = edges[0], edges[1]
    nbr, nbc = nb_edge[0], nb_edge[1]
    n = h.shape[0]
    e = edges.shape[1]
    enb = nb_edge.shape[1]

    cd = x[rows] - x[cols]
    vtv = _make_sc_vtv(enb, e)(
        cd[:, 0], cd[:, 1], cd[:, 2], nbr, nbc)

    hr, hc = _make_sc_pair_gather(e, h.shape[1])(h, rows, cols)
    efn = _edge_mlp(hr, hc, We1, be1, We2, be2, block=3200)
    nbfn = efn[nbr] * efn[nbc]

    m1, m2 = _nb_mlp(vtv, nbfn, Wp1, bp1, Wp2, bp2, block=3200)

    agg2 = jax.ops.segment_sum(m2, nbc, num_segments=e)
    ppgn = jax.ops.segment_sum(m1 * agg2[nbr], nbr, num_segments=e)

    mean_row = _colsum(ppgn, block=3200) / jnp.float32(e)
    t1, nrw = _t1w(ppgn, mean_row, cd, Wa, Wb, bi, Wc1, bc1, Wc2,
                   block=2000, epad=e + 128)

    parts = _make_sc_rows_scatter(e, n)(t1, nrw, rows)
    t0 = parts[0, :n] + parts[1, :n]
    narrow = parts[2, :n, :4] + parts[3, :n, :4]
    x_out = x + narrow[:, :3] / jnp.maximum(narrow[:, 3:4], 1.0)
    h_out = _node_mlp(t0, h, Wn1, bn1, Wn2, bn2, block=2000)
    return (h_out, x_out, edge_attr)

# --- scband reference (transcript-rebuilt; emitter-appended) ---
"""Pipeline reference for scband-vtvnn-18580028522831 (READ-ONLY COPY).

The authoritative reference and input builder live on the scoring server;
editing this copy changes nothing except your own understanding.
"""

import jax, jax.numpy as jnp
import numpy as np

N = 10000
E = 160000
E_NB = 320000
D = 128
HID = 128
VTV_NF = 64

def _glorot(key, shape, gain=1.0):
    lim = gain * np.sqrt(6.0 / (shape[0] + shape[1]))
    return jax.random.uniform(key, shape, jnp.float32, -lim, lim)

def _pos_enc(a, d, n=10000.0, a_scale=10.0):
    dividers = jnp.arange(d // 2, dtype=jnp.float32)
    div_term = jnp.exp(jnp.log(jnp.float32(n)) * (2.0 * dividers / d))
    ang = a * a_scale / div_term
    return jnp.stack([jnp.sin(ang), jnp.cos(ang)], axis=-1).reshape(a.shape[0], d)

def _mlp(xx, W1, b1, W2, b2):
    return jax.nn.silu(xx @ W1 + b1) @ W2 + b2

def setup_inputs(seed: int = 0):
    key = jax.random.key(seed)
    ks = jax.random.split(key, 30)
    inp = {}
    inp['h'] = jax.random.normal(ks[0], (N, D), jnp.float32)
    inp['x'] = jax.random.normal(ks[1], (N, 3), jnp.float32)
    inp['edges'] = jax.random.randint(ks[2], (2, E), 0, N, jnp.int32)
    inp['nb_edge'] = jax.random.randint(ks[3], (2, E_NB), 0, E, jnp.int32)
    inp['edge_attr'] = jax.random.normal(ks[4], (E, 16), jnp.float32)
    inp['nb_num_nodes'] = E
    inp['We1'] = _glorot(ks[5], (2 * D, HID)); inp['be1'] = jnp.zeros((HID,), jnp.float32)
    inp['We2'] = _glorot(ks[6], (HID, D)); inp['be2'] = jnp.zeros((D,), jnp.float32)
    inp['Wp1'] = _glorot(ks[7], (VTV_NF + D, D)); inp['bp1'] = jnp.zeros((D,), jnp.float32)
    inp['Wp2'] = _glorot(ks[8], (VTV_NF + D, D)); inp['bp2'] = jnp.zeros((D,), jnp.float32)
    inp['Wa'] = _glorot(ks[9], (D, D)); inp['Wb'] = _glorot(ks[10], (D, D))
    inp['bi'] = jnp.zeros((D,), jnp.float32)
    inp['Wc1'] = _glorot(ks[11], (D, HID)); inp['bc1'] = jnp.zeros((HID,), jnp.float32)
    inp['Wc2'] = _glorot(ks[12], (HID, 1), gain=0.001)
    inp['Wn1'] = _glorot(ks[13], (D, HID)); inp['bn1'] = jnp.zeros((HID,), jnp.float32)
    inp['Wn2'] = _glorot(ks[14], (HID, D)); inp['bn2'] = jnp.zeros((D,), jnp.float32)
    return inp

def reference(h, x, edges, nb_edge, edge_attr, nb_num_nodes, We1, be1, We2, be2, Wp1, bp1, Wp2, bp2, Wa, Wb, bi, Wc1, bc1, Wc2, Wn1, bn1, Wn2, bn2):
    rows, cols = edges[0], edges[1]
    nb_rows, nb_cols = nb_edge[0], nb_edge[1]
    n_nodes = h.shape[0]
    n_edges = edges.shape[1]
    coord_diff = x[rows] - x[cols]
    vtv = jnp.sum(coord_diff[nb_rows] * coord_diff[nb_cols], axis=-1, keepdims=True)
    pe = _pos_enc(vtv, VTV_NF, a_scale=VTV_NF / 2.0)
    efn = _mlp(jnp.concatenate([h[rows], h[cols]], axis=1), We1, be1, We2, be2)
    nbfn = efn[nb_rows] * efn[nb_cols]
    nb_x = jnp.concatenate([pe, nbfn], axis=1)
    m1 = jax.nn.silu(nb_x @ Wp1 + bp1)
    m2 = jax.nn.silu(nb_x @ Wp2 + bp2)
    agg2 = jax.ops.segment_sum(m2, nb_cols, num_segments=n_edges)
    ppgn = jax.ops.segment_sum(m1 * agg2[nb_rows], nb_rows, num_segments=n_edges)
    t1 = ppgn @ Wa + jnp.mean(ppgn, axis=0, keepdims=True) @ Wb + bi
    w = jax.nn.silu(t1 @ Wc1 + bc1) @ Wc2
    trans = coord_diff * w
    agg = jax.ops.segment_sum(trans, rows, num_segments=n_nodes)
    cnt = jax.ops.segment_sum(jnp.ones((n_edges, 1), jnp.float32), rows, num_segments=n_nodes)
    x_out = x + agg / jnp.maximum(cnt, 1.0)
    t0 = jax.ops.segment_sum(t1, rows, num_segments=n_nodes)
    h_out = h + _mlp(t0, Wn1, bn1, Wn2, bn2)
    return (h_out, x_out, edge_attr)

if __name__ == "__main__":
    import jax
    _d = setup_inputs()
    print(jax.jit(kernel)(*tuple(_d.values())))

</pallas_src>

<mosaic_0001>
#map = affine_map<(d0, d1) -> (0, 0)>
#map1 = affine_map<(d0, d1) -> (0)>
module attributes {stable_mosaic.version = 14 : i64} {
  func.func @body(%arg0: i32, %arg1: i32, %arg2: memref<10000x128xf32, #tpu.memory_space<hbm>>, %arg3: memref<160000xi32, #tpu.memory_space<hbm>>, %arg4: memref<160000xi32, #tpu.memory_space<hbm>>, %arg5: memref<160000x128xf32, #tpu.memory_space<hbm>>, %arg6: memref<160000x128xf32, #tpu.memory_space<hbm>>, %arg7: memref<5000xi32, #tpu.memory_space<vmem>>, %arg8: memref<5000xi32, #tpu.memory_space<vmem>>, %arg9: memref<200x128xf32, #tpu.memory_space<vmem>>, %arg10: memref<!tpu.dma_semaphore, #tpu.memory_space<semaphore_mem>>) attributes {dimension_semantics = [#tpu.dimension_semantics<core_parallel>, #tpu.dimension_semantics<subcore_parallel>], iteration_bounds = array<i64: 2, 16>, scalar_prefetch = 0 : i64, scratch_operands = 4 : i64, tpu.core_type = #tpu.core_type<sc_vector_subcore>, window_params = [{transform_indices = #map}, {transform_indices = #map1}, {transform_indices = #map1}, {transform_indices = #map}, {transform_indices = #map}]} {
    %mul3A = arith.constant 16 : i32
    %mul3A_0 = arith.muli %arg0, %mul3A : i32
    %add3A = arith.addi %mul3A_0, %arg1 : i32
    %mul3A_1 = arith.constant 5000 : i32
    %mul3A_2 = arith.muli %add3A, %mul3A_1 : i32
    "tpu.region"() ({
      %run_scoped3A = tpu.sem_alloc : memref<!tpu.dma_semaphore, #tpu.memory_space<semaphore_mem>>
      %dma_start3A = tpu.memref_slice %arg3[%mul3A_2] : memref<160000xi32, #tpu.memory_space<hbm>> -> memref<5000xi32, #tpu.memory_space<hbm>>
      %dma_start3A_9 = tpu.memref_slice %arg3[%mul3A_2] : memref<160000xi32, #tpu.memory_space<hbm>> -> memref<5000xi32, #tpu.memory_space<hbm>>
      tpu.enqueue_dma source(%dma_start3A_9 : memref<5000xi32, #tpu.memory_space<hbm>>) target(%arg7 : memref<5000xi32, #tpu.memory_space<vmem>>) target_semaphore(%run_scoped3A : memref<!tpu.dma_semaphore, #tpu.memory_space<semaphore_mem>>)
      %dma_wait3A = tpu.memref_slice %arg3[%mul3A_2] : memref<160000xi32, #tpu.memory_space<hbm>> -> memref<5000xi32, #tpu.memory_space<hbm>>
      %dma_wait3A_10 = tpu.memref_slice %arg3[%mul3A_2] : memref<160000xi32, #tpu.memory_space<hbm>> -> memref<5000xi32, #tpu.memory_space<hbm>>
      tpu.wait_dma2 semaphore(%run_scoped3A : memref<!tpu.dma_semaphore, #tpu.memory_space<semaphore_mem>>) src(%dma_wait3A_10 : memref<5000xi32, #tpu.memory_space<hbm>>) dst(%arg7 : memref<5000xi32, #tpu.memory_space<vmem>>)
      tpu.yield
    }) : () -> ()
    "tpu.region"() ({
      %run_scoped3A = tpu.sem_alloc : memref<!tpu.dma_semaphore, #tpu.memory_space<semaphore_mem>>
      %dma_start3A = tpu.memref_slice %arg4[%mul3A_2] : memref<160000xi32, #tpu.memory_space<hbm>> -> memref<5000xi32, #tpu.memory_space<hbm>>
      %dma_start3A_9 = tpu.memref_slice %arg4[%mul3A_2] : memref<160000xi32, #tpu.memory_space<hbm>> -> memref<5000xi32, #tpu.memory_space<hbm>>
      tpu.enqueue_dma source(%dma_start3A_9 : memref<5000xi32, #tpu.memory_space<hbm>>) target(%arg8 : memref<5000xi32, #tpu.memory_space<vmem>>) target_semaphore(%run_scoped3A : memref<!tpu.dma_semaphore, #tpu.memory_space<semaphore_mem>>)
      %dma_wait3A = tpu.memref_slice %arg4[%mul3A_2] : memref<160000xi32, #tpu.memory_space<hbm>> -> memref<5000xi32, #tpu.memory_space<hbm>>
      %dma_wait3A_10 = tpu.memref_slice %arg4[%mul3A_2] : memref<160000xi32, #tpu.memory_space<hbm>> -> memref<5000xi32, #tpu.memory_space<hbm>>
      tpu.wait_dma2 semaphore(%run_scoped3A : memref<!tpu.dma_semaphore, #tpu.memory_space<semaphore_mem>>) src(%dma_wait3A_10 : memref<5000xi32, #tpu.memory_space<hbm>>) dst(%arg8 : memref<5000xi32, #tpu.memory_space<vmem>>)
      tpu.yield
    }) : () -> ()
    %scan3A = arith.constant 0 : i32
    %scan3A_3 = arith.constant 0 : i32
    %scan3A_4 = arith.constant 25 : i32
    %scan3A_5 = arith.addi %scan3A_3, %scan3A_4 : i32
    %scan3A_6 = arith.constant 1 : i32
    %scan3A_7 = scf.for %scan3A_9 = %scan3A_3 to %scan3A_5 step %scan3A_6 iter_args(%scan3A_10 = %scan3A) -> (i32)  : i32 {
      %mul3A_11 = arith.constant 200 : i32
      %mul3A_12 = arith.muli %scan3A_9, %mul3A_11 : i32
      %dma_start3A = tpu.memref_slice %arg7[%mul3A_12] : memref<5000xi32, #tpu.memory_space<vmem>> -> memref<200xi32, #tpu.memory_space<vmem>>
      %dma_start3A_13 = arith.constant 0 : i32
      %dma_start3A_14 = arith.constant 0 : i32
      %dma_start3A_15 = tpu.memref_slice %arg2[%dma_start3A_13, %dma_start3A_14] : memref<10000x128xf32, #tpu.memory_space<hbm>> -> memref<10000x128xf32, #tpu.memory_space<hbm>>
      tpu.enqueue_indirect_dma source(%dma_start3A_15 : memref<10000x128xf32, #tpu.memory_space<hbm>>) target(%arg9 : memref<200x128xf32, #tpu.memory_space<vmem>>) offsets(%dma_start3A : memref<200xi32, #tpu.memory_space<vmem>>) semaphore(%arg10 : memref<!tpu.dma_semaphore, #tpu.memory_space<semaphore_mem>>)
      %dma_wait3A = tpu.memref_slice %arg7[%mul3A_12] : memref<5000xi32, #tpu.memory_space<vmem>> -> memref<200xi32, #tpu.memory_space<vmem>>
      %dma_wait3A_16 = arith.constant 0 : i32
      %dma_wait3A_17 = arith.constant 0 : i32
      %dma_wait3A_18 = tpu.memref_slice %arg2[%dma_wait3A_16, %dma_wait3A_17] : memref<10000x128xf32, #tpu.memory_space<hbm>> -> memref<10000x128xf32, #tpu.memory_space<hbm>>
      tpu.wait_indirect_dma semaphore(%arg10 : memref<!tpu.dma_semaphore, #tpu.memory_space<semaphore_mem>>) src(%dma_wait3A_18 : memref<10000x128xf32, #tpu.memory_space<hbm>>) dst(%arg9 : memref<200x128xf32, #tpu.memory_space<vmem>>)
      %mul3A_19 = arith.constant 200 : i32
      %mul3A_20 = arith.muli %scan3A_9, %mul3A_19 : i32
      %add3A_21 = arith.addi %mul3A_2, %mul3A_20 : i32
      "tpu.region"() ({
        %run_scoped3A = tpu.sem_alloc : memref<!tpu.dma_semaphore, #tpu.memory_space<semaphore_mem>>
        %dma_start3A_36 = arith.constant 0 : i32
        %dma_start3A_37 = tpu.memref_slice %arg5[%add3A_21, %dma_start3A_36] : memref<160000x128xf32, #tpu.memory_space<hbm>> -> memref<200x128xf32, #tpu.memory_space<hbm>>
        %dma_start3A_38 = arith.constant 0 : i32
        %dma_start3A_39 = tpu.memref_slice %arg5[%add3A_21, %dma_start3A_38] : memref<160000x128xf32, #tpu.memory_space<hbm>> -> memref<200x128xf32, #tpu.memory_space<hbm>>
        tpu.enqueue_dma source(%arg9 : memref<200x128xf32, #tpu.memory_space<vmem>>) target(%dma_start3A_39 : memref<200x128xf32, #tpu.memory_space<hbm>>) target_semaphore(%run_scoped3A : memref<!tpu.dma_semaphore, #tpu.memory_space<semaphore_mem>>)
        %dma_wait3A_40 = arith.constant 0 : i32
        %dma_wait3A_41 = tpu.memref_slice %arg5[%add3A_21, %dma_wait3A_40] : memref<160000x128xf32, #tpu.memory_space<hbm>> -> memref<200x128xf32, #tpu.memory_space<hbm>>
        %dma_wait3A_42 = arith.constant 0 : i32
        %dma_wait3A_43 = tpu.memref_slice %arg5[%add3A_21, %dma_wait3A_42] : memref<160000x128xf32, #tpu.memory_space<hbm>> -> memref<200x128xf32, #tpu.memory_space<hbm>>
        tpu.wait_dma2 semaphore(%run_scoped3A : memref<!tpu.dma_semaphore, #tpu.memory_space<semaphore_mem>>) src(%arg9 : memref<200x128xf32, #tpu.memory_space<vmem>>) dst(%dma_wait3A_43 : memref<200x128xf32, #tpu.memory_space<hbm>>)
        tpu.yield
      }) : () -> ()
      %mul3A_22 = arith.constant 200 : i32
      %mul3A_23 = arith.muli %scan3A_9, %mul3A_22 : i32
      %dma_start3A_24 = tpu.memref_slice %arg8[%mul3A_23] : memref<5000xi32, #tpu.memory_space<vmem>> -> memref<200xi32, #tpu.memory_space<vmem>>
      %dma_start3A_25 = arith.constant 0 : i32
      %dma_start3A_26 = arith.constant 0 : i32
      %dma_start3A_27 = tpu.memref_slice %arg2[%dma_start3A_25, %dma_start3A_26] : memref<10000x128xf32, #tpu.memory_space<hbm>> -> memref<10000x128xf32, #tpu.memory_space<hbm>>
      tpu.enqueue_indirect_dma source(%dma_start3A_27 : memref<10000x128xf32, #tpu.memory_space<hbm>>) target(%arg9 : memref<200x128xf32, #tpu.memory_space<vmem>>) offsets(%dma_start3A_24 : memref<200xi32, #tpu.memory_space<vmem>>) semaphore(%arg10 : memref<!tpu.dma_semaphore, #tpu.memory_space<semaphore_mem>>)
      %dma_wait3A_28 = tpu.memref_slice %arg8[%mul3A_23] : memref<5000xi32, #tpu.memory_space<vmem>> -> memref<200xi32, #tpu.memory_space<vmem>>
      %dma_wait3A_29 = arith.constant 0 : i32
      %dma_wait3A_30 = arith.constant 0 : i32
      %dma_wait3A_31 = tpu.memref_slice %arg2[%dma_wait3A_29, %dma_wait3A_30] : memref<10000x128xf32, #tpu.memory_space<hbm>> -> memref<10000x128xf32, #tpu.memory_space<hbm>>
      tpu.wait_indirect_dma semaphore(%arg10 : memref<!tpu.dma_semaphore, #tpu.memory_space<semaphore_mem>>) src(%dma_wait3A_31 : memref<10000x128xf32, #tpu.memory_space<hbm>>) dst(%arg9 : memref<200x128xf32, #tpu.memory_space<vmem>>)
      %mul3A_32 = arith.constant 200 : i32
      %mul3A_33 = arith.muli %scan3A_9, %mul3A_32 : i32
      %add3A_34 = arith.addi %mul3A_2, %mul3A_33 : i32
      "tpu.region"() ({
        %run_scoped3A = tpu.sem_alloc : memref<!tpu.dma_semaphore, #tpu.memory_space<semaphore_mem>>
        %dma_start3A_36 = arith.constant 0 : i32
        %dma_start3A_37 = tpu.memref_slice %arg6[%add3A_34, %dma_start3A_36] : memref<160000x128xf32, #tpu.memory_space<hbm>> -> memref<200x128xf32, #tpu.memory_space<hbm>>
        %dma_start3A_38 = arith.constant 0 : i32
        %dma_start3A_39 = tpu.memref_slice %arg6[%add3A_34, %dma_start3A_38] : memref<160000x128xf32, #tpu.memory_space<hbm>> -> memref<200x128xf32, #tpu.memory_space<hbm>>
        tpu.enqueue_dma source(%arg9 : memref<200x128xf32, #tpu.memory_space<vmem>>) target(%dma_start3A_39 : memref<200x128xf32, #tpu.memory_space<hbm>>) target_semaphore(%run_scoped3A : memref<!tpu.dma_semaphore, #tpu.memory_space<semaphore_mem>>)
        %dma_wait3A_40 = arith.constant 0 : i32
        %dma_wait3A_41 = tpu.memref_slice %arg6[%add3A_34, %dma_wait3A_40] : memref<160000x128xf32, #tpu.memory_space<hbm>> -> memref<200x128xf32, #tpu.memory_space<hbm>>
        %dma_wait3A_42 = arith.constant 0 : i32
        %dma_wait3A_43 = tpu.memref_slice %arg6[%add3A_34, %dma_wait3A_42] : memref<160000x128xf32, #tpu.memory_space<hbm>> -> memref<200x128xf32, #tpu.memory_space<hbm>>
        tpu.wait_dma2 semaphore(%run_scoped3A : memref<!tpu.dma_semaphore, #tpu.memory_space<semaphore_mem>>) src(%arg9 : memref<200x128xf32, #tpu.memory_space<vmem>>) dst(%dma_wait3A_43 : memref<200x128xf32, #tpu.memory_space<hbm>>)
        tpu.yield
      }) : () -> ()
      %scan3A_35 = arith.constant 0 : i32
      scf.yield %scan3A_35 : i32
    }
    %scan3A_8 = arith.constant 25 : i32
    return
  }
}

#map = affine_map<(d0, d1) -> (0)>
module attributes {stable_mosaic.version = 14 : i64} {
  func.func @body(%arg0: i32, %arg1: i32, %arg2: memref<160000xf32, #tpu.memory_space<hbm>>, %arg3: memref<160000xf32, #tpu.memory_space<hbm>>, %arg4: memref<160000xf32, #tpu.memory_space<hbm>>, %arg5: memref<320000xi32, #tpu.memory_space<hbm>>, %arg6: memref<320000xi32, #tpu.memory_space<hbm>>, %arg7: memref<320000xf32, #tpu.memory_space<hbm>>, %arg8: memref<10000xi32, #tpu.memory_space<vmem>>, %arg9: memref<10000xi32, #tpu.memory_space<vmem>>, %arg10: memref<10000xf32, #tpu.memory_space<vmem>>, %arg11: memref<10000xf32, #tpu.memory_space<vmem>>, %arg12: memref<10000xf32, #tpu.memory_space<vmem>>, %arg13: memref<10000xf32, #tpu.memory_space<vmem>>, %arg14: memref<10000xf32, #tpu.memory_space<vmem>>, %arg15: memref<10000xf32, #tpu.memory_space<vmem>>, %arg16: memref<10000xf32, #tpu.memory_space<vmem>>, %arg17: memref<!tpu.dma_semaphore, #tpu.memory_space<semaphore_mem>>) attributes {dimension_semantics = [#tpu.dimension_semantics<core_parallel>, #tpu.dimension_semantics<subcore_parallel>], iteration_bounds = array<i64: 2, 16>, scalar_prefetch = 0 : i64, scratch_operands = 10 : i64, tpu.core_type = #tpu.core_type<sc_vector_subcore>, window_params = [{transform_indices = #map}, {transform_indices = #map}, {transform_indices = #map}, {transform_indices = #map}, {transform_indices = #map}, {transform_indices = #map}]} {
    %mul3A = arith.constant 16 : i32
    %mul3A_0 = arith.muli %arg0, %mul3A : i32
    %add3A = arith.addi %mul3A_0, %arg1 : i32
    %mul3A_1 = arith.constant 10000 : i32
    %mul3A_2 = arith.muli %add3A, %mul3A_1 : i32
    "tpu.region"() ({
      %run_scoped3A = tpu.sem_alloc : memref<!tpu.dma_semaphore, #tpu.memory_space<semaphore_mem>>
      %dma_start3A_31 = tpu.memref_slice %arg5[%mul3A_2] : memref<320000xi32, #tpu.memory_space<hbm>> -> memref<10000xi32, #tpu.memory_space<hbm>>
      %dma_start3A_32 = tpu.memref_slice %arg5[%mul3A_2] : memref<320000xi32, #tpu.memory_space<hbm>> -> memref<10000xi32, #tpu.memory_space<hbm>>
      tpu.enqueue_dma source(%dma_start3A_32 : memref<10000xi32, #tpu.memory_space<hbm>>) target(%arg8 : memref<10000xi32, #tpu.memory_space<vmem>>) target_semaphore(%run_scoped3A : memref<!tpu.dma_semaphore, #tpu.memory_space<semaphore_mem>>)
      %dma_wait3A_33 = tpu.memref_slice %arg5[%mul3A_2] : memref<320000xi32, #tpu.memory_space<hbm>> -> memref<10000xi32, #tpu.memory_space<hbm>>
      %dma_wait3A_34 = tpu.memref_slice %arg5[%mul3A_2] : memref<320000xi32, #tpu.memory_space<hbm>> -> memref<10000xi32, #tpu.memory_space<hbm>>
      tpu.wait_dma2 semaphore(%run_scoped3A : memref<!tpu.dma_semaphore, #tpu.memory_space<semaphore_mem>>) src(%dma_wait3A_34 : memref<10000xi32, #tpu.memory_space<hbm>>) dst(%arg8 : memref<10000xi32, #tpu.memory_space<vmem>>)
      tpu.yield
    }) : () -> ()
    "tpu.region"() ({
      %run_scoped3A = tpu.sem_alloc : memref<!tpu.dma_semaphore, #tpu.memory_space<semaphore_mem>>
      %dma_start3A_31 = tpu.memref_slice %arg6[%mul3A_2] : memref<320000xi32, #tpu.memory_space<hbm>> -> memref<10000xi32, #tpu.memory_space<hbm>>
      %dma_start3A_32 = tpu.memref_slice %arg6[%mul3A_2] : memref<320000xi32, #tpu.memory_space<hbm>> -> memref<10000xi32, #tpu.memory_space<hbm>>
      tpu.enqueue_dma source(%dma_start3A_32 : memref<10000xi32, #tpu.memory_space<hbm>>) target(%arg9 : memref<10000xi32, #tpu.memory_space<vmem>>) target_semaphore(%run_scoped3A : memref<!tpu.dma_semaphore, #tpu.memory_space<semaphore_mem>>)
      %dma_wait3A_33 = tpu.memref_slice %arg6[%mul3A_2] : memref<320000xi32, #tpu.memory_space<hbm>> -> memref<10000xi32, #tpu.memory_space<hbm>>
      %dma_wait3A_34 = tpu.memref_slice %arg6[%mul3A_2] : memref<320000xi32, #tpu.memory_space<hbm>> -> memref<10000xi32, #tpu.memory_space<hbm>>
      tpu.wait_dma2 semaphore(%run_scoped3A : memref<!tpu.dma_semaphore, #tpu.memory_space<semaphore_mem>>) src(%dma_wait3A_34 : memref<10000xi32, #tpu.memory_space<hbm>>) dst(%arg9 : memref<10000xi32, #tpu.memory_space<vmem>>)
      tpu.yield
    }) : () -> ()
    %dma_start3A = arith.constant 0 : i32
    %dma_start3A_3 = tpu.memref_slice %arg2[%dma_start3A] : memref<160000xf32, #tpu.memory_space<hbm>> -> memref<160000xf32, #tpu.memory_space<hbm>>
    tpu.enqueue_indirect_dma source(%dma_start3A_3 : memref<160000xf32, #tpu.memory_space<hbm>>) target(%arg10 : memref<10000xf32, #tpu.memory_space<vmem>>) offsets(%arg8 : memref<10000xi32, #tpu.memory_space<vmem>>) semaphore(%arg17 : memref<!tpu.dma_semaphore, #tpu.memory_space<semaphore_mem>>)
    %dma_wait3A = arith.constant 0 : i32
    %dma_wait3A_4 = tpu.memref_slice %arg2[%dma_wait3A] : memref<160000xf32, #tpu.memory_space<hbm>> -> memref<160000xf32, #tpu.memory_space<hbm>>
    tpu.wait_indirect_dma semaphore(%arg17 : memref<!tpu.dma_semaphore, #tpu.memory_space<semaphore_mem>>) src(%dma_wait3A_4 : memref<160000xf32, #tpu.memory_space<hbm>>) dst(%arg10 : memref<10000xf32, #tpu.memory_space<vmem>>)
    %dma_start3A_5 = arith.constant 0 : i32
    %dma_start3A_6 = tpu.memref_slice %arg3[%dma_start3A_5] : memref<160000xf32, #tpu.memory_space<hbm>> -> memref<160000xf32, #tpu.memory_space<hbm>>
    tpu.enqueue_indirect_dma source(%dma_start3A_6 : memref<160000xf32, #tpu.memory_space<hbm>>) target(%arg11 : memref<10000xf32, #tpu.memory_space<vmem>>) offsets(%arg8 : memref<10000xi32, #tpu.memory_space<vmem>>) semaphore(%arg17 : memref<!tpu.dma_semaphore, #tpu.memory_space<semaphore_mem>>)
    %dma_wait3A_7 = arith.constant 0 : i32
    %dma_wait3A_8 = tpu.memref_slice %arg3[%dma_wait3A_7] : memref<160000xf32, #tpu.memory_space<hbm>> -> memref<160000xf32, #tpu.memory_space<hbm>>
    tpu.wait_indirect_dma semaphore(%arg17 : memref<!tpu.dma_semaphore, #tpu.memory_space<semaphore_mem>>) src(%dma_wait3A_8 : memref<160000xf32, #tpu.memory_space<hbm>>) dst(%arg11 : memref<10000xf32, #tpu.memory_space<vmem>>)
    %dma_start3A_9 = arith.constant 0 : i32
    %dma_start3A_10 = tpu.memref_slice %arg4[%dma_start3A_9] : memref<160000xf32, #tpu.memory_space<hbm>> -> memref<160000xf32, #tpu.memory_space<hbm>>
    tpu.enqueue_indirect_dma source(%dma_start3A_10 : memref<160000xf32, #tpu.memory_space<hbm>>) target(%arg12 : memref<10000xf32, #tpu.memory_space<vmem>>) offsets(%arg8 : memref<10000xi32, #tpu.memory_space<vmem>>) semaphore(%arg17 : memref<!tpu.dma_semaphore, #tpu.memory_space<semaphore_mem>>)
    %dma_wait3A_11 = arith.constant 0 : i32
    %dma_wait3A_12 = tpu.memref_slice %arg4[%dma_wait3A_11] : memref<160000xf32, #tpu.memory_space<hbm>> -> memref<160000xf32, #tpu.memory_space<hbm>>
    tpu.wait_indirect_dma semaphore(%arg17 : memref<!tpu.dma_semaphore, #tpu.memory_space<semaphore_mem>>) src(%dma_wait3A_12 : memref<160000xf32, #tpu.memory_space<hbm>>) dst(%arg12 : memref<10000xf32, #tpu.memory_space<vmem>>)
    %dma_start3A_13 = arith.constant 0 : i32
    %dma_start3A_14 = tpu.memref_slice %arg2[%dma_start3A_13] : memref<160000xf32, #tpu.memory_space<hbm>> -> memref<160000xf32, #tpu.memory_space<hbm>>
    tpu.enqueue_indirect_dma source(%dma_start3A_14 : memref<160000xf32, #tpu.memory_space<hbm>>) target(%arg13 : memref<10000xf32, #tpu.memory_space<vmem>>) offsets(%arg9 : memref<10000xi32, #tpu.memory_space<vmem>>) semaphore(%arg17 : memref<!tpu.dma_semaphore, #tpu.memory_space<semaphore_mem>>)
    %dma_wait3A_15 = arith.constant 0 : i32
    %dma_wait3A_16 = tpu.memref_slice %arg2[%dma_wait3A_15] : memref<160000xf32, #tpu.memory_space<hbm>> -> memref<160000xf32, #tpu.memory_space<hbm>>
    tpu.wait_indirect_dma semaphore(%arg17 : memref<!tpu.dma_semaphore, #tpu.memory_space<semaphore_mem>>) src(%dma_wait3A_16 : memref<160000xf32, #tpu.memory_space<hbm>>) dst(%arg13 : memref<10000xf32, #tpu.memory_space<vmem>>)
    %dma_start3A_17 = arith.constant 0 : i32
    %dma_start3A_18 = tpu.memref_slice %arg3[%dma_start3A_17] : memref<160000xf32, #tpu.memory_space<hbm>> -> memref<160000xf32, #tpu.memory_space<hbm>>
    tpu.enqueue_indirect_dma source(%dma_start3A_18 : memref<160000xf32, #tpu.memory_space<hbm>>) target(%arg14 : memref<10000xf32, #tpu.memory_space<vmem>>) offsets(%arg9 : memref<10000xi32, #tpu.memory_space<vmem>>) semaphore(%arg17 : memref<!tpu.dma_semaphore, #tpu.memory_space<semaphore_mem>>)
    %dma_wait3A_19 = arith.constant 0 : i32
    %dma_wait3A_20 = tpu.memref_slice %arg3[%dma_wait3A_19] : memref<160000xf32, #tpu.memory_space<hbm>> -> memref<160000xf32, #tpu.memory_space<hbm>>
    tpu.wait_indirect_dma semaphore(%arg17 : memref<!tpu.dma_semaphore, #tpu.memory_space<semaphore_mem>>) src(%dma_wait3A_20 : memref<160000xf32, #tpu.memory_space<hbm>>) dst(%arg14 : memref<10000xf32, #tpu.memory_space<vmem>>)
    %dma_start3A_21 = arith.constant 0 : i32
    %dma_start3A_22 = tpu.memref_slice %arg4[%dma_start3A_21] : memref<160000xf32, #tpu.memory_space<hbm>> -> memref<160000xf32, #tpu.memory_space<hbm>>
    tpu.enqueue_indirect_dma source(%dma_start3A_22 : memref<160000xf32, #tpu.memory_space<hbm>>) target(%arg15 : memref<10000xf32, #tpu.memory_space<vmem>>) offsets(%arg9 : memref<10000xi32, #tpu.memory_space<vmem>>) semaphore(%arg17 : memref<!tpu.dma_semaphore, #tpu.memory_space<semaphore_mem>>)
    %dma_wait3A_23 = arith.constant 0 : i32
    %dma_wait3A_24 = tpu.memref_slice %arg4[%dma_wait3A_23] : memref<160000xf32, #tpu.memory_space<hbm>> -> memref<160000xf32, #tpu.memory_space<hbm>>
    tpu.wait_indirect_dma semaphore(%arg17 : memref<!tpu.dma_semaphore, #tpu.memory_space<semaphore_mem>>) src(%dma_wait3A_24 : memref<160000xf32, #tpu.memory_space<hbm>>) dst(%arg15 : memref<10000xf32, #tpu.memory_space<vmem>>)
    %scan3A = arith.constant 0 : i32
    %scan3A_25 = arith.constant 0 : i32
    %scan3A_26 = arith.constant 625 : i32
    %scan3A_27 = arith.addi %scan3A_25, %scan3A_26 : i32
    %scan3A_28 = arith.constant 1 : i32
    %scan3A_29 = scf.for %scan3A_31 = %scan3A_25 to %scan3A_27 step %scan3A_28 iter_args(%scan3A_32 = %scan3A) -> (i32)  : i32 {
      %mul3A_33 = arith.constant 16 : i32
      %mul3A_34 = arith.muli %scan3A_31, %mul3A_33 : i32
      %get3A = arith.index_cast %mul3A_34 : i32 to index
      %get3A_35 = tpu.vector_load %arg10[%get3A] {strides = array<i32>} : memref<10000xf32, #tpu.memory_space<vmem>>, vector<16xf32>,
      %get3A_36 = vector.shape_cast %get3A_35 : vector<16xf32> to vector<16xf32>
      %get3A_37 = arith.index_cast %mul3A_34 : i32 to index
      %get3A_38 = tpu.vector_load %arg13[%get3A_37] {strides = array<i32>} : memref<10000xf32, #tpu.memory_space<vmem>>, vector<16xf32>,
      %get3A_39 = vector.shape_cast %get3A_38 : vector<16xf32> to vector<16xf32>
      %mul3A_40 = arith.mulf %get3A_36, %get3A_39 : vector<16xf32>
      %get3A_41 = arith.index_cast %mul3A_34 : i32 to index
      %get3A_42 = tpu.vector_load %arg11[%get3A_41] {strides = array<i32>} : memref<10000xf32, #tpu.memory_space<vmem>>, vector<16xf32>,
      %get3A_43 = vector.shape_cast %get3A_42 : vector<16xf32> to vector<16xf32>
      %get3A_44 = arith.index_cast %mul3A_34 : i32 to index
      %get3A_45 = tpu.vector_load %arg14[%get3A_44] {strides = array<i32>} : memref<10000xf32, #tpu.memory_space<vmem>>, vector<16xf32>,
      %get3A_46 = vector.shape_cast %get3A_45 : vector<16xf32> to vector<16xf32>
      %mul3A_47 = arith.mulf %get3A_43, %get3A_46 : vector<16xf32>
      %add3A_48 = arith.addf %mul3A_40, %mul3A_47 : vector<16xf32>
      %get3A_49 = arith.index_cast %mul3A_34 : i32 to index
      %get3A_50 = tpu.vector_load %arg12[%get3A_49] {strides = array<i32>} : memref<10000xf32, #tpu.memory_space<vmem>>, vector<16xf32>,
      %get3A_51 = vector.shape_cast %get3A_50 : vector<16xf32> to vector<16xf32>
      %get3A_52 = arith.index_cast %mul3A_34 : i32 to index
      %get3A_53 = tpu.vector_load %arg15[%get3A_52] {strides = array<i32>} : memref<10000xf32, #tpu.memory_space<vmem>>, vector<16xf32>,
      %get3A_54 = vector.shape_cast %get3A_53 : vector<16xf32> to vector<16xf32>
      %mul3A_55 = arith.mulf %get3A_51, %get3A_54 : vector<16xf32>
      %add3A_56 = arith.addf %add3A_48, %mul3A_55 : vector<16xf32>
      %swap3A = arith.index_cast %mul3A_34 : i32 to index
      %swap3A_57 = tpu.vector_load %arg16[%swap3A] {strides = array<i32>} : memref<10000xf32, #tpu.memory_space<vmem>>, vector<16xf32>,
      %swap3A_58 = vector.shape_cast %swap3A_57 : vector<16xf32> to vector<16xf32>
      %swap3A_59 = vector.shape_cast %add3A_56 : vector<16xf32> to vector<16xf32>
      tpu.vector_store %arg16[%swap3A], %swap3A_59 {strides = array<i32>} : memref<10000xf32, #tpu.memory_space<vmem>>, vector<16xf32>,
      %scan3A_60 = arith.constant 0 : i32
      scf.yield %scan3A_60 : i32
    }
    %scan3A_30 = arith.constant 625 : i32
    "tpu.region"() ({
      %run_scoped3A = tpu.sem_alloc : memref<!tpu.dma_semaphore, #tpu.memory_space<semaphore_mem>>
      %dma_start3A_31 = tpu.memref_slice %arg7[%mul3A_2] : memref<320000xf32, #tpu.memory_space<hbm>> -> memref<10000xf32, #tpu.memory_space<hbm>>
      %dma_start3A_32 = tpu.memref_slice %arg7[%mul3A_2] : memref<320000xf32, #tpu.memory_space<hbm>> -> memref<10000xf32, #tpu.memory_space<hbm>>
      tpu.enqueue_dma source(%arg16 : memref<10000xf32, #tpu.memory_space<vmem>>) target(%dma_start3A_32 : memref<10000xf32, #tpu.memory_space<hbm>>) target_semaphore(%run_scoped3A : memref<!tpu.dma_semaphore, #tpu.memory_space<semaphore_mem>>)
      %dma_wait3A_33 = tpu.memref_slice %arg7[%mul3A_2] : memref<320000xf32, #tpu.memory_space<hbm>> -> memref<10000xf32, #tpu.memory_space<hbm>>
      %dma_wait3A_34 = tpu.memref_slice %arg7[%mul3A_2] : memref<320000xf32, #tpu.memory_space<hbm>> -> memref<10000xf32, #tpu.memory_space<hbm>>
      tpu.wait_dma2 semaphore(%run_scoped3A : memref<!tpu.dma_semaphore, #tpu.memory_space<semaphore_mem>>) src(%arg16 : memref<10000xf32, #tpu.memory_space<vmem>>) dst(%dma_wait3A_34 : memref<10000xf32, #tpu.memory_space<hbm>>)
      tpu.yield
    }) : () -> ()
    return
  }
}

#map = affine_map<(d0, d1) -> (0, 0)>
#map1 = affine_map<(d0, d1) -> (0)>
#map2 = affine_map<(d0, d1) -> (0, 0, 0)>
module attributes {stable_mosaic.version = 14 : i64} {
  func.func @body(%arg0: i32, %arg1: i32, %arg2: memref<160128x128xf32, #tpu.memory_space<hbm>>, %arg3: memref<160128x128xf32, #tpu.memory_space<hbm>>, %arg4: memref<160000xi32, #tpu.memory_space<hbm>>, %arg5: memref<64x128xf32, #tpu.memory_space<hbm>>, %arg6: memref<4x10240x128xf32, #tpu.memory_space<hbm>>, %arg7: memref<5120xi32, #tpu.memory_space<vmem>>, %arg8: memref<128x128xf32, #tpu.memory_space<vmem>>, %arg9: memref<64x128xf32, #tpu.memory_space<vmem>>, %arg10: memref<10240x128xf32, #tpu.memory_space<vmem_shared>>, %arg11: memref<!tpu.dma_semaphore, #tpu.memory_space<semaphore_mem>>) attributes {dimension_semantics = [#tpu.dimension_semantics<core_parallel>, #tpu.dimension_semantics<subcore_parallel>], iteration_bounds = array<i64: 2, 16>, scalar_prefetch = 0 : i64, scratch_operands = 5 : i64, tpu.core_type = #tpu.core_type<sc_vector_subcore>, window_params = [{transform_indices = #map}, {transform_indices = #map}, {transform_indices = #map1}, {transform_indices = #map}, {transform_indices = #map2}]} {
    %mul3A = arith.constant 80000 : i32
    %mul3A_0 = arith.muli %arg0, %mul3A : i32
    %mul3A_1 = arith.constant 5000 : i32
    %mul3A_2 = arith.muli %arg1, %mul3A_1 : i32
    %add3A = arith.addi %mul3A_0, %mul3A_2 : i32
    "tpu.region"() ({
      %run_scoped3A = tpu.sem_alloc : memref<!tpu.dma_semaphore, #tpu.memory_space<semaphore_mem>>
      %dma_start3A = arith.constant 0 : i32
      %dma_start3A_111 = tpu.memref_slice %arg7[%dma_start3A] : memref<5120xi32, #tpu.memory_space<vmem>> -> memref<5000xi32, #tpu.memory_space<vmem>>
      %dma_start3A_112 = tpu.memref_slice %arg4[%add3A] : memref<160000xi32, #tpu.memory_space<hbm>> -> memref<5000xi32, #tpu.memory_space<hbm>>
      %dma_start3A_113 = arith.constant 0 : i32
      %dma_start3A_114 = tpu.memref_slice %arg7[%dma_start3A_113] : memref<5120xi32, #tpu.memory_space<vmem>> -> memref<5000xi32, #tpu.memory_space<vmem>>
      %dma_start3A_115 = tpu.memref_slice %arg4[%add3A] : memref<160000xi32, #tpu.memory_space<hbm>> -> memref<5000xi32, #tpu.memory_space<hbm>>
      tpu.enqueue_dma source(%dma_start3A_115 : memref<5000xi32, #tpu.memory_space<hbm>>) target(%dma_start3A_114 : memref<5000xi32, #tpu.memory_space<vmem>>) target_semaphore(%run_scoped3A : memref<!tpu.dma_semaphore, #tpu.memory_space<semaphore_mem>>)
      %dma_wait3A = arith.constant 0 : i32
      %dma_wait3A_116 = tpu.memref_slice %arg7[%dma_wait3A] : memref<5120xi32, #tpu.memory_space<vmem>> -> memref<5000xi32, #tpu.memory_space<vmem>>
      %dma_wait3A_117 = tpu.memref_slice %arg4[%add3A] : memref<160000xi32, #tpu.memory_space<hbm>> -> memref<5000xi32, #tpu.memory_space<hbm>>
      %dma_wait3A_118 = arith.constant 0 : i32
      %dma_wait3A_119 = tpu.memref_slice %arg7[%dma_wait3A_118] : memref<5120xi32, #tpu.memory_space<vmem>> -> memref<5000xi32, #tpu.memory_space<vmem>>
      %dma_wait3A_120 = tpu.memref_slice %arg4[%add3A] : memref<160000xi32, #tpu.memory_space<hbm>> -> memref<5000xi32, #tpu.memory_space<hbm>>
      tpu.wait_dma2 semaphore(%run_scoped3A : memref<!tpu.dma_semaphore, #tpu.memory_space<semaphore_mem>>) src(%dma_wait3A_120 : memref<5000xi32, #tpu.memory_space<hbm>>) dst(%dma_wait3A_119 : memref<5000xi32, #tpu.memory_space<vmem>>)
      tpu.yield
    }) : () -> ()
    "tpu.region"() ({
      %run_scoped3A = tpu.sem_alloc : memref<!tpu.dma_semaphore, #tpu.memory_space<semaphore_mem>>
      tpu.enqueue_dma source(%arg5 : memref<64x128xf32, #tpu.memory_space<hbm>>) target(%arg9 : memref<64x128xf32, #tpu.memory_space<vmem>>) target_semaphore(%run_scoped3A : memref<!tpu.dma_semaphore, #tpu.memory_space<semaphore_mem>>)
      tpu.wait_dma2 semaphore(%run_scoped3A : memref<!tpu.dma_semaphore, #tpu.memory_space<semaphore_mem>>) src(%arg5 : memref<64x128xf32, #tpu.memory_space<hbm>>) dst(%arg9 : memref<64x128xf32, #tpu.memory_space<vmem>>)
      tpu.yield
    }) : () -> ()
    %mul3A_3 = arith.constant 640 : i32
    %mul3A_4 = arith.muli %arg1, %mul3A_3 : i32
    %add3A_5 = arith.constant 0 : i32
    %add3A_6 = arith.addi %mul3A_4, %add3A_5 : i32
    "tpu.region"() ({
      %run_scoped3A = tpu.sem_alloc : memref<!tpu.dma_semaphore, #tpu.memory_space<semaphore_mem>>
      %dma_start3A = arith.constant 0 : i32
      %dma_start3A_111 = tpu.memref_slice %arg10[%add3A_6, %dma_start3A] : memref<10240x128xf32, #tpu.memory_space<vmem_shared>> -> memref<64x128xf32, #tpu.memory_space<vmem_shared>>
      %dma_start3A_112 = arith.constant 0 : i32
      %dma_start3A_113 = tpu.memref_slice %arg10[%add3A_6, %dma_start3A_112] : memref<10240x128xf32, #tpu.memory_space<vmem_shared>> -> memref<64x128xf32, #tpu.memory_space<vmem_shared>>
      tpu.enqueue_dma source(%arg9 : memref<64x128xf32, #tpu.memory_space<vmem>>) target(%dma_start3A_113 : memref<64x128xf32, #tpu.memory_space<vmem_shared>>) target_semaphore(%run_scoped3A : memref<!tpu.dma_semaphore, #tpu.memory_space<semaphore_mem>>)
      %dma_wait3A = arith.constant 0 : i32
      %dma_wait3A_114 = tpu.memref_slice %arg10[%add3A_6, %dma_wait3A] : memref<10240x128xf32, #tpu.memory_space<vmem_shared>> -> memref<64x128xf32, #tpu.memory_space<vmem_shared>>
      %dma_wait3A_115 = arith.constant 0 : i32
      %dma_wait3A_116 = tpu.memref_slice %arg10[%add3A_6, %dma_wait3A_115] : memref<10240x128xf32, #tpu.memory_space<vmem_shared>> -> memref<64x128xf32, #tpu.memory_space<vmem_shared>>
      tpu.wait_dma2 semaphore(%run_scoped3A : memref<!tpu.dma_semaphore, #tpu.memory_space<semaphore_mem>>) src(%arg9 : memref<64x128xf32, #tpu.memory_space<vmem>>) dst(%dma_wait3A_116 : memref<64x128xf32, #tpu.memory_space<vmem_shared>>)
      tpu.yield
    }) : () -> ()
    %mul3A_7 = arith.constant 640 : i32
    %mul3A_8 = arith.muli %arg1, %mul3A_7 : i32
    %add3A_9 = arith.constant 64 : i32
    %add3A_10 = arith.addi %mul3A_8, %add3A_9 : i32
    "tpu.region"() ({
      %run_scoped3A = tpu.sem_alloc : memref<!tpu.dma_semaphore, #tpu.memory_space<semaphore_mem>>
      %dma_start3A = arith.constant 0 : i32
      %dma_start3A_111 = tpu.memref_slice %arg10[%add3A_10, %dma_start3A] : memref<10240x128xf32, #tpu.memory_space<vmem_shared>> -> memref<64x128xf32, #tpu.memory_space<vmem_shared>>
      %dma_start3A_112 = arith.constant 0 : i32
      %dma_start3A_113 = tpu.memref_slice %arg10[%add3A_10, %dma_start3A_112] : memref<10240x128xf32, #tpu.memory_space<vmem_shared>> -> memref<64x128xf32, #tpu.memory_space<vmem_shared>>
      tpu.enqueue_dma source(%arg9 : memref<64x128xf32, #tpu.memory_space<vmem>>) target(%dma_start3A_113 : memref<64x128xf32, #tpu.memory_space<vmem_shared>>) target_semaphore(%run_scoped3A : memref<!tpu.dma_semaphore, #tpu.memory_space<semaphore_mem>>)
      %dma_wait3A = arith.constant 0 : i32
      %dma_wait3A_114 = tpu.memref_slice %arg10[%add3A_10, %dma_wait3A] : memref<10240x128xf32, #tpu.memory_space<vmem_shared>> -> memref<64x128xf32, #tpu.memory_space<vmem_shared>>
      %dma_wait3A_115 = arith.constant 0 : i32
      %dma_wait3A_116 = tpu.memref_slice %arg10[%add3A_10, %dma_wait3A_115] : memref<10240x128xf32, #tpu.memory_space<vmem_shared>> -> memref<64x128xf32, #tpu.memory_space<vmem_shared>>
      tpu.wait_dma2 semaphore(%run_scoped3A : memref<!tpu.dma_semaphore, #tpu.memory_space<semaphore_mem>>) src(%arg9 : memref<64x128xf32, #tpu.memory_space<vmem>>) dst(%dma_wait3A_116 : memref<64x128xf32, #tpu.memory_space<vmem_shared>>)
      tpu.yield
    }) : () -> ()
    %mul3A_11 = arith.constant 640 : i32
    %mul3A_12 = arith.muli %arg1, %mul3A_11 : i32
    %add3A_13 = arith.constant 128 : i32
    %add3A_14 = arith.addi %mul3A_12, %add3A_13 : i32
    "tpu.region"() ({
      %run_scoped3A = tpu.sem_alloc : memref<!tpu.dma_semaphore, #tpu.memory_space<semaphore_mem>>
      %dma_start3A = arith.constant 0 : i32
      %dma_start3A_111 = tpu.memref_slice %arg10[%add3A_14, %dma_start3A] : memref<10240x128xf32, #tpu.memory_space<vmem_shared>> -> memref<64x128xf32, #tpu.memory_space<vmem_shared>>
      %dma_start3A_112 = arith.constant 0 : i32
      %dma_start3A_113 = tpu.memref_slice %arg10[%add3A_14, %dma_start3A_112] : memref<10240x128xf32, #tpu.memory_space<vmem_shared>> -> memref<64x128xf32, #tpu.memory_space<vmem_shared>>
      tpu.enqueue_dma source(%arg9 : memref<64x128xf32, #tpu.memory_space<vmem>>) target(%dma_start3A_113 : memref<64x128xf32, #tpu.memory_space<vmem_shared>>) target_semaphore(%run_scoped3A : memref<!tpu.dma_semaphore, #tpu.memory_space<semaphore_mem>>)
      %dma_wait3A = arith.constant 0 : i32
      %dma_wait3A_114 = tpu.memref_slice %arg10[%add3A_14, %dma_wait3A] : memref<10240x128xf32, #tpu.memory_space<vmem_shared>> -> memref<64x128xf32, #tpu.memory_space<vmem_shared>>
      %dma_wait3A_115 = arith.constant 0 : i32
      %dma_wait3A_116 = tpu.memref_slice %arg10[%add3A_14, %dma_wait3A_115] : memref<10240x128xf32, #tpu.memory_space<vmem_shared>> -> memref<64x128xf32, #tpu.memory_space<vmem_shared>>
      tpu.wait_dma2 semaphore(%run_scoped3A : memref<!tpu.dma_semaphore, #tpu.memory_space<semaphore_mem>>) src(%arg9 : memref<64x128xf32, #tpu.memory_space<vmem>>) dst(%dma_wait3A_116 : memref<64x128xf32, #tpu.memory_space<vmem_shared>>)
      tpu.yield
    }) : () -> ()
    %mul3A_15 = arith.constant 640 : i32
    %mul3A_16 = arith.muli %arg1, %mul3A_15 : i32
    %add3A_17 = arith.constant 192 : i32
    %add3A_18 = arith.addi %mul3A_16, %add3A_17 : i32
    "tpu.region"() ({
      %run_scoped3A = tpu.sem_alloc : memref<!tpu.dma_semaphore, #tpu.memory_space<semaphore_mem>>
      %dma_start3A = arith.constant 0 : i32
      %dma_start3A_111 = tpu.memref_slice %arg10[%add3A_18, %dma_start3A] : memref<10240x128xf32, #tpu.memory_space<vmem_shared>> -> memref<64x128xf32, #tpu.memory_space<vmem_shared>>
      %dma_start3A_112 = arith.constant 0 : i32
      %dma_start3A_113 = tpu.memref_slice %arg10[%add3A_18, %dma_start3A_112] : memref<10240x128xf32, #tpu.memory_space<vmem_shared>> -> memref<64x128xf32, #tpu.memory_space<vmem_shared>>
      tpu.enqueue_dma source(%arg9 : memref<64x128xf32, #tpu.memory_space<vmem>>) target(%dma_start3A_113 : memref<64x128xf32, #tpu.memory_space<vmem_shared>>) target_semaphore(%run_scoped3A : memref<!tpu.dma_semaphore, #tpu.memory_space<semaphore_mem>>)
      %dma_wait3A = arith.constant 0 : i32
      %dma_wait3A_114 = tpu.memref_slice %arg10[%add3A_18, %dma_wait3A] : memref<10240x128xf32, #tpu.memory_space<vmem_shared>> -> memref<64x128xf32, #tpu.memory_space<vmem_shared>>
      %dma_wait3A_115 = arith.constant 0 : i32
      %dma_wait3A_116 = tpu.memref_slice %arg10[%add3A_18, %dma_wait3A_115] : memref<10240x128xf32, #tpu.memory_space<vmem_shared>> -> memref<64x128xf32, #tpu.memory_space<vmem_shared>>
      tpu.wait_dma2 semaphore(%run_scoped3A : memref<!tpu.dma_semaphore, #tpu.memory_space<semaphore_mem>>) src(%arg9 : memref<64x128xf32, #tpu.memory_space<vmem>>) dst(%dma_wait3A_116 : memref<64x128xf32, #tpu.memory_space<vmem_shared>>)
      tpu.yield
    }) : () -> ()
    %mul3A_19 = arith.constant 640 : i32
    %mul3A_20 = arith.muli %arg1, %mul3A_19 : i32
    %add3A_21 = arith.constant 256 : i32
    %add3A_22 = arith.addi %mul3A_20, %add3A_21 : i32
    "tpu.region"() ({
      %run_scoped3A = tpu.sem_alloc : memref<!tpu.dma_semaphore, #tpu.memory_space<semaphore_mem>>
      %dma_start3A = arith.constant 0 : i32
      %dma_start3A_111 = tpu.memref_slice %arg10[%add3A_22, %dma_start3A] : memref<10240x128xf32, #tpu.memory_space<vmem_shared>> -> memref<64x128xf32, #tpu.memory_space<vmem_shared>>
      %dma_start3A_112 = arith.constant 0 : i32
      %dma_start3A_113 = tpu.memref_slice %arg10[%add3A_22, %dma_start3A_112] : memref<10240x128xf32, #tpu.memory_space<vmem_shared>> -> memref<64x128xf32, #tpu.memory_space<vmem_shared>>
      tpu.enqueue_dma source(%arg9 : memref<64x128xf32, #tpu.memory_space<vmem>>) target(%dma_start3A_113 : memref<64x128xf32, #tpu.memory_space<vmem_shared>>) target_semaphore(%run_scoped3A : memref<!tpu.dma_semaphore, #tpu.memory_space<semaphore_mem>>)
      %dma_wait3A = arith.constant 0 : i32
      %dma_wait3A_114 = tpu.memref_slice %arg10[%add3A_22, %dma_wait3A] : memref<10240x128xf32, #tpu.memory_space<vmem_shared>> -> memref<64x128xf32, #tpu.memory_space<vmem_shared>>
      %dma_wait3A_115 = arith.constant 0 : i32
      %dma_wait3A_116 = tpu.memref_slice %arg10[%add3A_22, %dma_wait3A_115] : memref<10240x128xf32, #tpu.memory_space<vmem_shared>> -> memref<64x128xf32, #tpu.memory_space<vmem_shared>>
      tpu.wait_dma2 semaphore(%run_scoped3A : memref<!tpu.dma_semaphore, #tpu.memory_space<semaphore_mem>>) src(%arg9 : memref<64x128xf32, #tpu.memory_space<vmem>>) dst(%dma_wait3A_116 : memref<64x128xf32, #tpu.memory_space<vmem_shared>>)
      tpu.yield
    }) : () -> ()
    %mul3A_23 = arith.constant 640 : i32
    %mul3A_24 = arith.muli %arg1, %mul3A_23 : i32
    %add3A_25 = arith.constant 320 : i32
    %add3A_26 = arith.addi %mul3A_24, %add3A_25 : i32
    "tpu.region"() ({
      %run_scoped3A = tpu.sem_alloc : memref<!tpu.dma_semaphore, #tpu.memory_space<semaphore_mem>>
      %dma_start3A = arith.constant 0 : i32
      %dma_start3A_111 = tpu.memref_slice %arg10[%add3A_26, %dma_start3A] : memref<10240x128xf32, #tpu.memory_space<vmem_shared>> -> memref<64x128xf32, #tpu.memory_space<vmem_shared>>
      %dma_start3A_112 = arith.constant 0 : i32
      %dma_start3A_113 = tpu.memref_slice %arg10[%add3A_26, %dma_start3A_112] : memref<10240x128xf32, #tpu.memory_space<vmem_shared>> -> memref<64x128xf32, #tpu.memory_space<vmem_shared>>
      tpu.enqueue_dma source(%arg9 : memref<64x128xf32, #tpu.memory_space<vmem>>) target(%dma_start3A_113 : memref<64x128xf32, #tpu.memory_space<vmem_shared>>) target_semaphore(%run_scoped3A : memref<!tpu.dma_semaphore, #tpu.memory_space<semaphore_mem>>)
      %dma_wait3A = arith.constant 0 : i32
      %dma_wait3A_114 = tpu.memref_slice %arg10[%add3A_26, %dma_wait3A] : memref<10240x128xf32, #tpu.memory_space<vmem_shared>> -> memref<64x128xf32, #tpu.memory_space<vmem_shared>>
      %dma_wait3A_115 = arith.constant 0 : i32
      %dma_wait3A_116 = tpu.memref_slice %arg10[%add3A_26, %dma_wait3A_115] : memref<10240x128xf32, #tpu.memory_space<vmem_shared>> -> memref<64x128xf32, #tpu.memory_space<vmem_shared>>
      tpu.wait_dma2 semaphore(%run_scoped3A : memref<!tpu.dma_semaphore, #tpu.memory_space<semaphore_mem>>) src(%arg9 : memref<64x128xf32, #tpu.memory_space<vmem>>) dst(%dma_wait3A_116 : memref<64x128xf32, #tpu.memory_space<vmem_shared>>)
      tpu.yield
    }) : () -> ()
    %mul3A_27 = arith.constant 640 : i32
    %mul3A_28 = arith.muli %arg1, %mul3A_27 : i32
    %add3A_29 = arith.constant 384 : i32
    %add3A_30 = arith.addi %mul3A_28, %add3A_29 : i32
    "tpu.region"() ({
      %run_scoped3A = tpu.sem_alloc : memref<!tpu.dma_semaphore, #tpu.memory_space<semaphore_mem>>
      %dma_start3A = arith.constant 0 : i32
      %dma_start3A_111 = tpu.memref_slice %arg10[%add3A_30, %dma_start3A] : memref<10240x128xf32, #tpu.memory_space<vmem_shared>> -> memref<64x128xf32, #tpu.memory_space<vmem_shared>>
      %dma_start3A_112 = arith.constant 0 : i32
      %dma_start3A_113 = tpu.memref_slice %arg10[%add3A_30, %dma_start3A_112] : memref<10240x128xf32, #tpu.memory_space<vmem_shared>> -> memref<64x128xf32, #tpu.memory_space<vmem_shared>>
      tpu.enqueue_dma source(%arg9 : memref<64x128xf32, #tpu.memory_space<vmem>>) target(%dma_start3A_113 : memref<64x128xf32, #tpu.memory_space<vmem_shared>>) target_semaphore(%run_scoped3A : memref<!tpu.dma_semaphore, #tpu.memory_space<semaphore_mem>>)
      %dma_wait3A = arith.constant 0 : i32
      %dma_wait3A_114 = tpu.memref_slice %arg10[%add3A_30, %dma_wait3A] : memref<10240x128xf32, #tpu.memory_space<vmem_shared>> -> memref<64x128xf32, #tpu.memory_space<vmem_shared>>
      %dma_wait3A_115 = arith.constant 0 : i32
      %dma_wait3A_116 = tpu.memref_slice %arg10[%add3A_30, %dma_wait3A_115] : memref<10240x128xf32, #tpu.memory_space<vmem_shared>> -> memref<64x128xf32, #tpu.memory_space<vmem_shared>>
      tpu.wait_dma2 semaphore(%run_scoped3A : memref<!tpu.dma_semaphore, #tpu.memory_space<semaphore_mem>>) src(%arg9 : memref<64x128xf32, #tpu.memory_space<vmem>>) dst(%dma_wait3A_116 : memref<64x128xf32, #tpu.memory_space<vmem_shared>>)
      tpu.yield
    }) : () -> ()
    %mul3A_31 = arith.constant 640 : i32
    %mul3A_32 = arith.muli %arg1, %mul3A_31 : i32
    %add3A_33 = arith.constant 448 : i32
    %add3A_34 = arith.addi %mul3A_32, %add3A_33 : i32
    "tpu.region"() ({
      %run_scoped3A = tpu.sem_alloc : memref<!tpu.dma_semaphore, #tpu.memory_space<semaphore_mem>>
      %dma_start3A = arith.constant 0 : i32
      %dma_start3A_111 = tpu.memref_slice %arg10[%add3A_34, %dma_start3A] : memref<10240x128xf32, #tpu.memory_space<vmem_shared>> -> memref<64x128xf32, #tpu.memory_space<vmem_shared>>
      %dma_start3A_112 = arith.constant 0 : i32
      %dma_start3A_113 = tpu.memref_slice %arg10[%add3A_34, %dma_start3A_112] : memref<10240x128xf32, #tpu.memory_space<vmem_shared>> -> memref<64x128xf32, #tpu.memory_space<vmem_shared>>
      tpu.enqueue_dma source(%arg9 : memref<64x128xf32, #tpu.memory_space<vmem>>) target(%dma_start3A_113 : memref<64x128xf32, #tpu.memory_space<vmem_shared>>) target_semaphore(%run_scoped3A : memref<!tpu.dma_semaphore, #tpu.memory_space<semaphore_mem>>)
      %dma_wait3A = arith.constant 0 : i32
      %dma_wait3A_114 = tpu.memref_slice %arg10[%add3A_34, %dma_wait3A] : memref<10240x128xf32, #tpu.memory_space<vmem_shared>> -> memref<64x128xf32, #tpu.memory_space<vmem_shared>>
      %dma_wait3A_115 = arith.constant 0 : i32
      %dma_wait3A_116 = tpu.memref_slice %arg10[%add3A_34, %dma_wait3A_115] : memref<10240x128xf32, #tpu.memory_space<vmem_shared>> -> memref<64x128xf32, #tpu.memory_space<vmem_shared>>
      tpu.wait_dma2 semaphore(%run_scoped3A : memref<!tpu.dma_semaphore, #tpu.memory_space<semaphore_mem>>) src(%arg9 : memref<64x128xf32, #tpu.memory_space<vmem>>) dst(%dma_wait3A_116 : memref<64x128xf32, #tpu.memory_space<vmem_shared>>)
      tpu.yield
    }) : () -> ()
    %mul3A_35 = arith.constant 640 : i32
    %mul3A_36 = arith.muli %arg1, %mul3A_35 : i32
    %add3A_37 = arith.constant 512 : i32
    %add3A_38 = arith.addi %mul3A_36, %add3A_37 : i32
    "tpu.region"() ({
      %run_scoped3A = tpu.sem_alloc : memref<!tpu.dma_semaphore, #tpu.memory_space<semaphore_mem>>
      %dma_start3A = arith.constant 0 : i32
      %dma_start3A_111 = tpu.memref_slice %arg10[%add3A_38, %dma_start3A] : memref<10240x128xf32, #tpu.memory_space<vmem_shared>> -> memref<64x128xf32, #tpu.memory_space<vmem_shared>>
      %dma_start3A_112 = arith.constant 0 : i32
      %dma_start3A_113 = tpu.memref_slice %arg10[%add3A_38, %dma_start3A_112] : memref<10240x128xf32, #tpu.memory_space<vmem_shared>> -> memref<64x128xf32, #tpu.memory_space<vmem_shared>>
      tpu.enqueue_dma source(%arg9 : memref<64x128xf32, #tpu.memory_space<vmem>>) target(%dma_start3A_113 : memref<64x128xf32, #tpu.memory_space<vmem_shared>>) target_semaphore(%run_scoped3A : memref<!tpu.dma_semaphore, #tpu.memory_space<semaphore_mem>>)
      %dma_wait3A = arith.constant 0 : i32
      %dma_wait3A_114 = tpu.memref_slice %arg10[%add3A_38, %dma_wait3A] : memref<10240x128xf32, #tpu.memory_space<vmem_shared>> -> memref<64x128xf32, #tpu.memory_space<vmem_shared>>
      %dma_wait3A_115 = arith.constant 0 : i32
      %dma_wait3A_116 = tpu.memref_slice %arg10[%add3A_38, %dma_wait3A_115] : memref<10240x128xf32, #tpu.memory_space<vmem_shared>> -> memref<64x128xf32, #tpu.memory_space<vmem_shared>>
      tpu.wait_dma2 semaphore(%run_scoped3A : memref<!tpu.dma_semaphore, #tpu.memory_space<semaphore_mem>>) src(%arg9 : memref<64x128xf32, #tpu.memory_space<vmem>>) dst(%dma_wait3A_116 : memref<64x128xf32, #tpu.memory_space<vmem_shared>>)
      tpu.yield
    }) : () -> ()
    %mul3A_39 = arith.constant 640 : i32
    %mul3A_40 = arith.muli %arg1, %mul3A_39 : i32
    %add3A_41 = arith.constant 576 : i32
    %add3A_42 = arith.addi %mul3A_40, %add3A_41 : i32
    "tpu.region"() ({
      %run_scoped3A = tpu.sem_alloc : memref<!tpu.dma_semaphore, #tpu.memory_space<semaphore_mem>>
      %dma_start3A = arith.constant 0 : i32
      %dma_start3A_111 = tpu.memref_slice %arg10[%add3A_42, %dma_start3A] : memref<10240x128xf32, #tpu.memory_space<vmem_shared>> -> memref<64x128xf32, #tpu.memory_space<vmem_shared>>
      %dma_start3A_112 = arith.constant 0 : i32
      %dma_start3A_113 = tpu.memref_slice %arg10[%add3A_42, %dma_start3A_112] : memref<10240x128xf32, #tpu.memory_space<vmem_shared>> -> memref<64x128xf32, #tpu.memory_space<vmem_shared>>
      tpu.enqueue_dma source(%arg9 : memref<64x128xf32, #tpu.memory_space<vmem>>) target(%dma_start3A_113 : memref<64x128xf32, #tpu.memory_space<vmem_shared>>) target_semaphore(%run_scoped3A : memref<!tpu.dma_semaphore, #tpu.memory_space<semaphore_mem>>)
      %dma_wait3A = arith.constant 0 : i32
      %dma_wait3A_114 = tpu.memref_slice %arg10[%add3A_42, %dma_wait3A] : memref<10240x128xf32, #tpu.memory_space<vmem_shared>> -> memref<64x128xf32, #tpu.memory_space<vmem_shared>>
      %dma_wait3A_115 = arith.constant 0 : i32
      %dma_wait3A_116 = tpu.memref_slice %arg10[%add3A_42, %dma_wait3A_115] : memref<10240x128xf32, #tpu.memory_space<vmem_shared>> -> memref<64x128xf32, #tpu.memory_space<vmem_shared>>
      tpu.wait_dma2 semaphore(%run_scoped3A : memref<!tpu.dma_semaphore, #tpu.memory_space<semaphore_mem>>) src(%arg9 : memref<64x128xf32, #tpu.memory_space<vmem>>) dst(%dma_wait3A_116 : memref<64x128xf32, #tpu.memory_space<vmem_shared>>)
      tpu.yield
    }) : () -> ()
    %barrier3A = arith.constant 0 : index
    tpu.barrier barrier_id(%barrier3A)
    %scan3A = arith.constant 0 : i32
    %scan3A_43 = arith.constant 0 : i32
    %scan3A_44 = arith.constant 40 : i32
    %scan3A_45 = arith.addi %scan3A_43, %scan3A_44 : i32
    %scan3A_46 = arith.constant 1 : i32
    %scan3A_47 = scf.for %scan3A_111 = %scan3A_43 to %scan3A_45 step %scan3A_46 iter_args(%scan3A_112 = %scan3A) -> (i32)  : i32 {
      %mul3A_113 = arith.constant 128 : i32
      %mul3A_114 = arith.muli %scan3A_111, %mul3A_113 : i32
      %add3A_115 = arith.addi %add3A, %mul3A_114 : i32
      %dma_start3A = arith.constant 0 : i32
      %dma_start3A_116 = tpu.memref_slice %arg2[%add3A_115, %dma_start3A] : memref<160128x128xf32, #tpu.memory_space<hbm>> -> memref<128x128xf32, #tpu.memory_space<hbm>>
      %dma_start3A_117 = arith.constant 0 : i32
      %dma_start3A_118 = tpu.memref_slice %arg2[%add3A_115, %dma_start3A_117] : memref<160128x128xf32, #tpu.memory_space<hbm>> -> memref<128x128xf32, #tpu.memory_space<hbm>>
      tpu.enqueue_dma source(%dma_start3A_118 : memref<128x128xf32, #tpu.memory_space<hbm>>) target(%arg8 : memref<128x128xf32, #tpu.memory_space<vmem>>) target_semaphore(%arg11 : memref<!tpu.dma_semaphore, #tpu.memory_space<semaphore_mem>>)
      %dma_wait3A = arith.constant 0 : i32
      %dma_wait3A_119 = tpu.memref_slice %arg2[%add3A_115, %dma_wait3A] : memref<160128x128xf32, #tpu.memory_space<hbm>> -> memref<128x128xf32, #tpu.memory_space<hbm>>
      %dma_wait3A_120 = arith.constant 0 : i32
      %dma_wait3A_121 = tpu.memref_slice %arg2[%add3A_115, %dma_wait3A_120] : memref<160128x128xf32, #tpu.memory_space<hbm>> -> memref<128x128xf32, #tpu.memory_space<hbm>>
      tpu.wait_dma2 semaphore(%arg11 : memref<!tpu.dma_semaphore, #tpu.memory_space<semaphore_mem>>) src(%dma_wait3A_121 : memref<128x128xf32, #tpu.memory_space<hbm>>) dst(%arg8 : memref<128x128xf32, #tpu.memory_space<vmem>>)
      %mul3A_122 = arith.constant 128 : i32
      %mul3A_123 = arith.muli %scan3A_111, %mul3A_122 : i32
      %add3A_124 = arith.constant 0 : i32
      %add3A_125 = arith.addi %mul3A_123, %add3A_124 : i32
      %get3A = arith.index_cast %add3A_125 : i32 to index
      %get3A_126 = tpu.vector_load %arg7[%get3A] {strides = array<i32>} : memref<5120xi32, #tpu.memory_space<vmem>>, vector<16xi32>,
      %get3A_127 = vector.shape_cast %get3A_126 : vector<16xi32> to vector<16xi32>
      %iota3A = tpu.iota {dimensions = array<i32: 0>} : vector<16xi32>
      %mul3A_128 = arith.constant 128 : i32
      %mul3A_129 = arith.muli %scan3A_111, %mul3A_128 : i32
      %add3A_130 = arith.constant 0 : i32
      %add3A_131 = arith.addi %mul3A_129, %add3A_130 : i32
      %add3A_132 = vector.broadcast %add3A_131 : i32 to vector<16xi32>
      %add3A_133 = arith.addi %iota3A, %add3A_132 : vector<16xi32>
      %broadcast_in_dim3A = arith.constant 10000 : i32
      %broadcast_in_dim3A_134 = vector.broadcast %broadcast_in_dim3A : i32 to vector<16xi32>
      %mul3A_135 = arith.constant 8 : i32
      %mul3A_136 = arith.muli %arg1, %mul3A_135 : i32
      %add3A_137 = vector.broadcast %mul3A_136 : i32 to vector<16xi32>
      %add3A_138 = arith.addi %broadcast_in_dim3A_134, %add3A_137 : vector<16xi32>
      %lt3A = arith.constant 5000 : i32
      %lt3A_139 = vector.broadcast %lt3A : i32 to vector<16xi32>
      %lt3A_140 = arith.cmpi slt, %add3A_133, %lt3A_139 : vector<16xi32>
      %select_n3A = arith.select %lt3A_140, %get3A_127, %add3A_138 : vector<16xi1>, vector<16xi32>
      "tpu.region"() ({
        %run_scoped3A = tpu.sem_alloc : memref<!tpu.dma_semaphore, #tpu.memory_space<semaphore_mem>>
        %dma_start3A_310 = arith.constant 0 : i32
        %dma_start3A_311 = arith.constant 0 : i32
        %dma_start3A_312 = tpu.memref_slice %arg8[%dma_start3A_310, %dma_start3A_311] : memref<128x128xf32, #tpu.memory_space<vmem>> -> memref<16x128xf32, #tpu.memory_space<vmem>>
        %dma_start3A_313 = arith.constant 0 : i32
        %dma_start3A_314 = arith.constant 0 : i32
        %dma_start3A_315 = tpu.memref_slice %arg10[%dma_start3A_313, %dma_start3A_314] : memref<10240x128xf32, #tpu.memory_space<vmem_shared>> -> memref<10240x128xf32, #tpu.memory_space<vmem_shared>>
        tpu.enqueue_indirect_dma source(%dma_start3A_312 : memref<16x128xf32, #tpu.memory_space<vmem>>) target(%dma_start3A_315 : memref<10240x128xf32, #tpu.memory_space<vmem_shared>>) offsets(%select_n3A : vector<16xi32>) semaphore(%run_scoped3A : memref<!tpu.dma_semaphore, #tpu.memory_space<semaphore_mem>>) {add = true}
        %dma_wait3A_316 = arith.constant 0 : i32
        %dma_wait3A_317 = arith.constant 0 : i32
        %dma_wait3A_318 = tpu.memref_slice %arg8[%dma_wait3A_316, %dma_wait3A_317] : memref<128x128xf32, #tpu.memory_space<vmem>> -> memref<16x128xf32, #tpu.memory_space<vmem>>
        %dma_wait3A_319 = arith.constant 0 : i32
        %dma_wait3A_320 = arith.constant 0 : i32
        %dma_wait3A_321 = tpu.memref_slice %arg10[%dma_wait3A_319, %dma_wait3A_320] : memref<10240x128xf32, #tpu.memory_space<vmem_shared>> -> memref<10240x128xf32, #tpu.memory_space<vmem_shared>>
        tpu.wait_indirect_dma semaphore(%run_scoped3A : memref<!tpu.dma_semaphore, #tpu.memory_space<semaphore_mem>>) src(%dma_wait3A_318 : memref<16x128xf32, #tpu.memory_space<vmem>>) dst(%dma_wait3A_321 : memref<10240x128xf32, #tpu.memory_space<vmem_shared>>)
        tpu.yield
      }) : () -> ()
      %mul3A_141 = arith.constant 128 : i32
      %mul3A_142 = arith.muli %scan3A_111, %mul3A_141 : i32
      %add3A_143 = arith.constant 16 : i32
      %add3A_144 = arith.addi %mul3A_142, %add3A_143 : i32
      %get3A_145 = arith.index_cast %add3A_144 : i32 to index
      %get3A_146 = tpu.vector_load %arg7[%get3A_145] {strides = array<i32>} : memref<5120xi32, #tpu.memory_space<vmem>>, vector<16xi32>,
      %get3A_147 = vector.shape_cast %get3A_146 : vector<16xi32> to vector<16xi32>
      %iota3A_148 = tpu.iota {dimensions = array<i32: 0>} : vector<16xi32>
      %mul3A_149 = arith.constant 128 : i32
      %mul3A_150 = arith.muli %scan3A_111, %mul3A_149 : i32
      %add3A_151 = arith.constant 16 : i32
      %add3A_152 = arith.addi %mul3A_150, %add3A_151 : i32
      %add3A_153 = vector.broadcast %add3A_152 : i32 to vector<16xi32>
      %add3A_154 = arith.addi %iota3A_148, %add3A_153 : vector<16xi32>
      %broadcast_in_dim3A_155 = arith.constant 10000 : i32
      %broadcast_in_dim3A_156 = vector.broadcast %broadcast_in_dim3A_155 : i32 to vector<16xi32>
      %mul3A_157 = arith.constant 8 : i32
      %mul3A_158 = arith.muli %arg1, %mul3A_157 : i32
      %add3A_159 = vector.broadcast %mul3A_158 : i32 to vector<16xi32>
      %add3A_160 = arith.addi %broadcast_in_dim3A_156, %add3A_159 : vector<16xi32>
      %lt3A_161 = arith.constant 5000 : i32
      %lt3A_162 = vector.broadcast %lt3A_161 : i32 to vector<16xi32>
      %lt3A_163 = arith.cmpi slt, %add3A_154, %lt3A_162 : vector<16xi32>
      %select_n3A_164 = arith.select %lt3A_163, %get3A_147, %add3A_160 : vector<16xi1>, vector<16xi32>
      "tpu.region"() ({
        %run_scoped3A = tpu.sem_alloc : memref<!tpu.dma_semaphore, #tpu.memory_space<semaphore_mem>>
        %dma_start3A_310 = arith.constant 16 : i32
        %dma_start3A_311 = arith.constant 0 : i32
        %dma_start3A_312 = tpu.memref_slice %arg8[%dma_start3A_310, %dma_start3A_311] : memref<128x128xf32, #tpu.memory_space<vmem>> -> memref<16x128xf32, #tpu.memory_space<vmem>>
        %dma_start3A_313 = arith.constant 0 : i32
        %dma_start3A_314 = arith.constant 0 : i32
        %dma_start3A_315 = tpu.memref_slice %arg10[%dma_start3A_313, %dma_start3A_314] : memref<10240x128xf32, #tpu.memory_space<vmem_shared>> -> memref<10240x128xf32, #tpu.memory_space<vmem_shared>>
        tpu.enqueue_indirect_dma source(%dma_start3A_312 : memref<16x128xf32, #tpu.memory_space<vmem>>) target(%dma_start3A_315 : memref<10240x128xf32, #tpu.memory_space<vmem_shared>>) offsets(%select_n3A_164 : vector<16xi32>) semaphore(%run_scoped3A : memref<!tpu.dma_semaphore, #tpu.memory_space<semaphore_mem>>) {add = true}
        %dma_wait3A_316 = arith.constant 16 : i32
        %dma_wait3A_317 = arith.constant 0 : i32
        %dma_wait3A_318 = tpu.memref_slice %arg8[%dma_wait3A_316, %dma_wait3A_317] : memref<128x128xf32, #tpu.memory_space<vmem>> -> memref<16x128xf32, #tpu.memory_space<vmem>>
        %dma_wait3A_319 = arith.constant 0 : i32
        %dma_wait3A_320 = arith.constant 0 : i32
        %dma_wait3A_321 = tpu.memref_slice %arg10[%dma_wait3A_319, %dma_wait3A_320] : memref<10240x128xf32, #tpu.memory_space<vmem_shared>> -> memref<10240x128xf32, #tpu.memory_space<vmem_shared>>
        tpu.wait_indirect_dma semaphore(%run_scoped3A : memref<!tpu.dma_semaphore, #tpu.memory_space<semaphore_mem>>) src(%dma_wait3A_318 : memref<16x128xf32, #tpu.memory_space<vmem>>) dst(%dma_wait3A_321 : memref<10240x128xf32, #tpu.memory_space<vmem_shared>>)
        tpu.yield
      }) : () -> ()
      %mul3A_165 = arith.constant 128 : i32
      %mul3A_166 = arith.muli %scan3A_111, %mul3A_165 : i32
      %add3A_167 = arith.constant 32 : i32
      %add3A_168 = arith.addi %mul3A_166, %add3A_167 : i32
      %get3A_169 = arith.index_cast %add3A_168 : i32 to index
      %get3A_170 = tpu.vector_load %arg7[%get3A_169] {strides = array<i32>} : memref<5120xi32, #tpu.memory_space<vmem>>, vector<16xi32>,
      %get3A_171 = vector.shape_cast %get3A_170 : vector<16xi32> to vector<16xi32>
      %iota3A_172 = tpu.iota {dimensions = array<i32: 0>} : vector<16xi32>
      %mul3A_173 = arith.constant 128 : i32
      %mul3A_174 = arith.muli %scan3A_111, %mul3A_173 : i32
      %add3A_175 = arith.constant 32 : i32
      %add3A_176 = arith.addi %mul3A_174, %add3A_175 : i32
      %add3A_177 = vector.broadcast %add3A_176 : i32 to vector<16xi32>
      %add3A_178 = arith.addi %iota3A_172, %add3A_177 : vector<16xi32>
      %broadcast_in_dim3A_179 = arith.constant 10000 : i32
      %broadcast_in_dim3A_180 = vector.broadcast %broadcast_in_dim3A_179 : i32 to vector<16xi32>
      %mul3A_181 = arith.constant 8 : i32
      %mul3A_182 = arith.muli %arg1, %mul3A_181 : i32
      %add3A_183 = vector.broadcast %mul3A_182 : i32 to vector<16xi32>
      %add3A_184 = arith.addi %broadcast_in_dim3A_180, %add3A_183 : vector<16xi32>
      %lt3A_185 = arith.constant 5000 : i32
      %lt3A_186 = vector.broadcast %lt3A_185 : i32 to vector<16xi32>
      %lt3A_187 = arith.cmpi slt, %add3A_178, %lt3A_186 : vector<16xi32>
      %select_n3A_188 = arith.select %lt3A_187, %get3A_171, %add3A_184 : vector<16xi1>, vector<16xi32>
      "tpu.region"() ({
        %run_scoped3A = tpu.sem_alloc : memref<!tpu.dma_semaphore, #tpu.memory_space<semaphore_mem>>
        %dma_start3A_310 = arith.constant 32 : i32
        %dma_start3A_311 = arith.constant 0 : i32
        %dma_start3A_312 = tpu.memref_slice %arg8[%dma_start3A_310, %dma_start3A_311] : memref<128x128xf32, #tpu.memory_space<vmem>> -> memref<16x128xf32, #tpu.memory_space<vmem>>
        %dma_start3A_313 = arith.constant 0 : i32
        %dma_start3A_314 = arith.constant 0 : i32
        %dma_start3A_315 = tpu.memref_slice %arg10[%dma_start3A_313, %dma_start3A_314] : memref<10240x128xf32, #tpu.memory_space<vmem_shared>> -> memref<10240x128xf32, #tpu.memory_space<vmem_shared>>
        tpu.enqueue_indirect_dma source(%dma_start3A_312 : memref<16x128xf32, #tpu.memory_space<vmem>>) target(%dma_start3A_315 : memref<10240x128xf32, #tpu.memory_space<vmem_shared>>) offsets(%select_n3A_188 : vector<16xi32>) semaphore(%run_scoped3A : memref<!tpu.dma_semaphore, #tpu.memory_space<semaphore_mem>>) {add = true}
        %dma_wait3A_316 = arith.constant 32 : i32
        %dma_wait3A_317 = arith.constant 0 : i32
        %dma_wait3A_318 = tpu.memref_slice %arg8[%dma_wait3A_316, %dma_wait3A_317] : memref<128x128xf32, #tpu.memory_space<vmem>> -> memref<16x128xf32, #tpu.memory_space<vmem>>
        %dma_wait3A_319 = arith.constant 0 : i32
        %dma_wait3A_320 = arith.constant 0 : i32
        %dma_wait3A_321 = tpu.memref_slice %arg10[%dma_wait3A_319, %dma_wait3A_320] : memref<10240x128xf32, #tpu.memory_space<vmem_shared>> -> memref<10240x128xf32, #tpu.memory_space<vmem_shared>>
        tpu.wait_indirect_dma semaphore(%run_scoped3A : memref<!tpu.dma_semaphore, #tpu.memory_space<semaphore_mem>>) src(%dma_wait3A_318 : memref<16x128xf32, #tpu.memory_space<vmem>>) dst(%dma_wait3A_321 : memref<10240x128xf32, #tpu.memory_space<vmem_shared>>)
        tpu.yield
      }) : () -> ()
      %mul3A_189 = arith.constant 128 : i32
      %mul3A_190 = arith.muli %scan3A_111, %mul3A_189 : i32
      %add3A_191 = arith.constant 48 : i32
      %add3A_192 = arith.addi %mul3A_190, %add3A_191 : i32
      %get3A_193 = arith.index_cast %add3A_192 : i32 to index
      %get3A_194 = tpu.vector_load %arg7[%get3A_193] {strides = array<i32>} : memref<5120xi32, #tpu.memory_space<vmem>>, vector<16xi32>,
      %get3A_195 = vector.shape_cast %get3A_194 : vector<16xi32> to vector<16xi32>
      %iota3A_196 = tpu.iota {dimensions = array<i32: 0>} : vector<16xi32>
      %mul3A_197 = arith.constant 128 : i32
      %mul3A_198 = arith.muli %scan3A_111, %mul3A_197 : i32
      %add3A_199 = arith.constant 48 : i32
      %add3A_200 = arith.addi %mul3A_198, %add3A_199 : i32
      %add3A_201 = vector.broadcast %add3A_200 : i32 to vector<16xi32>
      %add3A_202 = arith.addi %iota3A_196, %add3A_201 : vector<16xi32>
      %broadcast_in_dim3A_203 = arith.constant 10000 : i32
      %broadcast_in_dim3A_204 = vector.broadcast %broadcast_in_dim3A_203 : i32 to vector<16xi32>
      %mul3A_205 = arith.constant 8 : i32
      %mul3A_206 = arith.muli %arg1, %mul3A_205 : i32
      %add3A_207 = vector.broadcast %mul3A_206 : i32 to vector<16xi32>
      %add3A_208 = arith.addi %broadcast_in_dim3A_204, %add3A_207 : vector<16xi32>
      %lt3A_209 = arith.constant 5000 : i32
      %lt3A_210 = vector.broadcast %lt3A_209 : i32 to vector<16xi32>
      %lt3A_211 = arith.cmpi slt, %add3A_202, %lt3A_210 : vector<16xi32>
      %select_n3A_212 = arith.select %lt3A_211, %get3A_195, %add3A_208 : vector<16xi1>, vector<16xi32>
      "tpu.region"() ({
        %run_scoped3A = tpu.sem_alloc : memref<!tpu.dma_semaphore, #tpu.memory_space<semaphore_mem>>
        %dma_start3A_310 = arith.constant 48 : i32
        %dma_start3A_311 = arith.constant 0 : i32
        %dma_start3A_312 = tpu.memref_slice %arg8[%dma_start3A_310, %dma_start3A_311] : memref<128x128xf32, #tpu.memory_space<vmem>> -> memref<16x128xf32, #tpu.memory_space<vmem>>
        %dma_start3A_313 = arith.constant 0 : i32
        %dma_start3A_314 = arith.constant 0 : i32
        %dma_start3A_315 = tpu.memref_slice %arg10[%dma_start3A_313, %dma_start3A_314] : memref<10240x128xf32, #tpu.memory_space<vmem_shared>> -> memref<10240x128xf32, #tpu.memory_space<vmem_shared>>
        tpu.enqueue_indirect_dma source(%dma_start3A_312 : memref<16x128xf32, #tpu.memory_space<vmem>>) target(%dma_start3A_315 : memref<10240x128xf32, #tpu.memory_space<vmem_shared>>) offsets(%select_n3A_212 : vector<16xi32>) semaphore(%run_scoped3A : memref<!tpu.dma_semaphore, #tpu.memory_space<semaphore_mem>>) {add = true}
        %dma_wait3A_316 = arith.constant 48 : i32
        %dma_wait3A_317 = arith.constant 0 : i32
        %dma_wait3A_318 = tpu.memref_slice %arg8[%dma_wait3A_316, %dma_wait3A_317] : memref<128x128xf32, #tpu.memory_space<vmem>> -> memref<16x128xf32, #tpu.memory_space<vmem>>
        %dma_wait3A_319 = arith.constant 0 : i32
        %dma_wait3A_320 = arith.constant 0 : i32
        %dma_wait3A_321 = tpu.memref_slice %arg10[%dma_wait3A_319, %dma_wait3A_320] : memref<10240x128xf32, #tpu.memory_space<vmem_shared>> -> memref<10240x128xf32, #tpu.memory_space<vmem_shared>>
        tpu.wait_indirect_dma semaphore(%run_scoped3A : memref<!tpu.dma_semaphore, #tpu.memory_space<semaphore_mem>>) src(%dma_wait3A_318 : memref<16x128xf32, #tpu.memory_space<vmem>>) dst(%dma_wait3A_321 : memref<10240x128xf32, #tpu.memory_space<vmem_shared>>)
        tpu.yield
      }) : () -> ()
      %mul3A_213 = arith.constant 128 : i32
      %mul3A_214 = arith.muli %scan3A_111, %mul3A_213 : i32
      %add3A_215 = arith.constant 64 : i32
      %add3A_216 = arith.addi %mul3A_214, %add3A_215 : i32
      %get3A_217 = arith.index_cast %add3A_216 : i32 to index
      %get3A_218 = tpu.vector_load %arg7[%get3A_217] {strides = array<i32>} : memref<5120xi32, #tpu.memory_space<vmem>>, vector<16xi32>,
      %get3A_219 = vector.shape_cast %get3A_218 : vector<16xi32> to vector<16xi32>
      %iota3A_220 = tpu.iota {dimensions = array<i32: 0>} : vector<16xi32>
      %mul3A_221 = arith.constant 128 : i32
      %mul3A_222 = arith.muli %scan3A_111, %mul3A_221 : i32
      %add3A_223 = arith.constant 64 : i32
      %add3A_224 = arith.addi %mul3A_222, %add3A_223 : i32
      %add3A_225 = vector.broadcast %add3A_224 : i32 to vector<16xi32>
      %add3A_226 = arith.addi %iota3A_220, %add3A_225 : vector<16xi32>
      %broadcast_in_dim3A_227 = arith.constant 10000 : i32
      %broadcast_in_dim3A_228 = vector.broadcast %broadcast_in_dim3A_227 : i32 to vector<16xi32>
      %mul3A_229 = arith.constant 8 : i32
      %mul3A_230 = arith.muli %arg1, %mul3A_229 : i32
      %add3A_231 = vector.broadcast %mul3A_230 : i32 to vector<16xi32>
      %add3A_232 = arith.addi %broadcast_in_dim3A_228, %add3A_231 : vector<16xi32>
      %lt3A_233 = arith.constant 5000 : i32
      %lt3A_234 = vector.broadcast %lt3A_233 : i32 to vector<16xi32>
      %lt3A_235 = arith.cmpi slt, %add3A_226, %lt3A_234 : vector<16xi32>
      %select_n3A_236 = arith.select %lt3A_235, %get3A_219, %add3A_232 : vector<16xi1>, vector<16xi32>
      "tpu.region"() ({
        %run_scoped3A = tpu.sem_alloc : memref<!tpu.dma_semaphore, #tpu.memory_space<semaphore_mem>>
        %dma_start3A_310 = arith.constant 64 : i32
        %dma_start3A_311 = arith.constant 0 : i32
        %dma_start3A_312 = tpu.memref_slice %arg8[%dma_start3A_310, %dma_start3A_311] : memref<128x128xf32, #tpu.memory_space<vmem>> -> memref<16x128xf32, #tpu.memory_space<vmem>>
        %dma_start3A_313 = arith.constant 0 : i32
        %dma_start3A_314 = arith.constant 0 : i32
        %dma_start3A_315 = tpu.memref_slice %arg10[%dma_start3A_313, %dma_start3A_314] : memref<10240x128xf32, #tpu.memory_space<vmem_shared>> -> memref<10240x128xf32, #tpu.memory_space<vmem_shared>>
        tpu.enqueue_indirect_dma source(%dma_start3A_312 : memref<16x128xf32, #tpu.memory_space<vmem>>) target(%dma_start3A_315 : memref<10240x128xf32, #tpu.memory_space<vmem_shared>>) offsets(%select_n3A_236 : vector<16xi32>) semaphore(%run_scoped3A : memref<!tpu.dma_semaphore, #tpu.memory_space<semaphore_mem>>) {add = true}
        %dma_wait3A_316 = arith.constant 64 : i32
        %dma_wait3A_317 = arith.constant 0 : i32
        %dma_wait3A_318 = tpu.memref_slice %arg8[%dma_wait3A_316, %dma_wait3A_317] : memref<128x128xf32, #tpu.memory_space<vmem>> -> memref<16x128xf32, #tpu.memory_space<vmem>>
        %dma_wait3A_319 = arith.constant 0 : i32
        %dma_wait3A_320 = arith.constant 0 : i32
        %dma_wait3A_321 = tpu.memref_slice %arg10[%dma_wait3A_319, %dma_wait3A_320] : memref<10240x128xf32, #tpu.memory_space<vmem_shared>> -> memref<10240x128xf32, #tpu.memory_space<vmem_shared>>
        tpu.wait_indirect_dma semaphore(%run_scoped3A : memref<!tpu.dma_semaphore, #tpu.memory_space<semaphore_mem>>) src(%dma_wait3A_318 : memref<16x128xf32, #tpu.memory_space<vmem>>) dst(%dma_wait3A_321 : memref<10240x128xf32, #tpu.memory_space<vmem_shared>>)
        tpu.yield
      }) : () -> ()
      %mul3A_237 = arith.constant 128 : i32
      %mul3A_238 = arith.muli %scan3A_111, %mul3A_237 : i32
      %add3A_239 = arith.constant 80 : i32
      %add3A_240 = arith.addi %mul3A_238, %add3A_239 : i32
      %get3A_241 = arith.index_cast %add3A_240 : i32 to index
      %get3A_242 = tpu.vector_load %arg7[%get3A_241] {strides = array<i32>} : memref<5120xi32, #tpu.memory_space<vmem>>, vector<16xi32>,
      %get3A_243 = vector.shape_cast %get3A_242 : vector<16xi32> to vector<16xi32>
      %iota3A_244 = tpu.iota {dimensions = array<i32: 0>} : vector<16xi32>
      %mul3A_245 = arith.constant 128 : i32
      %mul3A_246 = arith.muli %scan3A_111, %mul3A_245 : i32
      %add3A_247 = arith.constant 80 : i32
      %add3A_248 = arith.addi %mul3A_246, %add3A_247 : i32
      %add3A_249 = vector.broadcast %add3A_248 : i32 to vector<16xi32>
      %add3A_250 = arith.addi %iota3A_244, %add3A_249 : vector<16xi32>
      %broadcast_in_dim3A_251 = arith.constant 10000 : i32
      %broadcast_in_dim3A_252 = vector.broadcast %broadcast_in_dim3A_251 : i32 to vector<16xi32>
      %mul3A_253 = arith.constant 8 : i32
      %mul3A_254 = arith.muli %arg1, %mul3A_253 : i32
      %add3A_255 = vector.broadcast %mul3A_254 : i32 to vector<16xi32>
      %add3A_256 = arith.addi %broadcast_in_dim3A_252, %add3A_255 : vector<16xi32>
      %lt3A_257 = arith.constant 5000 : i32
      %lt3A_258 = vector.broadcast %lt3A_257 : i32 to vector<16xi32>
      %lt3A_259 = arith.cmpi slt, %add3A_250, %lt3A_258 : vector<16xi32>
      %select_n3A_260 = arith.select %lt3A_259, %get3A_243, %add3A_256 : vector<16xi1>, vector<16xi32>
      "tpu.region"() ({
        %run_scoped3A = tpu.sem_alloc : memref<!tpu.dma_semaphore, #tpu.memory_space<semaphore_mem>>
        %dma_start3A_310 = arith.constant 80 : i32
        %dma_start3A_311 = arith.constant 0 : i32
        %dma_start3A_312 = tpu.memref_slice %arg8[%dma_start3A_310, %dma_start3A_311] : memref<128x128xf32, #tpu.memory_space<vmem>> -> memref<16x128xf32, #tpu.memory_space<vmem>>
        %dma_start3A_313 = arith.constant 0 : i32
        %dma_start3A_314 = arith.constant 0 : i32
        %dma_start3A_315 = tpu.memref_slice %arg10[%dma_start3A_313, %dma_start3A_314] : memref<10240x128xf32, #tpu.memory_space<vmem_shared>> -> memref<10240x128xf32, #tpu.memory_space<vmem_shared>>
        tpu.enqueue_indirect_dma source(%dma_start3A_312 : memref<16x128xf32, #tpu.memory_space<vmem>>) target(%dma_start3A_315 : memref<10240x128xf32, #tpu.memory_space<vmem_shared>>) offsets(%select_n3A_260 : vector<16xi32>) semaphore(%run_scoped3A : memref<!tpu.dma_semaphore, #tpu.memory_space<semaphore_mem>>) {add = true}
        %dma_wait3A_316 = arith.constant 80 : i32
        %dma_wait3A_317 = arith.constant 0 : i32
        %dma_wait3A_318 = tpu.memref_slice %arg8[%dma_wait3A_316, %dma_wait3A_317] : memref<128x128xf32, #tpu.memory_space<vmem>> -> memref<16x128xf32, #tpu.memory_space<vmem>>
        %dma_wait3A_319 = arith.constant 0 : i32
        %dma_wait3A_320 = arith.constant 0 : i32
        %dma_wait3A_321 = tpu.memref_slice %arg10[%dma_wait3A_319, %dma_wait3A_320] : memref<10240x128xf32, #tpu.memory_space<vmem_shared>> -> memref<10240x128xf32, #tpu.memory_space<vmem_shared>>
        tpu.wait_indirect_dma semaphore(%run_scoped3A : memref<!tpu.dma_semaphore, #tpu.memory_space<semaphore_mem>>) src(%dma_wait3A_318 : memref<16x128xf32, #tpu.memory_space<vmem>>) dst(%dma_wait3A_321 : memref<10240x128xf32, #tpu.memory_space<vmem_shared>>)
        tpu.yield
      }) : () -> ()
      %mul3A_261 = arith.constant 128 : i32
      %mul3A_262 = arith.muli %scan3A_111, %mul3A_261 : i32
      %add3A_263 = arith.constant 96 : i32
      %add3A_264 = arith.addi %mul3A_262, %add3A_263 : i32
      %get3A_265 = arith.index_cast %add3A_264 : i32 to index
      %get3A_266 = tpu.vector_load %arg7[%get3A_265] {strides = array<i32>} : memref<5120xi32, #tpu.memory_space<vmem>>, vector<16xi32>,
      %get3A_267 = vector.shape_cast %get3A_266 : vector<16xi32> to vector<16xi32>
      %iota3A_268 = tpu.iota {dimensions = array<i32: 0>} : vector<16xi32>
      %mul3A_269 = arith.constant 128 : i32
      %mul3A_270 = arith.muli %scan3A_111, %mul3A_269 : i32
      %add3A_271 = arith.constant 96 : i32
      %add3A_272 = arith.addi %mul3A_270, %add3A_271 : i32
      %add3A_273 = vector.broadcast %add3A_272 : i32 to vector<16xi32>
      %add3A_274 = arith.addi %iota3A_268, %add3A_273 : vector<16xi32>
      %broadcast_in_dim3A_275 = arith.constant 10000 : i32
      %broadcast_in_dim3A_276 = vector.broadcast %broadcast_in_dim3A_275 : i32 to vector<16xi32>
      %mul3A_277 = arith.constant 8 : i32
      %mul3A_278 = arith.muli %arg1, %mul3A_277 : i32
      %add3A_279 = vector.broadcast %mul3A_278 : i32 to vector<16xi32>
      %add3A_280 = arith.addi %broadcast_in_dim3A_276, %add3A_279 : vector<16xi32>
      %lt3A_281 = arith.constant 5000 : i32
      %lt3A_282 = vector.broadcast %lt3A_281 : i32 to vector<16xi32>
      %lt3A_283 = arith.cmpi slt, %add3A_274, %lt3A_282 : vector<16xi32>
      %select_n3A_284 = arith.select %lt3A_283, %get3A_267, %add3A_280 : vector<16xi1>, vector<16xi32>
      "tpu.region"() ({
        %run_scoped3A = tpu.sem_alloc : memref<!tpu.dma_semaphore, #tpu.memory_space<semaphore_mem>>
        %dma_start3A_310 = arith.constant 96 : i32
        %dma_start3A_311 = arith.constant 0 : i32
        %dma_start3A_312 = tpu.memref_slice %arg8[%dma_start3A_310, %dma_start3A_311] : memref<128x128xf32, #tpu.memory_space<vmem>> -> memref<16x128xf32, #tpu.memory_space<vmem>>
        %dma_start3A_313 = arith.constant 0 : i32
        %dma_start3A_314 = arith.constant 0 : i32
        %dma_start3A_315 = tpu.memref_slice %arg10[%dma_start3A_313, %dma_start3A_314] : memref<10240x128xf32, #tpu.memory_space<vmem_shared>> -> memref<10240x128xf32, #tpu.memory_space<vmem_shared>>
        tpu.enqueue_indirect_dma source(%dma_start3A_312 : memref<16x128xf32, #tpu.memory_space<vmem>>) target(%dma_start3A_315 : memref<10240x128xf32, #tpu.memory_space<vmem_shared>>) offsets(%select_n3A_284 : vector<16xi32>) semaphore(%run_scoped3A : memref<!tpu.dma_semaphore, #tpu.memory_space<semaphore_mem>>) {add = true}
        %dma_wait3A_316 = arith.constant 96 : i32
        %dma_wait3A_317 = arith.constant 0 : i32
        %dma_wait3A_318 = tpu.memref_slice %arg8[%dma_wait3A_316, %dma_wait3A_317] : memref<128x128xf32, #tpu.memory_space<vmem>> -> memref<16x128xf32, #tpu.memory_space<vmem>>
        %dma_wait3A_319 = arith.constant 0 : i32
        %dma_wait3A_320 = arith.constant 0 : i32
        %dma_wait3A_321 = tpu.memref_slice %arg10[%dma_wait3A_319, %dma_wait3A_320] : memref<10240x128xf32, #tpu.memory_space<vmem_shared>> -> memref<10240x128xf32, #tpu.memory_space<vmem_shared>>
        tpu.wait_indirect_dma semaphore(%run_scoped3A : memref<!tpu.dma_semaphore, #tpu.memory_space<semaphore_mem>>) src(%dma_wait3A_318 : memref<16x128xf32, #tpu.memory_space<vmem>>) dst(%dma_wait3A_321 : memref<10240x128xf32, #tpu.memory_space<vmem_shared>>)
        tpu.yield
      }) : () -> ()
      %mul3A_285 = arith.constant 128 : i32
      %mul3A_286 = arith.muli %scan3A_111, %mul3A_285 : i32
      %add3A_287 = arith.constant 112 : i32
      %add3A_288 = arith.addi %mul3A_286, %add3A_287 : i32
      %get3A_289 = arith.index_cast %add3A_288 : i32 to index
      %get3A_290 = tpu.vector_load %arg7[%get3A_289] {strides = array<i32>} : memref<5120xi32, #tpu.memory_space<vmem>>, vector<16xi32>,
      %get3A_291 = vector.shape_cast %get3A_290 : vector<16xi32> to vector<16xi32>
      %iota3A_292 = tpu.iota {dimensions = array<i32: 0>} : vector<16xi32>
      %mul3A_293 = arith.constant 128 : i32
      %mul3A_294 = arith.muli %scan3A_111, %mul3A_293 : i32
      %add3A_295 = arith.constant 112 : i32
      %add3A_296 = arith.addi %mul3A_294, %add3A_295 : i32
      %add3A_297 = vector.broadcast %add3A_296 : i32 to vector<16xi32>
      %add3A_298 = arith.addi %iota3A_292, %add3A_297 : vector<16xi32>
      %broadcast_in_dim3A_299 = arith.constant 10000 : i32
      %broadcast_in_dim3A_300 = vector.broadcast %broadcast_in_dim3A_299 : i32 to vector<16xi32>
      %mul3A_301 = arith.constant 8 : i32
      %mul3A_302 = arith.muli %arg1, %mul3A_301 : i32
      %add3A_303 = vector.broadcast %mul3A_302 : i32 to vector<16xi32>
      %add3A_304 = arith.addi %broadcast_in_dim3A_300, %add3A_303 : vector<16xi32>
      %lt3A_305 = arith.constant 5000 : i32
      %lt3A_306 = vector.broadcast %lt3A_305 : i32 to vector<16xi32>
      %lt3A_307 = arith.cmpi slt, %add3A_298, %lt3A_306 : vector<16xi32>
      %select_n3A_308 = arith.select %lt3A_307, %get3A_291, %add3A_304 : vector<16xi1>, vector<16xi32>
      "tpu.region"() ({
        %run_scoped3A = tpu.sem_alloc : memref<!tpu.dma_semaphore, #tpu.memory_space<semaphore_mem>>
        %dma_start3A_310 = arith.constant 112 : i32
        %dma_start3A_311 = arith.constant 0 : i32
        %dma_start3A_312 = tpu.memref_slice %arg8[%dma_start3A_310, %dma_start3A_311] : memref<128x128xf32, #tpu.memory_space<vmem>> -> memref<16x128xf32, #tpu.memory_space<vmem>>
        %dma_start3A_313 = arith.constant 0 : i32
        %dma_start3A_314 = arith.constant 0 : i32
        %dma_start3A_315 = tpu.memref_slice %arg10[%dma_start3A_313, %dma_start3A_314] : memref<10240x128xf32, #tpu.memory_space<vmem_shared>> -> memref<10240x128xf32, #tpu.memory_space<vmem_shared>>
        tpu.enqueue_indirect_dma source(%dma_start3A_312 : memref<16x128xf32, #tpu.memory_space<vmem>>) target(%dma_start3A_315 : memref<10240x128xf32, #tpu.memory_space<vmem_shared>>) offsets(%select_n3A_308 : vector<16xi32>) semaphore(%run_scoped3A : memref<!tpu.dma_semaphore, #tpu.memory_space<semaphore_mem>>) {add = true}
        %dma_wait3A_316 = arith.constant 112 : i32
        %dma_wait3A_317 = arith.constant 0 : i32
        %dma_wait3A_318 = tpu.memref_slice %arg8[%dma_wait3A_316, %dma_wait3A_317] : memref<128x128xf32, #tpu.memory_space<vmem>> -> memref<16x128xf32, #tpu.memory_space<vmem>>
        %dma_wait3A_319 = arith.constant 0 : i32
        %dma_wait3A_320 = arith.constant 0 : i32
        %dma_wait3A_321 = tpu.memref_slice %arg10[%dma_wait3A_319, %dma_wait3A_320] : memref<10240x128xf32, #tpu.memory_space<vmem_shared>> -> memref<10240x128xf32, #tpu.memory_space<vmem_shared>>
        tpu.wait_indirect_dma semaphore(%run_scoped3A : memref<!tpu.dma_semaphore, #tpu.memory_space<semaphore_mem>>) src(%dma_wait3A_318 : memref<16x128xf32, #tpu.memory_space<vmem>>) dst(%dma_wait3A_321 : memref<10240x128xf32, #tpu.memory_space<vmem_shared>>)
        tpu.yield
      }) : () -> ()
      %scan3A_309 = arith.constant 0 : i32
      scf.yield %scan3A_309 : i32
    }
    %scan3A_48 = arith.constant 40 : i32
    %barrier3A_49 = arith.constant 0 : index
    tpu.barrier barrier_id(%barrier3A_49)
    %mul3A_50 = arith.constant 640 : i32
    %mul3A_51 = arith.muli %arg1, %mul3A_50 : i32
    %mul3A_52 = arith.constant 640 : i32
    %mul3A_53 = arith.muli %arg1, %mul3A_52 : i32
    "tpu.region"() ({
      %run_scoped3A = tpu.sem_alloc : memref<!tpu.dma_semaphore, #tpu.memory_space<semaphore_mem>>
      %dma_start3A = arith.constant 0 : i32
      %dma_start3A_111 = tpu.memref_slice %arg6[%arg0, %mul3A_53, %dma_start3A] : memref<4x10240x128xf32, #tpu.memory_space<hbm>> -> memref<1x640x128xf32, #tpu.memory_space<hbm>>
      %dma_start3A_112 = tpu.memref_squeeze %dma_start3A_111 : memref<1x640x128xf32, #tpu.memory_space<hbm>> -> memref<640x128xf32, #tpu.memory_space<hbm>>
      %dma_start3A_113 = arith.constant 0 : i32
      %dma_start3A_114 = tpu.memref_slice %arg10[%mul3A_51, %dma_start3A_113] : memref<10240x128xf32, #tpu.memory_space<vmem_shared>> -> memref<640x128xf32, #tpu.memory_space<vmem_shared>>
      tpu.enqueue_dma source(%dma_start3A_114 : memref<640x128xf32, #tpu.memory_space<vmem_shared>>) target(%dma_start3A_112 : memref<640x128xf32, #tpu.memory_space<hbm>>) target_semaphore(%run_scoped3A : memref<!tpu.dma_semaphore, #tpu.memory_space<semaphore_mem>>)
      %dma_wait3A = arith.constant 0 : i32
      %dma_wait3A_115 = tpu.memref_slice %arg6[%arg0, %mul3A_53, %dma_wait3A] : memref<4x10240x128xf32, #tpu.memory_space<hbm>> -> memref<1x640x128xf32, #tpu.memory_space<hbm>>
      %dma_wait3A_116 = tpu.memref_squeeze %dma_wait3A_115 : memref<1x640x128xf32, #tpu.memory_space<hbm>> -> memref<640x128xf32, #tpu.memory_space<hbm>>
      %dma_wait3A_117 = arith.constant 0 : i32
      %dma_wait3A_118 = tpu.memref_slice %arg10[%mul3A_51, %dma_wait3A_117] : memref<10240x128xf32, #tpu.memory_space<vmem_shared>> -> memref<640x128xf32, #tpu.memory_space<vmem_shared>>
      tpu.wait_dma2 semaphore(%run_scoped3A : memref<!tpu.dma_semaphore, #tpu.memory_space<semaphore_mem>>) src(%dma_wait3A_118 : memref<640x128xf32, #tpu.memory_space<vmem_shared>>) dst(%dma_wait3A_116 : memref<640x128xf32, #tpu.memory_space<hbm>>)
      tpu.yield
    }) : () -> ()
    %barrier3A_54 = arith.constant 0 : index
    tpu.barrier barrier_id(%barrier3A_54)
    %add3A_55 = arith.constant 2 : i32
    %add3A_56 = arith.addi %add3A_55, %arg0 : i32
    %mul3A_57 = arith.constant 640 : i32
    %mul3A_58 = arith.muli %arg1, %mul3A_57 : i32
    %add3A_59 = arith.constant 0 : i32
    %add3A_60 = arith.addi %mul3A_58, %add3A_59 : i32
    "tpu.region"() ({
      %run_scoped3A = tpu.sem_alloc : memref<!tpu.dma_semaphore, #tpu.memory_space<semaphore_mem>>
      %dma_start3A = arith.constant 0 : i32
      %dma_start3A_111 = tpu.memref_slice %arg10[%add3A_60, %dma_start3A] : memref<10240x128xf32, #tpu.memory_space<vmem_shared>> -> memref<64x128xf32, #tpu.memory_space<vmem_shared>>
      %dma_start3A_112 = arith.constant 0 : i32
      %dma_start3A_113 = tpu.memref_slice %arg10[%add3A_60, %dma_start3A_112] : memref<10240x128xf32, #tpu.memory_space<vmem_shared>> -> memref<64x128xf32, #tpu.memory_space<vmem_shared>>
      tpu.enqueue_dma source(%arg9 : memref<64x128xf32, #tpu.memory_space<vmem>>) target(%dma_start3A_113 : memref<64x128xf32, #tpu.memory_space<vmem_shared>>) target_semaphore(%run_scoped3A : memref<!tpu.dma_semaphore, #tpu.memory_space<semaphore_mem>>)
      %dma_wait3A = arith.constant 0 : i32
      %dma_wait3A_114 = tpu.memref_slice %arg10[%add3A_60, %dma_wait3A] : memref<10240x128xf32, #tpu.memory_space<vmem_shared>> -> memref<64x128xf32, #tpu.memory_space<vmem_shared>>
      %dma_wait3A_115 = arith.constant 0 : i32
      %dma_wait3A_116 = tpu.memref_slice %arg10[%add3A_60, %dma_wait3A_115] : memref<10240x128xf32, #tpu.memory_space<vmem_shared>> -> memref<64x128xf32, #tpu.memory_space<vmem_shared>>
      tpu.wait_dma2 semaphore(%run_scoped3A : memref<!tpu.dma_semaphore, #tpu.memory_space<semaphore_mem>>) src(%arg9 : memref<64x128xf32, #tpu.memory_space<vmem>>) dst(%dma_wait3A_116 : memref<64x128xf32, #tpu.memory_space<vmem_shared>>)
      tpu.yield
    }) : () -> ()
    %mul3A_61 = arith.constant 640 : i32
    %mul3A_62 = arith.muli %arg1, %mul3A_61 : i32
    %add3A_63 = arith.constant 64 : i32
    %add3A_64 = arith.addi %mul3A_62, %add3A_63 : i32
    "tpu.region"() ({
      %run_scoped3A = tpu.sem_alloc : memref<!tpu.dma_semaphore, #tpu.memory_space<semaphore_mem>>
      %dma_start3A = arith.constant 0 : i32
      %dma_start3A_111 = tpu.memref_slice %arg10[%add3A_64, %dma_start3A] : memref<10240x128xf32, #tpu.memory_space<vmem_shared>> -> memref<64x128xf32, #tpu.memory_space<vmem_shared>>
      %dma_start3A_112 = arith.constant 0 : i32
      %dma_start3A_113 = tpu.memref_slice %arg10[%add3A_64, %dma_start3A_112] : memref<10240x128xf32, #tpu.memory_space<vmem_shared>> -> memref<64x128xf32, #tpu.memory_space<vmem_shared>>
      tpu.enqueue_dma source(%arg9 : memref<64x128xf32, #tpu.memory_space<vmem>>) target(%dma_start3A_113 : memref<64x128xf32, #tpu.memory_space<vmem_shared>>) target_semaphore(%run_scoped3A : memref<!tpu.dma_semaphore, #tpu.memory_space<semaphore_mem>>)
      %dma_wait3A = arith.constant 0 : i32
      %dma_wait3A_114 = tpu.memref_slice %arg10[%add3A_64, %dma_wait3A] : memref<10240x128xf32, #tpu.memory_space<vmem_shared>> -> memref<64x128xf32, #tpu.memory_space<vmem_shared>>
      %dma_wait3A_115 = arith.constant 0 : i32
      %dma_wait3A_116 = tpu.memref_slice %arg10[%add3A_64, %dma_wait3A_115] : memref<10240x128xf32, #tpu.memory_space<vmem_shared>> -> memref<64x128xf32, #tpu.memory_space<vmem_shared>>
      tpu.wait_dma2 semaphore(%run_scoped3A : memref<!tpu.dma_semaphore, #tpu.memory_space<semaphore_mem>>) src(%arg9 : memref<64x128xf32, #tpu.memory_space<vmem>>) dst(%dma_wait3A_116 : memref<64x128xf32, #tpu.memory_space<vmem_shared>>)
      tpu.yield
    }) : () -> ()
    %mul3A_65 = arith.constant 640 : i32
    %mul3A_66 = arith.muli %arg1, %mul3A_65 : i32
    %add3A_67 = arith.constant 128 : i32
    %add3A_68 = arith.addi %mul3A_66, %add3A_67 : i32
    "tpu.region"() ({
      %run_scoped3A = tpu.sem_alloc : memref<!tpu.dma_semaphore, #tpu.memory_space<semaphore_mem>>
      %dma_start3A = arith.constant 0 : i32
      %dma_start3A_111 = tpu.memref_slice %arg10[%add3A_68, %dma_start3A] : memref<10240x128xf32, #tpu.memory_space<vmem_shared>> -> memref<64x128xf32, #tpu.memory_space<vmem_shared>>
      %dma_start3A_112 = arith.constant 0 : i32
      %dma_start3A_113 = tpu.memref_slice %arg10[%add3A_68, %dma_start3A_112] : memref<10240x128xf32, #tpu.memory_space<vmem_shared>> -> memref<64x128xf32, #tpu.memory_space<vmem_shared>>
      tpu.enqueue_dma source(%arg9 : memref<64x128xf32, #tpu.memory_space<vmem>>) target(%dma_start3A_113 : memref<64x128xf32, #tpu.memory_space<vmem_shared>>) target_semaphore(%run_scoped3A : memref<!tpu.dma_semaphore, #tpu.memory_space<semaphore_mem>>)
      %dma_wait3A = arith.constant 0 : i32
      %dma_wait3A_114 = tpu.memref_slice %arg10[%add3A_68, %dma_wait3A] : memref<10240x128xf32, #tpu.memory_space<vmem_shared>> -> memref<64x128xf32, #tpu.memory_space<vmem_shared>>
      %dma_wait3A_115 = arith.constant 0 : i32
      %dma_wait3A_116 = tpu.memref_slice %arg10[%add3A_68, %dma_wait3A_115] : memref<10240x128xf32, #tpu.memory_space<vmem_shared>> -> memref<64x128xf32, #tpu.memory_space<vmem_shared>>
      tpu.wait_dma2 semaphore(%run_scoped3A : memref<!tpu.dma_semaphore, #tpu.memory_space<semaphore_mem>>) src(%arg9 : memref<64x128xf32, #tpu.memory_space<vmem>>) dst(%dma_wait3A_116 : memref<64x128xf32, #tpu.memory_space<vmem_shared>>)
      tpu.yield
    }) : () -> ()
    %mul3A_69 = arith.constant 640 : i32
    %mul3A_70 = arith.muli %arg1, %mul3A_69 : i32
    %add3A_71 = arith.constant 192 : i32
    %add3A_72 = arith.addi %mul3A_70, %add3A_71 : i32
    "tpu.region"() ({
      %run_scoped3A = tpu.sem_alloc : memref<!tpu.dma_semaphore, #tpu.memory_space<semaphore_mem>>
      %dma_start3A = arith.constant 0 : i32
      %dma_start3A_111 = tpu.memref_slice %arg10[%add3A_72, %dma_start3A] : memref<10240x128xf32, #tpu.memory_space<vmem_shared>> -> memref<64x128xf32, #tpu.memory_space<vmem_shared>>
      %dma_start3A_112 = arith.constant 0 : i32
      %dma_start3A_113 = tpu.memref_slice %arg10[%add3A_72, %dma_start3A_112] : memref<10240x128xf32, #tpu.memory_space<vmem_shared>> -> memref<64x128xf32, #tpu.memory_space<vmem_shared>>
      tpu.enqueue_dma source(%arg9 : memref<64x128xf32, #tpu.memory_space<vmem>>) target(%dma_start3A_113 : memref<64x128xf32, #tpu.memory_space<vmem_shared>>) target_semaphore(%run_scoped3A : memref<!tpu.dma_semaphore, #tpu.memory_space<semaphore_mem>>)
      %dma_wait3A = arith.constant 0 : i32
      %dma_wait3A_114 = tpu.memref_slice %arg10[%add3A_72, %dma_wait3A] : memref<10240x128xf32, #tpu.memory_space<vmem_shared>> -> memref<64x128xf32, #tpu.memory_space<vmem_shared>>
      %dma_wait3A_115 = arith.constant 0 : i32
      %dma_wait3A_116 = tpu.memref_slice %arg10[%add3A_72, %dma_wait3A_115] : memref<10240x128xf32, #tpu.memory_space<vmem_shared>> -> memref<64x128xf32, #tpu.memory_space<vmem_shared>>
      tpu.wait_dma2 semaphore(%run_scoped3A : memref<!tpu.dma_semaphore, #tpu.memory_space<semaphore_mem>>) src(%arg9 : memref<64x128xf32, #tpu.memory_space<vmem>>) dst(%dma_wait3A_116 : memref<64x128xf32, #tpu.memory_space<vmem_shared>>)
      tpu.yield
    }) : () -> ()
    %mul3A_73 = arith.constant 640 : i32
    %mul3A_74 = arith.muli %arg1, %mul3A_73 : i32
    %add3A_75 = arith.constant 256 : i32
    %add3A_76 = arith.addi %mul3A_74, %add3A_75 : i32
    "tpu.region"() ({
      %run_scoped3A = tpu.sem_alloc : memref<!tpu.dma_semaphore, #tpu.memory_space<semaphore_mem>>
      %dma_start3A = arith.constant 0 : i32
      %dma_start3A_111 = tpu.memref_slice %arg10[%add3A_76, %dma_start3A] : memref<10240x128xf32, #tpu.memory_space<vmem_shared>> -> memref<64x128xf32, #tpu.memory_space<vmem_shared>>
      %dma_start3A_112 = arith.constant 0 : i32
      %dma_start3A_113 = tpu.memref_slice %arg10[%add3A_76, %dma_start3A_112] : memref<10240x128xf32, #tpu.memory_space<vmem_shared>> -> memref<64x128xf32, #tpu.memory_space<vmem_shared>>
      tpu.enqueue_dma source(%arg9 : memref<64x128xf32, #tpu.memory_space<vmem>>) target(%dma_start3A_113 : memref<64x128xf32, #tpu.memory_space<vmem_shared>>) target_semaphore(%run_scoped3A : memref<!tpu.dma_semaphore, #tpu.memory_space<semaphore_mem>>)
      %dma_wait3A = arith.constant 0 : i32
      %dma_wait3A_114 = tpu.memref_slice %arg10[%add3A_76, %dma_wait3A] : memref<10240x128xf32, #tpu.memory_space<vmem_shared>> -> memref<64x128xf32, #tpu.memory_space<vmem_shared>>
      %dma_wait3A_115 = arith.constant 0 : i32
      %dma_wait3A_116 = tpu.memref_slice %arg10[%add3A_76, %dma_wait3A_115] : memref<10240x128xf32, #tpu.memory_space<vmem_shared>> -> memref<64x128xf32, #tpu.memory_space<vmem_shared>>
      tpu.wait_dma2 semaphore(%run_scoped3A : memref<!tpu.dma_semaphore, #tpu.memory_space<semaphore_mem>>) src(%arg9 : memref<64x128xf32, #tpu.memory_space<vmem>>) dst(%dma_wait3A_116 : memref<64x128xf32, #tpu.memory_space<vmem_shared>>)
      tpu.yield
    }) : () -> ()
    %mul3A_77 = arith.constant 640 : i32
    %mul3A_78 = arith.muli %arg1, %mul3A_77 : i32
    %add3A_79 = arith.constant 320 : i32
    %add3A_80 = arith.addi %mul3A_78, %add3A_79 : i32
    "tpu.region"() ({
      %run_scoped3A = tpu.sem_alloc : memref<!tpu.dma_semaphore, #tpu.memory_space<semaphore_mem>>
      %dma_start3A = arith.constant 0 : i32
      %dma_start3A_111 = tpu.memref_slice %arg10[%add3A_80, %dma_start3A] : memref<10240x128xf32, #tpu.memory_space<vmem_shared>> -> memref<64x128xf32, #tpu.memory_space<vmem_shared>>
      %dma_start3A_112 = arith.constant 0 : i32
      %dma_start3A_113 = tpu.memref_slice %arg10[%add3A_80, %dma_start3A_112] : memref<10240x128xf32, #tpu.memory_space<vmem_shared>> -> memref<64x128xf32, #tpu.memory_space<vmem_shared>>
      tpu.enqueue_dma source(%arg9 : memref<64x128xf32, #tpu.memory_space<vmem>>) target(%dma_start3A_113 : memref<64x128xf32, #tpu.memory_space<vmem_shared>>) target_semaphore(%run_scoped3A : memref<!tpu.dma_semaphore, #tpu.memory_space<semaphore_mem>>)
      %dma_wait3A = arith.constant 0 : i32
      %dma_wait3A_114 = tpu.memref_slice %arg10[%add3A_80, %dma_wait3A] : memref<10240x128xf32, #tpu.memory_space<vmem_shared>> -> memref<64x128xf32, #tpu.memory_space<vmem_shared>>
      %dma_wait3A_115 = arith.constant 0 : i32
      %dma_wait3A_116 = tpu.memref_slice %arg10[%add3A_80, %dma_wait3A_115] : memref<10240x128xf32, #tpu.memory_space<vmem_shared>> -> memref<64x128xf32, #tpu.memory_space<vmem_shared>>
      tpu.wait_dma2 semaphore(%run_scoped3A : memref<!tpu.dma_semaphore, #tpu.memory_space<semaphore_mem>>) src(%arg9 : memref<64x128xf32, #tpu.memory_space<vmem>>) dst(%dma_wait3A_116 : memref<64x128xf32, #tpu.memory_space<vmem_shared>>)
      tpu.yield
    }) : () -> ()
    %mul3A_81 = arith.constant 640 : i32
    %mul3A_82 = arith.muli %arg1, %mul3A_81 : i32
    %add3A_83 = arith.constant 384 : i32
    %add3A_84 = arith.addi %mul3A_82, %add3A_83 : i32
    "tpu.region"() ({
      %run_scoped3A = tpu.sem_alloc : memref<!tpu.dma_semaphore, #tpu.memory_space<semaphore_mem>>
      %dma_start3A = arith.constant 0 : i32
      %dma_start3A_111 = tpu.memref_slice %arg10[%add3A_84, %dma_start3A] : memref<10240x128xf32, #tpu.memory_space<vmem_shared>> -> memref<64x128xf32, #tpu.memory_space<vmem_shared>>
      %dma_start3A_112 = arith.constant 0 : i32
      %dma_start3A_113 = tpu.memref_slice %arg10[%add3A_84, %dma_start3A_112] : memref<10240x128xf32, #tpu.memory_space<vmem_shared>> -> memref<64x128xf32, #tpu.memory_space<vmem_shared>>
      tpu.enqueue_dma source(%arg9 : memref<64x128xf32, #tpu.memory_space<vmem>>) target(%dma_start3A_113 : memref<64x128xf32, #tpu.memory_space<vmem_shared>>) target_semaphore(%run_scoped3A : memref<!tpu.dma_semaphore, #tpu.memory_space<semaphore_mem>>)
      %dma_wait3A = arith.constant 0 : i32
      %dma_wait3A_114 = tpu.memref_slice %arg10[%add3A_84, %dma_wait3A] : memref<10240x128xf32, #tpu.memory_space<vmem_shared>> -> memref<64x128xf32, #tpu.memory_space<vmem_shared>>
      %dma_wait3A_115 = arith.constant 0 : i32
      %dma_wait3A_116 = tpu.memref_slice %arg10[%add3A_84, %dma_wait3A_115] : memref<10240x128xf32, #tpu.memory_space<vmem_shared>> -> memref<64x128xf32, #tpu.memory_space<vmem_shared>>
      tpu.wait_dma2 semaphore(%run_scoped3A : memref<!tpu.dma_semaphore, #tpu.memory_space<semaphore_mem>>) src(%arg9 : memref<64x128xf32, #tpu.memory_space<vmem>>) dst(%dma_wait3A_116 : memref<64x128xf32, #tpu.memory_space<vmem_shared>>)
      tpu.yield
    }) : () -> ()
    %mul3A_85 = arith.constant 640 : i32
    %mul3A_86 = arith.muli %arg1, %mul3A_85 : i32
    %add3A_87 = arith.constant 448 : i32
    %add3A_88 = arith.addi %mul3A_86, %add3A_87 : i32
    "tpu.region"() ({
      %run_scoped3A = tpu.sem_alloc : memref<!tpu.dma_semaphore, #tpu.memory_space<semaphore_mem>>
      %dma_start3A = arith.constant 0 : i32
      %dma_start3A_111 = tpu.memref_slice %arg10[%add3A_88, %dma_start3A] : memref<10240x128xf32, #tpu.memory_space<vmem_shared>> -> memref<64x128xf32, #tpu.memory_space<vmem_shared>>
      %dma_start3A_112 = arith.constant 0 : i32
      %dma_start3A_113 = tpu.memref_slice %arg10[%add3A_88, %dma_start3A_112] : memref<10240x128xf32, #tpu.memory_space<vmem_shared>> -> memref<64x128xf32, #tpu.memory_space<vmem_shared>>
      tpu.enqueue_dma source(%arg9 : memref<64x128xf32, #tpu.memory_space<vmem>>) target(%dma_start3A_113 : memref<64x128xf32, #tpu.memory_space<vmem_shared>>) target_semaphore(%run_scoped3A : memref<!tpu.dma_semaphore, #tpu.memory_space<semaphore_mem>>)
      %dma_wait3A = arith.constant 0 : i32
      %dma_wait3A_114 = tpu.memref_slice %arg10[%add3A_88, %dma_wait3A] : memref<10240x128xf32, #tpu.memory_space<vmem_shared>> -> memref<64x128xf32, #tpu.memory_space<vmem_shared>>
      %dma_wait3A_115 = arith.constant 0 : i32
      %dma_wait3A_116 = tpu.memref_slice %arg10[%add3A_88, %dma_wait3A_115] : memref<10240x128xf32, #tpu.memory_space<vmem_shared>> -> memref<64x128xf32, #tpu.memory_space<vmem_shared>>
      tpu.wait_dma2 semaphore(%run_scoped3A : memref<!tpu.dma_semaphore, #tpu.memory_space<semaphore_mem>>) src(%arg9 : memref<64x128xf32, #tpu.memory_space<vmem>>) dst(%dma_wait3A_116 : memref<64x128xf32, #tpu.memory_space<vmem_shared>>)
      tpu.yield
    }) : () -> ()
    %mul3A_89 = arith.constant 640 : i32
    %mul3A_90 = arith.muli %arg1, %mul3A_89 : i32
    %add3A_91 = arith.constant 512 : i32
    %add3A_92 = arith.addi %mul3A_90, %add3A_91 : i32
    "tpu.region"() ({
      %run_scoped3A = tpu.sem_alloc : memref<!tpu.dma_semaphore, #tpu.memory_space<semaphore_mem>>
      %dma_start3A = arith.constant 0 : i32
      %dma_start3A_111 = tpu.memref_slice %arg10[%add3A_92, %dma_start3A] : memref<10240x128xf32, #tpu.memory_space<vmem_shared>> -> memref<64x128xf32, #tpu.memory_space<vmem_shared>>
      %dma_start3A_112 = arith.constant 0 : i32
      %dma_start3A_113 = tpu.memref_slice %arg10[%add3A_92, %dma_start3A_112] : memref<10240x128xf32, #tpu.memory_space<vmem_shared>> -> memref<64x128xf32, #tpu.memory_space<vmem_shared>>
      tpu.enqueue_dma source(%arg9 : memref<64x128xf32, #tpu.memory_space<vmem>>) target(%dma_start3A_113 : memref<64x128xf32, #tpu.memory_space<vmem_shared>>) target_semaphore(%run_scoped3A : memref<!tpu.dma_semaphore, #tpu.memory_space<semaphore_mem>>)
      %dma_wait3A = arith.constant 0 : i32
      %dma_wait3A_114 = tpu.memref_slice %arg10[%add3A_92, %dma_wait3A] : memref<10240x128xf32, #tpu.memory_space<vmem_shared>> -> memref<64x128xf32, #tpu.memory_space<vmem_shared>>
      %dma_wait3A_115 = arith.constant 0 : i32
      %dma_wait3A_116 = tpu.memref_slice %arg10[%add3A_92, %dma_wait3A_115] : memref<10240x128xf32, #tpu.memory_space<vmem_shared>> -> memref<64x128xf32, #tpu.memory_space<vmem_shared>>
      tpu.wait_dma2 semaphore(%run_scoped3A : memref<!tpu.dma_semaphore, #tpu.memory_space<semaphore_mem>>) src(%arg9 : memref<64x128xf32, #tpu.memory_space<vmem>>) dst(%dma_wait3A_116 : memref<64x128xf32, #tpu.memory_space<vmem_shared>>)
      tpu.yield
    }) : () -> ()
    %mul3A_93 = arith.constant 640 : i32
    %mul3A_94 = arith.muli %arg1, %mul3A_93 : i32
    %add3A_95 = arith.constant 576 : i32
    %add3A_96 = arith.addi %mul3A_94, %add3A_95 : i32
    "tpu.region"() ({
      %run_scoped3A = tpu.sem_alloc : memref<!tpu.dma_semaphore, #tpu.memory_space<semaphore_mem>>
      %dma_start3A = arith.constant 0 : i32
      %dma_start3A_111 = tpu.memref_slice %arg10[%add3A_96, %dma_start3A] : memref<10240x128xf32, #tpu.memory_space<vmem_shared>> -> memref<64x128xf32, #tpu.memory_space<vmem_shared>>
      %dma_start3A_112 = arith.constant 0 : i32
      %dma_start3A_113 = tpu.memref_slice %arg10[%add3A_96, %dma_start3A_112] : memref<10240x128xf32, #tpu.memory_space<vmem_shared>> -> memref<64x128xf32, #tpu.memory_space<vmem_shared>>
      tpu.enqueue_dma source(%arg9 : memref<64x128xf32, #tpu.memory_space<vmem>>) target(%dma_start3A_113 : memref<64x128xf32, #tpu.memory_space<vmem_shared>>) target_semaphore(%run_scoped3A : memref<!tpu.dma_semaphore, #tpu.memory_space<semaphore_mem>>)
      %dma_wait3A = arith.constant 0 : i32
      %dma_wait3A_114 = tpu.memref_slice %arg10[%add3A_96, %dma_wait3A] : memref<10240x128xf32, #tpu.memory_space<vmem_shared>> -> memref<64x128xf32, #tpu.memory_space<vmem_shared>>
      %dma_wait3A_115 = arith.constant 0 : i32
      %dma_wait3A_116 = tpu.memref_slice %arg10[%add3A_96, %dma_wait3A_115] : memref<10240x128xf32, #tpu.memory_space<vmem_shared>> -> memref<64x128xf32, #tpu.memory_space<vmem_shared>>
      tpu.wait_dma2 semaphore(%run_scoped3A : memref<!tpu.dma_semaphore, #tpu.memory_space<semaphore_mem>>) src(%arg9 : memref<64x128xf32, #tpu.memory_space<vmem>>) dst(%dma_wait3A_116 : memref<64x128xf32, #tpu.memory_space<vmem_shared>>)
      tpu.yield
    }) : () -> ()
    %barrier3A_97 = arith.constant 0 : index
    tpu.barrier barrier_id(%barrier3A_97)
    %scan3A_98 = arith.constant 0 : i32
    %scan3A_99 = arith.constant 0 : i32
    %scan3A_100 = arith.constant 40 : i32
    %scan3A_101 = arith.addi %scan3A_99, %scan3A_100 : i32
    %scan3A_102 = arith.constant 1 : i32
    %scan3A_103 = scf.for %scan3A_111 = %scan3A_99 to %scan3A_101 step %scan3A_102 iter_args(%scan3A_112 = %scan3A_98) -> (i32)  : i32 {
      %mul3A_113 = arith.constant 128 : i32
      %mul3A_114 = arith.muli %scan3A_111, %mul3A_113 : i32
      %add3A_115 = arith.addi %add3A, %mul3A_114 : i32
      %dma_start3A = arith.constant 0 : i32
      %dma_start3A_116 = tpu.memref_slice %arg3[%add3A_115, %dma_start3A] : memref<160128x128xf32, #tpu.memory_space<hbm>> -> memref<128x128xf32, #tpu.memory_space<hbm>>
      %dma_start3A_117 = arith.constant 0 : i32
      %dma_start3A_118 = tpu.memref_slice %arg3[%add3A_115, %dma_start3A_117] : memref<160128x128xf32, #tpu.memory_space<hbm>> -> memref<128x128xf32, #tpu.memory_space<hbm>>
      tpu.enqueue_dma source(%dma_start3A_118 : memref<128x128xf32, #tpu.memory_space<hbm>>) target(%arg8 : memref<128x128xf32, #tpu.memory_space<vmem>>) target_semaphore(%arg11 : memref<!tpu.dma_semaphore, #tpu.memory_space<semaphore_mem>>)
      %dma_wait3A = arith.constant 0 : i32
      %dma_wait3A_119 = tpu.memref_slice %arg3[%add3A_115, %dma_wait3A] : memref<160128x128xf32, #tpu.memory_space<hbm>> -> memref<128x128xf32, #tpu.memory_space<hbm>>
      %dma_wait3A_120 = arith.constant 0 : i32
      %dma_wait3A_121 = tpu.memref_slice %arg3[%add3A_115, %dma_wait3A_120] : memref<160128x128xf32, #tpu.memory_space<hbm>> -> memref<128x128xf32, #tpu.memory_space<hbm>>
      tpu.wait_dma2 semaphore(%arg11 : memref<!tpu.dma_semaphore, #tpu.memory_space<semaphore_mem>>) src(%dma_wait3A_121 : memref<128x128xf32, #tpu.memory_space<hbm>>) dst(%arg8 : memref<128x128xf32, #tpu.memory_space<vmem>>)
      %mul3A_122 = arith.constant 128 : i32
      %mul3A_123 = arith.muli %scan3A_111, %mul3A_122 : i32
      %add3A_124 = arith.constant 0 : i32
      %add3A_125 = arith.addi %mul3A_123, %add3A_124 : i32
      %get3A = arith.index_cast %add3A_125 : i32 to index
      %get3A_126 = tpu.vector_load %arg7[%get3A] {strides = array<i32>} : memref<5120xi32, #tpu.memory_space<vmem>>, vector<16xi32>,
      %get3A_127 = vector.shape_cast %get3A_126 : vector<16xi32> to vector<16xi32>
      %iota3A = tpu.iota {dimensions = array<i32: 0>} : vector<16xi32>
      %mul3A_128 = arith.constant 128 : i32
      %mul3A_129 = arith.muli %scan3A_111, %mul3A_128 : i32
      %add3A_130 = arith.constant 0 : i32
      %add3A_131 = arith.addi %mul3A_129, %add3A_130 : i32
      %add3A_132 = vector.broadcast %add3A_131 : i32 to vector<16xi32>
      %add3A_133 = arith.addi %iota3A, %add3A_132 : vector<16xi32>
      %broadcast_in_dim3A = arith.constant 10000 : i32
      %broadcast_in_dim3A_134 = vector.broadcast %broadcast_in_dim3A : i32 to vector<16xi32>
      %mul3A_135 = arith.constant 8 : i32
      %mul3A_136 = arith.muli %arg1, %mul3A_135 : i32
      %add3A_137 = vector.broadcast %mul3A_136 : i32 to vector<16xi32>
      %add3A_138 = arith.addi %broadcast_in_dim3A_134, %add3A_137 : vector<16xi32>
      %lt3A = arith.constant 5000 : i32
      %lt3A_139 = vector.broadcast %lt3A : i32 to vector<16xi32>
      %lt3A_140 = arith.cmpi slt, %add3A_133, %lt3A_139 : vector<16xi32>
      %select_n3A = arith.select %lt3A_140, %get3A_127, %add3A_138 : vector<16xi1>, vector<16xi32>
      "tpu.region"() ({
        %run_scoped3A = tpu.sem_alloc : memref<!tpu.dma_semaphore, #tpu.memory_space<semaphore_mem>>
        %dma_start3A_310 = arith.constant 0 : i32
        %dma_start3A_311 = arith.constant 0 : i32
        %dma_start3A_312 = tpu.memref_slice %arg8[%dma_start3A_310, %dma_start3A_311] : memref<128x128xf32, #tpu.memory_space<vmem>> -> memref<16x128xf32, #tpu.memory_space<vmem>>
        %dma_start3A_313 = arith.constant 0 : i32
        %dma_start3A_314 = arith.constant 0 : i32
        %dma_start3A_315 = tpu.memref_slice %arg10[%dma_start3A_313, %dma_start3A_314] : memref<10240x128xf32, #tpu.memory_space<vmem_shared>> -> memref<10240x128xf32, #tpu.memory_space<vmem_shared>>
        tpu.enqueue_indirect_dma source(%dma_start3A_312 : memref<16x128xf32, #tpu.memory_space<vmem>>) target(%dma_start3A_315 : memref<10240x128xf32, #tpu.memory_space<vmem_shared>>) offsets(%select_n3A : vector<16xi32>) semaphore(%run_scoped3A : memref<!tpu.dma_semaphore, #tpu.memory_space<semaphore_mem>>) {add = true}
        %dma_wait3A_316 = arith.constant 0 : i32
        %dma_wait3A_317 = arith.constant 0 : i32
        %dma_wait3A_318 = tpu.memref_slice %arg8[%dma_wait3A_316, %dma_wait3A_317] : memref<128x128xf32, #tpu.memory_space<vmem>> -> memref<16x128xf32, #tpu.memory_space<vmem>>
        %dma_wait3A_319 = arith.constant 0 : i32
        %dma_wait3A_320 = arith.constant 0 : i32
        %dma_wait3A_321 = tpu.memref_slice %arg10[%dma_wait3A_319, %dma_wait3A_320] : memref<10240x128xf32, #tpu.memory_space<vmem_shared>> -> memref<10240x128xf32, #tpu.memory_space<vmem_shared>>
        tpu.wait_indirect_dma semaphore(%run_scoped3A : memref<!tpu.dma_semaphore, #tpu.memory_space<semaphore_mem>>) src(%dma_wait3A_318 : memref<16x128xf32, #tpu.memory_space<vmem>>) dst(%dma_wait3A_321 : memref<10240x128xf32, #tpu.memory_space<vmem_shared>>)
        tpu.yield
      }) : () -> ()
      %mul3A_141 = arith.constant 128 : i32
      %mul3A_142 = arith.muli %scan3A_111, %mul3A_141 : i32
      %add3A_143 = arith.constant 16 : i32
      %add3A_144 = arith.addi %mul3A_142, %add3A_143 : i32
      %get3A_145 = arith.index_cast %add3A_144 : i32 to index
      %get3A_146 = tpu.vector_load %arg7[%get3A_145] {strides = array<i32>} : memref<5120xi32, #tpu.memory_space<vmem>>, vector<16xi32>,
      %get3A_147 = vector.shape_cast %get3A_146 : vector<16xi32> to vector<16xi32>
      %iota3A_148 = tpu.iota {dimensions = array<i32: 0>} : vector<16xi32>
      %mul3A_149 = arith.constant 128 : i32
      %mul3A_150 = arith.muli %scan3A_111, %mul3A_149 : i32
      %add3A_151 = arith.constant 16 : i32
      %add3A_152 = arith.addi %mul3A_150, %add3A_151 : i32
      %add3A_153 = vector.broadcast %add3A_152 : i32 to vector<16xi32>
      %add3A_154 = arith.addi %iota3A_148, %add3A_153 : vector<16xi32>
      %broadcast_in_dim3A_155 = arith.constant 10000 : i32
      %broadcast_in_dim3A_156 = vector.broadcast %broadcast_in_dim3A_155 : i32 to vector<16xi32>
      %mul3A_157 = arith.constant 8 : i32
      %mul3A_158 = arith.muli %arg1, %mul3A_157 : i32
      %add3A_159 = vector.broadcast %mul3A_158 : i32 to vector<16xi32>
      %add3A_160 = arith.addi %broadcast_in_dim3A_156, %add3A_159 : vector<16xi32>
      %lt3A_161 = arith.constant 5000 : i32
      %lt3A_162 = vector.broadcast %lt3A_161 : i32 to vector<16xi32>
      %lt3A_163 = arith.cmpi slt, %add3A_154, %lt3A_162 : vector<16xi32>
      %select_n3A_164 = arith.select %lt3A_163, %get3A_147, %add3A_160 : vector<16xi1>, vector<16xi32>
      "tpu.region"() ({
        %run_scoped3A = tpu.sem_alloc : memref<!tpu.dma_semaphore, #tpu.memory_space<semaphore_mem>>
        %dma_start3A_310 = arith.constant 16 : i32
        %dma_start3A_311 = arith.constant 0 : i32
        %dma_start3A_312 = tpu.memref_slice %arg8[%dma_start3A_310, %dma_start3A_311] : memref<128x128xf32, #tpu.memory_space<vmem>> -> memref<16x128xf32, #tpu.memory_space<vmem>>
        %dma_start3A_313 = arith.constant 0 : i32
        %dma_start3A_314 = arith.constant 0 : i32
        %dma_start3A_315 = tpu.memref_slice %arg10[%dma_start3A_313, %dma_start3A_314] : memref<10240x128xf32, #tpu.memory_space<vmem_shared>> -> memref<10240x128xf32, #tpu.memory_space<vmem_shared>>
        tpu.enqueue_indirect_dma source(%dma_start3A_312 : memref<16x128xf32, #tpu.memory_space<vmem>>) target(%dma_start3A_315 : memref<10240x128xf32, #tpu.memory_space<vmem_shared>>) offsets(%select_n3A_164 : vector<16xi32>) semaphore(%run_scoped3A : memref<!tpu.dma_semaphore, #tpu.memory_space<semaphore_mem>>) {add = true}
        %dma_wait3A_316 = arith.constant 16 : i32
        %dma_wait3A_317 = arith.constant 0 : i32
        %dma_wait3A_318 = tpu.memref_slice %arg8[%dma_wait3A_316, %dma_wait3A_317] : memref<128x128xf32, #tpu.memory_space<vmem>> -> memref<16x128xf32, #tpu.memory_space<vmem>>
        %dma_wait3A_319 = arith.constant 0 : i32
        %dma_wait3A_320 = arith.constant 0 : i32
        %dma_wait3A_321 = tpu.memref_slice %arg10[%dma_wait3A_319, %dma_wait3A_320] : memref<10240x128xf32, #tpu.memory_space<vmem_shared>> -> memref<10240x128xf32, #tpu.memory_space<vmem_shared>>
        tpu.wait_indirect_dma semaphore(%run_scoped3A : memref<!tpu.dma_semaphore, #tpu.memory_space<semaphore_mem>>) src(%dma_wait3A_318 : memref<16x128xf32, #tpu.memory_space<vmem>>) dst(%dma_wait3A_321 : memref<10240x128xf32, #tpu.memory_space<vmem_shared>>)
        tpu.yield
      }) : () -> ()
      %mul3A_165 = arith.constant 128 : i32
      %mul3A_166 = arith.muli %scan3A_111, %mul3A_165 : i32
      %add3A_167 = arith.constant 32 : i32
      %add3A_168 = arith.addi %mul3A_166, %add3A_167 : i32
      %get3A_169 = arith.index_cast %add3A_168 : i32 to index
      %get3A_170 = tpu.vector_load %arg7[%get3A_169] {strides = array<i32>} : memref<5120xi32, #tpu.memory_space<vmem>>, vector<16xi32>,
      %get3A_171 = vector.shape_cast %get3A_170 : vector<16xi32> to vector<16xi32>
      %iota3A_172 = tpu.iota {dimensions = array<i32: 0>} : vector<16xi32>
      %mul3A_173 = arith.constant 128 : i32
      %mul3A_174 = arith.muli %scan3A_111, %mul3A_173 : i32
      %add3A_175 = arith.constant 32 : i32
      %add3A_176 = arith.addi %mul3A_174, %add3A_175 : i32
      %add3A_177 = vector.broadcast %add3A_176 : i32 to vector<16xi32>
      %add3A_178 = arith.addi %iota3A_172, %add3A_177 : vector<16xi32>
      %broadcast_in_dim3A_179 = arith.constant 10000 : i32
      %broadcast_in_dim3A_180 = vector.broadcast %broadcast_in_dim3A_179 : i32 to vector<16xi32>
      %mul3A_181 = arith.constant 8 : i32
      %mul3A_182 = arith.muli %arg1, %mul3A_181 : i32
      %add3A_183 = vector.broadcast %mul3A_182 : i32 to vector<16xi32>
      %add3A_184 = arith.addi %broadcast_in_dim3A_180, %add3A_183 : vector<16xi32>
      %lt3A_185 = arith.constant 5000 : i32
      %lt3A_186 = vector.broadcast %lt3A_185 : i32 to vector<16xi32>
      %lt3A_187 = arith.cmpi slt, %add3A_178, %lt3A_186 : vector<16xi32>
      %select_n3A_188 = arith.select %lt3A_187, %get3A_171, %add3A_184 : vector<16xi1>, vector<16xi32>
      "tpu.region"() ({
        %run_scoped3A = tpu.sem_alloc : memref<!tpu.dma_semaphore, #tpu.memory_space<semaphore_mem>>
        %dma_start3A_310 = arith.constant 32 : i32
        %dma_start3A_311 = arith.constant 0 : i32
        %dma_start3A_312 = tpu.memref_slice %arg8[%dma_start3A_310, %dma_start3A_311] : memref<128x128xf32, #tpu.memory_space<vmem>> -> memref<16x128xf32, #tpu.memory_space<vmem>>
        %dma_start3A_313 = arith.constant 0 : i32
        %dma_start3A_314 = arith.constant 0 : i32
        %dma_start3A_315 = tpu.memref_slice %arg10[%dma_start3A_313, %dma_start3A_314] : memref<10240x128xf32, #tpu.memory_space<vmem_shared>> -> memref<10240x128xf32, #tpu.memory_space<vmem_shared>>
        tpu.enqueue_indirect_dma source(%dma_start3A_312 : memref<16x128xf32, #tpu.memory_space<vmem>>) target(%dma_start3A_315 : memref<10240x128xf32, #tpu.memory_space<vmem_shared>>) offsets(%select_n3A_188 : vector<16xi32>) semaphore(%run_scoped3A : memref<!tpu.dma_semaphore, #tpu.memory_space<semaphore_mem>>) {add = true}
        %dma_wait3A_316 = arith.constant 32 : i32
        %dma_wait3A_317 = arith.constant 0 : i32
        %dma_wait3A_318 = tpu.memref_slice %arg8[%dma_wait3A_316, %dma_wait3A_317] : memref<128x128xf32, #tpu.memory_space<vmem>> -> memref<16x128xf32, #tpu.memory_space<vmem>>
        %dma_wait3A_319 = arith.constant 0 : i32
        %dma_wait3A_320 = arith.constant 0 : i32
        %dma_wait3A_321 = tpu.memref_slice %arg10[%dma_wait3A_319, %dma_wait3A_320] : memref<10240x128xf32, #tpu.memory_space<vmem_shared>> -> memref<10240x128xf32, #tpu.memory_space<vmem_shared>>
        tpu.wait_indirect_dma semaphore(%run_scoped3A : memref<!tpu.dma_semaphore, #tpu.memory_space<semaphore_mem>>) src(%dma_wait3A_318 : memref<16x128xf32, #tpu.memory_space<vmem>>) dst(%dma_wait3A_321 : memref<10240x128xf32, #tpu.memory_space<vmem_shared>>)
        tpu.yield
      }) : () -> ()
      %mul3A_189 = arith.constant 128 : i32
      %mul3A_190 = arith.muli %scan3A_111, %mul3A_189 : i32
      %add3A_191 = arith.constant 48 : i32
      %add3A_192 = arith.addi %mul3A_190, %add3A_191 : i32
      %get3A_193 = arith.index_cast %add3A_192 : i32 to index
      %get3A_194 = tpu.vector_load %arg7[%get3A_193] {strides = array<i32>} : memref<5120xi32, #tpu.memory_space<vmem>>, vector<16xi32>,
      %get3A_195 = vector.shape_cast %get3A_194 : vector<16xi32> to vector<16xi32>
      %iota3A_196 = tpu.iota {dimensions = array<i32: 0>} : vector<16xi32>
      %mul3A_197 = arith.constant 128 : i32
      %mul3A_198 = arith.muli %scan3A_111, %mul3A_197 : i32
      %add3A_199 = arith.constant 48 : i32
      %add3A_200 = arith.addi %mul3A_198, %add3A_199 : i32
      %add3A_201 = vector.broadcast %add3A_200 : i32 to vector<16xi32>
      %add3A_202 = arith.addi %iota3A_196, %add3A_201 : vector<16xi32>
      %broadcast_in_dim3A_203 = arith.constant 10000 : i32
      %broadcast_in_dim3A_204 = vector.broadcast %broadcast_in_dim3A_203 : i32 to vector<16xi32>
      %mul3A_205 = arith.constant 8 : i32
      %mul3A_206 = arith.muli %arg1, %mul3A_205 : i32
      %add3A_207 = vector.broadcast %mul3A_206 : i32 to vector<16xi32>
      %add3A_208 = arith.addi %broadcast_in_dim3A_204, %add3A_207 : vector<16xi32>
      %lt3A_209 = arith.constant 5000 : i32
      %lt3A_210 = vector.broadcast %lt3A_209 : i32 to vector<16xi32>
      %lt3A_211 = arith.cmpi slt, %add3A_202, %lt3A_210 : vector<16xi32>
      %select_n3A_212 = arith.select %lt3A_211, %get3A_195, %add3A_208 : vector<16xi1>, vector<16xi32>
      "tpu.region"() ({
        %run_scoped3A = tpu.sem_alloc : memref<!tpu.dma_semaphore, #tpu.memory_space<semaphore_mem>>
        %dma_start3A_310 = arith.constant 48 : i32
        %dma_start3A_311 = arith.constant 0 : i32
        %dma_start3A_312 = tpu.memref_slice %arg8[%dma_start3A_310, %dma_start3A_311] : memref<128x128xf32, #tpu.memory_space<vmem>> -> memref<16x128xf32, #tpu.memory_space<vmem>>
        %dma_start3A_313 = arith.constant 0 : i32
        %dma_start3A_314 = arith.constant 0 : i32
        %dma_start3A_315 = tpu.memref_slice %arg10[%dma_start3A_313, %dma_start3A_314] : memref<10240x128xf32, #tpu.memory_space<vmem_shared>> -> memref<10240x128xf32, #tpu.memory_space<vmem_shared>>
        tpu.enqueue_indirect_dma source(%dma_start3A_312 : memref<16x128xf32, #tpu.memory_space<vmem>>) target(%dma_start3A_315 : memref<10240x128xf32, #tpu.memory_space<vmem_shared>>) offsets(%select_n3A_212 : vector<16xi32>) semaphore(%run_scoped3A : memref<!tpu.dma_semaphore, #tpu.memory_space<semaphore_mem>>) {add = true}
        %dma_wait3A_316 = arith.constant 48 : i32
        %dma_wait3A_317 = arith.constant 0 : i32
        %dma_wait3A_318 = tpu.memref_slice %arg8[%dma_wait3A_316, %dma_wait3A_317] : memref<128x128xf32, #tpu.memory_space<vmem>> -> memref<16x128xf32, #tpu.memory_space<vmem>>
        %dma_wait3A_319 = arith.constant 0 : i32
        %dma_wait3A_320 = arith.constant 0 : i32
        %dma_wait3A_321 = tpu.memref_slice %arg10[%dma_wait3A_319, %dma_wait3A_320] : memref<10240x128xf32, #tpu.memory_space<vmem_shared>> -> memref<10240x128xf32, #tpu.memory_space<vmem_shared>>
        tpu.wait_indirect_dma semaphore(%run_scoped3A : memref<!tpu.dma_semaphore, #tpu.memory_space<semaphore_mem>>) src(%dma_wait3A_318 : memref<16x128xf32, #tpu.memory_space<vmem>>) dst(%dma_wait3A_321 : memref<10240x128xf32, #tpu.memory_space<vmem_shared>>)
        tpu.yield
      }) : () -> ()
      %mul3A_213 = arith.constant 128 : i32
      %mul3A_214 = arith.muli %scan3A_111, %mul3A_213 : i32
      %add3A_215 = arith.constant 64 : i32
      %add3A_216 = arith.addi %mul3A_214, %add3A_215 : i32
      %get3A_217 = arith.index_cast %add3A_216 : i32 to index
      %get3A_218 = tpu.vector_load %arg7[%get3A_217] {strides = array<i32>} : memref<5120xi32, #tpu.memory_space<vmem>>, vector<16xi32>,
      %get3A_219 = vector.shape_cast %get3A_218 : vector<16xi32> to vector<16xi32>
      %iota3A_220 = tpu.iota {dimensions = array<i32: 0>} : vector<16xi32>
      %mul3A_221 = arith.constant 128 : i32
      %mul3A_222 = arith.muli %scan3A_111, %mul3A_221 : i32
      %add3A_223 = arith.constant 64 : i32
      %add3A_224 = arith.addi %mul3A_222, %add3A_223 : i32
      %add3A_225 = vector.broadcast %add3A_224 : i32 to vector<16xi32>
      %add3A_226 = arith.addi %iota3A_220, %add3A_225 : vector<16xi32>
      %broadcast_in_dim3A_227 = arith.constant 10000 : i32
      %broadcast_in_dim3A_228 = vector.broadcast %broadcast_in_dim3A_227 : i32 to vector<16xi32>
      %mul3A_229 = arith.constant 8 : i32
      %mul3A_230 = arith.muli %arg1, %mul3A_229 : i32
      %add3A_231 = vector.broadcast %mul3A_230 : i32 to vector<16xi32>
      %add3A_232 = arith.addi %broadcast_in_dim3A_228, %add3A_231 : vector<16xi32>
      %lt3A_233 = arith.constant 5000 : i32
      %lt3A_234 = vector.broadcast %lt3A_233 : i32 to vector<16xi32>
      %lt3A_235 = arith.cmpi slt, %add3A_226, %lt3A_234 : vector<16xi32>
      %select_n3A_236 = arith.select %lt3A_235, %get3A_219, %add3A_232 : vector<16xi1>, vector<16xi32>
      "tpu.region"() ({
        %run_scoped3A = tpu.sem_alloc : memref<!tpu.dma_semaphore, #tpu.memory_space<semaphore_mem>>
        %dma_start3A_310 = arith.constant 64 : i32
        %dma_start3A_311 = arith.constant 0 : i32
        %dma_start3A_312 = tpu.memref_slice %arg8[%dma_start3A_310, %dma_start3A_311] : memref<128x128xf32, #tpu.memory_space<vmem>> -> memref<16x128xf32, #tpu.memory_space<vmem>>
        %dma_start3A_313 = arith.constant 0 : i32
        %dma_start3A_314 = arith.constant 0 : i32
        %dma_start3A_315 = tpu.memref_slice %arg10[%dma_start3A_313, %dma_start3A_314] : memref<10240x128xf32, #tpu.memory_space<vmem_shared>> -> memref<10240x128xf32, #tpu.memory_space<vmem_shared>>
        tpu.enqueue_indirect_dma source(%dma_start3A_312 : memref<16x128xf32, #tpu.memory_space<vmem>>) target(%dma_start3A_315 : memref<10240x128xf32, #tpu.memory_space<vmem_shared>>) offsets(%select_n3A_236 : vector<16xi32>) semaphore(%run_scoped3A : memref<!tpu.dma_semaphore, #tpu.memory_space<semaphore_mem>>) {add = true}
        %dma_wait3A_316 = arith.constant 64 : i32
        %dma_wait3A_317 = arith.constant 0 : i32
        %dma_wait3A_318 = tpu.memref_slice %arg8[%dma_wait3A_316, %dma_wait3A_317] : memref<128x128xf32, #tpu.memory_space<vmem>> -> memref<16x128xf32, #tpu.memory_space<vmem>>
        %dma_wait3A_319 = arith.constant 0 : i32
        %dma_wait3A_320 = arith.constant 0 : i32
        %dma_wait3A_321 = tpu.memref_slice %arg10[%dma_wait3A_319, %dma_wait3A_320] : memref<10240x128xf32, #tpu.memory_space<vmem_shared>> -> memref<10240x128xf32, #tpu.memory_space<vmem_shared>>
        tpu.wait_indirect_dma semaphore(%run_scoped3A : memref<!tpu.dma_semaphore, #tpu.memory_space<semaphore_mem>>) src(%dma_wait3A_318 : memref<16x128xf32, #tpu.memory_space<vmem>>) dst(%dma_wait3A_321 : memref<10240x128xf32, #tpu.memory_space<vmem_shared>>)
        tpu.yield
      }) : () -> ()
      %mul3A_237 = arith.constant 128 : i32
      %mul3A_238 = arith.muli %scan3A_111, %mul3A_237 : i32
      %add3A_239 = arith.constant 80 : i32
      %add3A_240 = arith.addi %mul3A_238, %add3A_239 : i32
      %get3A_241 = arith.index_cast %add3A_240 : i32 to index
      %get3A_242 = tpu.vector_load %arg7[%get3A_241] {strides = array<i32>} : memref<5120xi32, #tpu.memory_space<vmem>>, vector<16xi32>,
      %get3A_243 = vector.shape_cast %get3A_242 : vector<16xi32> to vector<16xi32>
      %iota3A_244 = tpu.iota {dimensions = array<i32: 0>} : vector<16xi32>
      %mul3A_245 = arith.constant 128 : i32
      %mul3A_246 = arith.muli %scan3A_111, %mul3A_245 : i32
      %add3A_247 = arith.constant 80 : i32
      %add3A_248 = arith.addi %mul3A_246, %add3A_247 : i32
      %add3A_249 = vector.broadcast %add3A_248 : i32 to vector<16xi32>
      %add3A_250 = arith.addi %iota3A_244, %add3A_249 : vector<16xi32>
      %broadcast_in_dim3A_251 = arith.constant 10000 : i32
      %broadcast_in_dim3A_252 = vector.broadcast %broadcast_in_dim3A_251 : i32 to vector<16xi32>
      %mul3A_253 = arith.constant 8 : i32
      %mul3A_254 = arith.muli %arg1, %mul3A_253 : i32
      %add3A_255 = vector.broadcast %mul3A_254 : i32 to vector<16xi32>
      %add3A_256 = arith.addi %broadcast_in_dim3A_252, %add3A_255 : vector<16xi32>
      %lt3A_257 = arith.constant 5000 : i32
      %lt3A_258 = vector.broadcast %lt3A_257 : i32 to vector<16xi32>
      %lt3A_259 = arith.cmpi slt, %add3A_250, %lt3A_258 : vector<16xi32>
      %select_n3A_260 = arith.select %lt3A_259, %get3A_243, %add3A_256 : vector<16xi1>, vector<16xi32>
      "tpu.region"() ({
        %run_scoped3A = tpu.sem_alloc : memref<!tpu.dma_semaphore, #tpu.memory_space<semaphore_mem>>
        %dma_start3A_310 = arith.constant 80 : i32
        %dma_start3A_311 = arith.constant 0 : i32
        %dma_start3A_312 = tpu.memref_slice %arg8[%dma_start3A_310, %dma_start3A_311] : memref<128x128xf32, #tpu.memory_space<vmem>> -> memref<16x128xf32, #tpu.memory_space<vmem>>
        %dma_start3A_313 = arith.constant 0 : i32
        %dma_start3A_314 = arith.constant 0 : i32
        %dma_start3A_315 = tpu.memref_slice %arg10[%dma_start3A_313, %dma_start3A_314] : memref<10240x128xf32, #tpu.memory_space<vmem_shared>> -> memref<10240x128xf32, #tpu.memory_space<vmem_shared>>
        tpu.enqueue_indirect_dma source(%dma_start3A_312 : memref<16x128xf32, #tpu.memory_space<vmem>>) target(%dma_start3A_315 : memref<10240x128xf32, #tpu.memory_space<vmem_shared>>) offsets(%select_n3A_260 : vector<16xi32>) semaphore(%run_scoped3A : memref<!tpu.dma_semaphore, #tpu.memory_space<semaphore_mem>>) {add = true}
        %dma_wait3A_316 = arith.constant 80 : i32
        %dma_wait3A_317 = arith.constant 0 : i32
        %dma_wait3A_318 = tpu.memref_slice %arg8[%dma_wait3A_316, %dma_wait3A_317] : memref<128x128xf32, #tpu.memory_space<vmem>> -> memref<16x128xf32, #tpu.memory_space<vmem>>
        %dma_wait3A_319 = arith.constant 0 : i32
        %dma_wait3A_320 = arith.constant 0 : i32
        %dma_wait3A_321 = tpu.memref_slice %arg10[%dma_wait3A_319, %dma_wait3A_320] : memref<10240x128xf32, #tpu.memory_space<vmem_shared>> -> memref<10240x128xf32, #tpu.memory_space<vmem_shared>>
        tpu.wait_indirect_dma semaphore(%run_scoped3A : memref<!tpu.dma_semaphore, #tpu.memory_space<semaphore_mem>>) src(%dma_wait3A_318 : memref<16x128xf32, #tpu.memory_space<vmem>>) dst(%dma_wait3A_321 : memref<10240x128xf32, #tpu.memory_space<vmem_shared>>)
        tpu.yield
      }) : () -> ()
      %mul3A_261 = arith.constant 128 : i32
      %mul3A_262 = arith.muli %scan3A_111, %mul3A_261 : i32
      %add3A_263 = arith.constant 96 : i32
      %add3A_264 = arith.addi %mul3A_262, %add3A_263 : i32
      %get3A_265 = arith.index_cast %add3A_264 : i32 to index
      %get3A_266 = tpu.vector_load %arg7[%get3A_265] {strides = array<i32>} : memref<5120xi32, #tpu.memory_space<vmem>>, vector<16xi32>,
      %get3A_267 = vector.shape_cast %get3A_266 : vector<16xi32> to vector<16xi32>
      %iota3A_268 = tpu.iota {dimensions = array<i32: 0>} : vector<16xi32>
      %mul3A_269 = arith.constant 128 : i32
      %mul3A_270 = arith.muli %scan3A_111, %mul3A_269 : i32
      %add3A_271 = arith.constant 96 : i32
      %add3A_272 = arith.addi %mul3A_270, %add3A_271 : i32
      %add3A_273 = vector.broadcast %add3A_272 : i32 to vector<16xi32>
      %add3A_274 = arith.addi %iota3A_268, %add3A_273 : vector<16xi32>
      %broadcast_in_dim3A_275 = arith.constant 10000 : i32
      %broadcast_in_dim3A_276 = vector.broadcast %broadcast_in_dim3A_275 : i32 to vector<16xi32>
      %mul3A_277 = arith.constant 8 : i32
      %mul3A_278 = arith.muli %arg1, %mul3A_277 : i32
      %add3A_279 = vector.broadcast %mul3A_278 : i32 to vector<16xi32>
      %add3A_280 = arith.addi %broadcast_in_dim3A_276, %add3A_279 : vector<16xi32>
      %lt3A_281 = arith.constant 5000 : i32
      %lt3A_282 = vector.broadcast %lt3A_281 : i32 to vector<16xi32>
      %lt3A_283 = arith.cmpi slt, %add3A_274, %lt3A_282 : vector<16xi32>
      %select_n3A_284 = arith.select %lt3A_283, %get3A_267, %add3A_280 : vector<16xi1>, vector<16xi32>
      "tpu.region"() ({
        %run_scoped3A = tpu.sem_alloc : memref<!tpu.dma_semaphore, #tpu.memory_space<semaphore_mem>>
        %dma_start3A_310 = arith.constant 96 : i32
        %dma_start3A_311 = arith.constant 0 : i32
        %dma_start3A_312 = tpu.memref_slice %arg8[%dma_start3A_310, %dma_start3A_311] : memref<128x128xf32, #tpu.memory_space<vmem>> -> memref<16x128xf32, #tpu.memory_space<vmem>>
        %dma_start3A_313 = arith.constant 0 : i32
        %dma_start3A_314 = arith.constant 0 : i32
        %dma_start3A_315 = tpu.memref_slice %arg10[%dma_start3A_313, %dma_start3A_314] : memref<10240x128xf32, #tpu.memory_space<vmem_shared>> -> memref<10240x128xf32, #tpu.memory_space<vmem_shared>>
        tpu.enqueue_indirect_dma source(%dma_start3A_312 : memref<16x128xf32, #tpu.memory_space<vmem>>) target(%dma_start3A_315 : memref<10240x128xf32, #tpu.memory_space<vmem_shared>>) offsets(%select_n3A_284 : vector<16xi32>) semaphore(%run_scoped3A : memref<!tpu.dma_semaphore, #tpu.memory_space<semaphore_mem>>) {add = true}
        %dma_wait3A_316 = arith.constant 96 : i32
        %dma_wait3A_317 = arith.constant 0 : i32
        %dma_wait3A_318 = tpu.memref_slice %arg8[%dma_wait3A_316, %dma_wait3A_317] : memref<128x128xf32, #tpu.memory_space<vmem>> -> memref<16x128xf32, #tpu.memory_space<vmem>>
        %dma_wait3A_319 = arith.constant 0 : i32
        %dma_wait3A_320 = arith.constant 0 : i32
        %dma_wait3A_321 = tpu.memref_slice %arg10[%dma_wait3A_319, %dma_wait3A_320] : memref<10240x128xf32, #tpu.memory_space<vmem_shared>> -> memref<10240x128xf32, #tpu.memory_space<vmem_shared>>
        tpu.wait_indirect_dma semaphore(%run_scoped3A : memref<!tpu.dma_semaphore, #tpu.memory_space<semaphore_mem>>) src(%dma_wait3A_318 : memref<16x128xf32, #tpu.memory_space<vmem>>) dst(%dma_wait3A_321 : memref<10240x128xf32, #tpu.memory_space<vmem_shared>>)
        tpu.yield
      }) : () -> ()
      %mul3A_285 = arith.constant 128 : i32
      %mul3A_286 = arith.muli %scan3A_111, %mul3A_285 : i32
      %add3A_287 = arith.constant 112 : i32
      %add3A_288 = arith.addi %mul3A_286, %add3A_287 : i32
      %get3A_289 = arith.index_cast %add3A_288 : i32 to index
      %get3A_290 = tpu.vector_load %arg7[%get3A_289] {strides = array<i32>} : memref<5120xi32, #tpu.memory_space<vmem>>, vector<16xi32>,
      %get3A_291 = vector.shape_cast %get3A_290 : vector<16xi32> to vector<16xi32>
      %iota3A_292 = tpu.iota {dimensions = array<i32: 0>} : vector<16xi32>
      %mul3A_293 = arith.constant 128 : i32
      %mul3A_294 = arith.muli %scan3A_111, %mul3A_293 : i32
      %add3A_295 = arith.constant 112 : i32
      %add3A_296 = arith.addi %mul3A_294, %add3A_295 : i32
      %add3A_297 = vector.broadcast %add3A_296 : i32 to vector<16xi32>
      %add3A_298 = arith.addi %iota3A_292, %add3A_297 : vector<16xi32>
      %broadcast_in_dim3A_299 = arith.constant 10000 : i32
      %broadcast_in_dim3A_300 = vector.broadcast %broadcast_in_dim3A_299 : i32 to vector<16xi32>
      %mul3A_301 = arith.constant 8 : i32
      %mul3A_302 = arith.muli %arg1, %mul3A_301 : i32
      %add3A_303 = vector.broadcast %mul3A_302 : i32 to vector<16xi32>
      %add3A_304 = arith.addi %broadcast_in_dim3A_300, %add3A_303 : vector<16xi32>
      %lt3A_305 = arith.constant 5000 : i32
      %lt3A_306 = vector.broadcast %lt3A_305 : i32 to vector<16xi32>
      %lt3A_307 = arith.cmpi slt, %add3A_298, %lt3A_306 : vector<16xi32>
      %select_n3A_308 = arith.select %lt3A_307, %get3A_291, %add3A_304 : vector<16xi1>, vector<16xi32>
      "tpu.region"() ({
        %run_scoped3A = tpu.sem_alloc : memref<!tpu.dma_semaphore, #tpu.memory_space<semaphore_mem>>
        %dma_start3A_310 = arith.constant 112 : i32
        %dma_start3A_311 = arith.constant 0 : i32
        %dma_start3A_312 = tpu.memref_slice %arg8[%dma_start3A_310, %dma_start3A_311] : memref<128x128xf32, #tpu.memory_space<vmem>> -> memref<16x128xf32, #tpu.memory_space<vmem>>
        %dma_start3A_313 = arith.constant 0 : i32
        %dma_start3A_314 = arith.constant 0 : i32
        %dma_start3A_315 = tpu.memref_slice %arg10[%dma_start3A_313, %dma_start3A_314] : memref<10240x128xf32, #tpu.memory_space<vmem_shared>> -> memref<10240x128xf32, #tpu.memory_space<vmem_shared>>
        tpu.enqueue_indirect_dma source(%dma_start3A_312 : memref<16x128xf32, #tpu.memory_space<vmem>>) target(%dma_start3A_315 : memref<10240x128xf32, #tpu.memory_space<vmem_shared>>) offsets(%select_n3A_308 : vector<16xi32>) semaphore(%run_scoped3A : memref<!tpu.dma_semaphore, #tpu.memory_space<semaphore_mem>>) {add = true}
        %dma_wait3A_316 = arith.constant 112 : i32
        %dma_wait3A_317 = arith.constant 0 : i32
        %dma_wait3A_318 = tpu.memref_slice %arg8[%dma_wait3A_316, %dma_wait3A_317] : memref<128x128xf32, #tpu.memory_space<vmem>> -> memref<16x128xf32, #tpu.memory_space<vmem>>
        %dma_wait3A_319 = arith.constant 0 : i32
        %dma_wait3A_320 = arith.constant 0 : i32
        %dma_wait3A_321 = tpu.memref_slice %arg10[%dma_wait3A_319, %dma_wait3A_320] : memref<10240x128xf32, #tpu.memory_space<vmem_shared>> -> memref<10240x128xf32, #tpu.memory_space<vmem_shared>>
        tpu.wait_indirect_dma semaphore(%run_scoped3A : memref<!tpu.dma_semaphore, #tpu.memory_space<semaphore_mem>>) src(%dma_wait3A_318 : memref<16x128xf32, #tpu.memory_space<vmem>>) dst(%dma_wait3A_321 : memref<10240x128xf32, #tpu.memory_space<vmem_shared>>)
        tpu.yield
      }) : () -> ()
      %scan3A_309 = arith.constant 0 : i32
      scf.yield %scan3A_309 : i32
    }
    %scan3A_104 = arith.constant 40 : i32
    %barrier3A_105 = arith.constant 0 : index
    tpu.barrier barrier_id(%barrier3A_105)
    %mul3A_106 = arith.constant 640 : i32
    %mul3A_107 = arith.muli %arg1, %mul3A_106 : i32
    %mul3A_108 = arith.constant 640 : i32
    %mul3A_109 = arith.muli %arg1, %mul3A_108 : i32
    "tpu.region"() ({
      %run_scoped3A = tpu.sem_alloc : memref<!tpu.dma_semaphore, #tpu.memory_space<semaphore_mem>>
      %dma_start3A = arith.constant 0 : i32
      %dma_start3A_111 = tpu.memref_slice %arg6[%add3A_56, %mul3A_109, %dma_start3A] : memref<4x10240x128xf32, #tpu.memory_space<hbm>> -> memref<1x640x128xf32, #tpu.memory_space<hbm>>
      %dma_start3A_112 = tpu.memref_squeeze %dma_start3A_111 : memref<1x640x128xf32, #tpu.memory_space<hbm>> -> memref<640x128xf32, #tpu.memory_space<hbm>>
      %dma_start3A_113 = arith.constant 0 : i32
      %dma_start3A_114 = tpu.memref_slice %arg10[%mul3A_107, %dma_start3A_113] : memref<10240x128xf32, #tpu.memory_space<vmem_shared>> -> memref<640x128xf32, #tpu.memory_space<vmem_shared>>
      tpu.enqueue_dma source(%dma_start3A_114 : memref<640x128xf32, #tpu.memory_space<vmem_shared>>) target(%dma_start3A_112 : memref<640x128xf32, #tpu.memory_space<hbm>>) target_semaphore(%run_scoped3A : memref<!tpu.dma_semaphore, #tpu.memory_space<semaphore_mem>>)
      %dma_wait3A = arith.constant 0 : i32
      %dma_wait3A_115 = tpu.memref_slice %arg6[%add3A_56, %mul3A_109, %dma_wait3A] : memref<4x10240x128xf32, #tpu.memory_space<hbm>> -> memref<1x640x128xf32, #tpu.memory_space<hbm>>
      %dma_wait3A_116 = tpu.memref_squeeze %dma_wait3A_115 : memref<1x640x128xf32, #tpu.memory_space<hbm>> -> memref<640x128xf32, #tpu.memory_space<hbm>>
      %dma_wait3A_117 = arith.constant 0 : i32
      %dma_wait3A_118 = tpu.memref_slice %arg10[%mul3A_107, %dma_wait3A_117] : memref<10240x128xf32, #tpu.memory_space<vmem_shared>> -> memref<640x128xf32, #tpu.memory_space<vmem_shared>>
      tpu.wait_dma2 semaphore(%run_scoped3A : memref<!tpu.dma_semaphore, #tpu.memory_space<semaphore_mem>>) src(%dma_wait3A_118 : memref<640x128xf32, #tpu.memory_space<vmem_shared>>) dst(%dma_wait3A_116 : memref<640x128xf32, #tpu.memory_space<hbm>>)
      tpu.yield
    }) : () -> ()
    %barrier3A_110 = arith.constant 0 : index
    tpu.barrier barrier_id(%barrier3A_110)
    return
  }
}

module attributes {stable_mosaic.version = 14 : i64} {
  func.func @_edge_mlp_body(%arg0: i32, %arg1: memref<3200x128xf32, #tpu.memory_space<vmem>>, %arg2: memref<3200x128xf32, #tpu.memory_space<vmem>>, %arg3: memref<128x128xf32, #tpu.memory_space<vmem>>, %arg4: memref<128x128xf32, #tpu.memory_space<vmem>>, %arg5: memref<1x128xf32, #tpu.memory_space<vmem>>, %arg6: memref<128x128xf32, #tpu.memory_space<vmem>>, %arg7: memref<1x128xf32, #tpu.memory_space<vmem>>, %arg8: memref<3200x128xf32, #tpu.memory_space<vmem>>) attributes {dimension_semantics = [#tpu.dimension_semantics<arbitrary>], iteration_bounds = array<i64: 50>, scalar_prefetch = 0 : i64, scratch_operands = 0 : i64, tpu.core_type = #tpu.core_type<tc>, window_params = [{transform_indices = @transform_0, window_bounds = array<i64: 3200, 128>}, {transform_indices = @transform_1, window_bounds = array<i64: 3200, 128>}, {pipeline_mode = #tpu.pipeline_mode<synchronous>, transform_indices = @transform_2, window_bounds = array<i64: 128, 128>}, {pipeline_mode = #tpu.pipeline_mode<synchronous>, transform_indices = @transform_3, window_bounds = array<i64: 128, 128>}, {pipeline_mode = #tpu.pipeline_mode<synchronous>, transform_indices = @transform_4, window_bounds = array<i64: 1, 128>}, {pipeline_mode = #tpu.pipeline_mode<synchronous>, transform_indices = @transform_5, window_bounds = array<i64: 128, 128>}, {pipeline_mode = #tpu.pipeline_mode<synchronous>, transform_indices = @transform_6, window_bounds = array<i64: 1, 128>}, {transform_indices = @transform_7, window_bounds = array<i64: 3200, 128>}]} {
    %get3A = arith.constant 0 : index
    %get3A_0 = arith.constant 0 : index
    %get3A_1 = vector.load %arg1[%get3A, %get3A_0] : memref<3200x128xf32, #tpu.memory_space<vmem>>, vector<3200x128xf32>
    %get3A_2 = arith.constant 0 : index
    %get3A_3 = arith.constant 0 : index
    %get3A_4 = vector.load %arg3[%get3A_2, %get3A_3] : memref<128x128xf32, #tpu.memory_space<vmem>>, vector<128x128xf32>
    %dot_general3A = arith.constant dense<0.000000e+00> : vector<3200x128xf32>
    %dot_general3A_5 = tpu.matmul %get3A_1, %get3A_4, %dot_general3A {dimension_numbers = #tpu.dot_dimension_numbers<[1], [0], [0], [1], [0, 0, 1, 1], [], []>, transpose_lhs_hint = false} : vector<3200x128xf32>, vector<128x128xf32>, vector<3200x128xf32> -> vector<3200x128xf32>
    %get3A_6 = arith.constant 0 : index
    %get3A_7 = arith.constant 0 : index
    %get3A_8 = vector.load %arg2[%get3A_6, %get3A_7] : memref<3200x128xf32, #tpu.memory_space<vmem>>, vector<3200x128xf32>
    %get3A_9 = arith.constant 0 : index
    %get3A_10 = arith.constant 0 : index
    %get3A_11 = vector.load %arg4[%get3A_9, %get3A_10] : memref<128x128xf32, #tpu.memory_space<vmem>>, vector<128x128xf32>
    %dot_general3A_12 = arith.constant dense<0.000000e+00> : vector<3200x128xf32>
    %dot_general3A_13 = tpu.matmul %get3A_8, %get3A_11, %dot_general3A_12 {dimension_numbers = #tpu.dot_dimension_numbers<[1], [0], [0], [1], [0, 0, 1, 1], [], []>, transpose_lhs_hint = false} : vector<3200x128xf32>, vector<128x128xf32>, vector<3200x128xf32> -> vector<3200x128xf32>
    %add3A = arith.addf %dot_general3A_5, %dot_general3A_13 : vector<3200x128xf32>
    %get3A_14 = arith.constant 0 : index
    %get3A_15 = arith.constant 0 : index
    %get3A_16 = vector.load %arg5[%get3A_14, %get3A_15] : memref<1x128xf32, #tpu.memory_space<vmem>>, vector<1x128xf32>
    %add3A_17 = vector.broadcast %get3A_16 : vector<1x128xf32> to vector<3200x128xf32>
    %add3A_18 = arith.addf %add3A, %add3A_17 : vector<3200x128xf32>
    %logistic3A = arith.negf %add3A_18 : vector<3200x128xf32>
    %logistic3A_19 = math.exp %logistic3A : vector<3200x128xf32>
    %logistic3A_20 = arith.constant 1.000000e+00 : f32
    %logistic3A_21 = vector.broadcast %logistic3A_20 : f32 to vector<3200x128xf32>
    %logistic3A_22 = arith.addf %logistic3A_21, %logistic3A_19 : vector<3200x128xf32>
    %logistic3A_23 = arith.divf %logistic3A_21, %logistic3A_22 : vector<3200x128xf32>
    %mul3A = arith.mulf %add3A_18, %logistic3A_23 : vector<3200x128xf32>
    %get3A_24 = arith.constant 0 : index
    %get3A_25 = arith.constant 0 : index
    %get3A_26 = vector.load %arg6[%get3A_24, %get3A_25] : memref<128x128xf32, #tpu.memory_space<vmem>>, vector<128x128xf32>
    %dot_general3A_27 = arith.constant dense<0.000000e+00> : vector<3200x128xf32>
    %dot_general3A_28 = tpu.matmul %mul3A, %get3A_26, %dot_general3A_27 {dimension_numbers = #tpu.dot_dimension_numbers<[1], [0], [0], [1], [0, 0, 1, 1], [], []>, transpose_lhs_hint = false} : vector<3200x128xf32>, vector<128x128xf32>, vector<3200x128xf32> -> vector<3200x128xf32>
    %get3A_29 = arith.constant 0 : index
    %get3A_30 = arith.constant 0 : index
    %get3A_31 = vector.load %arg7[%get3A_29, %get3A_30] : memref<1x128xf32, #tpu.memory_space<vmem>>, vector<1x128xf32>
    %add3A_32 = vector.broadcast %get3A_31 : vector<1x128xf32> to vector<3200x128xf32>
    %add3A_33 = arith.addf %dot_general3A_28, %add3A_32 : vector<3200x128xf32>
    %swap3A = arith.constant 0 : index
    %swap3A_34 = arith.constant 0 : index
    %swap3A_35 = vector.load %arg8[%swap3A, %swap3A_34] : memref<3200x128xf32, #tpu.memory_space<vmem>>, vector<3200x128xf32>
    tpu.vector_store %arg8[%swap3A, %swap3A_34], %add3A_33 {strides = array<i32>} : memref<3200x128xf32, #tpu.memory_space<vmem>>, vector<3200x128xf32>,
    return
  }
  func.func @transform_0(%arg0: i32) -> (i32, i32) {
    %c0_i32 = arith.constant 0 : i32
    %c0_i32_0 = arith.constant 0 : i32
    return %arg0, %c0_i32 : i32, i32
  }
  func.func @transform_1(%arg0: i32) -> (i32, i32) {
    %c0_i32 = arith.constant 0 : i32
    %c0_i32_0 = arith.constant 0 : i32
    return %arg0, %c0_i32 : i32, i32
  }
  func.func @transform_2(%arg0: i32) -> (i32, i32) {
    %c0_i32 = arith.constant 0 : i32
    %c0_i32_0 = arith.constant 0 : i32
    %c0_i32_1 = arith.constant 0 : i32
    return %c0_i32, %c0_i32_0 : i32, i32
  }
  func.func @transform_3(%arg0: i32) -> (i32, i32) {
    %c0_i32 = arith.constant 0 : i32
    %c0_i32_0 = arith.constant 0 : i32
    %c0_i32_1 = arith.constant 0 : i32
    return %c0_i32, %c0_i32_0 : i32, i32
  }
  func.func @transform_4(%arg0: i32) -> (i32, i32) {
    %c0_i32 = arith.constant 0 : i32
    %c0_i32_0 = arith.constant 0 : i32
    %c0_i32_1 = arith.constant 0 : i32
    return %c0_i32, %c0_i32_0 : i32, i32
  }
  func.func @transform_5(%arg0: i32) -> (i32, i32) {
    %c0_i32 = arith.constant 0 : i32
    %c0_i32_0 = arith.constant 0 : i32
    %c0_i32_1 = arith.constant 0 : i32
    return %c0_i32, %c0_i32_0 : i32, i32
  }
  func.func @transform_6(%arg0: i32) -> (i32, i32) {
    %c0_i32 = arith.constant 0 : i32
    %c0_i32_0 = arith.constant 0 : i32
    %c0_i32_1 = arith.constant 0 : i32
    return %c0_i32, %c0_i32_0 : i32, i32
  }
  func.func @transform_7(%arg0: i32) -> (i32, i32) {
    %c0_i32 = arith.constant 0 : i32
    %c0_i32_0 = arith.constant 0 : i32
    return %arg0, %c0_i32 : i32, i32
  }
}

module attributes {stable_mosaic.version = 14 : i64} {
  func.func @_nb_mlp_body(%arg0: i32, %arg1: memref<3200x1xf32, #tpu.memory_space<vmem>>, %arg2: memref<3200x128xf32, #tpu.memory_space<vmem>>, %arg3: memref<1x32xf32, #tpu.memory_space<vmem>>, %arg4: memref<32x128xbf16, #tpu.memory_space<vmem>>, %arg5: memref<32x128xbf16, #tpu.memory_space<vmem>>, %arg6: memref<128x128xbf16, #tpu.memory_space<vmem>>, %arg7: memref<1x128xf32, #tpu.memory_space<vmem>>, %arg8: memref<32x128xbf16, #tpu.memory_space<vmem>>, %arg9: memref<32x128xbf16, #tpu.memory_space<vmem>>, %arg10: memref<128x128xbf16, #tpu.memory_space<vmem>>, %arg11: memref<1x128xf32, #tpu.memory_space<vmem>>, %arg12: memref<3200x128xf32, #tpu.memory_space<vmem>>, %arg13: memref<3200x128xf32, #tpu.memory_space<vmem>>) attributes {dimension_semantics = [#tpu.dimension_semantics<arbitrary>], iteration_bounds = array<i64: 100>, scalar_prefetch = 0 : i64, scratch_operands = 0 : i64, tpu.core_type = #tpu.core_type<tc>, window_params = [{transform_indices = @transform_0, window_bounds = array<i64: 3200, 1>}, {transform_indices = @transform_1, window_bounds = array<i64: 3200, 128>}, {pipeline_mode = #tpu.pipeline_mode<synchronous>, transform_indices = @transform_2, window_bounds = array<i64: 1, 32>}, {pipeline_mode = #tpu.pipeline_mode<synchronous>, transform_indices = @transform_3, window_bounds = array<i64: 32, 128>}, {pipeline_mode = #tpu.pipeline_mode<synchronous>, transform_indices = @transform_4, window_bounds = array<i64: 32, 128>}, {pipeline_mode = #tpu.pipeline_mode<synchronous>, transform_indices = @transform_5, window_bounds = array<i64: 128, 128>}, {pipeline_mode = #tpu.pipeline_mode<synchronous>, transform_indices = @transform_6, window_bounds = array<i64: 1, 128>}, {pipeline_mode = #tpu.pipeline_mode<synchronous>, transform_indices = @transform_7, window_bounds = array<i64: 32, 128>}, {pipeline_mode = #tpu.pipeline_mode<synchronous>, transform_indices = @transform_8, window_bounds = array<i64: 32, 128>}, {pipeline_mode = #tpu.pipeline_mode<synchronous>, transform_indices = @transform_9, window_bounds = array<i64: 128, 128>}, {pipeline_mode = #tpu.pipeline_mode<synchronous>, transform_indices = @transform_10, window_bounds = array<i64: 1, 128>}, {transform_indices = @transform_11, window_bounds = array<i64: 3200, 128>}, {transform_indices = @transform_12, window_bounds = array<i64: 3200, 128>}]} {
    %get3A = arith.constant 0 : index
    %get3A_0 = arith.constant 0 : index
    %get3A_1 = vector.load %arg1[%get3A, %get3A_0] : memref<3200x1xf32, #tpu.memory_space<vmem>>, vector<3200x1xf32>
    %get3A_2 = arith.constant 0 : index
    %get3A_3 = arith.constant 0 : index
    %get3A_4 = vector.load %arg3[%get3A_2, %get3A_3] : memref<1x32xf32, #tpu.memory_space<vmem>>, vector<1x32xf32>
    %mul3A = vector.broadcast %get3A_1 : vector<3200x1xf32> to vector<3200x32xf32>
    %mul3A_5 = vector.broadcast %get3A_4 : vector<1x32xf32> to vector<3200x32xf32>
    %mul3A_6 = arith.mulf %mul3A, %mul3A_5 : vector<3200x32xf32>
    %sin3A = math.sin %mul3A_6 : vector<3200x32xf32>
    %convert_element_type3A = arith.truncf %sin3A : vector<3200x32xf32> to vector<3200x32xbf16>
    %cos3A = math.cos %mul3A_6 : vector<3200x32xf32>
    %convert_element_type3A_7 = arith.truncf %cos3A : vector<3200x32xf32> to vector<3200x32xbf16>
    %get3A_8 = arith.constant 0 : index
    %get3A_9 = arith.constant 0 : index
    %get3A_10 = vector.load %arg2[%get3A_8, %get3A_9] : memref<3200x128xf32, #tpu.memory_space<vmem>>, vector<3200x128xf32>
    %convert_element_type3A_11 = arith.truncf %get3A_10 : vector<3200x128xf32> to vector<3200x128xbf16>
    %get3A_12 = arith.constant 0 : index
    %get3A_13 = arith.constant 0 : index
    %get3A_14 = vector.load %arg4[%get3A_12, %get3A_13] : memref<32x128xbf16, #tpu.memory_space<vmem>>, vector<32x128xbf16>
    %dot_general3A = arith.constant dense<0.000000e+00> : vector<3200x128xf32>
    %dot_general3A_15 = tpu.matmul %convert_element_type3A, %get3A_14, %dot_general3A {dimension_numbers = #tpu.dot_dimension_numbers<[1], [0], [0], [1], [0, 0, 1, 1], [], []>, transpose_lhs_hint = false} : vector<3200x32xbf16>, vector<32x128xbf16>, vector<3200x128xf32> -> vector<3200x128xf32>
    %get3A_16 = arith.constant 0 : index
    %get3A_17 = arith.constant 0 : index
    %get3A_18 = vector.load %arg5[%get3A_16, %get3A_17] : memref<32x128xbf16, #tpu.memory_space<vmem>>, vector<32x128xbf16>
    %dot_general3A_19 = arith.constant dense<0.000000e+00> : vector<3200x128xf32>
    %dot_general3A_20 = tpu.matmul %convert_element_type3A_7, %get3A_18, %dot_general3A_19 {dimension_numbers = #tpu.dot_dimension_numbers<[1], [0], [0], [1], [0, 0, 1, 1], [], []>, transpose_lhs_hint = false} : vector<3200x32xbf16>, vector<32x128xbf16>, vector<3200x128xf32> -> vector<3200x128xf32>
    %add3A = arith.addf %dot_general3A_15, %dot_general3A_20 : vector<3200x128xf32>
    %get3A_21 = arith.constant 0 : index
    %get3A_22 = arith.constant 0 : index
    %get3A_23 = vector.load %arg6[%get3A_21, %get3A_22] : memref<128x128xbf16, #tpu.memory_space<vmem>>, vector<128x128xbf16>
    %dot_general3A_24 = arith.constant dense<0.000000e+00> : vector<3200x128xf32>
    %dot_general3A_25 = tpu.matmul %convert_element_type3A_11, %get3A_23, %dot_general3A_24 {dimension_numbers = #tpu.dot_dimension_numbers<[1], [0], [0], [1], [0, 0, 1, 1], [], []>, transpose_lhs_hint = false} : vector<3200x128xbf16>, vector<128x128xbf16>, vector<3200x128xf32> -> vector<3200x128xf32>
    %add3A_26 = arith.addf %add3A, %dot_general3A_25 : vector<3200x128xf32>
    %get3A_27 = arith.constant 0 : index
    %get3A_28 = arith.constant 0 : index
    %get3A_29 = vector.load %arg7[%get3A_27, %get3A_28] : memref<1x128xf32, #tpu.memory_space<vmem>>, vector<1x128xf32>
    %add3A_30 = vector.broadcast %get3A_29 : vector<1x128xf32> to vector<3200x128xf32>
    %add3A_31 = arith.addf %add3A_26, %add3A_30 : vector<3200x128xf32>
    %logistic3A = arith.negf %add3A_31 : vector<3200x128xf32>
    %logistic3A_32 = math.exp %logistic3A : vector<3200x128xf32>
    %logistic3A_33 = arith.constant 1.000000e+00 : f32
    %logistic3A_34 = vector.broadcast %logistic3A_33 : f32 to vector<3200x128xf32>
    %logistic3A_35 = arith.addf %logistic3A_34, %logistic3A_32 : vector<3200x128xf32>
    %logistic3A_36 = arith.divf %logistic3A_34, %logistic3A_35 : vector<3200x128xf32>
    %mul3A_37 = arith.mulf %add3A_31, %logistic3A_36 : vector<3200x128xf32>
    %swap3A = arith.constant 0 : index
    %swap3A_38 = arith.constant 0 : index
    %swap3A_39 = vector.load %arg12[%swap3A, %swap3A_38] : memref<3200x128xf32, #tpu.memory_space<vmem>>, vector<3200x128xf32>
    tpu.vector_store %arg12[%swap3A, %swap3A_38], %mul3A_37 {strides = array<i32>} : memref<3200x128xf32, #tpu.memory_space<vmem>>, vector<3200x128xf32>,
    %get3A_40 = arith.constant 0 : index
    %get3A_41 = arith.constant 0 : index
    %get3A_42 = vector.load %arg8[%get3A_40, %get3A_41] : memref<32x128xbf16, #tpu.memory_space<vmem>>, vector<32x128xbf16>
    %dot_general3A_43 = arith.constant dense<0.000000e+00> : vector<3200x128xf32>
    %dot_general3A_44 = tpu.matmul %convert_element_type3A, %get3A_42, %dot_general3A_43 {dimension_numbers = #tpu.dot_dimension_numbers<[1], [0], [0], [1], [0, 0, 1, 1], [], []>, transpose_lhs_hint = false} : vector<3200x32xbf16>, vector<32x128xbf16>, vector<3200x128xf32> -> vector<3200x128xf32>
    %get3A_45 = arith.constant 0 : index
    %get3A_46 = arith.constant 0 : index
    %get3A_47 = vector.load %arg9[%get3A_45, %get3A_46] : memref<32x128xbf16, #tpu.memory_space<vmem>>, vector<32x128xbf16>
    %dot_general3A_48 = arith.constant dense<0.000000e+00> : vector<3200x128xf32>
    %dot_general3A_49 = tpu.matmul %convert_element_type3A_7, %get3A_47, %dot_general3A_48 {dimension_numbers = #tpu.dot_dimension_numbers<[1], [0], [0], [1], [0, 0, 1, 1], [], []>, transpose_lhs_hint = false} : vector<3200x32xbf16>, vector<32x128xbf16>, vector<3200x128xf32> -> vector<3200x128xf32>
    %add3A_50 = arith.addf %dot_general3A_44, %dot_general3A_49 : vector<3200x128xf32>
    %get3A_51 = arith.constant 0 : index
    %get3A_52 = arith.constant 0 : index
    %get3A_53 = vector.load %arg10[%get3A_51, %get3A_52] : memref<128x128xbf16, #tpu.memory_space<vmem>>, vector<128x128xbf16>
    %dot_general3A_54 = arith.constant dense<0.000000e+00> : vector<3200x128xf32>
    %dot_general3A_55 = tpu.matmul %convert_element_type3A_11, %get3A_53, %dot_general3A_54 {dimension_numbers = #tpu.dot_dimension_numbers<[1], [0], [0], [1], [0, 0, 1, 1], [], []>, transpose_lhs_hint = false} : vector<3200x128xbf16>, vector<128x128xbf16>, vector<3200x128xf32> -> vector<3200x128xf32>
    %add3A_56 = arith.addf %add3A_50, %dot_general3A_55 : vector<3200x128xf32>
    %get3A_57 = arith.constant 0 : index
    %get3A_58 = arith.constant 0 : index
    %get3A_59 = vector.load %arg11[%get3A_57, %get3A_58] : memref<1x128xf32, #tpu.memory_space<vmem>>, vector<1x128xf32>
    %add3A_60 = vector.broadcast %get3A_59 : vector<1x128xf32> to vector<3200x128xf32>
    %add3A_61 = arith.addf %add3A_56, %add3A_60 : vector<3200x128xf32>
    %logistic3A_62 = arith.negf %add3A_61 : vector<3200x128xf32>
    %logistic3A_63 = math.exp %logistic3A_62 : vector<3200x128xf32>
    %logistic3A_64 = arith.constant 1.000000e+00 : f32
    %logistic3A_65 = vector.broadcast %logistic3A_64 : f32 to vector<3200x128xf32>
    %logistic3A_66 = arith.addf %logistic3A_65, %logistic3A_63 : vector<3200x128xf32>
    %logistic3A_67 = arith.divf %logistic3A_65, %logistic3A_66 : vector<3200x128xf32>
    %mul3A_68 = arith.mulf %add3A_61, %logistic3A_67 : vector<3200x128xf32>
    %swap3A_69 = arith.constant 0 : index
    %swap3A_70 = arith.constant 0 : index
    %swap3A_71 = vector.load %arg13[%swap3A_69, %swap3A_70] : memref<3200x128xf32, #tpu.memory_space<vmem>>, vector<3200x128xf32>
    tpu.vector_store %arg13[%swap3A_69, %swap3A_70], %mul3A_68 {strides = array<i32>} : memref<3200x128xf32, #tpu.memory_space<vmem>>, vector<3200x128xf32>,
    return
  }
  func.func @transform_0(%arg0: i32) -> (i32, i32) {
    %c0_i32 = arith.constant 0 : i32
    %c0_i32_0 = arith.constant 0 : i32
    return %arg0, %c0_i32 : i32, i32
  }
  func.func @transform_1(%arg0: i32) -> (i32, i32) {
    %c0_i32 = arith.constant 0 : i32
    %c0_i32_0 = arith.constant 0 : i32
    return %arg0, %c0_i32 : i32, i32
  }
  func.func @transform_2(%arg0: i32) -> (i32, i32) {
    %c0_i32 = arith.constant 0 : i32
    %c0_i32_0 = arith.constant 0 : i32
    %c0_i32_1 = arith.constant 0 : i32
    return %c0_i32, %c0_i32_0 : i32, i32
  }
  func.func @transform_3(%arg0: i32) -> (i32, i32) {
    %c0_i32 = arith.constant 0 : i32
    %c0_i32_0 = arith.constant 0 : i32
    %c0_i32_1 = arith.constant 0 : i32
    return %c0_i32, %c0_i32_0 : i32, i32
  }
  func.func @transform_4(%arg0: i32) -> (i32, i32) {
    %c0_i32 = arith.constant 0 : i32
    %c0_i32_0 = arith.constant 0 : i32
    %c0_i32_1 = arith.constant 0 : i32
    return %c0_i32, %c0_i32_0 : i32, i32
  }
  func.func @transform_5(%arg0: i32) -> (i32, i32) {
    %c0_i32 = arith.constant 0 : i32
    %c0_i32_0 = arith.constant 0 : i32
    %c0_i32_1 = arith.constant 0 : i32
    return %c0_i32, %c0_i32_0 : i32, i32
  }
  func.func @transform_6(%arg0: i32) -> (i32, i32) {
    %c0_i32 = arith.constant 0 : i32
    %c0_i32_0 = arith.constant 0 : i32
    %c0_i32_1 = arith.constant 0 : i32
    return %c0_i32, %c0_i32_0 : i32, i32
  }
  func.func @transform_7(%arg0: i32) -> (i32, i32) {
    %c0_i32 = arith.constant 0 : i32
    %c0_i32_0 = arith.constant 0 : i32
    %c0_i32_1 = arith.constant 0 : i32
    return %c0_i32, %c0_i32_0 : i32, i32
  }
  func.func @transform_8(%arg0: i32) -> (i32, i32) {
    %c0_i32 = arith.constant 0 : i32
    %c0_i32_0 = arith.constant 0 : i32
    %c0_i32_1 = arith.constant 0 : i32
    return %c0_i32, %c0_i32_0 : i32, i32
  }
  func.func @transform_9(%arg0: i32) -> (i32, i32) {
    %c0_i32 = arith.constant 0 : i32
    %c0_i32_0 = arith.constant 0 : i32
    %c0_i32_1 = arith.constant 0 : i32
    return %c0_i32, %c0_i32_0 : i32, i32
  }
  func.func @transform_10(%arg0: i32) -> (i32, i32) {
    %c0_i32 = arith.constant 0 : i32
    %c0_i32_0 = arith.constant 0 : i32
    %c0_i32_1 = arith.constant 0 : i32
    return %c0_i32, %c0_i32_0 : i32, i32
  }
  func.func @transform_11(%arg0: i32) -> (i32, i32) {
    %c0_i32 = arith.constant 0 : i32
    %c0_i32_0 = arith.constant 0 : i32
    return %arg0, %c0_i32 : i32, i32
  }
  func.func @transform_12(%arg0: i32) -> (i32, i32) {
    %c0_i32 = arith.constant 0 : i32
    %c0_i32_0 = arith.constant 0 : i32
    return %arg0, %c0_i32 : i32, i32
  }
}

module attributes {stable_mosaic.version = 14 : i64} {
  func.func @_colsum_body(%arg0: i32, %arg1: memref<3200x128xf32, #tpu.memory_space<vmem>>, %arg2: memref<1x128xf32, #tpu.memory_space<vmem>>) attributes {dimension_semantics = [#tpu.dimension_semantics<arbitrary>], iteration_bounds = array<i64: 50>, scalar_prefetch = 0 : i64, scratch_operands = 0 : i64, tpu.core_type = #tpu.core_type<tc>, window_params = [{transform_indices = @transform_0, window_bounds = array<i64: 3200, 128>}, {pipeline_mode = #tpu.pipeline_mode<synchronous>, transform_indices = @transform_1, window_bounds = array<i64: 1, 128>}]} {
    %eq3A = arith.constant 0 : i32
    %eq3A_0 = arith.cmpi eq, %arg0, %eq3A : i32
    %convert_element_type3A = arith.extui %eq3A_0 : i1 to i32
    %cond3A = arith.constant 0 : i32
    %cond3A_1 = arith.cmpi ne, %convert_element_type3A, %cond3A : i32
    scf.if %cond3A_1 {
      %broadcast_in_dim3A_10 = arith.constant 0.000000e+00 : f32
      %broadcast_in_dim3A_11 = vector.broadcast %broadcast_in_dim3A_10 : f32 to vector<1x128xf32>
      %swap3A_12 = arith.constant 0 : index
      %swap3A_13 = arith.constant 0 : index
      %swap3A_14 = vector.load %arg2[%swap3A_12, %swap3A_13] : memref<1x128xf32, #tpu.memory_space<vmem>>, vector<1x128xf32>
      tpu.vector_store %arg2[%swap3A_12, %swap3A_13], %broadcast_in_dim3A_11 {strides = array<i32>} : memref<1x128xf32, #tpu.memory_space<vmem>>, vector<1x128xf32>,
    } else {
    }
    %get3A = arith.constant 0 : index
    %get3A_2 = arith.constant 0 : index
    %get3A_3 = vector.load %arg2[%get3A, %get3A_2] : memref<1x128xf32, #tpu.memory_space<vmem>>, vector<1x128xf32>
    %get3A_4 = arith.constant 0 : index
    %get3A_5 = arith.constant 0 : index
    %get3A_6 = vector.load %arg1[%get3A_4, %get3A_5] : memref<3200x128xf32, #tpu.memory_space<vmem>>, vector<3200x128xf32>
    %reduce_sum3A = arith.constant dense<0.000000e+00> : vector<128xf32>
    %reduce_sum3A_7 = vector.multi_reduction <add>, %get3A_6, %reduce_sum3A [0] : vector<3200x128xf32> to vector<128xf32>
    %broadcast_in_dim3A = vector.shape_cast %reduce_sum3A_7 : vector<128xf32> to vector<1x128xf32>
    %add3A = arith.addf %get3A_3, %broadcast_in_dim3A : vector<1x128xf32>
    %swap3A = arith.constant 0 : index
    %swap3A_8 = arith.constant 0 : index
    %swap3A_9 = vector.load %arg2[%swap3A, %swap3A_8] : memref<1x128xf32, #tpu.memory_space<vmem>>, vector<1x128xf32>
    tpu.vector_store %arg2[%swap3A, %swap3A_8], %add3A {strides = array<i32>} : memref<1x128xf32, #tpu.memory_space<vmem>>, vector<1x128xf32>,
    return
  }
  func.func @transform_0(%arg0: i32) -> (i32, i32) {
    %c0_i32 = arith.constant 0 : i32
    %c0_i32_0 = arith.constant 0 : i32
    return %arg0, %c0_i32 : i32, i32
  }
  func.func @transform_1(%arg0: i32) -> (i32, i32) {
    %c0_i32 = arith.constant 0 : i32
    %c0_i32_0 = arith.constant 0 : i32
    %c0_i32_1 = arith.constant 0 : i32
    return %c0_i32, %c0_i32_0 : i32, i32
  }
}

module attributes {stable_mosaic.version = 14 : i64} {
  func.func @_t1w_body(%arg0: i32, %arg1: memref<2000x128xf32, #tpu.memory_space<vmem>>, %arg2: memref<1x128xf32, #tpu.memory_space<vmem>>, %arg3: memref<2000x3xf32, #tpu.memory_space<vmem>>, %arg4: memref<128x128xf32, #tpu.memory_space<vmem>>, %arg5: memref<128x128xf32, #tpu.memory_space<vmem>>, %arg6: memref<1x128xf32, #tpu.memory_space<vmem>>, %arg7: memref<128x1xf32, #tpu.memory_space<vmem>>, %arg8: memref<2000x128xf32, #tpu.memory_space<vmem>>, %arg9: memref<2000x128xf32, #tpu.memory_space<vmem>>) attributes {dimension_semantics = [#tpu.dimension_semantics<arbitrary>], iteration_bounds = array<i64: 80>, scalar_prefetch = 0 : i64, scratch_operands = 0 : i64, tpu.core_type = #tpu.core_type<tc>, window_params = [{transform_indices = @transform_0, window_bounds = array<i64: 2000, 128>}, {pipeline_mode = #tpu.pipeline_mode<synchronous>, transform_indices = @transform_1, window_bounds = array<i64: 1, 128>}, {transform_indices = @transform_2, window_bounds = array<i64: 2000, 3>}, {pipeline_mode = #tpu.pipeline_mode<synchronous>, transform_indices = @transform_3, window_bounds = array<i64: 128, 128>}, {pipeline_mode = #tpu.pipeline_mode<synchronous>, transform_indices = @transform_4, window_bounds = array<i64: 128, 128>}, {pipeline_mode = #tpu.pipeline_mode<synchronous>, transform_indices = @transform_5, window_bounds = array<i64: 1, 128>}, {pipeline_mode = #tpu.pipeline_mode<synchronous>, transform_indices = @transform_6, window_bounds = array<i64: 128, 1>}, {transform_indices = @transform_7, window_bounds = array<i64: 2000, 128>}, {transform_indices = @transform_8, window_bounds = array<i64: 2000, 128>}]} {
    %get3A = arith.constant 0 : index
    %get3A_0 = arith.constant 0 : index
    %get3A_1 = vector.load %arg1[%get3A, %get3A_0] : memref<2000x128xf32, #tpu.memory_space<vmem>>, vector<2000x128xf32>
    %get3A_2 = arith.constant 0 : index
    %get3A_3 = arith.constant 0 : index
    %get3A_4 = vector.load %arg4[%get3A_2, %get3A_3] : memref<128x128xf32, #tpu.memory_space<vmem>>, vector<128x128xf32>
    %dot_general3A = arith.constant dense<0.000000e+00> : vector<2000x128xf32>
    %dot_general3A_5 = tpu.matmul %get3A_1, %get3A_4, %dot_general3A {dimension_numbers = #tpu.dot_dimension_numbers<[1], [0], [0], [1], [0, 0, 1, 1], [], []>, transpose_lhs_hint = false} : vector<2000x128xf32>, vector<128x128xf32>, vector<2000x128xf32> -> vector<2000x128xf32>
    %get3A_6 = arith.constant 0 : index
    %get3A_7 = arith.constant 0 : index
    %get3A_8 = vector.load %arg2[%get3A_6, %get3A_7] : memref<1x128xf32, #tpu.memory_space<vmem>>, vector<1x128xf32>
    %add3A = vector.broadcast %get3A_8 : vector<1x128xf32> to vector<2000x128xf32>
    %add3A_9 = arith.addf %dot_general3A_5, %add3A : vector<2000x128xf32>
    %swap3A = arith.constant 0 : index
    %swap3A_10 = arith.constant 0 : index
    %swap3A_11 = vector.load %arg8[%swap3A, %swap3A_10] : memref<2000x128xf32, #tpu.memory_space<vmem>>, vector<2000x128xf32>
    tpu.vector_store %arg8[%swap3A, %swap3A_10], %add3A_9 {strides = array<i32>} : memref<2000x128xf32, #tpu.memory_space<vmem>>, vector<2000x128xf32>,
    %get3A_12 = arith.constant 0 : index
    %get3A_13 = arith.constant 0 : index
    %get3A_14 = vector.load %arg5[%get3A_12, %get3A_13] : memref<128x128xf32, #tpu.memory_space<vmem>>, vector<128x128xf32>
    %dot_general3A_15 = arith.constant dense<0.000000e+00> : vector<2000x128xf32>
    %dot_general3A_16 = tpu.matmul %add3A_9, %get3A_14, %dot_general3A_15 {dimension_numbers = #tpu.dot_dimension_numbers<[1], [0], [0], [1], [0, 0, 1, 1], [], []>, transpose_lhs_hint = false} : vector<2000x128xf32>, vector<128x128xf32>, vector<2000x128xf32> -> vector<2000x128xf32>
    %get3A_17 = arith.constant 0 : index
    %get3A_18 = arith.constant 0 : index
    %get3A_19 = vector.load %arg6[%get3A_17, %get3A_18] : memref<1x128xf32, #tpu.memory_space<vmem>>, vector<1x128xf32>
    %add3A_20 = vector.broadcast %get3A_19 : vector<1x128xf32> to vector<2000x128xf32>
    %add3A_21 = arith.addf %dot_general3A_16, %add3A_20 : vector<2000x128xf32>
    %logistic3A = arith.negf %add3A_21 : vector<2000x128xf32>
    %logistic3A_22 = math.exp %logistic3A : vector<2000x128xf32>
    %logistic3A_23 = arith.constant 1.000000e+00 : f32
    %logistic3A_24 = vector.broadcast %logistic3A_23 : f32 to vector<2000x128xf32>
    %logistic3A_25 = arith.addf %logistic3A_24, %logistic3A_22 : vector<2000x128xf32>
    %logistic3A_26 = arith.divf %logistic3A_24, %logistic3A_25 : vector<2000x128xf32>
    %mul3A = arith.mulf %add3A_21, %logistic3A_26 : vector<2000x128xf32>
    %get3A_27 = arith.constant 0 : index
    %get3A_28 = arith.constant 0 : index
    %get3A_29 = vector.load %arg7[%get3A_27, %get3A_28] : memref<128x1xf32, #tpu.memory_space<vmem>>, vector<128x1xf32>
    %dot_general3A_30 = arith.constant dense<0.000000e+00> : vector<2000x1xf32>
    %dot_general3A_31 = tpu.matmul %mul3A, %get3A_29, %dot_general3A_30 {dimension_numbers = #tpu.dot_dimension_numbers<[1], [0], [0], [1], [0, 0, 1, 1], [], []>, transpose_lhs_hint = false} : vector<2000x128xf32>, vector<128x1xf32>, vector<2000x1xf32> -> vector<2000x1xf32>
    %get3A_32 = arith.constant 0 : index
    %get3A_33 = arith.constant 0 : index
    %get3A_34 = vector.load %arg3[%get3A_32, %get3A_33] : memref<2000x3xf32, #tpu.memory_space<vmem>>, vector<2000x3xf32>
    %mul3A_35 = vector.broadcast %dot_general3A_31 : vector<2000x1xf32> to vector<2000x3xf32>
    %mul3A_36 = arith.mulf %get3A_34, %mul3A_35 : vector<2000x3xf32>
    %broadcast_in_dim3A = arith.constant 1.000000e+00 : f32
    %broadcast_in_dim3A_37 = vector.broadcast %broadcast_in_dim3A : f32 to vector<2000x1xf32>
    %broadcast_in_dim3A_38 = arith.constant 0.000000e+00 : f32
    %broadcast_in_dim3A_39 = vector.broadcast %broadcast_in_dim3A_38 : f32 to vector<2000x124xf32>
    %concatenate3A = tpu.concatenate %mul3A_36, %broadcast_in_dim3A_37, %broadcast_in_dim3A_39 in 1 : vector<2000x3xf32>, vector<2000x1xf32>, vector<2000x124xf32> -> vector<2000x128xf32>
    %swap3A_40 = arith.constant 0 : index
    %swap3A_41 = arith.constant 0 : index
    %swap3A_42 = vector.load %arg9[%swap3A_40, %swap3A_41] : memref<2000x128xf32, #tpu.memory_space<vmem>>, vector<2000x128xf32>
    tpu.vector_store %arg9[%swap3A_40, %swap3A_41], %concatenate3A {strides = array<i32>} : memref<2000x128xf32, #tpu.memory_space<vmem>>, vector<2000x128xf32>,
    return
  }
  func.func @transform_0(%arg0: i32) -> (i32, i32) {
    %c0_i32 = arith.constant 0 : i32
    %c0_i32_0 = arith.constant 0 : i32
    return %arg0, %c0_i32 : i32, i32
  }
  func.func @transform_1(%arg0: i32) -> (i32, i32) {
    %c0_i32 = arith.constant 0 : i32
    %c0_i32_0 = arith.constant 0 : i32
    %c0_i32_1 = arith.constant 0 : i32
    return %c0_i32, %c0_i32_0 : i32, i32
  }
  func.func @transform_2(%arg0: i32) -> (i32, i32) {
    %c0_i32 = arith.constant 0 : i32
    %c0_i32_0 = arith.constant 0 : i32
    return %arg0, %c0_i32 : i32, i32
  }
  func.func @transform_3(%arg0: i32) -> (i32, i32) {
    %c0_i32 = arith.constant 0 : i32
    %c0_i32_0 = arith.constant 0 : i32
    %c0_i32_1 = arith.constant 0 : i32
    return %c0_i32, %c0_i32_0 : i32, i32
  }
  func.func @transform_4(%arg0: i32) -> (i32, i32) {
    %c0_i32 = arith.constant 0 : i32
    %c0_i32_0 = arith.constant 0 : i32
    %c0_i32_1 = arith.constant 0 : i32
    return %c0_i32, %c0_i32_0 : i32, i32
  }
  func.func @transform_5(%arg0: i32) -> (i32, i32) {
    %c0_i32 = arith.constant 0 : i32
    %c0_i32_0 = arith.constant 0 : i32
    %c0_i32_1 = arith.constant 0 : i32
    return %c0_i32, %c0_i32_0 : i32, i32
  }
  func.func @transform_6(%arg0: i32) -> (i32, i32) {
    %c0_i32 = arith.constant 0 : i32
    %c0_i32_0 = arith.constant 0 : i32
    %c0_i32_1 = arith.constant 0 : i32
    return %c0_i32, %c0_i32_0 : i32, i32
  }
  func.func @transform_7(%arg0: i32) -> (i32, i32) {
    %c0_i32 = arith.constant 0 : i32
    %c0_i32_0 = arith.constant 0 : i32
    return %arg0, %c0_i32 : i32, i32
  }
  func.func @transform_8(%arg0: i32) -> (i32, i32) {
    %c0_i32 = arith.constant 0 : i32
    %c0_i32_0 = arith.constant 0 : i32
    return %arg0, %c0_i32 : i32, i32
  }
}

module attributes {stable_mosaic.version = 14 : i64} {
  func.func @_node_mlp_body(%arg0: i32, %arg1: memref<2000x128xf32, #tpu.memory_space<vmem>>, %arg2: memref<2000x128xf32, #tpu.memory_space<vmem>>, %arg3: memref<128x128xf32, #tpu.memory_space<vmem>>, %arg4: memref<1x128xf32, #tpu.memory_space<vmem>>, %arg5: memref<128x128xf32, #tpu.memory_space<vmem>>, %arg6: memref<1x128xf32, #tpu.memory_space<vmem>>, %arg7: memref<2000x128xf32, #tpu.memory_space<vmem>>) attributes {dimension_semantics = [#tpu.dimension_semantics<arbitrary>], iteration_bounds = array<i64: 5>, scalar_prefetch = 0 : i64, scratch_operands = 0 : i64, tpu.core_type = #tpu.core_type<tc>, window_params = [{transform_indices = @transform_0, window_bounds = array<i64: 2000, 128>}, {transform_indices = @transform_1, window_bounds = array<i64: 2000, 128>}, {pipeline_mode = #tpu.pipeline_mode<synchronous>, transform_indices = @transform_2, window_bounds = array<i64: 128, 128>}, {pipeline_mode = #tpu.pipeline_mode<synchronous>, transform_indices = @transform_3, window_bounds = array<i64: 1, 128>}, {pipeline_mode = #tpu.pipeline_mode<synchronous>, transform_indices = @transform_4, window_bounds = array<i64: 128, 128>}, {pipeline_mode = #tpu.pipeline_mode<synchronous>, transform_indices = @transform_5, window_bounds = array<i64: 1, 128>}, {transform_indices = @transform_6, window_bounds = array<i64: 2000, 128>}]} {
    %get3A = arith.constant 0 : index
    %get3A_0 = arith.constant 0 : index
    %get3A_1 = vector.load %arg1[%get3A, %get3A_0] : memref<2000x128xf32, #tpu.memory_space<vmem>>, vector<2000x128xf32>
    %get3A_2 = arith.constant 0 : index
    %get3A_3 = arith.constant 0 : index
    %get3A_4 = vector.load %arg3[%get3A_2, %get3A_3] : memref<128x128xf32, #tpu.memory_space<vmem>>, vector<128x128xf32>
    %dot_general3A = arith.constant dense<0.000000e+00> : vector<2000x128xf32>
    %dot_general3A_5 = tpu.matmul %get3A_1, %get3A_4, %dot_general3A {dimension_numbers = #tpu.dot_dimension_numbers<[1], [0], [0], [1], [0, 0, 1, 1], [], []>, transpose_lhs_hint = false} : vector<2000x128xf32>, vector<128x128xf32>, vector<2000x128xf32> -> vector<2000x128xf32>
    %get3A_6 = arith.constant 0 : index
    %get3A_7 = arith.constant 0 : index
    %get3A_8 = vector.load %arg4[%get3A_6, %get3A_7] : memref<1x128xf32, #tpu.memory_space<vmem>>, vector<1x128xf32>
    %add3A = vector.broadcast %get3A_8 : vector<1x128xf32> to vector<2000x128xf32>
    %add3A_9 = arith.addf %dot_general3A_5, %add3A : vector<2000x128xf32>
    %logistic3A = arith.negf %add3A_9 : vector<2000x128xf32>
    %logistic3A_10 = math.exp %logistic3A : vector<2000x128xf32>
    %logistic3A_11 = arith.constant 1.000000e+00 : f32
    %logistic3A_12 = vector.broadcast %logistic3A_11 : f32 to vector<2000x128xf32>
    %logistic3A_13 = arith.addf %logistic3A_12, %logistic3A_10 : vector<2000x128xf32>
    %logistic3A_14 = arith.divf %logistic3A_12, %logistic3A_13 : vector<2000x128xf32>
    %mul3A = arith.mulf %add3A_9, %logistic3A_14 : vector<2000x128xf32>
    %get3A_15 = arith.constant 0 : index
    %get3A_16 = arith.constant 0 : index
    %get3A_17 = vector.load %arg2[%get3A_15, %get3A_16] : memref<2000x128xf32, #tpu.memory_space<vmem>>, vector<2000x128xf32>
    %get3A_18 = arith.constant 0 : index
    %get3A_19 = arith.constant 0 : index
    %get3A_20 = vector.load %arg5[%get3A_18, %get3A_19] : memref<128x128xf32, #tpu.memory_space<vmem>>, vector<128x128xf32>
    %dot_general3A_21 = arith.constant dense<0.000000e+00> : vector<2000x128xf32>
    %dot_general3A_22 = tpu.matmul %mul3A, %get3A_20, %dot_general3A_21 {dimension_numbers = #tpu.dot_dimension_numbers<[1], [0], [0], [1], [0, 0, 1, 1], [], []>, transpose_lhs_hint = false} : vector<2000x128xf32>, vector<128x128xf32>, vector<2000x128xf32> -> vector<2000x128xf32>
    %add3A_23 = arith.addf %get3A_17, %dot_general3A_22 : vector<2000x128xf32>
    %get3A_24 = arith.constant 0 : index
    %get3A_25 = arith.constant 0 : index
    %get3A_26 = vector.load %arg6[%get3A_24, %get3A_25] : memref<1x128xf32, #tpu.memory_space<vmem>>, vector<1x128xf32>
    %add3A_27 = vector.broadcast %get3A_26 : vector<1x128xf32> to vector<2000x128xf32>
    %add3A_28 = arith.addf %add3A_23, %add3A_27 : vector<2000x128xf32>
    %swap3A = arith.constant 0 : index
    %swap3A_29 = arith.constant 0 : index
    %swap3A_30 = vector.load %arg7[%swap3A, %swap3A_29] : memref<2000x128xf32, #tpu.memory_space<vmem>>, vector<2000x128xf32>
    tpu.vector_store %arg7[%swap3A, %swap3A_29], %add3A_28 {strides = array<i32>} : memref<2000x128xf32, #tpu.memory_space<vmem>>, vector<2000x128xf32>,
    return
  }
  func.func @transform_0(%arg0: i32) -> (i32, i32) {
    %c0_i32 = arith.constant 0 : i32
    %c0_i32_0 = arith.constant 0 : i32
    return %arg0, %c0_i32 : i32, i32
  }
  func.func @transform_1(%arg0: i32) -> (i32, i32) {
    %c0_i32 = arith.constant 0 : i32
    %c0_i32_0 = arith.constant 0 : i32
    return %arg0, %c0_i32 : i32, i32
  }
  func.func @transform_2(%arg0: i32) -> (i32, i32) {
    %c0_i32 = arith.constant 0 : i32
    %c0_i32_0 = arith.constant 0 : i32
    %c0_i32_1 = arith.constant 0 : i32
    return %c0_i32, %c0_i32_0 : i32, i32
  }
  func.func @transform_3(%arg0: i32) -> (i32, i32) {
    %c0_i32 = arith.constant 0 : i32
    %c0_i32_0 = arith.constant 0 : i32
    %c0_i32_1 = arith.constant 0 : i32
    return %c0_i32, %c0_i32_0 : i32, i32
  }
  func.func @transform_4(%arg0: i32) -> (i32, i32) {
    %c0_i32 = arith.constant 0 : i32
    %c0_i32_0 = arith.constant 0 : i32
    %c0_i32_1 = arith.constant 0 : i32
    return %c0_i32, %c0_i32_0 : i32, i32
  }
  func.func @transform_5(%arg0: i32) -> (i32, i32) {
    %c0_i32 = arith.constant 0 : i32
    %c0_i32_0 = arith.constant 0 : i32
    %c0_i32_1 = arith.constant 0 : i32
    return %c0_i32, %c0_i32_0 : i32, i32
  }
  func.func @transform_6(%arg0: i32) -> (i32, i32) {
    %c0_i32 = arith.constant 0 : i32
    %c0_i32_0 = arith.constant 0 : i32
    return %arg0, %c0_i32 : i32, i32
  }
}

</mosaic_0001>

<sc_bundles>
// kernel: gather_offload_async_start.1
scs
__scs_entry_jumppad:
0x0: {  	(pc) =	sbr.rel $0x88, $3  }
0x1: {  	(tag) =	ssettag $0x0;
	lr =	simm.s32 $0x1  }
0x2: {  	[smem:$0x3F8A] =	sst lr;
	_ =	strace $0xD0000000  }
0x3: {  	_ = 	snop  }
0x4: {  	_ = 	snop  }
0x5: {  	_ = 	snop  }
0x6: {  	_ = 	snop  }
0x7: {  	_ = 	snop  }
__scs_overlays_trampoline_lowered:
0x8: {  	[smem:$0x3F99] =	sst s0  }
0x9: {  	[smem:$0x3F9A] =	sst s1  }
0xa: {  	[smem:$0x3F9B] =	sst s2  }
0xb: {  	[smem:$0x3F9C] =	sst s3  }
0xc: {  	[smem:$0x3F9D] =	sst s4  }
0xd: {  	[smem:$0x3F9E] =	sst s5  }
0xe: {  	[smem:$0x3F9F] =	sst s6  }
0xf: {  	[smem:$0x3FA0] =	sst s7  }
0x10: {  	[smem:$0x3FA1] =	sst s8  }
0x11: {  	[smem:$0x3FA2] =	sst s9;
	s0 =	simm.s32 @!p0 $0x0  }
0x12: {  	s1 =	sld [smem:$0x3F88];
	s0 =	simm.s32 @p0 $0x1  }
0x13: {  	[smem:$0x3FA3] =	sst s0;
	s0 =	simm.s32 @!p1 $0x0  }
0x14: {  	s2 =	sld [smem:$0x3F87];
	s0 =	simm.s32 @p1 $0x1  }
0x15: {  	[smem:$0x3FA4] =	sst s0;
	s0 =	simm.s32 @!p2 $0x0  }
0x16: {  	s3 =	sld [smem:$0x3FDB];
	s0 =	simm.s32 @p2 $0x1  }
0x17: {  	s4 =	simm.s32 $0x1BF5;
	[smem:$0x3FA6] =	sst s0  }
0x18: {  	s0 =	sld [smem:$0x3F89];
	_ =	swait.ge [sflag:s4], $0x0  }
0x19: {  	s7 =	sld [smem:$0x3F8A]  }
0x1a: {  	s8 =	sadd.s32 $0xFFFFE003, lr  }
0x1b: {  	s9 =	sadd.s32 $0xFFFFFEF7, lr;
	s5 =	simm.s32 $0xFFFFFFFF;
	p2 =	slt.u32 s8, $0xFFFFF086  }
0x1c: {  	p1 =	slt.u32 s9, $0xF7A;
	s5 =	simm.s32 @!p2 $0x0  }
0x1d: {  	s5 =	simm.s32 @p1 $0x1;
	p0 =	seq.s32 s7, s2  }
0x1e: {  	s7 =	smul.u32 @!p0 $0xF7A, s2;
	p2 =	seq.s32 @!p0 s5, $0x0  }
0x1f: {  	s9 =	smul.u32 $0xF7A, s1;
	s8 =	simm.s32 @!p0 $0x1BF5;
	p2 =	por !p2, p0  }
0x20: {  	[sflag:s8] =	ssyncset.s32 @!p0 $0xFFFFF086;
	s6 =	sadd.s32 @!p0 s3, s7;
	s7 =	simm.s32 @!p0 $0x108  }
0x21: {  	s3 =	sadd.s32 s3, s9;
	s6 =	sadd.s32 @!p0 $0x88, s6;
	s7 =	simm.s32 @p2 $0x1082  }
0x22: {  	[simem:s7], [sflag:s8] =	dma.local @!p0 [hbm:s6], $0xF7A  }
0x23: {  	s9 =	sor.u32 $0xD0000000, s2;
	s6 =	simm.s32 $0x108;
	_ =	swait.ge @!p0 [sflag:s8], $0x0  }
0x24: {  	s3 =	sadd.s32 $0x88, s3;
	s6 =	simm.s32 @!p1 $0x1082;
	[sflag:s4] =	ssyncset.s32 $0xFFFFF086  }
0x25: {  	[simem:s6], [sflag:s4] =	dma.local [hbm:s3], $0xF7A  }
0x26: {  	[smem:$0x3F8A] =	sst s1;
	(tag) =	ssettag s2;
	_ =	strace s9  }
0x27: {  	s1 =	sld [smem:$0x3F9A]  }
0x28: {  	s2 =	sld [smem:$0x3F9B]  }
0x29: {  	s4 =	sld [smem:$0x3F9D]  }
0x2a: {  	p0 =	seq.s32 s5, $0x0;
	s5 =	sld [smem:$0x3F9E]  }
0x2b: {  	s6 =	sld [smem:$0x3F9F]  }
0x2c: {  	s7 =	sld [smem:$0x3FA0]  }
0x2d: {  	s3 =	simm.s32 $0x108;
	s8 =	sld [smem:$0x3FA1]  }
0x2e: {  	s3 =	simm.s32 @!p0 $0x1082;
	s9 =	sld [smem:$0x3FA2]  }
0x2f: {  	lr =	sadd.s32 s0, s3;
	s0 =	sld [smem:$0x3F99]  }
0x30: {  	s3 =	sld [smem:$0x3F9C]  }
0x31: {  	[smem:$0x3FA5] =	sst s10  }
0x32: {  	s10 =	sld [smem:$0x3FA3];
	_ =	sdelay $0x3  }
0x33: {  	p0 =	seq.s32 s10, $0x1;
	s10 =	sld [smem:$0x3FA5];
	_ =	sdelay $0x3  }
0x34: {  	[smem:$0x3FA5] =	sst s10  }
0x35: {  	s10 =	sld [smem:$0x3FA4];
	_ =	sdelay $0x3  }
0x36: {  	p1 =	seq.s32 s10, $0x1;
	s10 =	sld [smem:$0x3FA5];
	_ =	sdelay $0x3  }
0x37: {  	[smem:$0x3FA5] =	sst s10  }
0x38: {  	s10 =	sld [smem:$0x3FA6]  }
0x39: {  	_ = 	snop;
	(pc) =	sbr.ind lr, $3  }
0x3a: {  	_ = 	snop  }
0x3b: {  	_ = 	snop  }
0x3c: {  	p2 =	seq.s32 s10, $0x1;
	s10 =	sld [smem:$0x3FA5]  }
0x3d: {  	_ =	shalt  }
0x3e: {  	_ =	shalt  }
0x3f: {  	_ =	shalt  }
0x40: {  	_ =	shalt  }
0x41: {  	_ =	shalt  }
0x42: {  	_ =	shalt  }
0x43: {  	_ =	shalt  }
0x44: {  	_ =	shalt  }
0x45: {  	_ =	shalt  }
0x46: {  	_ =	shalt  }
0x47: {  	_ =	shalt  }
0x48: {  	_ =	shalt  }
0x49: {  	_ =	shalt  }
0x4a: {  	_ =	shalt  }
0x4b: {  	_ =	shalt  }
0x4c: {  	_ =	shalt  }
0x4d: {  	_ =	shalt  }
0x4e: {  	_ =	shalt  }
0x4f: {  	_ =	shalt  }
0x50: {  	_ =	shalt  }
0x51: {  	_ =	shalt  }
0x52: {  	_ =	shalt  }
0x53: {  	_ =	shalt  }
0x54: {  	_ =	shalt  }
0x55: {  	_ =	shalt  }
0x56: {  	_ =	shalt  }
0x57: {  	_ =	shalt  }
0x58: {  	_ =	shalt  }
0x59: {  	_ =	shalt  }
0x5a: {  	_ =	shalt  }
0x5b: {  	_ =	shalt  }
0x5c: {  	_ =	shalt  }
0x5d: {  	_ =	shalt  }
0x5e: {  	_ =	shalt  }
0x5f: {  	_ =	shalt  }
0x60: {  	_ =	shalt  }
0x61: {  	_ =	shalt  }
0x62: {  	_ =	shalt  }
0x63: {  	_ =	shalt  }
0x64: {  	_ =	shalt  }
0x65: {  	_ =	shalt  }
0x66: {  	_ =	shalt  }
0x67: {  	_ =	shalt  }
0x68: {  	_ =	shalt  }
0x69: {  	_ =	shalt  }
0x6a: {  	_ =	shalt  }
0x6b: {  	_ =	shalt  }
0x6c: {  	_ =	shalt  }
0x6d: {  	_ =	shalt  }
0x6e: {  	_ =	shalt  }
0x6f: {  	_ =	shalt  }
0x70: {  	_ =	shalt  }
0x71: {  	_ =	shalt  }
0x72: {  	_ =	shalt  }
0x73: {  	_ =	shalt  }
0x74: {  	_ =	shalt  }
0x75: {  	_ =	shalt  }
0x76: {  	_ =	shalt  }
0x77: {  	_ =	shalt  }
0x78: {  	_ =	shalt  }
0x79: {  	_ =	shalt  }
0x7a: {  	_ =	shalt  }
0x7b: {  	_ =	shalt  }
0x7c: {  	_ =	shalt  }
0x7d: {  	_ =	shalt  }
0x7e: {  	_ =	shalt  }
0x7f: {  	_ =	shalt  }
0x80: {  	_ =	shalt  }
0x81: {  	_ =	shalt  }
0x82: {  	_ =	shalt  }
0x83: {  	_ =	shalt  }
0x84: {  	_ =	shalt  }
0x85: {  	_ =	shalt  }
0x86: {  	_ =	shalt  }
0x87: {  	_ =	shalt  }
.Lfunc_end0:
.L_simem_size_0:
called_computation.3_lowered:
.L_overlay_start_0:
0x88: {  	s2 =	sld [smem:$0x3FD9]  }
0x89: {  	s3 =	sld [smem:$0x3FFE];
	_ =	sdelay $0x1  }
0x8a: {  	s1 =	srdreg.scid  }
0x8b: {  	s0 =	sand.u32 $0x1, s1  }
0x8c: {  	s17 =	sshll.u32 s0, $0xA;
	s2 =	sadd.s32 s3, s2  }
0x8d: {  	s2 =	sadd.s32 s2, s17  }
0x8e: {  	[smem:$0x3FB1] =	sst s2  }
0x8f: {  	_ = 	snop  }
0x90: {  	(tm) =	ssettm $0x1  }
0x91: {  	s18 =	sld [smem:$0x3FFB];
	_ =	sdelay $0x3  }
0x92: {  	_ =	strace s18  }
0x93: {  	s2 =	sld [smem:$0x3FFC];
	_ =	sdelay $0x3  }
0x94: {  	_ =	strace s2  }
0x95: {  	s2 =	sld [smem:$0x3FFD];
	_ =	sdelay $0x3  }
0x96: {  	_ =	strace s2  }
0x97: {  	_ =	strace $0x8FFFFFFF  }
0x98: {  	s19 =	sld [smem:$0x3FDB];
	_ =	sdelay $0x1  }
0x99: {  	s20 =	simm.s32 $_scs_section_size  }
0x9a: {  	s4 =	simm.s32 $_size__tile_overlayer_lowered;
	s5 =	simm.s32 $_tile_overlayer_lowered  }
0x9b: {  	s6 =	simm.s32 $0x1BFF;
	s21 =	sshll.u32 s5, $0x1;
	s3 =	sadd.s32 s20, s19  }
0x9c: {  	s22 =	simm.s32 $0x0;
	s4 =	sshll.u32 s4, $0x1;
	s5 =	sadd.s32 s21, s3  }
0x9d: {  	[timem:s22], [sflag:s6] =	dma.local [hbm:s5], s4  }
0x9e: {  	_ =	swait.ge [sflag:s6], s4  }
0x9f: {  	s4 =	ssub.s32 $0x0, s4;
	[sflag:s6] =	ssyncset.done $0x0  }
0xa0: {  	[sflag:s6] =	ssyncadd.s32 s4;
	_ =	sdelay $0x1  }
0xa1: {  	s23 =	simm.s32 $0x1B8B  }
0xa2: {  	_ =	swait.ge [sflag:s23], $0x1  }
0xa3: {  	[sflag:s23] =	ssyncset.done $0x0  }
0xa4: {  	[sflag:s23] =	ssyncadd.s32 $0xFFFFFFFF  }
0xa5: {  	s4 =	sld [smem:$0x0]  }
0xa6: {  	s5 =	sand.u32 $0xFFFFFFFE, s1  }
0xa7: {  	p0 =	sne.s32 s1, s5  }
0xa8: {  	s5 =	sshll.u32 @p0 s5, $0xE  }
0xa9: {  	s5 =	sadd.s32 @p0 $0x11B8D, s5;
	s6 =	sshll.u32 @p0 s4, $0x11  }
0xaa: {  	s5 =	sor.u32 @p0 s6, s5  }
0xab: {  	[sflag:s5] =	ssyncadd.remote.s32 @p0 $0x1;
	_ =	sdelay $0x1  }
0xac: {  	s5 =	simm.s32 @p0 $0x1B8D  }
0xad: {  	_ =	swait.eq @p0 [sflag:s5], $0x1  }
0xae: {  	[sflag:s5] =	ssyncadd.s32 @p0 $0xFFFFFFFF  }
0xaf: {  	s6 =	sshll.u32 @!p0 s1, $0xE  }
0xb0: {  	s6 =	sor.u32 @!p0 $0x4000, s6;
	s5 =	simm.s32 @!p0 $0x1B8D  }
0xb1: {  	s4 =	sshll.u32 @!p0 s4, $0x11;
	s6 =	sadd.s32 @!p0 $0x11B8D, s6;
	_ =	swait.eq @!p0 [sflag:s5], $0x1  }
0xb2: {  	s4 =	sor.u32 @!p0 s4, s6;
	[sflag:s5] =	ssyncadd.s32 @!p0 $0xFFFFFFFF  }
0xb3: {  	s25 =	simm.s32 $0x1B8E;
	s24 =	sld [smem:$0x3FFE];
	[sflag:s4] =	ssyncadd.remote.s32 @!p0 $0x1  }
0xb4: {  	s26 =	simm.s32 $execute0_lowered;
	[smem:$0x3FD2] =	sst s25  }
0xb5: {  	s5 =	sshll.u32 s26, $0x1;
	_ =	strace $0x8000004F;
	[dreg:$0x1] =	wrdreg $0xFFFFFFFF  }
0xb6: {  	s28 =	simm.s32 $_size_execute0_lowered;
	s3 =	sadd.s32 s3, s5;
	[dreg:$0x0] =	wrdreg $0x0  }
0xb7: {  	s5 =	sshll.u32 s28, $0x1;
	[dreg:$0x2] =	wrdreg s3  }
0xb8: {  	[dreg:$0x3] =	wrdreg s5  }
0xb9: {  	[dreg:$0x4] =	wrdreg $0xC0  }
0xba: {  	_ =	task [dreg:s22], $0x5FFFF  }
0xbb: {  	[dreg:$0x1] =	wrdreg $0xFFFFFFFF  }
0xbc: {  	[dreg:$0x0] =	wrdreg $0x60  }
0xbd: {  	[dreg:$0x2] =	wrdreg s24  }
0xbe: {  	[dreg:$0x3] =	wrdreg $0xB  }
0xbf: {  	_ =	task.clear_ibuf [dreg:s22], $0x4FFFF;
	_ =	strace $0x9000004F  }
0xc0: {  	s29 =	simm.s32 $0xB;
	_ =	strace $0x80000051  }
0xc1: {  	_ =	swait.ge [sflag:s29], $0x1  }
0xc2: {  	[sflag:s29] =	ssyncadd.s32 $0xFFFFFFFF  }
0xc3: {  	_ =	strace $0x90000051  }
0xc4: {  	_ =	sfence  }
0xc5: {  	s30 =	sld [smem:$0x0];
	_ =	sdelay $0x2  }
0xc6: {  	s31 =	sshll.u32 s1, $0xD;
	s1 =	sshrl.u32 s1, $0x2  }
0xc7: {  	s4 =	sand.u32 $0x4000, s31;
	s1 =	sadd.s32 s1, s30  }
0xc8: {  	s0 =	sor.u32 s4, s0;
	s1 =	sshll.u32 s1, $0x11  }
0xc9: {  	s0 =	sor.u32 s1, s0  }
0xca: {  	s0 =	sadd.s32 $0x8F2B, s0  }
0xcb: {  	[sflag:s0] =	ssyncadd.remote.s32 $0x1  }
0xcc: {  	_ =	sfence.sel $0xFFFF  }
0xcd: {  	[dreg:$0x0] =	wrdreg $0xFFFFFFFF;
	(pc) =	sbr.abs _section_cstart, $3  }
0xce: {  	[dreg:$0x1] =	wrdreg $0xFFFFFFFF  }
0xcf: {  	_ =	task.clear_ibuf [dreg:s22], $0x2FFFF;
	_ =	strace $0x9FFFFFFF  }
0xd0: {  	(tm) =	ssettm $0x7FFFFFFF  }
0xd1: {  	_ =	shalt  }
tec
execute0_lowered:
.L_overlay_start_1:
0x0: {  	(tag) =	ssettag $0x1  }
0x1: {  	s0 =	srdreg.scid  }
0x2: {  	s1 =	sshll.u32 s0, $0x4  }
0x3: {  	s0 =	stileid.u32;
	s1 =	sand.u32 $0x10, s1  }
0x4: {  	s1 =	sor.u32 s0, s1  }
0x5: {  	s2 =	smul.u32 $0x1F, s1  }
0x6: {  	s3 =	smin.u32 s1, $0x8  }
0x7: {  	s2 =	sadd.s32 s3, s2  }
0x8: {  	p0 =	slt.u32 s1, $0x8;
	s1 =	simm.s32 $0x2800;
	s2 =	smul.u32 $0x140, s2  }
0x9: {  	s1 =	simm.s32 @!p0 $0x26C0  }
0xa: {  	s1 =	sadd.s32 s1, s2  }
0xb: {  	s3 =	smin.u32 s1, $0x4E200  }
0xc: {  	s7 =	ssub.s32 s3, s2  }
0xd: {  	p0 =	sgt.s32 s7, $0x0  }
0xe: {  	s7 =	simm.s32 @!p0 $0x0  }
0xf: {  	s4 =	smulhi.u32 $0x66666667, s7  }
0x10: {  	s9 =	rddreg [dreg:$0x0];
	s6 =	simm.s32 $0x1;
	s11 =	simm.s32 $0x3  }
0x11: {  	s13 =	simm.s32 $0x0;
	s12 =	simm.s32 $0x0;
	s8 =	sshrl.u32 s4, $0x7  }
0x12: {  	s1 =	rddreg [dreg:$0x1];
	_ =	strace $0x80000050;
	s10 =	smul.u32 $0x140, s8  }
.Ltmp0:
0x13: {  	s5 =	sadd.s32 $0x781C00, s9;
	[sflag:s6] =	ssyncpa.u1 $0x0;
	(pc) =	sbr.rel .LBB2_1-.Ltmp0, $4  }
0x14: {  	s4 =	sadd.s32 $0x795800, s9;
	p0 =	sne.s32 s7, s10;
	s10 =	simm.s32 $0x1  }
0x15: {  	s9 =	sadd.s32 $0xA06800, s9;
	s7 =	simm.s32 $0x2;
	s10 =	simm.s32 @!p0 $0x0  }
0x16: {  	[sflag:s7] =	ssyncpa.u1 $0x0;
	p0 =	por $0x0, $0x0;
	s8 =	sadd.s32 s10, s8  }
0x17: {  	vm0 =	vmmov $0xff;
	vm1 =	vcmask $0x3F20;
	[sflag:s11] =	ssyncpa.u1 $0x0;
	s11 =	smov.u32 s2;
	s10 =	sadd.s32 $0x1, s8  }
.LBB2_6:
0x18: {  	[hbm:s17] =	stream.linear.scatter [tilespmem:s14], [sflag:$0x3], $0x400, $0x38;
	[tilespmem:$0x14280] =	vst v63  }
.LBB2_7:
0x19: {  	s13 =	sadd.s32 $0x140, s11  }
0x1a: {  	s15 =	smov.u32 s2;
	p2 =	slt.s32 s13, s3  }
0x1b: {  	s15 =	smov.u32 @p2 s13;
	p2 =	sne.s32 s12, s10  }
.Ltmp1:
0x1c: {  	p1 =	slt.u32 s12, $0x2;
	(pc) =	sbr.rel @!p2 .LBB2_8-.Ltmp1, $4  }
0x1d: {  	s14 =	simm.s32 @!p1 $0x3  }
0x1e: {  	s16 =	sadd.s32 $0x1, s12;
	_ =	swait.ge @!p1 [sflag:s14], $0xA000  }
0x1f: {  	p0 =	por !p0, !p0;
	s13 =	smov.u32 s11;
	[sflag:s14] =	ssyncset.done @!p1 $0x0  }
0x20: {  	s12 =	smov.u32 s16;
	s11 =	smov.u32 s15;
	[sflag:s14] =	ssyncadd.s32 @!p1 $0xFFFF6000  }
.LBB2_1:
0x21: {  	p1 =	sge.u32 s12, s8  }
0x22: {  	s14 =	sxor.u32 @!p1 $0xFFFFFFFF, s12  }
0x23: {  	s14 =	sand.u32 @!p1 $0x1, s14  }
0x24: {  	s14 =	smul.u32 @!p1 $0x500, s14  }
0x25: {  	s31 =	sadd.s32 $0xFFFFFFFF, s12;
	s15 =	sshrl.u32 @!p1 s11, $0x3  }
0x26: {  	s16 =	sand.u32 @!p1 $0x7, s11;
	s15 =	sadd.s32 @!p1 s5, s15;
	s14 =	sshrl.u32 @!p1 s14, $0x2  }
0x27: {  	[tilespmem:s14], [sflag:$0x2] =	stream.linear.gather @!p1 [hbm4b:s15+s16], $0x140, $0x38;
	[tilespmem:$0x14280] =	vst v63  }
0x28: {  	p1 =	sge.u32 s31, s8  }
.Ltmp2:
0x29: {  	_ = 	snop;
	(pc) =	sbr.rel @p1 .LBB2_7-.Ltmp2, $1  }
0x2a: {  	_ =	sdelay $0x3  }
0x2b: {  	s14 =	simm.s32 $0x1  }
0x2c: {  	s14 =	simm.s32 @!p0 $0x0  }
0x2d: {  	s15 =	smul.u32 $0x500, s14  }
0x2e: {  	_ =	swait.ge [sflag:s7], $0x140  }
0x2f: {  	[sflag:s7] =	ssyncset.done $0x0;
	s16 =	sshrl.u32 s15, $0x2  }
0x30: {  	[sflag:s7] =	ssyncadd.s32 $0xFFFFFEC0;
	s15 =	sadd.s32 $0x0, s16  }
0x31: {  	v0 =	vld.msk [tilespmem:s15+$0x0 ss:$0x1], $0xffff;
	_ =	sdelay $0x4  }
0x32: {  	vm2 =	vgt.s32 v0, $0x0  }
0x33: {  	v0 =	vnsel vm2, $0x0, v0  }
0x34: {  	v0 =	vmin.u32 v0, $0x270FF  }
0x35: {  	v0 =	vshll.u32 v0, $0x4  }
0x36: {  	s14 =	smul.u32 $0x28000, s14;
	_ =	sdelay $0x1  }
0x37: {  	s14 =	sshrl.u32 s14, $0x2  }
0x38: {  	s14 =	sor.u32 $0x280, s14  }
0x39: {  	[tilespmem:s14], [sflag:$0x1] =	stream.indirect_vreg.gather [hbm:s4], $0x80, v0, vm0, $0x38;
	[tilespmem:$0x14280] =	vst v63  }
0x3a: {  	s17 =	sadd.s32 $0x10, s16;
	s15 =	sadd.s32 $0x400, s14  }
0x3b: {  	[tilespmem:s15], [sflag:$0x1] =	stream.indirect_vreg.gather [hbm:s4], $0x80, v0, vm1, $0x38;
	[tilespmem:$0x14280] =	vst v63  }
0x3c: {  	s18 =	simm.s32 $0x80;
	v0 =	vld.msk [tilespmem:s17+$0x0 ss:$0x1], $0xffff;
	s17 =	smov.u32 s14  }
.LBB2_3:
0x3d: {  	p1 =	sne.s32 s18, $0x4C0;
	_ =	sdelay $0x4  }
0x3e: {  	vm2 =	vgt.s32 v0, $0x0  }
0x3f: {  	v0 =	vnsel vm2, $0x0, v0  }
0x40: {  	v0 =	vmin.u32 v0, $0x270FF  }
0x41: {  	v0 =	vshll.u32 v0, $0x4;
	_ =	sdelay $0x3  }
.Ltmp3:
0x42: {  	s19 =	sshra.s32 s18, $0x2;
	s17 =	sadd.s32 $0x800, s17;
	(pc) =	sbr.rel @p1 .LBB2_3-.Ltmp3, $4  }
0x43: {  	[tilespmem:s17], [sflag:$0x1] =	stream.indirect_vreg.gather [hbm:s4], $0x80, v0, vm0, $0x38;
	[tilespmem:$0x14280] =	vst v63  }
0x44: {  	s19 =	sadd.s32 s19, s16;
	s20 =	sadd.s32 $0x400, s17  }
0x45: {  	[tilespmem:s20], [sflag:$0x1] =	stream.indirect_vreg.gather [hbm:s4], $0x80, v0, vm1, $0x38;
	[tilespmem:$0x14280] =	vst v63  }
0x46: {  	s18 =	sadd.s32 $0x40, s18;
	v0 =	vld.msk [tilespmem:s19+$0x0 ss:$0x1], $0xffff  }
0x47: {  	_ =	sdelay $0x3  }
0x48: {  	vm2 =	vgt.s32 v0, $0x0  }
0x49: {  	v0 =	vnsel vm2, $0x0, v0  }
0x4a: {  	v0 =	vmin.u32 v0, $0x270FF  }
0x4b: {  	v0 =	vshll.u32 v0, $0x4;
	_ =	sdelay $0x3  }
0x4c: {  	s16 =	sadd.s32 $0x800, s17  }
0x4d: {  	[tilespmem:s16], [sflag:$0x1] =	stream.indirect_vreg.gather [hbm:s4], $0x80, v0, vm0, $0x38;
	[tilespmem:$0x14280] =	vst v63  }
0x4e: {  	s16 =	sadd.s32 $0x400, s16  }
0x4f: {  	[tilespmem:s16], [sflag:$0x1] =	stream.indirect_vreg.gather [hbm:s4], $0x80, v0, vm1, $0x38;
	[tilespmem:$0x14280] =	vst v63  }
0x50: {  	s13 =	sshll.u32 s13, $0x4;
	_ =	swait.ge [sflag:s6], $0xA000  }
0x51: {  	s13 =	sadd.s32 s13, s9;
	[sflag:s6] =	ssyncset.done $0x0  }
0x52: {  	s17 =	sadd.s32 $0x0, s13;
	s16 =	simm.s32 $0x80;
	[sflag:s6] =	ssyncadd.s32 $0xFFFF6000  }
.LBB2_5:
0x53: {  	[hbm:s17] =	stream.linear.scatter [tilespmem:s14], [sflag:$0x3], $0x400, $0x38;
	[tilespmem:$0x14280] =	vst v63  }
0x54: {  	s17 =	smov.u32 s16;
	s14 =	smov.u32 s15;
	p1 =	sne.s32 s16, $0x1380  }
.Ltmp4:
0x55: {  	s16 =	sadd.s32 $0x80, s16;
	(pc) =	sbr.rel @p1 .LBB2_5-.Ltmp4, $2  }
0x56: {  	_ =	sdelay $0x2  }
0x57: {  	s15 =	sadd.s32 $0x400, s15;
	s17 =	sadd.s32 s17, s13  }
.Ltmp5:
0x58: {  	_ = 	snop;
	(pc) =	sbr.rel .LBB2_6-.Ltmp5, $1  }
0x59: {  	_ =	sdelay $0x3  }
.LBB2_8:
0x5a: {  	_ =	sfence.sel $0x180000  }
0x5b: {  	s2 =	simm.s32 $0x2;
	[bflag:$0x0] =	sbarrier.arrive $0xFFFF  }
0x5c: {  	s30 =	simm.s32 $0x3;
	[sflag:s2] =	ssyncpa.u1 $0x1  }
0x5d: {  	s31 =	simm.s32 $0x1;
	[sflag:s30] =	ssyncpa.u1 $0x1  }
0x5e: {  	[sflag:s31] =	ssyncpa.u1 $0x1  }
0x5f: {  	p0 =	sne.s32 s0, $0x0;
	_ =	strace $0x90000050  }
0x60: {  	s0 =	sadd.s32 @!p0 $0x100000, s1;
	[bflag:$0x2] =	sbarrier.arrive $0xFFFF  }
0x61: {  	[sflag:s0] =	ssyncadd.tile.s32 @!p0 $0x1;
	_ =	shalt  }
.Lfunc_end2:
_tile_overlayer_lowered:
.L_overlay_start_2:
0x62: {  	(tag) =	ssettag $0x2  }
0x63: {  	s0 =	rddreg [dreg:$0x0];
	s2 =	stileid.u32  }
0x64: {  	s1 =	rddreg [dreg:$0x1];
	p0 =	sne.s32 s2, $0x0  }
0x65: {  	s3 =	rddreg [dreg:$0x2];
	[bflag:$0x3] =	sbarrier.arrive $0xFFFF;
	s2 =	simm.s32 @!p0 $0x1C01  }
0x66: {  	[timem:s3], [sflag:s2] =	dma.local @!p0 [hbm:s0], s1  }
0x67: {  	s0 =	simm.s32 @!p0 $0x1  }
0x68: {  	_ =	swait.ge @!p0 [sflag:s0], s1  }
0x69: {  	s1 =	ssub.s32 @!p0 $0x0, s1;
	[sflag:s0] =	ssyncset.done @!p0 $0x0  }
0x6a: {  	[sflag:s0] =	ssyncadd.s32 @!p0 s1  }
0x6b: {  	[bflag:$0x3] =	sbarrier.arrive $0xFFFF  }
0x6c: {  	_ =	shalt  }

// kernel: gather_offload_async_start.2
scs
__scs_entry_jumppad:
0x0: {  	(pc) =	sbr.rel $0x88, $3  }
0x1: {  	(tag) =	ssettag $0x0;
	lr =	simm.s32 $0x1  }
0x2: {  	[smem:$0x3F8A] =	sst lr;
	_ =	strace $0xD0000000  }
0x3: {  	_ = 	snop  }
0x4: {  	_ = 	snop  }
0x5: {  	_ = 	snop  }
0x6: {  	_ = 	snop  }
0x7: {  	_ = 	snop  }
__scs_overlays_trampoline_lowered:
0x8: {  	[smem:$0x3F99] =	sst s0  }
0x9: {  	[smem:$0x3F9A] =	sst s1  }
0xa: {  	[smem:$0x3F9B] =	sst s2  }
0xb: {  	[smem:$0x3F9C] =	sst s3  }
0xc: {  	[smem:$0x3F9D] =	sst s4  }
0xd: {  	[smem:$0x3F9E] =	sst s5  }
0xe: {  	[smem:$0x3F9F] =	sst s6  }
0xf: {  	[smem:$0x3FA0] =	sst s7  }
0x10: {  	[smem:$0x3FA1] =	sst s8  }
0x11: {  	[smem:$0x3FA2] =	sst s9;
	s0 =	simm.s32 @!p0 $0x0  }
0x12: {  	s1 =	sld [smem:$0x3F88];
	s0 =	simm.s32 @p0 $0x1  }
0x13: {  	[smem:$0x3FA3] =	sst s0;
	s0 =	simm.s32 @!p1 $0x0  }
0x14: {  	s2 =	sld [smem:$0x3F87];
	s0 =	simm.s32 @p1 $0x1  }
0x15: {  	[smem:$0x3FA4] =	sst s0;
	s0 =	simm.s32 @!p2 $0x0  }
0x16: {  	s3 =	sld [smem:$0x3FDB];
	s0 =	simm.s32 @p2 $0x1  }
0x17: {  	s4 =	simm.s32 $0x1BF5;
	[smem:$0x3FA6] =	sst s0  }
0x18: {  	s0 =	sld [smem:$0x3F89];
	_ =	swait.ge [sflag:s4], $0x0  }
0x19: {  	s7 =	sld [smem:$0x3F8A]  }
0x1a: {  	s8 =	sadd.s32 $0xFFFFE003, lr  }
0x1b: {  	s9 =	sadd.s32 $0xFFFFFEF7, lr;
	s5 =	simm.s32 $0xFFFFFFFF;
	p2 =	slt.u32 s8, $0xFFFFF086  }
0x1c: {  	p1 =	slt.u32 s9, $0xF7A;
	s5 =	simm.s32 @!p2 $0x0  }
0x1d: {  	s5 =	simm.s32 @p1 $0x1;
	p0 =	seq.s32 s7, s2  }
0x1e: {  	s7 =	smul.u32 @!p0 $0xF7A, s2;
	p2 =	seq.s32 @!p0 s5, $0x0  }
0x1f: {  	s9 =	smul.u32 $0xF7A, s1;
	s8 =	simm.s32 @!p0 $0x1BF5;
	p2 =	por !p2, p0  }
0x20: {  	[sflag:s8] =	ssyncset.s32 @!p0 $0xFFFFF086;
	s6 =	sadd.s32 @!p0 s3, s7;
	s7 =	simm.s32 @!p0 $0x108  }
0x21: {  	s3 =	sadd.s32 s3, s9;
	s6 =	sadd.s32 @!p0 $0x88, s6;
	s7 =	simm.s32 @p2 $0x1082  }
0x22: {  	[simem:s7], [sflag:s8] =	dma.local @!p0 [hbm:s6], $0xF7A  }
0x23: {  	s9 =	sor.u32 $0xD0000000, s2;
	s6 =	simm.s32 $0x108;
	_ =	swait.ge @!p0 [sflag:s8], $0x0  }
0x24: {  	s3 =	sadd.s32 $0x88, s3;
	s6 =	simm.s32 @!p1 $0x1082;
	[sflag:s4] =	ssyncset.s32 $0xFFFFF086  }
0x25: {  	[simem:s6], [sflag:s4] =	dma.local [hbm:s3], $0xF7A  }
0x26: {  	[smem:$0x3F8A] =	sst s1;
	(tag) =	ssettag s2;
	_ =	strace s9  }
0x27: {  	s1 =	sld [smem:$0x3F9A]  }
0x28: {  	s2 =	sld [smem:$0x3F9B]  }
0x29: {  	s4 =	sld [smem:$0x3F9D]  }
0x2a: {  	p0 =	seq.s32 s5, $0x0;
	s5 =	sld [smem:$0x3F9E]  }
0x2b: {  	s6 =	sld [smem:$0x3F9F]  }
0x2c: {  	s7 =	sld [smem:$0x3FA0]  }
0x2d: {  	s3 =	simm.s32 $0x108;
	s8 =	sld [smem:$0x3FA1]  }
0x2e: {  	s3 =	simm.s32 @!p0 $0x1082;
	s9 =	sld [smem:$0x3FA2]  }
0x2f: {  	lr =	sadd.s32 s0, s3;
	s0 =	sld [smem:$0x3F99]  }
0x30: {  	s3 =	sld [smem:$0x3F9C]  }
0x31: {  	[smem:$0x3FA5] =	sst s10  }
0x32: {  	s10 =	sld [smem:$0x3FA3];
	_ =	sdelay $0x3  }
0x33: {  	p0 =	seq.s32 s10, $0x1;
	s10 =	sld [smem:$0x3FA5];
	_ =	sdelay $0x3  }
0x34: {  	[smem:$0x3FA5] =	sst s10  }
0x35: {  	s10 =	sld [smem:$0x3FA4];
	_ =	sdelay $0x3  }
0x36: {  	p1 =	seq.s32 s10, $0x1;
	s10 =	sld [smem:$0x3FA5];
	_ =	sdelay $0x3  }
0x37: {  	[smem:$0x3FA5] =	sst s10  }
0x38: {  	s10 =	sld [smem:$0x3FA6]  }
0x39: {  	_ = 	snop;
	(pc) =	sbr.ind lr, $3  }
0x3a: {  	_ = 	snop  }
0x3b: {  	_ = 	snop  }
0x3c: {  	p2 =	seq.s32 s10, $0x1;
	s10 =	sld [smem:$0x3FA5]  }
0x3d: {  	_ =	shalt  }
0x3e: {  	_ =	shalt  }
0x3f: {  	_ =	shalt  }
0x40: {  	_ =	shalt  }
0x41: {  	_ =	shalt  }
0x42: {  	_ =	shalt  }
0x43: {  	_ =	shalt  }
0x44: {  	_ =	shalt  }
0x45: {  	_ =	shalt  }
0x46: {  	_ =	shalt  }
0x47: {  	_ =	shalt  }
0x48: {  	_ =	shalt  }
0x49: {  	_ =	shalt  }
0x4a: {  	_ =	shalt  }
0x4b: {  	_ =	shalt  }
0x4c: {  	_ =	shalt  }
0x4d: {  	_ =	shalt  }
0x4e: {  	_ =	shalt  }
0x4f: {  	_ =	shalt  }
0x50: {  	_ =	shalt  }
0x51: {  	_ =	shalt  }
0x52: {  	_ =	shalt  }
0x53: {  	_ =	shalt  }
0x54: {  	_ =	shalt  }
0x55: {  	_ =	shalt  }
0x56: {  	_ =	shalt  }
0x57: {  	_ =	shalt  }
0x58: {  	_ =	shalt  }
0x59: {  	_ =	shalt  }
0x5a: {  	_ =	shalt  }
0x5b: {  	_ =	shalt  }
0x5c: {  	_ =	shalt  }
0x5d: {  	_ =	shalt  }
0x5e: {  	_ =	shalt  }
0x5f: {  	_ =	shalt  }
0x60: {  	_ =	shalt  }
0x61: {  	_ =	shalt  }
0x62: {  	_ =	shalt  }
0x63: {  	_ =	shalt  }
0x64: {  	_ =	shalt  }
0x65: {  	_ =	shalt  }
0x66: {  	_ =	shalt  }
0x67: {  	_ =	shalt  }
0x68: {  	_ =	shalt  }
0x69: {  	_ =	shalt  }
0x6a: {  	_ =	shalt  }
0x6b: {  	_ =	shalt  }
0x6c: {  	_ =	shalt  }
0x6d: {  	_ =	shalt  }
0x6e: {  	_ =	shalt  }
0x6f: {  	_ =	shalt  }
0x70: {  	_ =	shalt  }
0x71: {  	_ =	shalt  }
0x72: {  	_ =	shalt  }
0x73: {  	_ =	shalt  }
0x74: {  	_ =	shalt  }
0x75: {  	_ =	shalt  }
0x76: {  	_ =	shalt  }
0x77: {  	_ =	shalt  }
0x78: {  	_ =	shalt  }
0x79: {  	_ =	shalt  }
0x7a: {  	_ =	shalt  }
0x7b: {  	_ =	shalt  }
0x7c: {  	_ =	shalt  }
0x7d: {  	_ =	shalt  }
0x7e: {  	_ =	shalt  }
0x7f: {  	_ =	shalt  }
0x80: {  	_ =	shalt  }
0x81: {  	_ =	shalt  }
0x82: {  	_ =	shalt  }
0x83: {  	_ =	shalt  }
0x84: {  	_ =	shalt  }
0x85: {  	_ =	shalt  }
0x86: {  	_ =	shalt  }
0x87: {  	_ =	shalt  }
.Lfunc_end0:
.L_simem_size_0:
called_computation.4_lowered:
.L_overlay_start_0:
0x88: {  	s2 =	sld [smem:$0x3FD9]  }
0x89: {  	s3 =	sld [smem:$0x3FFE];
	_ =	sdelay $0x1  }
0x8a: {  	s1 =	srdreg.scid  }
0x8b: {  	s0 =	sand.u32 $0x1, s1  }
0x8c: {  	s16 =	sshll.u32 s0, $0xA;
	s2 =	sadd.s32 s3, s2  }
0x8d: {  	s2 =	sadd.s32 s2, s16  }
0x8e: {  	[smem:$0x3FB1] =	sst s2  }
0x8f: {  	_ = 	snop  }
0x90: {  	(tm) =	ssettm $0x1  }
0x91: {  	s17 =	sld [smem:$0x3FFB];
	_ =	sdelay $0x3  }
0x92: {  	_ =	strace s17  }
0x93: {  	s2 =	sld [smem:$0x3FFC];
	_ =	sdelay $0x3  }
0x94: {  	_ =	strace s2  }
0x95: {  	s2 =	sld [smem:$0x3FFD];
	_ =	sdelay $0x3  }
0x96: {  	_ =	strace s2  }
0x97: {  	_ =	strace $0x8FFFFFFF  }
0x98: {  	s18 =	sld [smem:$0x3FDB];
	_ =	sdelay $0x1  }
0x99: {  	s19 =	simm.s32 $_scs_section_size  }
0x9a: {  	s4 =	simm.s32 $_size__tile_overlayer_lowered;
	s5 =	simm.s32 $_tile_overlayer_lowered  }
0x9b: {  	s22 =	simm.s32 $0x1BFF;
	s21 =	sshll.u32 s5, $0x1;
	s2 =	sadd.s32 s19, s18  }
0x9c: {  	s6 =	simm.s32 $0x0;
	s20 =	sshll.u32 s4, $0x1;
	s4 =	sadd.s32 s21, s2  }
0x9d: {  	[timem:s6], [sflag:s22] =	dma.local [hbm:s4], s20  }
0x9e: {  	_ =	swait.ge [sflag:s22], s20  }
0x9f: {  	s3 =	ssub.s32 $0x0, s20;
	[sflag:s22] =	ssyncset.done $0x0  }
0xa0: {  	[sflag:s22] =	ssyncadd.s32 s3;
	_ =	sdelay $0x1  }
0xa1: {  	s23 =	simm.s32 $0x1B8B  }
0xa2: {  	_ =	swait.ge [sflag:s23], $0x1  }
0xa3: {  	[sflag:s23] =	ssyncset.done $0x0  }
0xa4: {  	s25 =	simm.s32 $0x1B8E;
	s24 =	sld [smem:$0x3FFE];
	[sflag:s23] =	ssyncadd.s32 $0xFFFFFFFF  }
0xa5: {  	s26 =	simm.s32 $execute0_lowered;
	[smem:$0x3FD2] =	sst s25  }
0xa6: {  	s4 =	sshll.u32 s26, $0x1;
	_ =	strace $0x80000058;
	[dreg:$0x1] =	wrdreg $0xFFFFFFFF  }
0xa7: {  	s28 =	simm.s32 $_size_execute0_lowered;
	s2 =	sadd.s32 s2, s4;
	[dreg:$0x0] =	wrdreg $0x0  }
0xa8: {  	s4 =	sshll.u32 s28, $0x1;
	[dreg:$0x2] =	wrdreg s2  }
0xa9: {  	[dreg:$0x3] =	wrdreg s4  }
0xaa: {  	[dreg:$0x4] =	wrdreg $0xC0  }
0xab: {  	_ =	task [dreg:s6], $0x5FFFF  }
0xac: {  	[dreg:$0x1] =	wrdreg $0xFFFFFFFF  }
0xad: {  	[dreg:$0x0] =	wrdreg $0x60  }
0xae: {  	[dreg:$0x2] =	wrdreg s24  }
0xaf: {  	[dreg:$0x3] =	wrdreg $0x9  }
0xb0: {  	_ =	task.clear_ibuf [dreg:s6], $0x4FFFF;
	_ =	strace $0x90000058  }
0xb1: {  	s29 =	simm.s32 $0x9;
	_ =	strace $0x8000005A  }
0xb2: {  	_ =	swait.ge [sflag:s29], $0x1  }
0xb3: {  	[sflag:s29] =	ssyncadd.s32 $0xFFFFFFFF  }
0xb4: {  	_ =	strace $0x9000005A  }
0xb5: {  	_ =	sfence  }
0xb6: {  	s30 =	sld [smem:$0x0];
	_ =	sdelay $0x2  }
0xb7: {  	s31 =	sshll.u32 s1, $0xD;
	s1 =	sshrl.u32 s1, $0x2  }
0xb8: {  	s3 =	sand.u32 $0x4000, s31;
	s1 =	sadd.s32 s1, s30  }
0xb9: {  	s0 =	sor.u32 s3, s0;
	s1 =	sshll.u32 s1, $0x11  }
0xba: {  	s0 =	sor.u32 s1, s0  }
0xbb: {  	s0 =	sadd.s32 $0x8F2B, s0  }
0xbc: {  	[sflag:s0] =	ssyncadd.remote.s32 $0x1  }
0xbd: {  	_ =	sfence.sel $0xFFFF  }
0xbe: {  	[dreg:$0x0] =	wrdreg $0xFFFFFFFF;
	(pc) =	sbr.abs _section_cstart, $3  }
0xbf: {  	[dreg:$0x1] =	wrdreg $0xFFFFFFFF  }
0xc0: {  	_ =	task.clear_ibuf [dreg:s6], $0x2FFFF;
	_ =	strace $0x9FFFFFFF  }
0xc1: {  	(tm) =	ssettm $0x7FFFFFFF  }
tec
execute0_lowered:
.L_overlay_start_1:
0x0: {  	(tag) =	ssettag $0x1  }
0x1: {  	s0 =	srdreg.scid  }
0x2: {  	s1 =	sshll.u32 s0, $0x4  }
0x3: {  	s0 =	stileid.u32;
	s1 =	sand.u32 $0x10, s1  }
0x4: {  	s1 =	sor.u32 s0, s1  }
0x5: {  	s2 =	smul.u32 $0x1F, s1  }
0x6: {  	s3 =	smin.u32 s1, $0x8  }
0x7: {  	s2 =	sadd.s32 s3, s2  }
0x8: {  	p0 =	slt.u32 s1, $0x8;
	s1 =	simm.s32 $0x2800;
	s2 =	smul.u32 $0x140, s2  }
0x9: {  	s1 =	simm.s32 @!p0 $0x26C0  }
0xa: {  	s1 =	sadd.s32 s1, s2  }
0xb: {  	s3 =	smin.u32 s1, $0x4E200  }
0xc: {  	s7 =	ssub.s32 s3, s2  }
0xd: {  	p0 =	sgt.s32 s7, $0x0  }
0xe: {  	s7 =	simm.s32 @!p0 $0x0  }
0xf: {  	s4 =	smulhi.u32 $0x66666667, s7  }
0x10: {  	s9 =	rddreg [dreg:$0x0];
	s6 =	simm.s32 $0x1;
	s11 =	simm.s32 $0x3  }
0x11: {  	s13 =	simm.s32 $0x0;
	s12 =	simm.s32 $0x0;
	s8 =	sshrl.u32 s4, $0x7  }
0x12: {  	s1 =	rddreg [dreg:$0x1];
	_ =	strace $0x80000059;
	s10 =	smul.u32 $0x140, s8  }
.Ltmp0:
0x13: {  	s5 =	sadd.s32 $0x78BA00, s9;
	[sflag:s6] =	ssyncpa.u1 $0x0;
	(pc) =	sbr.rel .LBB2_1-.Ltmp0, $4  }
0x14: {  	s4 =	sadd.s32 $0xEFC400, s9;
	p0 =	sne.s32 s7, s10;
	s10 =	simm.s32 $0x1  }
0x15: {  	s9 =	sadd.s32 $0xC000, s9;
	s7 =	simm.s32 $0x2;
	s10 =	simm.s32 @!p0 $0x0  }
0x16: {  	[sflag:s7] =	ssyncpa.u1 $0x0;
	p0 =	por $0x0, $0x0;
	s8 =	sadd.s32 s10, s8  }
0x17: {  	vm0 =	vmmov $0xff;
	vm1 =	vcmask $0x3F20;
	[sflag:s11] =	ssyncpa.u1 $0x0;
	s11 =	smov.u32 s2;
	s10 =	sadd.s32 $0x1, s8  }
.LBB2_6:
0x18: {  	[hbm:s17] =	stream.linear.scatter [tilespmem:s14], [sflag:$0x3], $0x400, $0x38;
	[tilespmem:$0x14280] =	vst v63  }
.LBB2_7:
0x19: {  	s13 =	sadd.s32 $0x140, s11  }
0x1a: {  	s15 =	smov.u32 s2;
	p2 =	slt.s32 s13, s3  }
0x1b: {  	s15 =	smov.u32 @p2 s13;
	p2 =	sne.s32 s12, s10  }
.Ltmp1:
0x1c: {  	p1 =	slt.u32 s12, $0x2;
	(pc) =	sbr.rel @!p2 .LBB2_8-.Ltmp1, $4  }
0x1d: {  	s14 =	simm.s32 @!p1 $0x3  }
0x1e: {  	s16 =	sadd.s32 $0x1, s12;
	_ =	swait.ge @!p1 [sflag:s14], $0xA000  }
0x1f: {  	p0 =	por !p0, !p0;
	s13 =	smov.u32 s11;
	[sflag:s14] =	ssyncset.done @!p1 $0x0  }
0x20: {  	s12 =	smov.u32 s16;
	s11 =	smov.u32 s15;
	[sflag:s14] =	ssyncadd.s32 @!p1 $0xFFFF6000  }
.LBB2_1:
0x21: {  	p1 =	sge.u32 s12, s8  }
0x22: {  	s14 =	sxor.u32 @!p1 $0xFFFFFFFF, s12  }
0x23: {  	s14 =	sand.u32 @!p1 $0x1, s14  }
0x24: {  	s14 =	smul.u32 @!p1 $0x500, s14  }
0x25: {  	s31 =	sadd.s32 $0xFFFFFFFF, s12;
	s15 =	sshrl.u32 @!p1 s11, $0x3  }
0x26: {  	s16 =	sand.u32 @!p1 $0x7, s11;
	s15 =	sadd.s32 @!p1 s5, s15;
	s14 =	sshrl.u32 @!p1 s14, $0x2  }
0x27: {  	[tilespmem:s14], [sflag:$0x2] =	stream.linear.gather @!p1 [hbm4b:s15+s16], $0x140, $0x38;
	[tilespmem:$0x14280] =	vst v63  }
0x28: {  	p1 =	sge.u32 s31, s8  }
.Ltmp2:
0x29: {  	_ = 	snop;
	(pc) =	sbr.rel @p1 .LBB2_7-.Ltmp2, $1  }
0x2a: {  	_ =	sdelay $0x3  }
0x2b: {  	s14 =	simm.s32 $0x1  }
0x2c: {  	s14 =	simm.s32 @!p0 $0x0  }
0x2d: {  	s15 =	smul.u32 $0x500, s14  }
0x2e: {  	_ =	swait.ge [sflag:s7], $0x140  }
0x2f: {  	[sflag:s7] =	ssyncset.done $0x0;
	s16 =	sshrl.u32 s15, $0x2  }
0x30: {  	[sflag:s7] =	ssyncadd.s32 $0xFFFFFEC0;
	s15 =	sadd.s32 $0x0, s16  }
0x31: {  	v0 =	vld.msk [tilespmem:s15+$0x0 ss:$0x1], $0xffff;
	_ =	sdelay $0x4  }
0x32: {  	vm2 =	vgt.s32 v0, $0x0  }
0x33: {  	v0 =	vnsel vm2, $0x0, v0  }
0x34: {  	v0 =	vmin.u32 v0, $0x270FF  }
0x35: {  	v0 =	vshll.u32 v0, $0x4  }
0x36: {  	s14 =	smul.u32 $0x28000, s14;
	_ =	sdelay $0x1  }
0x37: {  	s14 =	sshrl.u32 s14, $0x2  }
0x38: {  	s14 =	sor.u32 $0x280, s14  }
0x39: {  	[tilespmem:s14], [sflag:$0x1] =	stream.indirect_vreg.gather [hbm:s4], $0x80, v0, vm0, $0x38;
	[tilespmem:$0x14280] =	vst v63  }
0x3a: {  	s17 =	sadd.s32 $0x10, s16;
	s15 =	sadd.s32 $0x400, s14  }
0x3b: {  	[tilespmem:s15], [sflag:$0x1] =	stream.indirect_vreg.gather [hbm:s4], $0x80, v0, vm1, $0x38;
	[tilespmem:$0x14280] =	vst v63  }
0x3c: {  	s18 =	simm.s32 $0x80;
	v0 =	vld.msk [tilespmem:s17+$0x0 ss:$0x1], $0xffff;
	s17 =	smov.u32 s14  }
.LBB2_3:
0x3d: {  	p1 =	sne.s32 s18, $0x4C0;
	_ =	sdelay $0x4  }
0x3e: {  	vm2 =	vgt.s32 v0, $0x0  }
0x3f: {  	v0 =	vnsel vm2, $0x0, v0  }
0x40: {  	v0 =	vmin.u32 v0, $0x270FF  }
0x41: {  	v0 =	vshll.u32 v0, $0x4;
	_ =	sdelay $0x3  }
.Ltmp3:
0x42: {  	s19 =	sshra.s32 s18, $0x2;
	s17 =	sadd.s32 $0x800, s17;
	(pc) =	sbr.rel @p1 .LBB2_3-.Ltmp3, $4  }
0x43: {  	[tilespmem:s17], [sflag:$0x1] =	stream.indirect_vreg.gather [hbm:s4], $0x80, v0, vm0, $0x38;
	[tilespmem:$0x14280] =	vst v63  }
0x44: {  	s19 =	sadd.s32 s19, s16;
	s20 =	sadd.s32 $0x400, s17  }
0x45: {  	[tilespmem:s20], [sflag:$0x1] =	stream.indirect_vreg.gather [hbm:s4], $0x80, v0, vm1, $0x38;
	[tilespmem:$0x14280] =	vst v63  }
0x46: {  	s18 =	sadd.s32 $0x40, s18;
	v0 =	vld.msk [tilespmem:s19+$0x0 ss:$0x1], $0xffff  }
0x47: {  	_ =	sdelay $0x3  }
0x48: {  	vm2 =	vgt.s32 v0, $0x0  }
0x49: {  	v0 =	vnsel vm2, $0x0, v0  }
0x4a: {  	v0 =	vmin.u32 v0, $0x270FF  }
0x4b: {  	v0 =	vshll.u32 v0, $0x4;
	_ =	sdelay $0x3  }
0x4c: {  	s16 =	sadd.s32 $0x800, s17  }
0x4d: {  	[tilespmem:s16], [sflag:$0x1] =	stream.indirect_vreg.gather [hbm:s4], $0x80, v0, vm0, $0x38;
	[tilespmem:$0x14280] =	vst v63  }
0x4e: {  	s16 =	sadd.s32 $0x400, s16  }
0x4f: {  	[tilespmem:s16], [sflag:$0x1] =	stream.indirect_vreg.gather [hbm:s4], $0x80, v0, vm1, $0x38;
	[tilespmem:$0x14280] =	vst v63  }
0x50: {  	s13 =	sshll.u32 s13, $0x4;
	_ =	swait.ge [sflag:s6], $0xA000  }
0x51: {  	s13 =	sadd.s32 s13, s9;
	[sflag:s6] =	ssyncset.done $0x0  }
0x52: {  	s17 =	sadd.s32 $0x0, s13;
	s16 =	simm.s32 $0x80;
	[sflag:s6] =	ssyncadd.s32 $0xFFFF6000  }
.LBB2_5:
0x53: {  	[hbm:s17] =	stream.linear.scatter [tilespmem:s14], [sflag:$0x3], $0x400, $0x38;
	[tilespmem:$0x14280] =	vst v63  }
0x54: {  	s17 =	smov.u32 s16;
	s14 =	smov.u32 s15;
	p1 =	sne.s32 s16, $0x1380  }
.Ltmp4:
0x55: {  	s16 =	sadd.s32 $0x80, s16;
	(pc) =	sbr.rel @p1 .LBB2_5-.Ltmp4, $2  }
0x56: {  	_ =	sdelay $0x2  }
0x57: {  	s15 =	sadd.s32 $0x400, s15;
	s17 =	sadd.s32 s17, s13  }
.Ltmp5:
0x58: {  	_ = 	snop;
	(pc) =	sbr.rel .LBB2_6-.Ltmp5, $1  }
0x59: {  	_ =	sdelay $0x3  }
.LBB2_8:
0x5a: {  	_ =	sfence.sel $0x180000  }
0x5b: {  	s2 =	simm.s32 $0x2;
	[bflag:$0x0] =	sbarrier.arrive $0xFFFF  }
0x5c: {  	s30 =	simm.s32 $0x3;
	[sflag:s2] =	ssyncpa.u1 $0x1  }
0x5d: {  	s31 =	simm.s32 $0x1;
	[sflag:s30] =	ssyncpa.u1 $0x1  }
0x5e: {  	[sflag:s31] =	ssyncpa.u1 $0x1  }
0x5f: {  	p0 =	sne.s32 s0, $0x0;
	_ =	strace $0x90000059  }
0x60: {  	s0 =	sadd.s32 @!p0 $0x100000, s1;
	[bflag:$0x2] =	sbarrier.arrive $0xFFFF  }
0x61: {  	[sflag:s0] =	ssyncadd.tile.s32 @!p0 $0x1;
	_ =	shalt  }
.Lfunc_end2:
_tile_overlayer_lowered:
.L_overlay_start_2:
0x62: {  	(tag) =	ssettag $0x2  }
0x63: {  	s0 =	rddreg [dreg:$0x0];
	s2 =	stileid.u32  }
0x64: {  	s1 =	rddreg [dreg:$0x1];
	p0 =	sne.s32 s2, $0x0  }
0x65: {  	s3 =	rddreg [dreg:$0x2];
	[bflag:$0x3] =	sbarrier.arrive $0xFFFF;
	s2 =	simm.s32 @!p0 $0x1C01  }
0x66: {  	[timem:s3], [sflag:s2] =	dma.local @!p0 [hbm:s0], s1  }
0x67: {  	s0 =	simm.s32 @!p0 $0x1  }
0x68: {  	_ =	swait.ge @!p0 [sflag:s0], s1  }
0x69: {  	s1 =	ssub.s32 @!p0 $0x0, s1;
	[sflag:s0] =	ssyncset.done @!p0 $0x0  }
0x6a: {  	[sflag:s0] =	ssyncadd.s32 @!p0 s1  }
0x6b: {  	[bflag:$0x3] =	sbarrier.arrive $0xFFFF  }
0x6c: {  	_ =	shalt  }

// kernel: gather_offload_async_start
scs
__scs_entry_jumppad:
0x0: {  	(pc) =	sbr.rel $0x88, $3  }
0x1: {  	(tag) =	ssettag $0x0;
	lr =	simm.s32 $0x1  }
0x2: {  	[smem:$0x3F8A] =	sst lr;
	_ =	strace $0xD0000000  }
0x3: {  	_ = 	snop  }
0x4: {  	_ = 	snop  }
0x5: {  	_ = 	snop  }
0x6: {  	_ = 	snop  }
0x7: {  	_ = 	snop  }
__scs_overlays_trampoline_lowered:
0x8: {  	[smem:$0x3F99] =	sst s0  }
0x9: {  	[smem:$0x3F9A] =	sst s1  }
0xa: {  	[smem:$0x3F9B] =	sst s2  }
0xb: {  	[smem:$0x3F9C] =	sst s3  }
0xc: {  	[smem:$0x3F9D] =	sst s4  }
0xd: {  	[smem:$0x3F9E] =	sst s5  }
0xe: {  	[smem:$0x3F9F] =	sst s6  }
0xf: {  	[smem:$0x3FA0] =	sst s7  }
0x10: {  	[smem:$0x3FA1] =	sst s8  }
0x11: {  	[smem:$0x3FA2] =	sst s9;
	s0 =	simm.s32 @!p0 $0x0  }
0x12: {  	s1 =	sld [smem:$0x3F88];
	s0 =	simm.s32 @p0 $0x1  }
0x13: {  	[smem:$0x3FA3] =	sst s0;
	s0 =	simm.s32 @!p1 $0x0  }
0x14: {  	s2 =	sld [smem:$0x3F87];
	s0 =	simm.s32 @p1 $0x1  }
0x15: {  	[smem:$0x3FA4] =	sst s0;
	s0 =	simm.s32 @!p2 $0x0  }
0x16: {  	s3 =	sld [smem:$0x3FDB];
	s0 =	simm.s32 @p2 $0x1  }
0x17: {  	s4 =	simm.s32 $0x1BF5;
	[smem:$0x3FA6] =	sst s0  }
0x18: {  	s0 =	sld [smem:$0x3F89];
	_ =	swait.ge [sflag:s4], $0x0  }
0x19: {  	s7 =	sld [smem:$0x3F8A]  }
0x1a: {  	s8 =	sadd.s32 $0xFFFFE003, lr  }
0x1b: {  	s9 =	sadd.s32 $0xFFFFFEF7, lr;
	s5 =	simm.s32 $0xFFFFFFFF;
	p2 =	slt.u32 s8, $0xFFFFF086  }
0x1c: {  	p1 =	slt.u32 s9, $0xF7A;
	s5 =	simm.s32 @!p2 $0x0  }
0x1d: {  	s5 =	simm.s32 @p1 $0x1;
	p0 =	seq.s32 s7, s2  }
0x1e: {  	s7 =	smul.u32 @!p0 $0xF7A, s2;
	p2 =	seq.s32 @!p0 s5, $0x0  }
0x1f: {  	s9 =	smul.u32 $0xF7A, s1;
	s8 =	simm.s32 @!p0 $0x1BF5;
	p2 =	por !p2, p0  }
0x20: {  	[sflag:s8] =	ssyncset.s32 @!p0 $0xFFFFF086;
	s6 =	sadd.s32 @!p0 s3, s7;
	s7 =	simm.s32 @!p0 $0x108  }
0x21: {  	s3 =	sadd.s32 s3, s9;
	s6 =	sadd.s32 @!p0 $0x88, s6;
	s7 =	simm.s32 @p2 $0x1082  }
0x22: {  	[simem:s7], [sflag:s8] =	dma.local @!p0 [hbm:s6], $0xF7A  }
0x23: {  	s9 =	sor.u32 $0xD0000000, s2;
	s6 =	simm.s32 $0x108;
	_ =	swait.ge @!p0 [sflag:s8], $0x0  }
0x24: {  	s3 =	sadd.s32 $0x88, s3;
	s6 =	simm.s32 @!p1 $0x1082;
	[sflag:s4] =	ssyncset.s32 $0xFFFFF086  }
0x25: {  	[simem:s6], [sflag:s4] =	dma.local [hbm:s3], $0xF7A  }
0x26: {  	[smem:$0x3F8A] =	sst s1;
	(tag) =	ssettag s2;
	_ =	strace s9  }
0x27: {  	s1 =	sld [smem:$0x3F9A]  }
0x28: {  	s2 =	sld [smem:$0x3F9B]  }
0x29: {  	s4 =	sld [smem:$0x3F9D]  }
0x2a: {  	p0 =	seq.s32 s5, $0x0;
	s5 =	sld [smem:$0x3F9E]  }
0x2b: {  	s6 =	sld [smem:$0x3F9F]  }
0x2c: {  	s7 =	sld [smem:$0x3FA0]  }
0x2d: {  	s3 =	simm.s32 $0x108;
	s8 =	sld [smem:$0x3FA1]  }
0x2e: {  	s3 =	simm.s32 @!p0 $0x1082;
	s9 =	sld [smem:$0x3FA2]  }
0x2f: {  	lr =	sadd.s32 s0, s3;
	s0 =	sld [smem:$0x3F99]  }
0x30: {  	s3 =	sld [smem:$0x3F9C]  }
0x31: {  	[smem:$0x3FA5] =	sst s10  }
0x32: {  	s10 =	sld [smem:$0x3FA3];
	_ =	sdelay $0x3  }
0x33: {  	p0 =	seq.s32 s10, $0x1;
	s10 =	sld [smem:$0x3FA5];
	_ =	sdelay $0x3  }
0x34: {  	[smem:$0x3FA5] =	sst s10  }
0x35: {  	s10 =	sld [smem:$0x3FA4];
	_ =	sdelay $0x3  }
0x36: {  	p1 =	seq.s32 s10, $0x1;
	s10 =	sld [smem:$0x3FA5];
	_ =	sdelay $0x3  }
0x37: {  	[smem:$0x3FA5] =	sst s10  }
0x38: {  	s10 =	sld [smem:$0x3FA6]  }
0x39: {  	_ = 	snop;
	(pc) =	sbr.ind lr, $3  }
0x3a: {  	_ = 	snop  }
0x3b: {  	_ = 	snop  }
0x3c: {  	p2 =	seq.s32 s10, $0x1;
	s10 =	sld [smem:$0x3FA5]  }
0x3d: {  	_ =	shalt  }
0x3e: {  	_ =	shalt  }
0x3f: {  	_ =	shalt  }
0x40: {  	_ =	shalt  }
0x41: {  	_ =	shalt  }
0x42: {  	_ =	shalt  }
0x43: {  	_ =	shalt  }
0x44: {  	_ =	shalt  }
0x45: {  	_ =	shalt  }
0x46: {  	_ =	shalt  }
0x47: {  	_ =	shalt  }
0x48: {  	_ =	shalt  }
0x49: {  	_ =	shalt  }
0x4a: {  	_ =	shalt  }
0x4b: {  	_ =	shalt  }
0x4c: {  	_ =	shalt  }
0x4d: {  	_ =	shalt  }
0x4e: {  	_ =	shalt  }
0x4f: {  	_ =	shalt  }
0x50: {  	_ =	shalt  }
0x51: {  	_ =	shalt  }
0x52: {  	_ =	shalt  }
0x53: {  	_ =	shalt  }
0x54: {  	_ =	shalt  }
0x55: {  	_ =	shalt  }
0x56: {  	_ =	shalt  }
0x57: {  	_ =	shalt  }
0x58: {  	_ =	shalt  }
0x59: {  	_ =	shalt  }
0x5a: {  	_ =	shalt  }
0x5b: {  	_ =	shalt  }
0x5c: {  	_ =	shalt  }
0x5d: {  	_ =	shalt  }
0x5e: {  	_ =	shalt  }
0x5f: {  	_ =	shalt  }
0x60: {  	_ =	shalt  }
0x61: {  	_ =	shalt  }
0x62: {  	_ =	shalt  }
0x63: {  	_ =	shalt  }
0x64: {  	_ =	shalt  }
0x65: {  	_ =	shalt  }
0x66: {  	_ =	shalt  }
0x67: {  	_ =	shalt  }
0x68: {  	_ =	shalt  }
0x69: {  	_ =	shalt  }
0x6a: {  	_ =	shalt  }
0x6b: {  	_ =	shalt  }
0x6c: {  	_ =	shalt  }
0x6d: {  	_ =	shalt  }
0x6e: {  	_ =	shalt  }
0x6f: {  	_ =	shalt  }
0x70: {  	_ =	shalt  }
0x71: {  	_ =	shalt  }
0x72: {  	_ =	shalt  }
0x73: {  	_ =	shalt  }
0x74: {  	_ =	shalt  }
0x75: {  	_ =	shalt  }
0x76: {  	_ =	shalt  }
0x77: {  	_ =	shalt  }
0x78: {  	_ =	shalt  }
0x79: {  	_ =	shalt  }
0x7a: {  	_ =	shalt  }
0x7b: {  	_ =	shalt  }
0x7c: {  	_ =	shalt  }
0x7d: {  	_ =	shalt  }
0x7e: {  	_ =	shalt  }
0x7f: {  	_ =	shalt  }
0x80: {  	_ =	shalt  }
0x81: {  	_ =	shalt  }
0x82: {  	_ =	shalt  }
0x83: {  	_ =	shalt  }
0x84: {  	_ =	shalt  }
0x85: {  	_ =	shalt  }
0x86: {  	_ =	shalt  }
0x87: {  	_ =	shalt  }
.Lfunc_end0:
.L_simem_size_0:
called_computation.2_lowered:
.L_overlay_start_0:
0x88: {  	s2 =	sld [smem:$0x3FD9]  }
0x89: {  	s3 =	sld [smem:$0x3FFE];
	_ =	sdelay $0x1  }
0x8a: {  	s1 =	srdreg.scid  }
0x8b: {  	s0 =	sand.u32 $0x1, s1  }
0x8c: {  	s17 =	sshll.u32 s0, $0xA;
	s2 =	sadd.s32 s3, s2  }
0x8d: {  	s2 =	sadd.s32 s2, s17  }
0x8e: {  	[smem:$0x3FB1] =	sst s2  }
0x8f: {  	_ = 	snop  }
0x90: {  	(tm) =	ssettm $0x1  }
0x91: {  	s18 =	sld [smem:$0x3FFB];
	_ =	sdelay $0x3  }
0x92: {  	_ =	strace s18  }
0x93: {  	s2 =	sld [smem:$0x3FFC];
	_ =	sdelay $0x3  }
0x94: {  	_ =	strace s2  }
0x95: {  	s2 =	sld [smem:$0x3FFD];
	_ =	sdelay $0x3  }
0x96: {  	_ =	strace s2  }
0x97: {  	_ =	strace $0x8FFFFFFF  }
0x98: {  	s19 =	sld [smem:$0x3FDB];
	_ =	sdelay $0x1  }
0x99: {  	s20 =	simm.s32 $_scs_section_size  }
0x9a: {  	s4 =	simm.s32 $_size__tile_overlayer_lowered;
	s5 =	simm.s32 $_tile_overlayer_lowered  }
0x9b: {  	s6 =	simm.s32 $0x1BFF;
	s21 =	sshll.u32 s5, $0x1;
	s3 =	sadd.s32 s20, s19  }
0x9c: {  	s22 =	simm.s32 $0x0;
	s4 =	sshll.u32 s4, $0x1;
	s5 =	sadd.s32 s21, s3  }
0x9d: {  	[timem:s22], [sflag:s6] =	dma.local [hbm:s5], s4  }
0x9e: {  	_ =	swait.ge [sflag:s6], s4  }
0x9f: {  	s4 =	ssub.s32 $0x0, s4;
	[sflag:s6] =	ssyncset.done $0x0  }
0xa0: {  	[sflag:s6] =	ssyncadd.s32 s4;
	_ =	sdelay $0x1  }
0xa1: {  	s23 =	simm.s32 $0x1B8B  }
0xa2: {  	_ =	swait.ge [sflag:s23], $0x1  }
0xa3: {  	[sflag:s23] =	ssyncset.done $0x0  }
0xa4: {  	[sflag:s23] =	ssyncadd.s32 $0xFFFFFFFF  }
0xa5: {  	s4 =	sld [smem:$0x0]  }
0xa6: {  	s5 =	sand.u32 $0xFFFFFFFE, s1  }
0xa7: {  	p0 =	sne.s32 s1, s5  }
0xa8: {  	s5 =	sshll.u32 @p0 s5, $0xE  }
0xa9: {  	s5 =	sadd.s32 @p0 $0x11B8D, s5;
	s6 =	sshll.u32 @p0 s4, $0x11  }
0xaa: {  	s5 =	sor.u32 @p0 s6, s5  }
0xab: {  	[sflag:s5] =	ssyncadd.remote.s32 @p0 $0x1;
	_ =	sdelay $0x1  }
0xac: {  	s5 =	simm.s32 @p0 $0x1B8D  }
0xad: {  	_ =	swait.eq @p0 [sflag:s5], $0x1  }
0xae: {  	[sflag:s5] =	ssyncadd.s32 @p0 $0xFFFFFFFF  }
0xaf: {  	s6 =	sshll.u32 @!p0 s1, $0xE  }
0xb0: {  	s6 =	sor.u32 @!p0 $0x4000, s6;
	s5 =	simm.s32 @!p0 $0x1B8D  }
0xb1: {  	s4 =	sshll.u32 @!p0 s4, $0x11;
	s6 =	sadd.s32 @!p0 $0x11B8D, s6;
	_ =	swait.eq @!p0 [sflag:s5], $0x1  }
0xb2: {  	s4 =	sor.u32 @!p0 s4, s6;
	[sflag:s5] =	ssyncadd.s32 @!p0 $0xFFFFFFFF  }
0xb3: {  	s25 =	simm.s32 $0x1B8E;
	s24 =	sld [smem:$0x3FFE];
	[sflag:s4] =	ssyncadd.remote.s32 @!p0 $0x1  }
0xb4: {  	s26 =	simm.s32 $execute0_lowered;
	[smem:$0x3FD2] =	sst s25  }
0xb5: {  	s5 =	sshll.u32 s26, $0x1;
	_ =	strace $0x8000004C;
	[dreg:$0x1] =	wrdreg $0xFFFFFFFF  }
0xb6: {  	s28 =	simm.s32 $_size_execute0_lowered;
	s3 =	sadd.s32 s3, s5;
	[dreg:$0x0] =	wrdreg $0x0  }
0xb7: {  	s5 =	sshll.u32 s28, $0x1;
	[dreg:$0x2] =	wrdreg s3  }
0xb8: {  	[dreg:$0x3] =	wrdreg s5  }
0xb9: {  	[dreg:$0x4] =	wrdreg $0xC0  }
0xba: {  	_ =	task [dreg:s22], $0x5FFFF  }
0xbb: {  	[dreg:$0x1] =	wrdreg $0xFFFFFFFF  }
0xbc: {  	[dreg:$0x0] =	wrdreg $0x60  }
0xbd: {  	[dreg:$0x2] =	wrdreg s24  }
0xbe: {  	[dreg:$0x3] =	wrdreg $0xA  }
0xbf: {  	_ =	task.clear_ibuf [dreg:s22], $0x4FFFF;
	_ =	strace $0x9000004C  }
0xc0: {  	s29 =	simm.s32 $0xA;
	_ =	strace $0x8000004E  }
0xc1: {  	_ =	swait.ge [sflag:s29], $0x1  }
0xc2: {  	[sflag:s29] =	ssyncadd.s32 $0xFFFFFFFF  }
0xc3: {  	_ =	strace $0x9000004E  }
0xc4: {  	_ =	sfence  }
0xc5: {  	s30 =	sld [smem:$0x0];
	_ =	sdelay $0x2  }
0xc6: {  	s31 =	sshll.u32 s1, $0xD;
	s1 =	sshrl.u32 s1, $0x2  }
0xc7: {  	s4 =	sand.u32 $0x4000, s31;
	s1 =	sadd.s32 s1, s30  }
0xc8: {  	s0 =	sor.u32 s4, s0;
	s1 =	sshll.u32 s1, $0x11  }
0xc9: {  	s0 =	sor.u32 s1, s0  }
0xca: {  	s0 =	sadd.s32 $0x8F2B, s0  }
0xcb: {  	[sflag:s0] =	ssyncadd.remote.s32 $0x1  }
0xcc: {  	_ =	sfence.sel $0xFFFF  }
0xcd: {  	[dreg:$0x0] =	wrdreg $0xFFFFFFFF;
	(pc) =	sbr.abs _section_cstart, $3  }
0xce: {  	[dreg:$0x1] =	wrdreg $0xFFFFFFFF  }
0xcf: {  	_ =	task.clear_ibuf [dreg:s22], $0x2FFFF;
	_ =	strace $0x9FFFFFFF  }
0xd0: {  	(tm) =	ssettm $0x7FFFFFFF  }
0xd1: {  	_ =	shalt  }
tec
execute0_lowered:
.L_overlay_start_1:
0x0: {  	(tag) =	ssettag $0x1  }
0x1: {  	s0 =	srdreg.scid  }
0x2: {  	s1 =	sshll.u32 s0, $0x4  }
0x3: {  	s0 =	stileid.u32;
	s1 =	sand.u32 $0x10, s1  }
0x4: {  	s1 =	sor.u32 s0, s1  }
0x5: {  	s2 =	smul.u32 $0x1F, s1  }
0x6: {  	s3 =	smin.u32 s1, $0x8  }
0x7: {  	s2 =	sadd.s32 s3, s2  }
0x8: {  	p0 =	slt.u32 s1, $0x8;
	s1 =	simm.s32 $0x2800;
	s2 =	smul.u32 $0x140, s2  }
0x9: {  	s1 =	simm.s32 @!p0 $0x26C0  }
0xa: {  	s1 =	sadd.s32 s1, s2  }
0xb: {  	s3 =	smin.u32 s1, $0x4E200  }
0xc: {  	s7 =	ssub.s32 s3, s2  }
0xd: {  	p0 =	sgt.s32 s7, $0x0  }
0xe: {  	s7 =	simm.s32 @!p0 $0x0  }
0xf: {  	s4 =	smulhi.u32 $0x66666667, s7  }
0x10: {  	s9 =	rddreg [dreg:$0x0];
	s6 =	simm.s32 $0x1;
	s11 =	simm.s32 $0x3  }
0x11: {  	s13 =	simm.s32 $0x0;
	s12 =	simm.s32 $0x0;
	s8 =	sshrl.u32 s4, $0x7  }
0x12: {  	s1 =	rddreg [dreg:$0x1];
	_ =	strace $0x8000004D;
	s10 =	smul.u32 $0x140, s8  }
.Ltmp0:
0x13: {  	s5 =	sadd.s32 $0x78BA00, s9;
	[sflag:s6] =	ssyncpa.u1 $0x0;
	(pc) =	sbr.rel .LBB2_1-.Ltmp0, $4  }
0x14: {  	s4 =	sadd.s32 $0x795800, s9;
	p0 =	sne.s32 s7, s10;
	s10 =	simm.s32 $0x1  }
0x15: {  	s9 =	sadd.s32 $0xC000, s9;
	s7 =	simm.s32 $0x2;
	s10 =	simm.s32 @!p0 $0x0  }
0x16: {  	[sflag:s7] =	ssyncpa.u1 $0x0;
	p0 =	por $0x0, $0x0;
	s8 =	sadd.s32 s10, s8  }
0x17: {  	vm0 =	vmmov $0xff;
	vm1 =	vcmask $0x3F20;
	[sflag:s11] =	ssyncpa.u1 $0x0;
	s11 =	smov.u32 s2;
	s10 =	sadd.s32 $0x1, s8  }
.LBB2_6:
0x18: {  	[hbm:s17] =	stream.linear.scatter [tilespmem:s14], [sflag:$0x3], $0x400, $0x38;
	[tilespmem:$0x14280] =	vst v63  }
.LBB2_7:
0x19: {  	s13 =	sadd.s32 $0x140, s11  }
0x1a: {  	s15 =	smov.u32 s2;
	p2 =	slt.s32 s13, s3  }
0x1b: {  	s15 =	smov.u32 @p2 s13;
	p2 =	sne.s32 s12, s10  }
.Ltmp1:
0x1c: {  	p1 =	slt.u32 s12, $0x2;
	(pc) =	sbr.rel @!p2 .LBB2_8-.Ltmp1, $4  }
0x1d: {  	s14 =	simm.s32 @!p1 $0x3  }
0x1e: {  	s16 =	sadd.s32 $0x1, s12;
	_ =	swait.ge @!p1 [sflag:s14], $0xA000  }
0x1f: {  	p0 =	por !p0, !p0;
	s13 =	smov.u32 s11;
	[sflag:s14] =	ssyncset.done @!p1 $0x0  }
0x20: {  	s12 =	smov.u32 s16;
	s11 =	smov.u32 s15;
	[sflag:s14] =	ssyncadd.s32 @!p1 $0xFFFF6000  }
.LBB2_1:
0x21: {  	p1 =	sge.u32 s12, s8  }
0x22: {  	s14 =	sxor.u32 @!p1 $0xFFFFFFFF, s12  }
0x23: {  	s14 =	sand.u32 @!p1 $0x1, s14  }
0x24: {  	s14 =	smul.u32 @!p1 $0x500, s14  }
0x25: {  	s31 =	sadd.s32 $0xFFFFFFFF, s12;
	s15 =	sshrl.u32 @!p1 s11, $0x3  }
0x26: {  	s16 =	sand.u32 @!p1 $0x7, s11;
	s15 =	sadd.s32 @!p1 s5, s15;
	s14 =	sshrl.u32 @!p1 s14, $0x2  }
0x27: {  	[tilespmem:s14], [sflag:$0x2] =	stream.linear.gather @!p1 [hbm4b:s15+s16], $0x140, $0x38;
	[tilespmem:$0x14280] =	vst v63  }
0x28: {  	p1 =	sge.u32 s31, s8  }
.Ltmp2:
0x29: {  	_ = 	snop;
	(pc) =	sbr.rel @p1 .LBB2_7-.Ltmp2, $1  }
0x2a: {  	_ =	sdelay $0x3  }
0x2b: {  	s14 =	simm.s32 $0x1  }
0x2c: {  	s14 =	simm.s32 @!p0 $0x0  }
0x2d: {  	s15 =	smul.u32 $0x500, s14  }
0x2e: {  	_ =	swait.ge [sflag:s7], $0x140  }
0x2f: {  	[sflag:s7] =	ssyncset.done $0x0;
	s16 =	sshrl.u32 s15, $0x2  }
0x30: {  	[sflag:s7] =	ssyncadd.s32 $0xFFFFFEC0;
	s15 =	sadd.s32 $0x0, s16  }
0x31: {  	v0 =	vld.msk [tilespmem:s15+$0x0 ss:$0x1], $0xffff;
	_ =	sdelay $0x4  }
0x32: {  	vm2 =	vgt.s32 v0, $0x0  }
0x33: {  	v0 =	vnsel vm2, $0x0, v0  }
0x34: {  	v0 =	vmin.u32 v0, $0x270FF  }
0x35: {  	v0 =	vshll.u32 v0, $0x4  }
0x36: {  	s14 =	smul.u32 $0x28000, s14;
	_ =	sdelay $0x1  }
0x37: {  	s14 =	sshrl.u32 s14, $0x2  }
0x38: {  	s14 =	sor.u32 $0x280, s14  }
0x39: {  	[tilespmem:s14], [sflag:$0x1] =	stream.indirect_vreg.gather [hbm:s4], $0x80, v0, vm0, $0x38;
	[tilespmem:$0x14280] =	vst v63  }
0x3a: {  	s17 =	sadd.s32 $0x10, s16;
	s15 =	sadd.s32 $0x400, s14  }
0x3b: {  	[tilespmem:s15], [sflag:$0x1] =	stream.indirect_vreg.gather [hbm:s4], $0x80, v0, vm1, $0x38;
	[tilespmem:$0x14280] =	vst v63  }
0x3c: {  	s18 =	simm.s32 $0x80;
	v0 =	vld.msk [tilespmem:s17+$0x0 ss:$0x1], $0xffff;
	s17 =	smov.u32 s14  }
.LBB2_3:
0x3d: {  	p1 =	sne.s32 s18, $0x4C0;
	_ =	sdelay $0x4  }
0x3e: {  	vm2 =	vgt.s32 v0, $0x0  }
0x3f: {  	v0 =	vnsel vm2, $0x0, v0  }
0x40: {  	v0 =	vmin.u32 v0, $0x270FF  }
0x41: {  	v0 =	vshll.u32 v0, $0x4;
	_ =	sdelay $0x3  }
.Ltmp3:
0x42: {  	s19 =	sshra.s32 s18, $0x2;
	s17 =	sadd.s32 $0x800, s17;
	(pc) =	sbr.rel @p1 .LBB2_3-.Ltmp3, $4  }
0x43: {  	[tilespmem:s17], [sflag:$0x1] =	stream.indirect_vreg.gather [hbm:s4], $0x80, v0, vm0, $0x38;
	[tilespmem:$0x14280] =	vst v63  }
0x44: {  	s19 =	sadd.s32 s19, s16;
	s20 =	sadd.s32 $0x400, s17  }
0x45: {  	[tilespmem:s20], [sflag:$0x1] =	stream.indirect_vreg.gather [hbm:s4], $0x80, v0, vm1, $0x38;
	[tilespmem:$0x14280] =	vst v63  }
0x46: {  	s18 =	sadd.s32 $0x40, s18;
	v0 =	vld.msk [tilespmem:s19+$0x0 ss:$0x1], $0xffff  }
0x47: {  	_ =	sdelay $0x3  }
0x48: {  	vm2 =	vgt.s32 v0, $0x0  }
0x49: {  	v0 =	vnsel vm2, $0x0, v0  }
0x4a: {  	v0 =	vmin.u32 v0, $0x270FF  }
0x4b: {  	v0 =	vshll.u32 v0, $0x4;
	_ =	sdelay $0x3  }
0x4c: {  	s16 =	sadd.s32 $0x800, s17  }
0x4d: {  	[tilespmem:s16], [sflag:$0x1] =	stream.indirect_vreg.gather [hbm:s4], $0x80, v0, vm0, $0x38;
	[tilespmem:$0x14280] =	vst v63  }
0x4e: {  	s16 =	sadd.s32 $0x400, s16  }
0x4f: {  	[tilespmem:s16], [sflag:$0x1] =	stream.indirect_vreg.gather [hbm:s4], $0x80, v0, vm1, $0x38;
	[tilespmem:$0x14280] =	vst v63  }
0x50: {  	s13 =	sshll.u32 s13, $0x4;
	_ =	swait.ge [sflag:s6], $0xA000  }
0x51: {  	s13 =	sadd.s32 s13, s9;
	[sflag:s6] =	ssyncset.done $0x0  }
0x52: {  	s17 =	sadd.s32 $0x0, s13;
	s16 =	simm.s32 $0x80;
	[sflag:s6] =	ssyncadd.s32 $0xFFFF6000  }
.LBB2_5:
0x53: {  	[hbm:s17] =	stream.linear.scatter [tilespmem:s14], [sflag:$0x3], $0x400, $0x38;
	[tilespmem:$0x14280] =	vst v63  }
0x54: {  	s17 =	smov.u32 s16;
	s14 =	smov.u32 s15;
	p1 =	sne.s32 s16, $0x1380  }
.Ltmp4:
0x55: {  	s16 =	sadd.s32 $0x80, s16;
	(pc) =	sbr.rel @p1 .LBB2_5-.Ltmp4, $2  }
0x56: {  	_ =	sdelay $0x2  }
0x57: {  	s15 =	sadd.s32 $0x400, s15;
	s17 =	sadd.s32 s17, s13  }
.Ltmp5:
0x58: {  	_ = 	snop;
	(pc) =	sbr.rel .LBB2_6-.Ltmp5, $1  }
0x59: {  	_ =	sdelay $0x3  }
.LBB2_8:
0x5a: {  	_ =	sfence.sel $0x180000  }
0x5b: {  	s2 =	simm.s32 $0x2;
	[bflag:$0x0] =	sbarrier.arrive $0xFFFF  }
0x5c: {  	s30 =	simm.s32 $0x3;
	[sflag:s2] =	ssyncpa.u1 $0x1  }
0x5d: {  	s31 =	simm.s32 $0x1;
	[sflag:s30] =	ssyncpa.u1 $0x1  }
0x5e: {  	[sflag:s31] =	ssyncpa.u1 $0x1  }
0x5f: {  	p0 =	sne.s32 s0, $0x0;
	_ =	strace $0x9000004D  }
0x60: {  	s0 =	sadd.s32 @!p0 $0x100000, s1;
	[bflag:$0x2] =	sbarrier.arrive $0xFFFF  }
0x61: {  	[sflag:s0] =	ssyncadd.tile.s32 @!p0 $0x1;
	_ =	shalt  }
.Lfunc_end2:
_tile_overlayer_lowered:
.L_overlay_start_2:
0x62: {  	(tag) =	ssettag $0x2  }
0x63: {  	s0 =	rddreg [dreg:$0x0];
	s2 =	stileid.u32  }
0x64: {  	s1 =	rddreg [dreg:$0x1];
	p0 =	sne.s32 s2, $0x0  }
0x65: {  	s3 =	rddreg [dreg:$0x2];
	[bflag:$0x3] =	sbarrier.arrive $0xFFFF;
	s2 =	simm.s32 @!p0 $0x1C01  }
0x66: {  	[timem:s3], [sflag:s2] =	dma.local @!p0 [hbm:s0], s1  }
0x67: {  	s0 =	simm.s32 @!p0 $0x1  }
0x68: {  	_ =	swait.ge @!p0 [sflag:s0], s1  }
0x69: {  	s1 =	ssub.s32 @!p0 $0x0, s1;
	[sflag:s0] =	ssyncset.done @!p0 $0x0  }
0x6a: {  	[sflag:s0] =	ssyncadd.s32 @!p0 s1  }
0x6b: {  	[bflag:$0x3] =	sbarrier.arrive $0xFFFF  }
0x6c: {  	_ =	shalt  }

// kernel: kernel.10.cloned.1.call-start
scs
__scs_entry_jumppad:
0x0: {  	(pc) =	sbr.rel $0x88, $3  }
0x1: {  	(tag) =	ssettag $0x0;
	lr =	simm.s32 $0x1  }
0x2: {  	[smem:$0x3F8A] =	sst lr;
	_ =	strace $0xD0000000  }
0x3: {  	_ = 	snop  }
0x4: {  	_ = 	snop  }
0x5: {  	_ = 	snop  }
0x6: {  	_ = 	snop  }
0x7: {  	_ = 	snop  }
__scs_overlays_trampoline_lowered:
0x8: {  	[smem:$0x3F99] =	sst s0  }
0x9: {  	[smem:$0x3F9A] =	sst s1  }
0xa: {  	[smem:$0x3F9B] =	sst s2  }
0xb: {  	[smem:$0x3F9C] =	sst s3  }
0xc: {  	[smem:$0x3F9D] =	sst s4  }
0xd: {  	[smem:$0x3F9E] =	sst s5  }
0xe: {  	[smem:$0x3F9F] =	sst s6  }
0xf: {  	[smem:$0x3FA0] =	sst s7  }
0x10: {  	[smem:$0x3FA1] =	sst s8  }
0x11: {  	[smem:$0x3FA2] =	sst s9;
	s0 =	simm.s32 @!p0 $0x0  }
0x12: {  	s1 =	sld [smem:$0x3F88];
	s0 =	simm.s32 @p0 $0x1  }
0x13: {  	[smem:$0x3FA3] =	sst s0;
	s0 =	simm.s32 @!p1 $0x0  }
0x14: {  	s2 =	sld [smem:$0x3F87];
	s0 =	simm.s32 @p1 $0x1  }
0x15: {  	[smem:$0x3FA4] =	sst s0;
	s0 =	simm.s32 @!p2 $0x0  }
0x16: {  	s3 =	sld [smem:$0x3FDB];
	s0 =	simm.s32 @p2 $0x1  }
0x17: {  	s4 =	simm.s32 $0x1BF5;
	[smem:$0x3FA6] =	sst s0  }
0x18: {  	s0 =	sld [smem:$0x3F89];
	_ =	swait.ge [sflag:s4], $0x0  }
0x19: {  	s7 =	sld [smem:$0x3F8A]  }
0x1a: {  	s8 =	sadd.s32 $0xFFFFE003, lr  }
0x1b: {  	s9 =	sadd.s32 $0xFFFFFEF7, lr;
	s5 =	simm.s32 $0xFFFFFFFF;
	p2 =	slt.u32 s8, $0xFFFFF086  }
0x1c: {  	p1 =	slt.u32 s9, $0xF7A;
	s5 =	simm.s32 @!p2 $0x0  }
0x1d: {  	s5 =	simm.s32 @p1 $0x1;
	p0 =	seq.s32 s7, s2  }
0x1e: {  	s7 =	smul.u32 @!p0 $0xF7A, s2;
	p2 =	seq.s32 @!p0 s5, $0x0  }
0x1f: {  	s9 =	smul.u32 $0xF7A, s1;
	s8 =	simm.s32 @!p0 $0x1BF5;
	p2 =	por !p2, p0  }
0x20: {  	[sflag:s8] =	ssyncset.s32 @!p0 $0xFFFFF086;
	s6 =	sadd.s32 @!p0 s3, s7;
	s7 =	simm.s32 @!p0 $0x108  }
0x21: {  	s3 =	sadd.s32 s3, s9;
	s6 =	sadd.s32 @!p0 $0x88, s6;
	s7 =	simm.s32 @p2 $0x1082  }
0x22: {  	[simem:s7], [sflag:s8] =	dma.local @!p0 [hbm:s6], $0xF7A  }
0x23: {  	s9 =	sor.u32 $0xD0000000, s2;
	s6 =	simm.s32 $0x108;
	_ =	swait.ge @!p0 [sflag:s8], $0x0  }
0x24: {  	s3 =	sadd.s32 $0x88, s3;
	s6 =	simm.s32 @!p1 $0x1082;
	[sflag:s4] =	ssyncset.s32 $0xFFFFF086  }
0x25: {  	[simem:s6], [sflag:s4] =	dma.local [hbm:s3], $0xF7A  }
0x26: {  	[smem:$0x3F8A] =	sst s1;
	(tag) =	ssettag s2;
	_ =	strace s9  }
0x27: {  	s1 =	sld [smem:$0x3F9A]  }
0x28: {  	s2 =	sld [smem:$0x3F9B]  }
0x29: {  	s4 =	sld [smem:$0x3F9D]  }
0x2a: {  	p0 =	seq.s32 s5, $0x0;
	s5 =	sld [smem:$0x3F9E]  }
0x2b: {  	s6 =	sld [smem:$0x3F9F]  }
0x2c: {  	s7 =	sld [smem:$0x3FA0]  }
0x2d: {  	s3 =	simm.s32 $0x108;
	s8 =	sld [smem:$0x3FA1]  }
0x2e: {  	s3 =	simm.s32 @!p0 $0x1082;
	s9 =	sld [smem:$0x3FA2]  }
0x2f: {  	lr =	sadd.s32 s0, s3;
	s0 =	sld [smem:$0x3F99]  }
0x30: {  	s3 =	sld [smem:$0x3F9C]  }
0x31: {  	[smem:$0x3FA5] =	sst s10  }
0x32: {  	s10 =	sld [smem:$0x3FA3];
	_ =	sdelay $0x3  }
0x33: {  	p0 =	seq.s32 s10, $0x1;
	s10 =	sld [smem:$0x3FA5];
	_ =	sdelay $0x3  }
0x34: {  	[smem:$0x3FA5] =	sst s10  }
0x35: {  	s10 =	sld [smem:$0x3FA4];
	_ =	sdelay $0x3  }
0x36: {  	p1 =	seq.s32 s10, $0x1;
	s10 =	sld [smem:$0x3FA5];
	_ =	sdelay $0x3  }
0x37: {  	[smem:$0x3FA5] =	sst s10  }
0x38: {  	s10 =	sld [smem:$0x3FA6]  }
0x39: {  	_ = 	snop;
	(pc) =	sbr.ind lr, $3  }
0x3a: {  	_ = 	snop  }
0x3b: {  	_ = 	snop  }
0x3c: {  	p2 =	seq.s32 s10, $0x1;
	s10 =	sld [smem:$0x3FA5]  }
0x3d: {  	_ =	shalt  }
0x3e: {  	_ =	shalt  }
0x3f: {  	_ =	shalt  }
0x40: {  	_ =	shalt  }
0x41: {  	_ =	shalt  }
0x42: {  	_ =	shalt  }
0x43: {  	_ =	shalt  }
0x44: {  	_ =	shalt  }
0x45: {  	_ =	shalt  }
0x46: {  	_ =	shalt  }
0x47: {  	_ =	shalt  }
0x48: {  	_ =	shalt  }
0x49: {  	_ =	shalt  }
0x4a: {  	_ =	shalt  }
0x4b: {  	_ =	shalt  }
0x4c: {  	_ =	shalt  }
0x4d: {  	_ =	shalt  }
0x4e: {  	_ =	shalt  }
0x4f: {  	_ =	shalt  }
0x50: {  	_ =	shalt  }
0x51: {  	_ =	shalt  }
0x52: {  	_ =	shalt  }
0x53: {  	_ =	shalt  }
0x54: {  	_ =	shalt  }
0x55: {  	_ =	shalt  }
0x56: {  	_ =	shalt  }
0x57: {  	_ =	shalt  }
0x58: {  	_ =	shalt  }
0x59: {  	_ =	shalt  }
0x5a: {  	_ =	shalt  }
0x5b: {  	_ =	shalt  }
0x5c: {  	_ =	shalt  }
0x5d: {  	_ =	shalt  }
0x5e: {  	_ =	shalt  }
0x5f: {  	_ =	shalt  }
0x60: {  	_ =	shalt  }
0x61: {  	_ =	shalt  }
0x62: {  	_ =	shalt  }
0x63: {  	_ =	shalt  }
0x64: {  	_ =	shalt  }
0x65: {  	_ =	shalt  }
0x66: {  	_ =	shalt  }
0x67: {  	_ =	shalt  }
0x68: {  	_ =	shalt  }
0x69: {  	_ =	shalt  }
0x6a: {  	_ =	shalt  }
0x6b: {  	_ =	shalt  }
0x6c: {  	_ =	shalt  }
0x6d: {  	_ =	shalt  }
0x6e: {  	_ =	shalt  }
0x6f: {  	_ =	shalt  }
0x70: {  	_ =	shalt  }
0x71: {  	_ =	shalt  }
0x72: {  	_ =	shalt  }
0x73: {  	_ =	shalt  }
0x74: {  	_ =	shalt  }
0x75: {  	_ =	shalt  }
0x76: {  	_ =	shalt  }
0x77: {  	_ =	shalt  }
0x78: {  	_ =	shalt  }
0x79: {  	_ =	shalt  }
0x7a: {  	_ =	shalt  }
0x7b: {  	_ =	shalt  }
0x7c: {  	_ =	shalt  }
0x7d: {  	_ =	shalt  }
0x7e: {  	_ =	shalt  }
0x7f: {  	_ =	shalt  }
0x80: {  	_ =	shalt  }
0x81: {  	_ =	shalt  }
0x82: {  	_ =	shalt  }
0x83: {  	_ =	shalt  }
0x84: {  	_ =	shalt  }
0x85: {  	_ =	shalt  }
0x86: {  	_ =	shalt  }
0x87: {  	_ =	shalt  }
.Lfunc_end0:
.L_simem_size_0:
called_computation.5_lowered:
.L_overlay_start_0:
0x88: {  	s2 =	sld [smem:$0x3FD9]  }
0x89: {  	s3 =	sld [smem:$0x3FFE];
	_ =	sdelay $0x1  }
0x8a: {  	s1 =	srdreg.scid  }
0x8b: {  	s0 =	sand.u32 $0x1, s1  }
0x8c: {  	s15 =	sshll.u32 s0, $0xA;
	s2 =	sadd.s32 s3, s2  }
0x8d: {  	s2 =	sadd.s32 s2, s15  }
0x8e: {  	[smem:$0x3FB1] =	sst s2  }
0x8f: {  	_ = 	snop  }
0x90: {  	s2 =	sld [smem:$0x3FD0];
	_ =	sdelay $0x2  }
0x91: {  	s16 =	simm.s32 $0xC;
	s4 =	simm.s32 $0x10  }
0x92: {  	[smem:s4], [sflag:s16] =	dma.local [hbm:s2], $0x1  }
0x93: {  	_ =	swait.eq [sflag:s16], $0x1  }
0x94: {  	[sflag:s16] =	ssyncset.done $0x0  }
0x95: {  	[sflag:s16] =	ssyncadd.s32 $0xFFFFFFFF  }
0x96: {  	s17 =	sld [smem:$0x12];
	(tm) =	ssettm $0x1  }
0x97: {  	s18 =	sld [smem:$0x3FFB];
	_ =	sdelay $0x3  }
0x98: {  	_ =	strace s18  }
0x99: {  	s2 =	sld [smem:$0x3FFC];
	_ =	sdelay $0x3  }
0x9a: {  	_ =	strace s2  }
0x9b: {  	s2 =	sld [smem:$0x3FFD];
	_ =	sdelay $0x3  }
0x9c: {  	_ =	strace s2  }
0x9d: {  	_ =	strace $0x8FFFFFFF  }
0x9e: {  	s19 =	sld [smem:$0x3FDB];
	_ =	sdelay $0x1  }
0x9f: {  	s20 =	simm.s32 $_scs_section_size  }
0xa0: {  	s5 =	simm.s32 $_size__tile_overlayer_lowered;
	s6 =	simm.s32 $_tile_overlayer_lowered  }
0xa1: {  	s7 =	simm.s32 $0x1BFF;
	s21 =	sshll.u32 s6, $0x1;
	s4 =	sadd.s32 s20, s19  }
0xa2: {  	s22 =	simm.s32 $0x0;
	s5 =	sshll.u32 s5, $0x1;
	s6 =	sadd.s32 s21, s4  }
0xa3: {  	[timem:s22], [sflag:s7] =	dma.local [hbm:s6], s5  }
0xa4: {  	_ =	swait.ge [sflag:s7], s5  }
0xa5: {  	s5 =	ssub.s32 $0x0, s5;
	[sflag:s7] =	ssyncset.done $0x0  }
0xa6: {  	[sflag:s7] =	ssyncadd.s32 s5;
	_ =	sdelay $0x1  }
0xa7: {  	s23 =	simm.s32 $0x1B8B  }
0xa8: {  	_ =	swait.ge [sflag:s23], $0x1  }
0xa9: {  	[sflag:s23] =	ssyncset.done $0x0  }
0xaa: {  	[sflag:s23] =	ssyncadd.s32 $0xFFFFFFFF  }
0xab: {  	s5 =	sld [smem:$0x0]  }
0xac: {  	s6 =	sand.u32 $0xFFFFFFFE, s1  }
0xad: {  	p0 =	sne.s32 s1, s6  }
0xae: {  	s6 =	sshll.u32 @p0 s6, $0xE  }
0xaf: {  	s6 =	sadd.s32 @p0 $0x11B8D, s6;
	s7 =	sshll.u32 @p0 s5, $0x11  }
0xb0: {  	s6 =	sor.u32 @p0 s7, s6  }
0xb1: {  	[sflag:s6] =	ssyncadd.remote.s32 @p0 $0x1;
	_ =	sdelay $0x1  }
0xb2: {  	s6 =	simm.s32 @p0 $0x1B8D  }
0xb3: {  	_ =	swait.eq @p0 [sflag:s6], $0x1  }
0xb4: {  	[sflag:s6] =	ssyncadd.s32 @p0 $0xFFFFFFFF  }
0xb5: {  	s7 =	sshll.u32 @!p0 s1, $0xE  }
0xb6: {  	s7 =	sor.u32 @!p0 $0x4000, s7;
	s6 =	simm.s32 @!p0 $0x1B8D  }
0xb7: {  	s5 =	sshll.u32 @!p0 s5, $0x11;
	s7 =	sadd.s32 @!p0 $0x11B8D, s7;
	_ =	swait.eq @!p0 [sflag:s6], $0x1  }
0xb8: {  	s5 =	sor.u32 @!p0 s5, s7;
	[sflag:s6] =	ssyncadd.s32 @!p0 $0xFFFFFFFF  }
0xb9: {  	s25 =	simm.s32 $0x1B8E;
	s24 =	sld [smem:$0x3FFE];
	[sflag:s5] =	ssyncadd.remote.s32 @!p0 $0x1  }
0xba: {  	s26 =	simm.s32 $execute0_lowered;
	[smem:$0x3FD2] =	sst s25  }
0xbb: {  	s6 =	sshll.u32 s26, $0x1;
	_ =	strace $0x80000049;
	[dreg:$0x1] =	wrdreg $0xFFFFFFFF  }
0xbc: {  	s28 =	simm.s32 $_size_execute0_lowered;
	s4 =	sadd.s32 s4, s6;
	[dreg:$0x0] =	wrdreg $0x0  }
0xbd: {  	s6 =	sshll.u32 s28, $0x1;
	[dreg:$0x2] =	wrdreg s4  }
0xbe: {  	[dreg:$0x3] =	wrdreg s6  }
0xbf: {  	[dreg:$0x4] =	wrdreg $0xC0  }
0xc0: {  	_ =	task [dreg:s22], $0x5FFFF  }
0xc1: {  	[dreg:$0x1] =	wrdreg $0xFFFFFFFF  }
0xc2: {  	[dreg:$0x0] =	wrdreg $0x60  }
0xc3: {  	[dreg:$0x2] =	wrdreg s24  }
0xc4: {  	[dreg:$0x3] =	wrdreg s17  }
0xc5: {  	[dreg:$0x4] =	wrdreg $0x9  }
0xc6: {  	_ =	task.clear_ibuf [dreg:s22], $0x5FFFF;
	_ =	strace $0x90000049  }
0xc7: {  	s29 =	simm.s32 $0x9;
	_ =	strace $0x8000004B  }
0xc8: {  	_ =	swait.ge [sflag:s29], $0x1  }
0xc9: {  	[sflag:s29] =	ssyncadd.s32 $0xFFFFFFFF  }
0xca: {  	_ =	strace $0x9000004B  }
0xcb: {  	_ =	sfence  }
0xcc: {  	s30 =	sld [smem:$0x0];
	_ =	sdelay $0x2  }
0xcd: {  	s31 =	sshll.u32 s1, $0xD;
	s1 =	sshrl.u32 s1, $0x2  }
0xce: {  	s4 =	sand.u32 $0x4000, s31;
	s1 =	sadd.s32 s1, s30  }
0xcf: {  	s0 =	sor.u32 s4, s0;
	s1 =	sshll.u32 s1, $0x11  }
0xd0: {  	s0 =	sor.u32 s1, s0  }
0xd1: {  	s0 =	sadd.s32 $0x8F2B, s0  }
0xd2: {  	[sflag:s0] =	ssyncadd.remote.s32 $0x1  }
0xd3: {  	_ =	sfence.sel $0xFFFF  }
0xd4: {  	[dreg:$0x0] =	wrdreg $0xFFFFFFFF;
	(pc) =	sbr.abs _section_cstart, $3  }
0xd5: {  	[dreg:$0x1] =	wrdreg $0xFFFFFFFF  }
0xd6: {  	_ =	task.clear_ibuf [dreg:s22], $0x2FFFF;
	_ =	strace $0x9FFFFFFF  }
0xd7: {  	(tm) =	ssettm $0x7FFFFFFF  }
tec
execute0_lowered:
.L_overlay_start_1:
0x0: {  	(tag) =	ssettag $0x1  }
0x1: {  	s0 =	srdreg.scid;
	s5 =	rddreg [dreg:$0x0]  }
0x2: {  	s7 =	rddreg [dreg:$0x1];
	s1 =	stileid.u32;
	s2 =	simm.s32 $0x0  }
0x3: {  	s11 =	simm.s32 $0x2780;
	s12 =	simm.s32 $0x2710;
	s13 =	simm.s32 $0x4F00  }
0x4: {  	s14 =	simm.s32 $0x1;
	s15 =	simm.s32 $0x7680;
	s16 =	simm.s32 $0x9E00  }
0x5: {  	s17 =	simm.s32 $0xC580;
	s18 =	simm.s32 $0xED00;
	s4 =	sand.u32 $0x1, s0  }
0x6: {  	s19 =	simm.s32 $0x11480;
	s20 =	simm.s32 $0x13C00;
	s3 =	sshll.u32 s4, $0x4  }
0x7: {  	s21 =	simm.s32 $0x0;
	s0 =	rddreg [dreg:$0x2];
	s3 =	sor.u32 s1, s3  }
0x8: {  	[smem:$0x7FF] =	sst s2;
	s6 =	ssub.s32 $0x2, s4;
	s8 =	smul.u32 $0x4E2, s3  }
0x9: {  	_ =	strace $0x8000004A;
	s4 =	sadd.s32 $0x76DE00, s5;
	s10 =	sshrl.u32 s6, $0x1  }
0xa: {  	s3 =	sadd.s32 $0x772E00, s5;
	s10 =	ssub.s32 s6, s10;
	s9 =	sadd.s32 s8, s5  }
0xb: {  	s5 =	sadd.s32 $0x768E00, s5;
	s7 =	sadd.s32 s7, s8;
	s6 =	sadd.s32 $0x75F000, s9  }
0xc: {  	s8 =	sadd.s32 $0x777E00, s9;
	s9 =	smax.u32 s10, $0x1;
	s10 =	simm.s32 $0x2  }
.LBB2_1:
0xd: {  	[tilespmem:s2], [sflag:$0x2] =	stream.linear.gather [hbm4b:s6+s2], $0x2710, $0x38;
	[tilespmem:$0x16380] =	vst v63  }
0xe: {  	_ =	swait.ge [sflag:s10], $0x2710  }
0xf: {  	[sflag:s10] =	ssyncset.done $0x0  }
0x10: {  	[sflag:s10] =	ssyncadd.s32 $0xFFFFD8F0  }
0x11: {  	[tilespmem:s11], [sflag:$0x2] =	stream.linear.gather [hbm4b:s7+s2], $0x2710, $0x38;
	[tilespmem:$0x16380] =	vst v63  }
0x12: {  	_ =	swait.ge [sflag:s10], $0x2710  }
0x13: {  	[sflag:s10] =	ssyncset.done $0x0  }
0x14: {  	[sflag:s10] =	ssyncadd.s32 $0xFFFFD8F0  }
0x15: {  	[tilespmem:s13], [sflag:$0x1] =	stream.indirect.gather [hbm4b:s3+s12], $0x1, s2, s12, $0xb8;
	[tilespmem:$0x16380] =	vst v63  }
0x16: {  	_ =	swait.ge [sflag:s14], $0x2710  }
0x17: {  	[sflag:s14] =	ssyncset.done $0x0  }
0x18: {  	[sflag:s14] =	ssyncadd.s32 $0xFFFFD8F0  }
0x19: {  	[tilespmem:s15], [sflag:$0x1] =	stream.indirect.gather [hbm4b:s4+s12], $0x1, s2, s12, $0xb8;
	[tilespmem:$0x16380] =	vst v63  }
0x1a: {  	_ =	swait.ge [sflag:s14], $0x2710  }
0x1b: {  	[sflag:s14] =	ssyncset.done $0x0  }
0x1c: {  	[sflag:s14] =	ssyncadd.s32 $0xFFFFD8F0  }
0x1d: {  	[tilespmem:s16], [sflag:$0x1] =	stream.indirect.gather [hbm4b:s5+s12], $0x1, s2, s12, $0xb8;
	[tilespmem:$0x16380] =	vst v63  }
0x1e: {  	_ =	swait.ge [sflag:s14], $0x2710  }
0x1f: {  	[sflag:s14] =	ssyncset.done $0x0  }
0x20: {  	[sflag:s14] =	ssyncadd.s32 $0xFFFFD8F0  }
0x21: {  	[tilespmem:s17], [sflag:$0x1] =	stream.indirect.gather [hbm4b:s3+s12], $0x1, s11, s12, $0xb8;
	[tilespmem:$0x16380] =	vst v63  }
0x22: {  	_ =	swait.ge [sflag:s14], $0x2710  }
0x23: {  	[sflag:s14] =	ssyncset.done $0x0  }
0x24: {  	[sflag:s14] =	ssyncadd.s32 $0xFFFFD8F0  }
0x25: {  	[tilespmem:s18], [sflag:$0x1] =	stream.indirect.gather [hbm4b:s4+s12], $0x1, s11, s12, $0xb8;
	[tilespmem:$0x16380] =	vst v63  }
0x26: {  	_ =	swait.ge [sflag:s14], $0x2710  }
0x27: {  	[sflag:s14] =	ssyncset.done $0x0  }
0x28: {  	[sflag:s14] =	ssyncadd.s32 $0xFFFFD8F0  }
0x29: {  	[tilespmem:s19], [sflag:$0x1] =	stream.indirect.gather [hbm4b:s5+s12], $0x1, s11, s12, $0xb8;
	[tilespmem:$0x16380] =	vst v63  }
0x2a: {  	_ =	swait.ge [sflag:s14], $0x2710  }
0x2b: {  	[sflag:s14] =	ssyncset.done $0x0  }
0x2c: {  	s22 =	simm.s32 $0x0;
	[sflag:s14] =	ssyncadd.s32 $0xFFFFD8F0  }
0x2d: {  	v3 =	vld [tilespmem:s22+$0x4F00]  }
0x2e: {  	v4 =	vld [tilespmem:s22+$0xC580]  }
0x2f: {  	v5 =	vld [tilespmem:s22+$0x7680]  }
0x30: {  	v6 =	vld [tilespmem:s22+$0xED00]  }
0x31: {  	v7 =	vld [tilespmem:s22+$0x9E00]  }
0x32: {  	s23 =	simm.s32 $0x10;
	v8 =	vld [tilespmem:s22+$0x11480]  }
0x33: {  	v0 =	vld [tilespmem:s23+$0x4F00]  }
0x34: {  	v2 =	vld [tilespmem:s23+$0xC580]  }
0x35: {  	v1 =	vld [tilespmem:s23+$0x7680];
	v9 =	vmul.f32 v4, v3;
	v5 =	vmul.f32 v6, v5  }
0x36: {  	v4 =	vld [tilespmem:s23+$0xED00]  }
0x37: {  	s24 =	simm.s32 $0x80;
	v3 =	vld [tilespmem:s23+$0x9E00];
	v6 =	vmul.f32 v8, v7;
	v5 =	vadd.f32 v5, v9  }
.LBB2_2:
0x38: {  	s25 =	sshra.s32 s24, $0x2;
	v7 =	vld [tilespmem:s23+$0x11480];
	v8 =	vmov v0;
	p0 =	sne.s32 s24, $0x9C00  }
.Ltmp0:
0x39: {  	v0 =	vld [tilespmem:s25+$0x4F00];
	v5 =	vadd.f32 v6, v5;
	v6 =	vmov v2;
	(pc) =	sbr.rel @p0 .LBB2_2-.Ltmp0, $4  }
0x3a: {  	v2 =	vld [tilespmem:s25+$0xC580]  }
0x3b: {  	s24 =	sadd.s32 $0x40, s24;
	v6 =	vmul.f32 v6, v8;
	v8 =	vmul.f32 v4, v1;
	v1 =	vld [tilespmem:s25+$0x7680];
	[tilespmem:s22+$0x13C00] =	vst v5;
	s22 =	smov.u32 s23  }
0x3c: {  	s23 =	smov.u32 s25;
	v4 =	vld [tilespmem:s25+$0xED00]  }
0x3d: {  	v5 =	vadd.f32 v8, v6;
	v6 =	vmul.f32 v7, v3;
	v3 =	vld [tilespmem:s23+$0x9E00]  }
0x3e: {  	v7 =	vld [tilespmem:s23+$0x11480];
	_ =	sdelay $0x2  }
0x3f: {  	v0 =	vmul.f32 v2, v0;
	v1 =	vmul.f32 v4, v1;
	_ =	sdelay $0x1  }
0x40: {  	v0 =	vadd.f32 v1, v0;
	v62 =	vmul.f32 v7, v3  }
0x41: {  	v63 =	vadd.f32 v6, v5  }
0x42: {  	s21 =	sadd.s32 $0x1, s21;
	v0 =	vadd.f32 v62, v0  }
0x43: {  	p0 =	sne.s32 s21, s9;
	[tilespmem:s22+$0x13C00] =	vst v63  }
.Ltmp1:
0x44: {  	[tilespmem:s23+$0x13C00] =	vst v0;
	(pc) =	sbr.rel @p0 .LBB2_1-.Ltmp1, $4  }
0x45: {  	[hbm4b:s8+s2] =	stream.linear.scatter [tilespmem:s20], [sflag:$0x2], $0x2710, $0x38;
	[tilespmem:$0x16380] =	vst v63  }
0x46: {  	_ =	swait.ge [sflag:s10], $0x2710  }
0x47: {  	[sflag:s10] =	ssyncset.done $0x0  }
0x48: {  	[sflag:s10] =	ssyncadd.s32 $0xFFFFD8F0  }
0x49: {  	_ =	sfence.sel $0x180000  }
0x4a: {  	[bflag:$0x0] =	sbarrier.arrive $0xFFFF  }
0x4b: {  	p0 =	sne.s32 s1, $0x0;
	_ =	strace $0x9000004A  }
0x4c: {  	s0 =	sadd.s32 @!p0 $0x100000, s0;
	[bflag:$0x2] =	sbarrier.arrive $0xFFFF  }
0x4d: {  	[sflag:s0] =	ssyncadd.tile.s32 @!p0 $0x1;
	_ =	shalt  }
.Lfunc_end2:
_tile_overlayer_lowered:
.L_overlay_start_2:
0x4e: {  	(tag) =	ssettag $0x2  }
0x4f: {  	s0 =	rddreg [dreg:$0x0];
	s2 =	stileid.u32  }
0x50: {  	s1 =	rddreg [dreg:$0x1];
	p0 =	sne.s32 s2, $0x0  }
0x51: {  	s3 =	rddreg [dreg:$0x2];
	[bflag:$0x3] =	sbarrier.arrive $0xFFFF;
	s2 =	simm.s32 @!p0 $0x1C02  }
0x52: {  	[timem:s3], [sflag:s2] =	dma.local @!p0 [hbm:s0], s1  }
0x53: {  	s0 =	simm.s32 @!p0 $0x2  }
0x54: {  	_ =	swait.ge @!p0 [sflag:s0], s1  }
0x55: {  	s1 =	ssub.s32 @!p0 $0x0, s1;
	[sflag:s0] =	ssyncset.done @!p0 $0x0  }
0x56: {  	[sflag:s0] =	ssyncadd.s32 @!p0 s1  }
0x57: {  	[bflag:$0x3] =	sbarrier.arrive $0xFFFF  }
0x58: {  	_ =	shalt  }

// kernel: kernel.13.cloned.1.call-start
scs
__scs_entry_jumppad:
0x0: {  	(pc) =	sbr.rel $0x88, $3  }
0x1: {  	(tag) =	ssettag $0x0;
	lr =	simm.s32 $0x1  }
0x2: {  	[smem:$0x3F8A] =	sst lr;
	_ =	strace $0xD0000000  }
0x3: {  	_ = 	snop  }
0x4: {  	_ = 	snop  }
0x5: {  	_ = 	snop  }
0x6: {  	_ = 	snop  }
0x7: {  	_ = 	snop  }
__scs_overlays_trampoline_lowered:
0x8: {  	[smem:$0x3F99] =	sst s0  }
0x9: {  	[smem:$0x3F9A] =	sst s1  }
0xa: {  	[smem:$0x3F9B] =	sst s2  }
0xb: {  	[smem:$0x3F9C] =	sst s3  }
0xc: {  	[smem:$0x3F9D] =	sst s4  }
0xd: {  	[smem:$0x3F9E] =	sst s5  }
0xe: {  	[smem:$0x3F9F] =	sst s6  }
0xf: {  	[smem:$0x3FA0] =	sst s7  }
0x10: {  	[smem:$0x3FA1] =	sst s8  }
0x11: {  	[smem:$0x3FA2] =	sst s9;
	s0 =	simm.s32 @!p0 $0x0  }
0x12: {  	s1 =	sld [smem:$0x3F88];
	s0 =	simm.s32 @p0 $0x1  }
0x13: {  	[smem:$0x3FA3] =	sst s0;
	s0 =	simm.s32 @!p1 $0x0  }
0x14: {  	s2 =	sld [smem:$0x3F87];
	s0 =	simm.s32 @p1 $0x1  }
0x15: {  	[smem:$0x3FA4] =	sst s0;
	s0 =	simm.s32 @!p2 $0x0  }
0x16: {  	s3 =	sld [smem:$0x3FDB];
	s0 =	simm.s32 @p2 $0x1  }
0x17: {  	s4 =	simm.s32 $0x1BF5;
	[smem:$0x3FA6] =	sst s0  }
0x18: {  	s0 =	sld [smem:$0x3F89];
	_ =	swait.ge [sflag:s4], $0x0  }
0x19: {  	s7 =	sld [smem:$0x3F8A]  }
0x1a: {  	s8 =	sadd.s32 $0xFFFFE003, lr  }
0x1b: {  	s9 =	sadd.s32 $0xFFFFFEF7, lr;
	s5 =	simm.s32 $0xFFFFFFFF;
	p2 =	slt.u32 s8, $0xFFFFF086  }
0x1c: {  	p1 =	slt.u32 s9, $0xF7A;
	s5 =	simm.s32 @!p2 $0x0  }
0x1d: {  	s5 =	simm.s32 @p1 $0x1;
	p0 =	seq.s32 s7, s2  }
0x1e: {  	s7 =	smul.u32 @!p0 $0xF7A, s2;
	p2 =	seq.s32 @!p0 s5, $0x0  }
0x1f: {  	s9 =	smul.u32 $0xF7A, s1;
	s8 =	simm.s32 @!p0 $0x1BF5;
	p2 =	por !p2, p0  }
0x20: {  	[sflag:s8] =	ssyncset.s32 @!p0 $0xFFFFF086;
	s6 =	sadd.s32 @!p0 s3, s7;
	s7 =	simm.s32 @!p0 $0x108  }
0x21: {  	s3 =	sadd.s32 s3, s9;
	s6 =	sadd.s32 @!p0 $0x88, s6;
	s7 =	simm.s32 @p2 $0x1082  }
0x22: {  	[simem:s7], [sflag:s8] =	dma.local @!p0 [hbm:s6], $0xF7A  }
0x23: {  	s9 =	sor.u32 $0xD0000000, s2;
	s6 =	simm.s32 $0x108;
	_ =	swait.ge @!p0 [sflag:s8], $0x0  }
0x24: {  	s3 =	sadd.s32 $0x88, s3;
	s6 =	simm.s32 @!p1 $0x1082;
	[sflag:s4] =	ssyncset.s32 $0xFFFFF086  }
0x25: {  	[simem:s6], [sflag:s4] =	dma.local [hbm:s3], $0xF7A  }
0x26: {  	[smem:$0x3F8A] =	sst s1;
	(tag) =	ssettag s2;
	_ =	strace s9  }
0x27: {  	s1 =	sld [smem:$0x3F9A]  }
0x28: {  	s2 =	sld [smem:$0x3F9B]  }
0x29: {  	s4 =	sld [smem:$0x3F9D]  }
0x2a: {  	p0 =	seq.s32 s5, $0x0;
	s5 =	sld [smem:$0x3F9E]  }
0x2b: {  	s6 =	sld [smem:$0x3F9F]  }
0x2c: {  	s7 =	sld [smem:$0x3FA0]  }
0x2d: {  	s3 =	simm.s32 $0x108;
	s8 =	sld [smem:$0x3FA1]  }
0x2e: {  	s3 =	simm.s32 @!p0 $0x1082;
	s9 =	sld [smem:$0x3FA2]  }
0x2f: {  	lr =	sadd.s32 s0, s3;
	s0 =	sld [smem:$0x3F99]  }
0x30: {  	s3 =	sld [smem:$0x3F9C]  }
0x31: {  	[smem:$0x3FA5] =	sst s10  }
0x32: {  	s10 =	sld [smem:$0x3FA3];
	_ =	sdelay $0x3  }
0x33: {  	p0 =	seq.s32 s10, $0x1;
	s10 =	sld [smem:$0x3FA5];
	_ =	sdelay $0x3  }
0x34: {  	[smem:$0x3FA5] =	sst s10  }
0x35: {  	s10 =	sld [smem:$0x3FA4];
	_ =	sdelay $0x3  }
0x36: {  	p1 =	seq.s32 s10, $0x1;
	s10 =	sld [smem:$0x3FA5];
	_ =	sdelay $0x3  }
0x37: {  	[smem:$0x3FA5] =	sst s10  }
0x38: {  	s10 =	sld [smem:$0x3FA6]  }
0x39: {  	_ = 	snop;
	(pc) =	sbr.ind lr, $3  }
0x3a: {  	_ = 	snop  }
0x3b: {  	_ = 	snop  }
0x3c: {  	p2 =	seq.s32 s10, $0x1;
	s10 =	sld [smem:$0x3FA5]  }
0x3d: {  	_ =	shalt  }
0x3e: {  	_ =	shalt  }
0x3f: {  	_ =	shalt  }
0x40: {  	_ =	shalt  }
0x41: {  	_ =	shalt  }
0x42: {  	_ =	shalt  }
0x43: {  	_ =	shalt  }
0x44: {  	_ =	shalt  }
0x45: {  	_ =	shalt  }
0x46: {  	_ =	shalt  }
0x47: {  	_ =	shalt  }
0x48: {  	_ =	shalt  }
0x49: {  	_ =	shalt  }
0x4a: {  	_ =	shalt  }
0x4b: {  	_ =	shalt  }
0x4c: {  	_ =	shalt  }
0x4d: {  	_ =	shalt  }
0x4e: {  	_ =	shalt  }
0x4f: {  	_ =	shalt  }
0x50: {  	_ =	shalt  }
0x51: {  	_ =	shalt  }
0x52: {  	_ =	shalt  }
0x53: {  	_ =	shalt  }
0x54: {  	_ =	shalt  }
0x55: {  	_ =	shalt  }
0x56: {  	_ =	shalt  }
0x57: {  	_ =	shalt  }
0x58: {  	_ =	shalt  }
0x59: {  	_ =	shalt  }
0x5a: {  	_ =	shalt  }
0x5b: {  	_ =	shalt  }
0x5c: {  	_ =	shalt  }
0x5d: {  	_ =	shalt  }
0x5e: {  	_ =	shalt  }
0x5f: {  	_ =	shalt  }
0x60: {  	_ =	shalt  }
0x61: {  	_ =	shalt  }
0x62: {  	_ =	shalt  }
0x63: {  	_ =	shalt  }
0x64: {  	_ =	shalt  }
0x65: {  	_ =	shalt  }
0x66: {  	_ =	shalt  }
0x67: {  	_ =	shalt  }
0x68: {  	_ =	shalt  }
0x69: {  	_ =	shalt  }
0x6a: {  	_ =	shalt  }
0x6b: {  	_ =	shalt  }
0x6c: {  	_ =	shalt  }
0x6d: {  	_ =	shalt  }
0x6e: {  	_ =	shalt  }
0x6f: {  	_ =	shalt  }
0x70: {  	_ =	shalt  }
0x71: {  	_ =	shalt  }
0x72: {  	_ =	shalt  }
0x73: {  	_ =	shalt  }
0x74: {  	_ =	shalt  }
0x75: {  	_ =	shalt  }
0x76: {  	_ =	shalt  }
0x77: {  	_ =	shalt  }
0x78: {  	_ =	shalt  }
0x79: {  	_ =	shalt  }
0x7a: {  	_ =	shalt  }
0x7b: {  	_ =	shalt  }
0x7c: {  	_ =	shalt  }
0x7d: {  	_ =	shalt  }
0x7e: {  	_ =	shalt  }
0x7f: {  	_ =	shalt  }
0x80: {  	_ =	shalt  }
0x81: {  	_ =	shalt  }
0x82: {  	_ =	shalt  }
0x83: {  	_ =	shalt  }
0x84: {  	_ =	shalt  }
0x85: {  	_ =	shalt  }
0x86: {  	_ =	shalt  }
0x87: {  	_ =	shalt  }
.Lfunc_end0:
.L_simem_size_0:
called_computation.6_lowered:
.L_overlay_start_0:
0x88: {  	s2 =	sld [smem:$0x3FD9]  }
0x89: {  	s3 =	sld [smem:$0x3FFE];
	_ =	sdelay $0x1  }
0x8a: {  	s1 =	srdreg.scid  }
0x8b: {  	s0 =	sand.u32 $0x1, s1  }
0x8c: {  	s17 =	sshll.u32 s0, $0xA;
	s2 =	sadd.s32 s3, s2  }
0x8d: {  	s2 =	sadd.s32 s2, s17  }
0x8e: {  	[smem:$0x3FB1] =	sst s2  }
0x8f: {  	_ = 	snop  }
0x90: {  	s2 =	sld [smem:$0x3FC9];
	(tm) =	ssettm $0x1  }
0x91: {  	s18 =	sld [smem:$0x3FFB];
	_ =	sdelay $0x3  }
0x92: {  	_ =	strace s18  }
0x93: {  	s3 =	sld [smem:$0x3FFC];
	_ =	sdelay $0x3  }
0x94: {  	_ =	strace s3  }
0x95: {  	s3 =	sld [smem:$0x3FFD];
	_ =	sdelay $0x3  }
0x96: {  	_ =	strace s3  }
0x97: {  	_ =	strace $0x8FFFFFFF  }
0x98: {  	s19 =	sld [smem:$0x3FDB];
	_ =	sdelay $0x1  }
0x99: {  	s4 =	simm.s32 $_scs_section_size  }
0x9a: {  	s5 =	simm.s32 $_size__tile_overlayer_lowered;
	s6 =	simm.s32 $_tile_overlayer_lowered  }
0x9b: {  	s22 =	simm.s32 $0x1BFF;
	s21 =	sshll.u32 s6, $0x1;
	s3 =	sadd.s32 s4, s19  }
0x9c: {  	s7 =	simm.s32 $0x0;
	s20 =	sshll.u32 s5, $0x1;
	s5 =	sadd.s32 s21, s3  }
0x9d: {  	[timem:s7], [sflag:s22] =	dma.local [hbm:s5], s20  }
0x9e: {  	_ =	swait.ge [sflag:s22], s20  }
0x9f: {  	s4 =	ssub.s32 $0x0, s20;
	[sflag:s22] =	ssyncset.done $0x0  }
0xa0: {  	[sflag:s22] =	ssyncadd.s32 s4;
	_ =	sdelay $0x1  }
0xa1: {  	s23 =	simm.s32 $0x1B8B  }
0xa2: {  	_ =	swait.ge [sflag:s23], $0x1  }
0xa3: {  	[sflag:s23] =	ssyncset.done $0x0  }
0xa4: {  	s25 =	simm.s32 $0x1B8E;
	s24 =	sld [smem:$0x3FFE];
	[sflag:s23] =	ssyncadd.s32 $0xFFFFFFFF  }
0xa5: {  	s26 =	simm.s32 $execute0_lowered;
	[smem:$0x3FD2] =	sst s25  }
0xa6: {  	s5 =	sshll.u32 s26, $0x1;
	_ =	strace $0x80000046;
	[dreg:$0x1] =	wrdreg $0xFFFFFFFF  }
0xa7: {  	s28 =	simm.s32 $_size_execute0_lowered;
	s3 =	sadd.s32 s3, s5;
	[dreg:$0x0] =	wrdreg $0x0  }
0xa8: {  	s5 =	sshll.u32 s28, $0x1;
	[dreg:$0x2] =	wrdreg s3  }
0xa9: {  	[dreg:$0x3] =	wrdreg s5  }
0xaa: {  	[dreg:$0x4] =	wrdreg $0xC0  }
0xab: {  	_ =	task [dreg:s7], $0x5FFFF  }
0xac: {  	[dreg:$0x1] =	wrdreg $0xFFFFFFFF  }
0xad: {  	[dreg:$0x0] =	wrdreg $0x60  }
0xae: {  	[dreg:$0x2] =	wrdreg s2  }
0xaf: {  	[dreg:$0x3] =	wrdreg s24  }
0xb0: {  	[dreg:$0x4] =	wrdreg $0xA  }
0xb1: {  	_ =	task.clear_ibuf [dreg:s7], $0x5FFFF;
	_ =	strace $0x90000046  }
0xb2: {  	s29 =	simm.s32 $0xA;
	_ =	strace $0x80000048  }
0xb3: {  	_ =	swait.ge [sflag:s29], $0x1  }
0xb4: {  	[sflag:s29] =	ssyncadd.s32 $0xFFFFFFFF  }
0xb5: {  	_ =	strace $0x90000048  }
0xb6: {  	_ =	sfence  }
0xb7: {  	s30 =	sld [smem:$0x0];
	_ =	sdelay $0x2  }
0xb8: {  	s31 =	sshll.u32 s1, $0xD;
	s1 =	sshrl.u32 s1, $0x2  }
0xb9: {  	s3 =	sand.u32 $0x4000, s31;
	s1 =	sadd.s32 s1, s30  }
0xba: {  	s0 =	sor.u32 s3, s0;
	s1 =	sshll.u32 s1, $0x11  }
0xbb: {  	s0 =	sor.u32 s1, s0  }
0xbc: {  	s0 =	sadd.s32 $0x8F2B, s0  }
0xbd: {  	[sflag:s0] =	ssyncadd.remote.s32 $0x1  }
0xbe: {  	_ =	sfence.sel $0xFFFF  }
0xbf: {  	[dreg:$0x0] =	wrdreg $0xFFFFFFFF;
	(pc) =	sbr.abs _section_cstart, $3  }
0xc0: {  	[dreg:$0x1] =	wrdreg $0xFFFFFFFF  }
0xc1: {  	_ =	task.clear_ibuf [dreg:s7], $0x2FFFF;
	_ =	strace $0x9FFFFFFF  }
0xc2: {  	(tm) =	ssettm $0x7FFFFFFF  }
0xc3: {  	_ =	shalt  }
tec
execute0_lowered:
.L_overlay_start_1:
0x0: {  	(tag) =	ssettag $0x1  }
0x1: {  	s0 =	srdreg.scid;
	s2 =	rddreg [dreg:$0x0]  }
0x2: {  	s5 =	rddreg [dreg:$0x1];
	s1 =	stileid.u32;
	s3 =	simm.s32 $0x0  }
0x3: {  	s10 =	simm.s32 $0x1400;
	s11 =	simm.s32 $0xC8;
	s4 =	sand.u32 $0x1, s0  }
0x4: {  	s12 =	simm.s32 $0x2800;
	s13 =	simm.s32 $0x1;
	s6 =	sshll.u32 s4, $0x4  }
0x5: {  	s0 =	rddreg [dreg:$0x2];
	s7 =	smul.u32 $0x138800, s4;
	s6 =	sor.u32 s1, s6  }
0x6: {  	s14 =	simm.s32 $0x0;
	[smem:$0x7FF] =	sst s3;
	s6 =	smul.u32 $0x1388, s6  }
0x7: {  	s9 =	smul.u32 $0x13880, s1;
	_ =	strace $0x80000047;
	s4 =	ssub.s32 $0x2, s4  }
0x8: {  	s8 =	sshrl.u32 s4, $0x1;
	s7 =	sadd.s32 s7, s5;
	s6 =	sshrl.u32 s6, $0x3  }
0x9: {  	s8 =	ssub.s32 s4, s8;
	s9 =	sadd.s32 s9, s7;
	s6 =	sadd.s32 s6, s5  }
0xa: {  	s7 =	sadd.s32 $0xC000, s9;
	s4 =	sadd.s32 $0x7000, s6;
	s5 =	sadd.s32 $0x2000, s6  }
0xb: {  	s6 =	smax.u32 s8, $0x1;
	s8 =	sadd.s32 $0x27D000, s9;
	s9 =	simm.s32 $0x2  }
.LBB2_1:
0xc: {  	[tilespmem:s3], [sflag:$0x2] =	stream.linear.gather [hbm4b:s4+s3], $0x1388, $0x38;
	[tilespmem:$0x8C00] =	vst v63  }
0xd: {  	_ =	swait.ge [sflag:s9], $0x1388  }
0xe: {  	[sflag:s9] =	ssyncset.done $0x0  }
0xf: {  	[sflag:s9] =	ssyncadd.s32 $0xFFFFEC78  }
0x10: {  	[tilespmem:s10], [sflag:$0x2] =	stream.linear.gather [hbm4b:s5+s3], $0x1388, $0x38;
	[tilespmem:$0x8C00] =	vst v63  }
0x11: {  	_ =	swait.ge [sflag:s9], $0x1388  }
0x12: {  	[sflag:s9] =	ssyncset.done $0x0  }
0x13: {  	s15 =	simm.s32 $0x0;
	[sflag:s9] =	ssyncadd.s32 $0xFFFFEC78  }
0x14: {  	[tilespmem:s12], [sflag:$0x1] =	stream.indirect.gather [hbm4b:s2+s11], $0x80, s15, s11, $0xb8;
	[tilespmem:$0x8C00] =	vst v63  }
0x15: {  	_ =	swait.ge [sflag:s13], $0x6400  }
0x16: {  	[sflag:s13] =	ssyncset.done $0x0  }
0x17: {  	[sflag:s13] =	ssyncadd.s32 $0xFFFF9C00  }
0x18: {  	[hbm4b:s7+s3] =	stream.linear.scatter [tilespmem:s12], [sflag:$0x2], $0x6400, $0x38;
	[tilespmem:$0x8C00] =	vst v63  }
0x19: {  	_ =	swait.ge [sflag:s9], $0x6400  }
0x1a: {  	[sflag:s9] =	ssyncset.done $0x0  }
0x1b: {  	s31 =	simm.s32 $0x1400;
	[sflag:s9] =	ssyncadd.s32 $0xFFFF9C00  }
0x1c: {  	[tilespmem:s12], [sflag:$0x1] =	stream.indirect.gather [hbm4b:s2+s11], $0x80, s31, s11, $0xb8;
	[tilespmem:$0x8C00] =	vst v63  }
0x1d: {  	_ =	swait.ge [sflag:s13], $0x6400  }
0x1e: {  	[sflag:s13] =	ssyncset.done $0x0  }
0x1f: {  	[sflag:s13] =	ssyncadd.s32 $0xFFFF9C00  }
0x20: {  	[hbm4b:s8+s3] =	stream.linear.scatter [tilespmem:s12], [sflag:$0x2], $0x6400, $0x38;
	[tilespmem:$0x8C00] =	vst v63  }
0x21: {  	s17 =	simm.s32 $0x320;
	s18 =	simm.s32 $0x640;
	_ =	swait.ge [sflag:s9], $0x6400  }
0x22: {  	s16 =	sadd.s32 $0xC80, s7;
	s15 =	sadd.s32 $0xC80, s8;
	[sflag:s9] =	ssyncset.done $0x0  }
.LBB2_2:
0x23: {  	s19 =	sshra.s32 s17, $0x2  }
0x24: {  	[sflag:s9] =	ssyncadd.s32 $0xFFFF9C00;
	s17 =	smov.u32 s18;
	s20 =	sadd.s32 $0x320, s18  }
0x25: {  	[tilespmem:s12], [sflag:$0x1] =	stream.indirect.gather [hbm4b:s2+s11], $0x80, s19, s11, $0xb8;
	[tilespmem:$0x8C00] =	vst v63  }
0x26: {  	p0 =	sne.s32 s18, $0x4B00;
	_ =	swait.ge [sflag:s13], $0x6400  }
0x27: {  	[sflag:s13] =	ssyncset.done $0x0  }
0x28: {  	[sflag:s13] =	ssyncadd.s32 $0xFFFF9C00  }
0x29: {  	[hbm4b:s16+s3] =	stream.linear.scatter [tilespmem:s12], [sflag:$0x2], $0x6400, $0x38;
	[tilespmem:$0x8C00] =	vst v63  }
0x2a: {  	_ =	swait.ge [sflag:s9], $0x6400  }
0x2b: {  	[sflag:s9] =	ssyncset.done $0x0  }
0x2c: {  	s18 =	sadd.s32 $0x1400, s19;
	[sflag:s9] =	ssyncadd.s32 $0xFFFF9C00  }
0x2d: {  	[tilespmem:s12], [sflag:$0x1] =	stream.indirect.gather [hbm4b:s2+s11], $0x80, s18, s11, $0xb8;
	[tilespmem:$0x8C00] =	vst v63  }
0x2e: {  	_ =	swait.ge [sflag:s13], $0x6400  }
.Ltmp0:
0x2f: {  	[sflag:s13] =	ssyncset.done $0x0;
	(pc) =	sbr.rel @p0 .LBB2_2-.Ltmp0, $4  }
0x30: {  	[sflag:s13] =	ssyncadd.s32 $0xFFFF9C00  }
0x31: {  	[hbm4b:s15+s3] =	stream.linear.scatter [tilespmem:s12], [sflag:$0x2], $0x6400, $0x38;
	[tilespmem:$0x8C00] =	vst v63  }
0x32: {  	s16 =	sadd.s32 $0xC80, s16;
	_ =	swait.ge [sflag:s9], $0x6400  }
0x33: {  	s18 =	smov.u32 s20;
	s15 =	sadd.s32 $0xC80, s15;
	[sflag:s9] =	ssyncset.done $0x0  }
0x34: {  	s17 =	sshra.s32 s17, $0x2;
	[sflag:s9] =	ssyncadd.s32 $0xFFFF9C00  }
0x35: {  	[tilespmem:s12], [sflag:$0x1] =	stream.indirect.gather [hbm4b:s2+s11], $0x80, s17, s11, $0xb8;
	[tilespmem:$0x8C00] =	vst v63  }
0x36: {  	_ =	swait.ge [sflag:s13], $0x6400  }
0x37: {  	[sflag:s13] =	ssyncset.done $0x0  }
0x38: {  	[sflag:s13] =	ssyncadd.s32 $0xFFFF9C00  }
0x39: {  	[hbm4b:s16+s3] =	stream.linear.scatter [tilespmem:s12], [sflag:$0x2], $0x6400, $0x38;
	[tilespmem:$0x8C00] =	vst v63  }
0x3a: {  	_ =	swait.ge [sflag:s9], $0x6400  }
0x3b: {  	[sflag:s9] =	ssyncset.done $0x0  }
0x3c: {  	s31 =	sadd.s32 $0x1400, s17;
	[sflag:s9] =	ssyncadd.s32 $0xFFFF9C00  }
0x3d: {  	[tilespmem:s12], [sflag:$0x1] =	stream.indirect.gather [hbm4b:s2+s11], $0x80, s31, s11, $0xb8;
	[tilespmem:$0x8C00] =	vst v63  }
0x3e: {  	s14 =	sadd.s32 $0x1, s14;
	_ =	swait.ge [sflag:s13], $0x6400  }
0x3f: {  	p0 =	sne.s32 s14, s6;
	[sflag:s13] =	ssyncset.done $0x0  }
.Ltmp1:
0x40: {  	[sflag:s13] =	ssyncadd.s32 $0xFFFF9C00;
	(pc) =	sbr.rel @p0 .LBB2_1-.Ltmp1, $4  }
0x41: {  	[hbm4b:s15+s3] =	stream.linear.scatter [tilespmem:s12], [sflag:$0x2], $0x6400, $0x38;
	[tilespmem:$0x8C00] =	vst v63  }
0x42: {  	_ =	swait.ge [sflag:s9], $0x6400  }
0x43: {  	[sflag:s9] =	ssyncset.done $0x0  }
0x44: {  	[sflag:s9] =	ssyncadd.s32 $0xFFFF9C00  }
0x45: {  	_ =	sfence.sel $0x180000  }
0x46: {  	[bflag:$0x0] =	sbarrier.arrive $0xFFFF  }
0x47: {  	p0 =	sne.s32 s1, $0x0;
	_ =	strace $0x90000047  }
0x48: {  	s0 =	sadd.s32 @!p0 $0x100000, s0;
	[bflag:$0x2] =	sbarrier.arrive $0xFFFF  }
0x49: {  	[sflag:s0] =	ssyncadd.tile.s32 @!p0 $0x1;
	_ =	shalt  }
.Lfunc_end2:
_tile_overlayer_lowered:
.L_overlay_start_2:
0x4a: {  	(tag) =	ssettag $0x2  }
0x4b: {  	s0 =	rddreg [dreg:$0x0];
	s2 =	stileid.u32  }
0x4c: {  	s1 =	rddreg [dreg:$0x1];
	p0 =	sne.s32 s2, $0x0  }
0x4d: {  	s3 =	rddreg [dreg:$0x2];
	[bflag:$0x3] =	sbarrier.arrive $0xFFFF;
	s2 =	simm.s32 @!p0 $0x1C02  }
0x4e: {  	[timem:s3], [sflag:s2] =	dma.local @!p0 [hbm:s0], s1  }
0x4f: {  	s0 =	simm.s32 @!p0 $0x2  }
0x50: {  	_ =	swait.ge @!p0 [sflag:s0], s1  }
0x51: {  	s1 =	ssub.s32 @!p0 $0x0, s1;
	[sflag:s0] =	ssyncset.done @!p0 $0x0  }
0x52: {  	[sflag:s0] =	ssyncadd.s32 @!p0 s1  }
0x53: {  	[bflag:$0x3] =	sbarrier.arrive $0xFFFF  }
0x54: {  	_ =	shalt  }

// kernel: kernel.16.cloned.1.call-start
scs
__scs_entry_jumppad:
0x0: {  	(pc) =	sbr.rel $0x88, $3  }
0x1: {  	(tag) =	ssettag $0x0;
	lr =	simm.s32 $0x1  }
0x2: {  	[smem:$0x3F8A] =	sst lr;
	_ =	strace $0xD0000000  }
0x3: {  	_ = 	snop  }
0x4: {  	_ = 	snop  }
0x5: {  	_ = 	snop  }
0x6: {  	_ = 	snop  }
0x7: {  	_ = 	snop  }
__scs_overlays_trampoline_lowered:
0x8: {  	[smem:$0x3F99] =	sst s0  }
0x9: {  	[smem:$0x3F9A] =	sst s1  }
0xa: {  	[smem:$0x3F9B] =	sst s2  }
0xb: {  	[smem:$0x3F9C] =	sst s3  }
0xc: {  	[smem:$0x3F9D] =	sst s4  }
0xd: {  	[smem:$0x3F9E] =	sst s5  }
0xe: {  	[smem:$0x3F9F] =	sst s6  }
0xf: {  	[smem:$0x3FA0] =	sst s7  }
0x10: {  	[smem:$0x3FA1] =	sst s8  }
0x11: {  	[smem:$0x3FA2] =	sst s9;
	s0 =	simm.s32 @!p0 $0x0  }
0x12: {  	s1 =	sld [smem:$0x3F88];
	s0 =	simm.s32 @p0 $0x1  }
0x13: {  	[smem:$0x3FA3] =	sst s0;
	s0 =	simm.s32 @!p1 $0x0  }
0x14: {  	s2 =	sld [smem:$0x3F87];
	s0 =	simm.s32 @p1 $0x1  }
0x15: {  	[smem:$0x3FA4] =	sst s0;
	s0 =	simm.s32 @!p2 $0x0  }
0x16: {  	s3 =	sld [smem:$0x3FDB];
	s0 =	simm.s32 @p2 $0x1  }
0x17: {  	s4 =	simm.s32 $0x1BF5;
	[smem:$0x3FA6] =	sst s0  }
0x18: {  	s0 =	sld [smem:$0x3F89];
	_ =	swait.ge [sflag:s4], $0x0  }
0x19: {  	s7 =	sld [smem:$0x3F8A]  }
0x1a: {  	s8 =	sadd.s32 $0xFFFFE003, lr  }
0x1b: {  	s9 =	sadd.s32 $0xFFFFFEF7, lr;
	s5 =	simm.s32 $0xFFFFFFFF;
	p2 =	slt.u32 s8, $0xFFFFF086  }
0x1c: {  	p1 =	slt.u32 s9, $0xF7A;
	s5 =	simm.s32 @!p2 $0x0  }
0x1d: {  	s5 =	simm.s32 @p1 $0x1;
	p0 =	seq.s32 s7, s2  }
0x1e: {  	s7 =	smul.u32 @!p0 $0xF7A, s2;
	p2 =	seq.s32 @!p0 s5, $0x0  }
0x1f: {  	s9 =	smul.u32 $0xF7A, s1;
	s8 =	simm.s32 @!p0 $0x1BF5;
	p2 =	por !p2, p0  }
0x20: {  	[sflag:s8] =	ssyncset.s32 @!p0 $0xFFFFF086;
	s6 =	sadd.s32 @!p0 s3, s7;
	s7 =	simm.s32 @!p0 $0x108  }
0x21: {  	s3 =	sadd.s32 s3, s9;
	s6 =	sadd.s32 @!p0 $0x88, s6;
	s7 =	simm.s32 @p2 $0x1082  }
0x22: {  	[simem:s7], [sflag:s8] =	dma.local @!p0 [hbm:s6], $0xF7A  }
0x23: {  	s9 =	sor.u32 $0xD0000000, s2;
	s6 =	simm.s32 $0x108;
	_ =	swait.ge @!p0 [sflag:s8], $0x0  }
0x24: {  	s3 =	sadd.s32 $0x88, s3;
	s6 =	simm.s32 @!p1 $0x1082;
	[sflag:s4] =	ssyncset.s32 $0xFFFFF086  }
0x25: {  	[simem:s6], [sflag:s4] =	dma.local [hbm:s3], $0xF7A  }
0x26: {  	[smem:$0x3F8A] =	sst s1;
	(tag) =	ssettag s2;
	_ =	strace s9  }
0x27: {  	s1 =	sld [smem:$0x3F9A]  }
0x28: {  	s2 =	sld [smem:$0x3F9B]  }
0x29: {  	s4 =	sld [smem:$0x3F9D]  }
0x2a: {  	p0 =	seq.s32 s5, $0x0;
	s5 =	sld [smem:$0x3F9E]  }
0x2b: {  	s6 =	sld [smem:$0x3F9F]  }
0x2c: {  	s7 =	sld [smem:$0x3FA0]  }
0x2d: {  	s3 =	simm.s32 $0x108;
	s8 =	sld [smem:$0x3FA1]  }
0x2e: {  	s3 =	simm.s32 @!p0 $0x1082;
	s9 =	sld [smem:$0x3FA2]  }
0x2f: {  	lr =	sadd.s32 s0, s3;
	s0 =	sld [smem:$0x3F99]  }
0x30: {  	s3 =	sld [smem:$0x3F9C]  }
0x31: {  	[smem:$0x3FA5] =	sst s10  }
0x32: {  	s10 =	sld [smem:$0x3FA3];
	_ =	sdelay $0x3  }
0x33: {  	p0 =	seq.s32 s10, $0x1;
	s10 =	sld [smem:$0x3FA5];
	_ =	sdelay $0x3  }
0x34: {  	[smem:$0x3FA5] =	sst s10  }
0x35: {  	s10 =	sld [smem:$0x3FA4];
	_ =	sdelay $0x3  }
0x36: {  	p1 =	seq.s32 s10, $0x1;
	s10 =	sld [smem:$0x3FA5];
	_ =	sdelay $0x3  }
0x37: {  	[smem:$0x3FA5] =	sst s10  }
0x38: {  	s10 =	sld [smem:$0x3FA6]  }
0x39: {  	_ = 	snop;
	(pc) =	sbr.ind lr, $3  }
0x3a: {  	_ = 	snop  }
0x3b: {  	_ = 	snop  }
0x3c: {  	p2 =	seq.s32 s10, $0x1;
	s10 =	sld [smem:$0x3FA5]  }
0x3d: {  	_ =	shalt  }
0x3e: {  	_ =	shalt  }
0x3f: {  	_ =	shalt  }
0x40: {  	_ =	shalt  }
0x41: {  	_ =	shalt  }
0x42: {  	_ =	shalt  }
0x43: {  	_ =	shalt  }
0x44: {  	_ =	shalt  }
0x45: {  	_ =	shalt  }
0x46: {  	_ =	shalt  }
0x47: {  	_ =	shalt  }
0x48: {  	_ =	shalt  }
0x49: {  	_ =	shalt  }
0x4a: {  	_ =	shalt  }
0x4b: {  	_ =	shalt  }
0x4c: {  	_ =	shalt  }
0x4d: {  	_ =	shalt  }
0x4e: {  	_ =	shalt  }
0x4f: {  	_ =	shalt  }
0x50: {  	_ =	shalt  }
0x51: {  	_ =	shalt  }
0x52: {  	_ =	shalt  }
0x53: {  	_ =	shalt  }
0x54: {  	_ =	shalt  }
0x55: {  	_ =	shalt  }
0x56: {  	_ =	shalt  }
0x57: {  	_ =	shalt  }
0x58: {  	_ =	shalt  }
0x59: {  	_ =	shalt  }
0x5a: {  	_ =	shalt  }
0x5b: {  	_ =	shalt  }
0x5c: {  	_ =	shalt  }
0x5d: {  	_ =	shalt  }
0x5e: {  	_ =	shalt  }
0x5f: {  	_ =	shalt  }
0x60: {  	_ =	shalt  }
0x61: {  	_ =	shalt  }
0x62: {  	_ =	shalt  }
0x63: {  	_ =	shalt  }
0x64: {  	_ =	shalt  }
0x65: {  	_ =	shalt  }
0x66: {  	_ =	shalt  }
0x67: {  	_ =	shalt  }
0x68: {  	_ =	shalt  }
0x69: {  	_ =	shalt  }
0x6a: {  	_ =	shalt  }
0x6b: {  	_ =	shalt  }
0x6c: {  	_ =	shalt  }
0x6d: {  	_ =	shalt  }
0x6e: {  	_ =	shalt  }
0x6f: {  	_ =	shalt  }
0x70: {  	_ =	shalt  }
0x71: {  	_ =	shalt  }
0x72: {  	_ =	shalt  }
0x73: {  	_ =	shalt  }
0x74: {  	_ =	shalt  }
0x75: {  	_ =	shalt  }
0x76: {  	_ =	shalt  }
0x77: {  	_ =	shalt  }
0x78: {  	_ =	shalt  }
0x79: {  	_ =	shalt  }
0x7a: {  	_ =	shalt  }
0x7b: {  	_ =	shalt  }
0x7c: {  	_ =	shalt  }
0x7d: {  	_ =	shalt  }
0x7e: {  	_ =	shalt  }
0x7f: {  	_ =	shalt  }
0x80: {  	_ =	shalt  }
0x81: {  	_ =	shalt  }
0x82: {  	_ =	shalt  }
0x83: {  	_ =	shalt  }
0x84: {  	_ =	shalt  }
0x85: {  	_ =	shalt  }
0x86: {  	_ =	shalt  }
0x87: {  	_ =	shalt  }
.Lfunc_end0:
.L_simem_size_0:
called_computation.7_lowered:
.L_overlay_start_0:
0x88: {  	s2 =	sld [smem:$0x3FD9]  }
0x89: {  	s3 =	sld [smem:$0x3FFE];
	_ =	sdelay $0x1  }
0x8a: {  	s1 =	srdreg.scid  }
0x8b: {  	s0 =	sand.u32 $0x1, s1  }
0x8c: {  	s14 =	sshll.u32 s0, $0xA;
	s2 =	sadd.s32 s3, s2  }
0x8d: {  	s2 =	sadd.s32 s2, s14  }
0x8e: {  	[smem:$0x3FB1] =	sst s2  }
0x8f: {  	_ = 	snop  }
0x90: {  	s2 =	sld [smem:$0x3FD0];
	_ =	sdelay $0x2  }
0x91: {  	s15 =	simm.s32 $0xC;
	s4 =	simm.s32 $0x10  }
0x92: {  	[smem:s4], [sflag:s15] =	dma.local [hbm:s2], $0x1  }
0x93: {  	_ =	swait.eq [sflag:s15], $0x1  }
0x94: {  	[sflag:s15] =	ssyncset.done $0x0  }
0x95: {  	[sflag:s15] =	ssyncadd.s32 $0xFFFFFFFF  }
0x96: {  	s16 =	sld [smem:$0x11];
	(tm) =	ssettm $0x1  }
0x97: {  	s17 =	sld [smem:$0x3FFB];
	_ =	sdelay $0x3  }
0x98: {  	_ =	strace s17  }
0x99: {  	s3 =	sld [smem:$0x3FFC];
	_ =	sdelay $0x3  }
0x9a: {  	_ =	strace s3  }
0x9b: {  	s3 =	sld [smem:$0x3FFD];
	_ =	sdelay $0x3  }
0x9c: {  	_ =	strace s3  }
0x9d: {  	_ =	strace $0x8FFFFFFF  }
0x9e: {  	s18 =	sld [smem:$0x3FDB];
	_ =	sdelay $0x1  }
0x9f: {  	s19 =	simm.s32 $_scs_section_size  }
0xa0: {  	s5 =	simm.s32 $_size__tile_overlayer_lowered;
	s6 =	simm.s32 $_tile_overlayer_lowered  }
0xa1: {  	s22 =	simm.s32 $0x1BFF;
	s21 =	sshll.u32 s6, $0x1;
	s3 =	sadd.s32 s19, s18  }
0xa2: {  	s7 =	simm.s32 $0x0;
	s20 =	sshll.u32 s5, $0x1;
	s5 =	sadd.s32 s21, s3  }
0xa3: {  	[timem:s7], [sflag:s22] =	dma.local [hbm:s5], s20  }
0xa4: {  	_ =	swait.ge [sflag:s22], s20  }
0xa5: {  	s4 =	ssub.s32 $0x0, s20;
	[sflag:s22] =	ssyncset.done $0x0  }
0xa6: {  	[sflag:s22] =	ssyncadd.s32 s4;
	_ =	sdelay $0x1  }
0xa7: {  	s23 =	simm.s32 $0x1B8B  }
0xa8: {  	_ =	swait.ge [sflag:s23], $0x1  }
0xa9: {  	[sflag:s23] =	ssyncset.done $0x0  }
0xaa: {  	s25 =	simm.s32 $0x1B8E;
	s24 =	sld [smem:$0x3FFE];
	[sflag:s23] =	ssyncadd.s32 $0xFFFFFFFF  }
0xab: {  	s26 =	simm.s32 $execute0_lowered;
	[smem:$0x3FD2] =	sst s25  }
0xac: {  	s5 =	sshll.u32 s26, $0x1;
	_ =	strace $0x8000005E;
	[dreg:$0x1] =	wrdreg $0xFFFFFFFF  }
0xad: {  	s28 =	simm.s32 $_size_execute0_lowered;
	s3 =	sadd.s32 s3, s5;
	[dreg:$0x0] =	wrdreg $0x0  }
0xae: {  	s5 =	sshll.u32 s28, $0x1;
	[dreg:$0x2] =	wrdreg s3  }
0xaf: {  	[dreg:$0x3] =	wrdreg s5  }
0xb0: {  	[dreg:$0x4] =	wrdreg $0xC0  }
0xb1: {  	_ =	task [dreg:s7], $0x5FFFF  }
0xb2: {  	[dreg:$0x1] =	wrdreg $0xFFFFFFFF  }
0xb3: {  	[dreg:$0x0] =	wrdreg $0x60  }
0xb4: {  	[dreg:$0x2] =	wrdreg s24  }
0xb5: {  	[dreg:$0x3] =	wrdreg s16  }
0xb6: {  	[dreg:$0x4] =	wrdreg $0x74000  }
0xb7: {  	[dreg:$0x5] =	wrdreg $0x9  }
0xb8: {  	_ =	task.clear_ibuf [dreg:s7], $0x6FFFF;
	_ =	strace $0x9000005E  }
0xb9: {  	s29 =	simm.s32 $0x9;
	_ =	strace $0x80000060  }
0xba: {  	_ =	swait.ge [sflag:s29], $0x1  }
0xbb: {  	[sflag:s29] =	ssyncadd.s32 $0xFFFFFFFF  }
0xbc: {  	_ =	strace $0x90000060  }
0xbd: {  	_ =	sfence  }
0xbe: {  	s30 =	sld [smem:$0x0];
	_ =	sdelay $0x2  }
0xbf: {  	s31 =	sshll.u32 s1, $0xD;
	s1 =	sshrl.u32 s1, $0x2  }
0xc0: {  	s3 =	sand.u32 $0x4000, s31;
	s1 =	sadd.s32 s1, s30  }
0xc1: {  	s0 =	sor.u32 s3, s0;
	s1 =	sshll.u32 s1, $0x11  }
0xc2: {  	s0 =	sor.u32 s1, s0  }
0xc3: {  	s0 =	sadd.s32 $0x8F2B, s0  }
0xc4: {  	[sflag:s0] =	ssyncadd.remote.s32 $0x1  }
0xc5: {  	_ =	sfence.sel $0xFFFF  }
0xc6: {  	[dreg:$0x0] =	wrdreg $0xFFFFFFFF;
	(pc) =	sbr.abs _section_cstart, $3  }
0xc7: {  	[dreg:$0x1] =	wrdreg $0xFFFFFFFF  }
0xc8: {  	_ =	task.clear_ibuf [dreg:s7], $0x2FFFF;
	_ =	strace $0x9FFFFFFF  }
0xc9: {  	(tm) =	ssettm $0x7FFFFFFF  }
tec
execute0_lowered:
.L_overlay_start_1:
0x0: {  	(tag) =	ssettag $0x1  }
0x1: {  	s16 =	stileid.u32  }
0x2: {  	s0 =	rddreg [dreg:$0x0];
	s6 =	smul.u32 $0x1388, s16  }
0x3: {  	s1 =	srdreg.scid;
	s7 =	smul.u32 $0x14000, s16  }
0x4: {  	s3 =	rddreg [dreg:$0x2];
	s8 =	smul.u32 $0x50000, s16  }
0x5: {  	s4 =	simm.s32 $0x0;
	s1 =	sand.u32 $0x1, s1;
	s24 =	smul.u32 $0x13880, s16  }
0x6: {  	s28 =	simm.s32 $0x2C00;
	s29 =	simm.s32 $0x3400;
	s2 =	smul.u32 $0x138800, s1  }
0x7: {  	s30 =	simm.s32 $0x3C00;
	s31 =	simm.s32 $0x4400;
	s5 =	smul.u32 $0x13880, s1  }
0x8: {  	[smem:$0x7FF] =	sst s4;
	s19 =	smul.u32 $0x140000, s1;
	s1 =	ssub.s32 $0x2, s1  }
0x9: {  	s16 =	sshll.u32 s16, $0x3;
	_ =	strace $0x8000005F;
	s21 =	sshrl.u32 s1, $0x1  }
0xa: {  	s22 =	sshrl.u32 s8, $0x2;
	s5 =	sadd.s32 s6, s5;
	s2 =	sadd.s32 s2, s0  }
0xb: {  	s20 =	sadd.s32 s7, s19;
	s1 =	ssub.s32 s1, s21;
	s21 =	simm.s32 $0x2  }
0xc: {  	s5 =	sshrl.u32 s5, $0x3;
	s25 =	sadd.s32 s24, s2;
	s1 =	smax.u32 s1, $0x1  }
0xd: {  	s24 =	simm.s32 $0x1;
	s2 =	simm.s32 $0x0;
	s9 =	sadd.s32 s5, s0  }
0xe: {  	s5 =	sshrl.u32 s20, $0x3;
	[dreg:$0x7] =	wrdreg s1;
	s26 =	sadd.s32 $0xC000, s25  }
0xf: {  	s18 =	sadd.s32 $0x75F000, s25;
	s25 =	simm.s32 $0x1C00;
	s0 =	sadd.s32 s5, s0  }
0x10: {  	s5 =	sadd.s32 s22, s3;
	s23 =	sadd.s32 $0x7000, s9;
	[dreg:$0x8] =	wrdreg s26  }
0x11: {  	s22 =	simm.s32 $0x5400;
	s26 =	simm.s32 $0x2400;
	[dreg:$0x4] =	wrdreg s23  }
0x12: {  	s7 =	sadd.s32 $0x2000, s5;
	s8 =	sadd.s32 $0x4000, s5;
	s9 =	sadd.s32 $0x6000, s5  }
0x13: {  	v0 =	vlaneseq.u32;
	s10 =	sadd.s32 $0x8000, s5;
	s11 =	sadd.s32 $0xA000, s5;
	s12 =	sadd.s32 $0xC000, s5  }
0x14: {  	v2 =	vmul.u32 $0xFFFFFFFF, v0;
	v1 =	vmov s16;
	s13 =	sadd.s32 $0xE000, s5;
	s14 =	sadd.s32 $0x10000, s5;
	s17 =	sadd.s32 $0x27D800, s0  }
0x15: {  	v0 =	vadd.s32 $0x2710, v1;
	s15 =	sadd.s32 $0x12000, s5;
	s0 =	sadd.s32 $0x2CD800, s0;
	[dreg:$0x5] =	wrdreg s17  }
0x16: {  	vm0 =	vmmov $0xffff;
	v1 =	vadd.s32 $0x1388, v2;
	v0 =	vbroadcast v0, $0x0;
	s23 =	simm.s32 $0x1400;
	[dreg:$0x6] =	wrdreg s0;
	s0 =	simm.s32 $0x4C00  }
.LBB2_1:
0x17: {  	s1 =	rddreg [dreg:$0x4]  }
0x18: {  	[tilespmem:s4], [sflag:$0x2] =	stream.linear.gather [hbm4b:s1+s4], $0x1388, $0x38;
	[tilespmem:$0x1B400] =	vst v63  }
0x19: {  	_ =	swait.ge [sflag:s21], $0x1388  }
0x1a: {  	[sflag:s21] =	ssyncset.done $0x0  }
0x1b: {  	[sflag:s21] =	ssyncadd.s32 $0xFFFFEC78  }
0x1c: {  	s20 =	rddreg [dreg:$0x1]  }
0x1d: {  	[tilespmem:s22], [sflag:$0x2] =	stream.linear.gather [hbm4b:s20+s4], $0x2000, $0x38;
	[tilespmem:$0x1B400] =	vst v63  }
0x1e: {  	_ =	swait.ge [sflag:s21], $0x2000  }
0x1f: {  	[sflag:s21] =	ssyncset.done $0x0  }
0x20: {  	[sflag:s21] =	ssyncadd.s32 $0xFFFFE000  }
0x21: {  	[spmem:s5] =	stream.linear.scatter [tilespmem:s22], [sflag:$0x2], $0x2000, $0x38;
	[tilespmem:$0x1B400] =	vst v63  }
0x22: {  	_ =	swait.ge [sflag:s21], $0x2000  }
0x23: {  	[sflag:s21] =	ssyncset.done $0x0  }
0x24: {  	[sflag:s21] =	ssyncadd.s32 $0xFFFFE000  }
0x25: {  	[spmem:s7] =	stream.linear.scatter [tilespmem:s22], [sflag:$0x2], $0x2000, $0x38;
	[tilespmem:$0x1B400] =	vst v63  }
0x26: {  	_ =	swait.ge [sflag:s21], $0x2000  }
0x27: {  	[sflag:s21] =	ssyncset.done $0x0  }
0x28: {  	[sflag:s21] =	ssyncadd.s32 $0xFFFFE000  }
0x29: {  	[spmem:s8] =	stream.linear.scatter [tilespmem:s22], [sflag:$0x2], $0x2000, $0x38;
	[tilespmem:$0x1B400] =	vst v63  }
0x2a: {  	_ =	swait.ge [sflag:s21], $0x2000  }
0x2b: {  	[sflag:s21] =	ssyncset.done $0x0  }
0x2c: {  	[sflag:s21] =	ssyncadd.s32 $0xFFFFE000  }
0x2d: {  	[spmem:s9] =	stream.linear.scatter [tilespmem:s22], [sflag:$0x2], $0x2000, $0x38;
	[tilespmem:$0x1B400] =	vst v63  }
0x2e: {  	_ =	swait.ge [sflag:s21], $0x2000  }
0x2f: {  	[sflag:s21] =	ssyncset.done $0x0  }
0x30: {  	[sflag:s21] =	ssyncadd.s32 $0xFFFFE000  }
0x31: {  	[spmem:s10] =	stream.linear.scatter [tilespmem:s22], [sflag:$0x2], $0x2000, $0x38;
	[tilespmem:$0x1B400] =	vst v63  }
0x32: {  	_ =	swait.ge [sflag:s21], $0x2000  }
0x33: {  	[sflag:s21] =	ssyncset.done $0x0  }
0x34: {  	[sflag:s21] =	ssyncadd.s32 $0xFFFFE000  }
0x35: {  	[spmem:s11] =	stream.linear.scatter [tilespmem:s22], [sflag:$0x2], $0x2000, $0x38;
	[tilespmem:$0x1B400] =	vst v63  }
0x36: {  	_ =	swait.ge [sflag:s21], $0x2000  }
0x37: {  	[sflag:s21] =	ssyncset.done $0x0  }
0x38: {  	[sflag:s21] =	ssyncadd.s32 $0xFFFFE000  }
0x39: {  	[spmem:s12] =	stream.linear.scatter [tilespmem:s22], [sflag:$0x2], $0x2000, $0x38;
	[tilespmem:$0x1B400] =	vst v63  }
0x3a: {  	_ =	swait.ge [sflag:s21], $0x2000  }
0x3b: {  	[sflag:s21] =	ssyncset.done $0x0  }
0x3c: {  	[sflag:s21] =	ssyncadd.s32 $0xFFFFE000  }
0x3d: {  	[spmem:s13] =	stream.linear.scatter [tilespmem:s22], [sflag:$0x2], $0x2000, $0x38;
	[tilespmem:$0x1B400] =	vst v63  }
0x3e: {  	_ =	swait.ge [sflag:s21], $0x2000  }
0x3f: {  	[sflag:s21] =	ssyncset.done $0x0  }
0x40: {  	[sflag:s21] =	ssyncadd.s32 $0xFFFFE000  }
0x41: {  	[spmem:s14] =	stream.linear.scatter [tilespmem:s22], [sflag:$0x2], $0x2000, $0x38;
	[tilespmem:$0x1B400] =	vst v63  }
0x42: {  	_ =	swait.ge [sflag:s21], $0x2000  }
0x43: {  	[sflag:s21] =	ssyncset.done $0x0  }
0x44: {  	[sflag:s21] =	ssyncadd.s32 $0xFFFFE000  }
0x45: {  	[spmem:s15] =	stream.linear.scatter [tilespmem:s22], [sflag:$0x2], $0x2000, $0x38;
	[tilespmem:$0x1B400] =	vst v63  }
0x46: {  	_ =	swait.ge [sflag:s21], $0x2000  }
0x47: {  	[sflag:s21] =	ssyncset.done $0x0  }
0x48: {  	[sflag:s21] =	ssyncadd.s32 $0xFFFFE000  }
0x49: {  	[bflag:$0x0] =	sbarrier.arrive $0xFFFF  }
0x4a: {  	s6 =	simm.s32 $0x40;
	s1 =	simm.s32 $0x70;
	s16 =	rddreg [dreg:$0x8]  }
.LBB2_2:
0x4b: {  	[tilespmem:s23], [sflag:$0x1] =	stream.linear.gather [hbm4b:s16+s4], $0x4000, $0x38;
	[tilespmem:$0x1B400] =	vst v63  }
0x4c: {  	_ =	swait.ge [sflag:s24], $0x4000  }
0x4d: {  	[sflag:s24] =	ssyncset.done $0x0  }
0x4e: {  	[sflag:s24] =	ssyncadd.s32 $0xFFFFC000  }
0x4f: {  	v2 =	vld [tilespmem:s6+$0xFFFFFFC0];
	_ =	sdelay $0x1  }
0x50: {  	s17 =	sadd.s32 $0xFFFFFF90, s1  }
0x51: {  	v3 =	vmov s17  }
0x52: {  	vm1 =	vlt.u32 v3, v1  }
0x53: {  	v2 =	vsel vm1, v2, v0;
	_ =	sdelay $0x4  }
0x54: {  	[spmem:s3] =	stream.indirect_vreg.scatter.add.f32 [tilespmem:s23], [sflag:$0x2], $0x80, v2, vm0, $0xb8;
	[tilespmem:$0x1B400] =	vst v63  }
0x55: {  	_ =	swait.ge [sflag:s21], $0x800  }
0x56: {  	[sflag:s21] =	ssyncset.done $0x0  }
0x57: {  	[sflag:s21] =	ssyncadd.s32 $0xFFFFF800  }
0x58: {  	v2 =	vld [tilespmem:s6+$0xFFFFFFD0];
	_ =	sdelay $0x1  }
0x59: {  	s19 =	sadd.s32 $0xFFFFFFA0, s1  }
0x5a: {  	v3 =	vmov s19  }
0x5b: {  	vm1 =	vlt.u32 v3, v1  }
0x5c: {  	v2 =	vsel vm1, v2, v0;
	_ =	sdelay $0x4  }
0x5d: {  	[spmem:s3] =	stream.indirect_vreg.scatter.add.f32 [tilespmem:s25], [sflag:$0x2], $0x80, v2, vm0, $0xb8;
	[tilespmem:$0x1B400] =	vst v63  }
0x5e: {  	_ =	swait.ge [sflag:s21], $0x800  }
0x5f: {  	[sflag:s21] =	ssyncset.done $0x0  }
0x60: {  	[sflag:s21] =	ssyncadd.s32 $0xFFFFF800  }
0x61: {  	v2 =	vld [tilespmem:s6+$0xFFFFFFE0];
	_ =	sdelay $0x1  }
0x62: {  	s20 =	sadd.s32 $0xFFFFFFB0, s1  }
0x63: {  	v3 =	vmov s20  }
0x64: {  	vm1 =	vlt.u32 v3, v1  }
0x65: {  	v2 =	vsel vm1, v2, v0;
	_ =	sdelay $0x4  }
0x66: {  	[spmem:s3] =	stream.indirect_vreg.scatter.add.f32 [tilespmem:s26], [sflag:$0x2], $0x80, v2, vm0, $0xb8;
	[tilespmem:$0x1B400] =	vst v63  }
0x67: {  	_ =	swait.ge [sflag:s21], $0x800  }
0x68: {  	[sflag:s21] =	ssyncset.done $0x0  }
0x69: {  	[sflag:s21] =	ssyncadd.s32 $0xFFFFF800  }
0x6a: {  	v2 =	vld [tilespmem:s6+$0xFFFFFFF0];
	_ =	sdelay $0x1  }
0x6b: {  	s19 =	sadd.s32 $0xFFFFFFC0, s1  }
0x6c: {  	v3 =	vmov s19  }
0x6d: {  	vm1 =	vlt.u32 v3, v1  }
0x6e: {  	v2 =	vsel vm1, v2, v0;
	_ =	sdelay $0x4  }
0x6f: {  	[spmem:s3] =	stream.indirect_vreg.scatter.add.f32 [tilespmem:s28], [sflag:$0x2], $0x80, v2, vm0, $0xb8;
	[tilespmem:$0x1B400] =	vst v63  }
0x70: {  	_ =	swait.ge [sflag:s21], $0x800  }
0x71: {  	[sflag:s21] =	ssyncset.done $0x0  }
0x72: {  	[sflag:s21] =	ssyncadd.s32 $0xFFFFF800  }
0x73: {  	v2 =	vld [tilespmem:s6+$0x0];
	_ =	sdelay $0x1  }
0x74: {  	s20 =	sadd.s32 $0xFFFFFFD0, s1  }
0x75: {  	v3 =	vmov s20  }
0x76: {  	vm1 =	vlt.u32 v3, v1  }
0x77: {  	v2 =	vsel vm1, v2, v0;
	_ =	sdelay $0x4  }
0x78: {  	[spmem:s3] =	stream.indirect_vreg.scatter.add.f32 [tilespmem:s29], [sflag:$0x2], $0x80, v2, vm0, $0xb8;
	[tilespmem:$0x1B400] =	vst v63  }
0x79: {  	_ =	swait.ge [sflag:s21], $0x800  }
0x7a: {  	[sflag:s21] =	ssyncset.done $0x0  }
0x7b: {  	[sflag:s21] =	ssyncadd.s32 $0xFFFFF800  }
0x7c: {  	v2 =	vld [tilespmem:s6+$0x10];
	_ =	sdelay $0x1  }
0x7d: {  	s19 =	sadd.s32 $0xFFFFFFE0, s1  }
0x7e: {  	v3 =	vmov s19  }
0x7f: {  	vm1 =	vlt.u32 v3, v1  }
0x80: {  	v2 =	vsel vm1, v2, v0;
	_ =	sdelay $0x4  }
0x81: {  	[spmem:s3] =	stream.indirect_vreg.scatter.add.f32 [tilespmem:s30], [sflag:$0x2], $0x80, v2, vm0, $0xb8;
	[tilespmem:$0x1B400] =	vst v63  }
0x82: {  	_ =	swait.ge [sflag:s21], $0x800  }
0x83: {  	[sflag:s21] =	ssyncset.done $0x0  }
0x84: {  	[sflag:s21] =	ssyncadd.s32 $0xFFFFF800  }
0x85: {  	v2 =	vld [tilespmem:s6+$0x20];
	_ =	sdelay $0x1  }
0x86: {  	s20 =	sadd.s32 $0xFFFFFFF0, s1  }
0x87: {  	v3 =	vmov s20  }
0x88: {  	vm1 =	vlt.u32 v3, v1  }
0x89: {  	v2 =	vsel vm1, v2, v0;
	_ =	sdelay $0x4  }
0x8a: {  	[spmem:s3] =	stream.indirect_vreg.scatter.add.f32 [tilespmem:s31], [sflag:$0x2], $0x80, v2, vm0, $0xb8;
	[tilespmem:$0x1B400] =	vst v63  }
0x8b: {  	_ =	swait.ge [sflag:s21], $0x800  }
0x8c: {  	[sflag:s21] =	ssyncset.done $0x0  }
0x8d: {  	[sflag:s21] =	ssyncadd.s32 $0xFFFFF800  }
0x8e: {  	v2 =	vld [tilespmem:s6+$0x30];
	_ =	sdelay $0x2  }
0x8f: {  	v3 =	vmov s1  }
0x90: {  	vm1 =	vlt.u32 v3, v1  }
0x91: {  	v2 =	vsel vm1, v2, v0;
	_ =	sdelay $0x2  }
0x92: {  	p0 =	sne.s32 s1, $0x13F0  }
.Ltmp0:
0x93: {  	_ = 	snop;
	(pc) =	sbr.rel @p0 .LBB2_2-.Ltmp0, $4  }
0x94: {  	[spmem:s3] =	stream.indirect_vreg.scatter.add.f32 [tilespmem:s0], [sflag:$0x2], $0x80, v2, vm0, $0xb8;
	[tilespmem:$0x1B400] =	vst v63  }
0x95: {  	_ =	swait.ge [sflag:s21], $0x800  }
0x96: {  	s16 =	sadd.s32 $0x800, s16;
	[sflag:s21] =	ssyncset.done $0x0  }
0x97: {  	s1 =	sadd.s32 $0x80, s1;
	s6 =	sadd.s32 $0x80, s6;
	[sflag:s21] =	ssyncadd.s32 $0xFFFFF800  }
0x98: {  	s1 =	stileid.u32  }
0x99: {  	[bflag:$0x0] =	sbarrier.arrive $0xFFFF;
	s1 =	sshll.u32 s1, $0x6  }
0x9a: {  	s6 =	sshrl.u32 s5, $0x3;
	s16 =	rddreg [dreg:$0x5];
	s1 =	sor.u32 $0x1C02, s1  }
0x9b: {  	[hbm:s16], [sflag:s1] =	dma.local [spmem:s6], $0x2800  }
0x9c: {  	_ =	swait.ge [sflag:s21], $0x2800  }
0x9d: {  	[sflag:s21] =	ssyncset.done $0x0  }
0x9e: {  	[sflag:s21] =	ssyncadd.s32 $0xFFFFD800  }
0x9f: {  	[bflag:$0x0] =	sbarrier.arrive $0xFFFF  }
0xa0: {  	[spmem:s5] =	stream.linear.scatter [tilespmem:s22], [sflag:$0x2], $0x2000, $0x38;
	[tilespmem:$0x1B400] =	vst v63  }
0xa1: {  	_ =	swait.ge [sflag:s21], $0x2000  }
0xa2: {  	[sflag:s21] =	ssyncset.done $0x0  }
0xa3: {  	[sflag:s21] =	ssyncadd.s32 $0xFFFFE000  }
0xa4: {  	[spmem:s7] =	stream.linear.scatter [tilespmem:s22], [sflag:$0x2], $0x2000, $0x38;
	[tilespmem:$0x1B400] =	vst v63  }
0xa5: {  	_ =	swait.ge [sflag:s21], $0x2000  }
0xa6: {  	[sflag:s21] =	ssyncset.done $0x0  }
0xa7: {  	[sflag:s21] =	ssyncadd.s32 $0xFFFFE000  }
0xa8: {  	[spmem:s8] =	stream.linear.scatter [tilespmem:s22], [sflag:$0x2], $0x2000, $0x38;
	[tilespmem:$0x1B400] =	vst v63  }
0xa9: {  	_ =	swait.ge [sflag:s21], $0x2000  }
0xaa: {  	[sflag:s21] =	ssyncset.done $0x0  }
0xab: {  	[sflag:s21] =	ssyncadd.s32 $0xFFFFE000  }
0xac: {  	[spmem:s9] =	stream.linear.scatter [tilespmem:s22], [sflag:$0x2], $0x2000, $0x38;
	[tilespmem:$0x1B400] =	vst v63  }
0xad: {  	_ =	swait.ge [sflag:s21], $0x2000  }
0xae: {  	[sflag:s21] =	ssyncset.done $0x0  }
0xaf: {  	[sflag:s21] =	ssyncadd.s32 $0xFFFFE000  }
0xb0: {  	[spmem:s10] =	stream.linear.scatter [tilespmem:s22], [sflag:$0x2], $0x2000, $0x38;
	[tilespmem:$0x1B400] =	vst v63  }
0xb1: {  	_ =	swait.ge [sflag:s21], $0x2000  }
0xb2: {  	[sflag:s21] =	ssyncset.done $0x0  }
0xb3: {  	[sflag:s21] =	ssyncadd.s32 $0xFFFFE000  }
0xb4: {  	[spmem:s11] =	stream.linear.scatter [tilespmem:s22], [sflag:$0x2], $0x2000, $0x38;
	[tilespmem:$0x1B400] =	vst v63  }
0xb5: {  	_ =	swait.ge [sflag:s21], $0x2000  }
0xb6: {  	[sflag:s21] =	ssyncset.done $0x0  }
0xb7: {  	[sflag:s21] =	ssyncadd.s32 $0xFFFFE000  }
0xb8: {  	[spmem:s12] =	stream.linear.scatter [tilespmem:s22], [sflag:$0x2], $0x2000, $0x38;
	[tilespmem:$0x1B400] =	vst v63  }
0xb9: {  	_ =	swait.ge [sflag:s21], $0x2000  }
0xba: {  	[sflag:s21] =	ssyncset.done $0x0  }
0xbb: {  	[sflag:s21] =	ssyncadd.s32 $0xFFFFE000  }
0xbc: {  	[spmem:s13] =	stream.linear.scatter [tilespmem:s22], [sflag:$0x2], $0x2000, $0x38;
	[tilespmem:$0x1B400] =	vst v63  }
0xbd: {  	_ =	swait.ge [sflag:s21], $0x2000  }
0xbe: {  	[sflag:s21] =	ssyncset.done $0x0  }
0xbf: {  	[sflag:s21] =	ssyncadd.s32 $0xFFFFE000  }
0xc0: {  	[spmem:s14] =	stream.linear.scatter [tilespmem:s22], [sflag:$0x2], $0x2000, $0x38;
	[tilespmem:$0x1B400] =	vst v63  }
0xc1: {  	_ =	swait.ge [sflag:s21], $0x2000  }
0xc2: {  	[sflag:s21] =	ssyncset.done $0x0  }
0xc3: {  	[sflag:s21] =	ssyncadd.s32 $0xFFFFE000  }
0xc4: {  	[spmem:s15] =	stream.linear.scatter [tilespmem:s22], [sflag:$0x2], $0x2000, $0x38;
	[tilespmem:$0x1B400] =	vst v63  }
0xc5: {  	_ =	swait.ge [sflag:s21], $0x2000  }
0xc6: {  	[sflag:s21] =	ssyncset.done $0x0  }
0xc7: {  	s17 =	simm.s32 $0x40;
	[sflag:s21] =	ssyncadd.s32 $0xFFFFE000  }
0xc8: {  	s20 =	smov.u32 s18;
	s16 =	simm.s32 $0x70;
	[bflag:$0x0] =	sbarrier.arrive $0xFFFF  }
.LBB2_4:
0xc9: {  	[tilespmem:s23], [sflag:$0x1] =	stream.linear.gather [hbm4b:s20+s4], $0x4000, $0x38;
	[tilespmem:$0x1B400] =	vst v63  }
0xca: {  	_ =	swait.ge [sflag:s24], $0x4000  }
0xcb: {  	[sflag:s24] =	ssyncset.done $0x0  }
0xcc: {  	[sflag:s24] =	ssyncadd.s32 $0xFFFFC000  }
0xcd: {  	v2 =	vld [tilespmem:s17+$0xFFFFFFC0];
	_ =	sdelay $0x1  }
0xce: {  	s19 =	sadd.s32 $0xFFFFFF90, s16  }
0xcf: {  	v3 =	vmov s19  }
0xd0: {  	vm1 =	vlt.u32 v3, v1  }
0xd1: {  	v2 =	vsel vm1, v2, v0;
	_ =	sdelay $0x4  }
0xd2: {  	[spmem:s3] =	stream.indirect_vreg.scatter.add.f32 [tilespmem:s23], [sflag:$0x2], $0x80, v2, vm0, $0xb8;
	[tilespmem:$0x1B400] =	vst v63  }
0xd3: {  	_ =	swait.ge [sflag:s21], $0x800  }
0xd4: {  	[sflag:s21] =	ssyncset.done $0x0  }
0xd5: {  	[sflag:s21] =	ssyncadd.s32 $0xFFFFF800  }
0xd6: {  	v2 =	vld [tilespmem:s17+$0xFFFFFFD0];
	_ =	sdelay $0x1  }
0xd7: {  	s19 =	sadd.s32 $0xFFFFFFA0, s16  }
0xd8: {  	v3 =	vmov s19  }
0xd9: {  	vm1 =	vlt.u32 v3, v1  }
0xda: {  	v2 =	vsel vm1, v2, v0;
	_ =	sdelay $0x4  }
0xdb: {  	[spmem:s3] =	stream.indirect_vreg.scatter.add.f32 [tilespmem:s25], [sflag:$0x2], $0x80, v2, vm0, $0xb8;
	[tilespmem:$0x1B400] =	vst v63  }
0xdc: {  	_ =	swait.ge [sflag:s21], $0x800  }
0xdd: {  	[sflag:s21] =	ssyncset.done $0x0  }
0xde: {  	[sflag:s21] =	ssyncadd.s32 $0xFFFFF800  }
0xdf: {  	v2 =	vld [tilespmem:s17+$0xFFFFFFE0];
	_ =	sdelay $0x1  }
0xe0: {  	s19 =	sadd.s32 $0xFFFFFFB0, s16  }
0xe1: {  	v3 =	vmov s19  }
0xe2: {  	vm1 =	vlt.u32 v3, v1  }
0xe3: {  	v2 =	vsel vm1, v2, v0;
	_ =	sdelay $0x4  }
0xe4: {  	[spmem:s3] =	stream.indirect_vreg.scatter.add.f32 [tilespmem:s26], [sflag:$0x2], $0x80, v2, vm0, $0xb8;
	[tilespmem:$0x1B400] =	vst v63  }
0xe5: {  	_ =	swait.ge [sflag:s21], $0x800  }
0xe6: {  	[sflag:s21] =	ssyncset.done $0x0  }
0xe7: {  	[sflag:s21] =	ssyncadd.s32 $0xFFFFF800  }
0xe8: {  	v2 =	vld [tilespmem:s17+$0xFFFFFFF0];
	_ =	sdelay $0x1  }
0xe9: {  	s19 =	sadd.s32 $0xFFFFFFC0, s16  }
0xea: {  	v3 =	vmov s19  }
0xeb: {  	vm1 =	vlt.u32 v3, v1  }
0xec: {  	v2 =	vsel vm1, v2, v0;
	_ =	sdelay $0x4  }
0xed: {  	[spmem:s3] =	stream.indirect_vreg.scatter.add.f32 [tilespmem:s28], [sflag:$0x2], $0x80, v2, vm0, $0xb8;
	[tilespmem:$0x1B400] =	vst v63  }
0xee: {  	_ =	swait.ge [sflag:s21], $0x800  }
0xef: {  	[sflag:s21] =	ssyncset.done $0x0  }
0xf0: {  	[sflag:s21] =	ssyncadd.s32 $0xFFFFF800  }
0xf1: {  	v2 =	vld [tilespmem:s17+$0x0];
	_ =	sdelay $0x1  }
0xf2: {  	s19 =	sadd.s32 $0xFFFFFFD0, s16  }
0xf3: {  	v3 =	vmov s19  }
0xf4: {  	vm1 =	vlt.u32 v3, v1  }
0xf5: {  	v2 =	vsel vm1, v2, v0;
	_ =	sdelay $0x4  }
0xf6: {  	[spmem:s3] =	stream.indirect_vreg.scatter.add.f32 [tilespmem:s29], [sflag:$0x2], $0x80, v2, vm0, $0xb8;
	[tilespmem:$0x1B400] =	vst v63  }
0xf7: {  	_ =	swait.ge [sflag:s21], $0x800  }
0xf8: {  	[sflag:s21] =	ssyncset.done $0x0  }
0xf9: {  	[sflag:s21] =	ssyncadd.s32 $0xFFFFF800  }
0xfa: {  	v2 =	vld [tilespmem:s17+$0x10];
	_ =	sdelay $0x1  }
0xfb: {  	s19 =	sadd.s32 $0xFFFFFFE0, s16  }
0xfc: {  	v3 =	vmov s19  }
0xfd: {  	vm1 =	vlt.u32 v3, v1  }
0xfe: {  	v2 =	vsel vm1, v2, v0;
	_ =	sdelay $0x4  }
0xff: {  	[spmem:s3] =	stream.indirect_vreg.scatter.add.f32 [tilespmem:s30], [sflag:$0x2], $0x80, v2, vm0, $0xb8;
	[tilespmem:$0x1B400] =	vst v63  }
0x100: {  	_ =	swait.ge [sflag:s21], $0x800  }
0x101: {  	[sflag:s21] =	ssyncset.done $0x0  }
0x102: {  	[sflag:s21] =	ssyncadd.s32 $0xFFFFF800  }
0x103: {  	v2 =	vld [tilespmem:s17+$0x20];
	_ =	sdelay $0x1  }
0x104: {  	s19 =	sadd.s32 $0xFFFFFFF0, s16  }
0x105: {  	v3 =	vmov s19  }
0x106: {  	vm1 =	vlt.u32 v3, v1  }
0x107: {  	v2 =	vsel vm1, v2, v0;
	_ =	sdelay $0x4  }
0x108: {  	[spmem:s3] =	stream.indirect_vreg.scatter.add.f32 [tilespmem:s31], [sflag:$0x2], $0x80, v2, vm0, $0xb8;
	[tilespmem:$0x1B400] =	vst v63  }
0x109: {  	_ =	swait.ge [sflag:s21], $0x800  }
0x10a: {  	[sflag:s21] =	ssyncset.done $0x0  }
0x10b: {  	[sflag:s21] =	ssyncadd.s32 $0xFFFFF800  }
0x10c: {  	v2 =	vld [tilespmem:s17+$0x30];
	_ =	sdelay $0x2  }
0x10d: {  	v3 =	vmov s16  }
0x10e: {  	vm1 =	vlt.u32 v3, v1  }
0x10f: {  	v2 =	vsel vm1, v2, v0;
	_ =	sdelay $0x2  }
0x110: {  	p0 =	sne.s32 s16, $0x13F0  }
.Ltmp1:
0x111: {  	_ = 	snop;
	(pc) =	sbr.rel @p0 .LBB2_4-.Ltmp1, $4  }
0x112: {  	[spmem:s3] =	stream.indirect_vreg.scatter.add.f32 [tilespmem:s0], [sflag:$0x2], $0x80, v2, vm0, $0xb8;
	[tilespmem:$0x1B400] =	vst v63  }
0x113: {  	_ =	swait.ge [sflag:s21], $0x800  }
0x114: {  	s20 =	sadd.s32 $0x800, s20;
	[sflag:s21] =	ssyncset.done $0x0  }
0x115: {  	s16 =	sadd.s32 $0x80, s16;
	s17 =	sadd.s32 $0x80, s17;
	[sflag:s21] =	ssyncadd.s32 $0xFFFFF800  }
0x116: {  	[bflag:$0x0] =	sbarrier.arrive $0xFFFF  }
0x117: {  	s16 =	rddreg [dreg:$0x6]  }
0x118: {  	[hbm:s16], [sflag:s1] =	dma.local [spmem:s6], $0x2800  }
0x119: {  	_ =	swait.ge [sflag:s21], $0x2800  }
0x11a: {  	s2 =	sadd.s32 $0x1, s2;
	s20 =	rddreg [dreg:$0x7]  }
0x11b: {  	p0 =	sne.s32 s2, s20  }
.Ltmp2:
0x11c: {  	_ = 	snop;
	(pc) =	sbr.rel @p0 .LBB2_1-.Ltmp2, $3  }
0x11d: {  	[sflag:s21] =	ssyncset.done $0x0  }
0x11e: {  	[sflag:s21] =	ssyncadd.s32 $0xFFFFD800  }
0x11f: {  	[bflag:$0x0] =	sbarrier.arrive $0xFFFF;
	_ =	sdelay $0x1  }
0x120: {  	_ =	sfence.sel $0x180000  }
0x121: {  	[bflag:$0x0] =	sbarrier.arrive $0xFFFF  }
0x122: {  	_ =	strace $0x9000005F  }
0x123: {  	s0 =	stileid.u32;
	[bflag:$0x2] =	sbarrier.arrive $0xFFFF  }
0x124: {  	p0 =	sne.s32 s0, $0x0;
	s0 =	rddreg [dreg:$0x3]  }
0x125: {  	s0 =	sadd.s32 @!p0 $0x100000, s0  }
0x126: {  	[sflag:s0] =	ssyncadd.tile.s32 @!p0 $0x1;
	_ =	shalt  }
.Lfunc_end2:
_tile_overlayer_lowered:
.L_overlay_start_2:
0x127: {  	(tag) =	ssettag $0x2  }
0x128: {  	s0 =	rddreg [dreg:$0x0];
	s2 =	stileid.u32  }
0x129: {  	s1 =	rddreg [dreg:$0x1];
	p0 =	sne.s32 s2, $0x0  }
0x12a: {  	s3 =	rddreg [dreg:$0x2];
	[bflag:$0x3] =	sbarrier.arrive $0xFFFF;
	s2 =	simm.s32 @!p0 $0x1C02  }
0x12b: {  	[timem:s3], [sflag:s2] =	dma.local @!p0 [hbm:s0], s1  }
0x12c: {  	s0 =	simm.s32 @!p0 $0x2  }
0x12d: {  	_ =	swait.ge @!p0 [sflag:s0], s1  }
0x12e: {  	s1 =	ssub.s32 @!p0 $0x0, s1;
	[sflag:s0] =	ssyncset.done @!p0 $0x0  }
0x12f: {  	[sflag:s0] =	ssyncadd.s32 @!p0 s1  }
0x130: {  	[bflag:$0x3] =	sbarrier.arrive $0xFFFF  }
0x131: {  	_ =	shalt  }

// kernel: scatter_offload_async_start.1
scs
__scs_entry_jumppad:
0x0: {  	(pc) =	sbr.rel $0x88, $3  }
0x1: {  	(tag) =	ssettag $0x0;
	lr =	simm.s32 $0x1  }
0x2: {  	[smem:$0x3F8A] =	sst lr;
	_ =	strace $0xD0000000  }
0x3: {  	_ = 	snop  }
0x4: {  	_ = 	snop  }
0x5: {  	_ = 	snop  }
0x6: {  	_ = 	snop  }
0x7: {  	_ = 	snop  }
__scs_overlays_trampoline_lowered:
0x8: {  	[smem:$0x3F99] =	sst s0  }
0x9: {  	[smem:$0x3F9A] =	sst s1  }
0xa: {  	[smem:$0x3F9B] =	sst s2  }
0xb: {  	[smem:$0x3F9C] =	sst s3  }
0xc: {  	[smem:$0x3F9D] =	sst s4  }
0xd: {  	[smem:$0x3F9E] =	sst s5  }
0xe: {  	[smem:$0x3F9F] =	sst s6  }
0xf: {  	[smem:$0x3FA0] =	sst s7  }
0x10: {  	[smem:$0x3FA1] =	sst s8  }
0x11: {  	[smem:$0x3FA2] =	sst s9;
	s0 =	simm.s32 @!p0 $0x0  }
0x12: {  	s1 =	sld [smem:$0x3F88];
	s0 =	simm.s32 @p0 $0x1  }
0x13: {  	[smem:$0x3FA3] =	sst s0;
	s0 =	simm.s32 @!p1 $0x0  }
0x14: {  	s2 =	sld [smem:$0x3F87];
	s0 =	simm.s32 @p1 $0x1  }
0x15: {  	[smem:$0x3FA4] =	sst s0;
	s0 =	simm.s32 @!p2 $0x0  }
0x16: {  	s3 =	sld [smem:$0x3FDB];
	s0 =	simm.s32 @p2 $0x1  }
0x17: {  	s4 =	simm.s32 $0x1BF5;
	[smem:$0x3FA6] =	sst s0  }
0x18: {  	s0 =	sld [smem:$0x3F89];
	_ =	swait.ge [sflag:s4], $0x0  }
0x19: {  	s7 =	sld [smem:$0x3F8A]  }
0x1a: {  	s8 =	sadd.s32 $0xFFFFE003, lr  }
0x1b: {  	s9 =	sadd.s32 $0xFFFFFEF7, lr;
	s5 =	simm.s32 $0xFFFFFFFF;
	p2 =	slt.u32 s8, $0xFFFFF086  }
0x1c: {  	p1 =	slt.u32 s9, $0xF7A;
	s5 =	simm.s32 @!p2 $0x0  }
0x1d: {  	s5 =	simm.s32 @p1 $0x1;
	p0 =	seq.s32 s7, s2  }
0x1e: {  	s7 =	smul.u32 @!p0 $0xF7A, s2;
	p2 =	seq.s32 @!p0 s5, $0x0  }
0x1f: {  	s9 =	smul.u32 $0xF7A, s1;
	s8 =	simm.s32 @!p0 $0x1BF5;
	p2 =	por !p2, p0  }
0x20: {  	[sflag:s8] =	ssyncset.s32 @!p0 $0xFFFFF086;
	s6 =	sadd.s32 @!p0 s3, s7;
	s7 =	simm.s32 @!p0 $0x108  }
0x21: {  	s3 =	sadd.s32 s3, s9;
	s6 =	sadd.s32 @!p0 $0x88, s6;
	s7 =	simm.s32 @p2 $0x1082  }
0x22: {  	[simem:s7], [sflag:s8] =	dma.local @!p0 [hbm:s6], $0xF7A  }
0x23: {  	s9 =	sor.u32 $0xD0000000, s2;
	s6 =	simm.s32 $0x108;
	_ =	swait.ge @!p0 [sflag:s8], $0x0  }
0x24: {  	s3 =	sadd.s32 $0x88, s3;
	s6 =	simm.s32 @!p1 $0x1082;
	[sflag:s4] =	ssyncset.s32 $0xFFFFF086  }
0x25: {  	[simem:s6], [sflag:s4] =	dma.local [hbm:s3], $0xF7A  }
0x26: {  	[smem:$0x3F8A] =	sst s1;
	(tag) =	ssettag s2;
	_ =	strace s9  }
0x27: {  	s1 =	sld [smem:$0x3F9A]  }
0x28: {  	s2 =	sld [smem:$0x3F9B]  }
0x29: {  	s4 =	sld [smem:$0x3F9D]  }
0x2a: {  	p0 =	seq.s32 s5, $0x0;
	s5 =	sld [smem:$0x3F9E]  }
0x2b: {  	s6 =	sld [smem:$0x3F9F]  }
0x2c: {  	s7 =	sld [smem:$0x3FA0]  }
0x2d: {  	s3 =	simm.s32 $0x108;
	s8 =	sld [smem:$0x3FA1]  }
0x2e: {  	s3 =	simm.s32 @!p0 $0x1082;
	s9 =	sld [smem:$0x3FA2]  }
0x2f: {  	lr =	sadd.s32 s0, s3;
	s0 =	sld [smem:$0x3F99]  }
0x30: {  	s3 =	sld [smem:$0x3F9C]  }
0x31: {  	[smem:$0x3FA5] =	sst s10  }
0x32: {  	s10 =	sld [smem:$0x3FA3];
	_ =	sdelay $0x3  }
0x33: {  	p0 =	seq.s32 s10, $0x1;
	s10 =	sld [smem:$0x3FA5];
	_ =	sdelay $0x3  }
0x34: {  	[smem:$0x3FA5] =	sst s10  }
0x35: {  	s10 =	sld [smem:$0x3FA4];
	_ =	sdelay $0x3  }
0x36: {  	p1 =	seq.s32 s10, $0x1;
	s10 =	sld [smem:$0x3FA5];
	_ =	sdelay $0x3  }
0x37: {  	[smem:$0x3FA5] =	sst s10  }
0x38: {  	s10 =	sld [smem:$0x3FA6]  }
0x39: {  	_ = 	snop;
	(pc) =	sbr.ind lr, $3  }
0x3a: {  	_ = 	snop  }
0x3b: {  	_ = 	snop  }
0x3c: {  	p2 =	seq.s32 s10, $0x1;
	s10 =	sld [smem:$0x3FA5]  }
0x3d: {  	_ =	shalt  }
0x3e: {  	_ =	shalt  }
0x3f: {  	_ =	shalt  }
0x40: {  	_ =	shalt  }
0x41: {  	_ =	shalt  }
0x42: {  	_ =	shalt  }
0x43: {  	_ =	shalt  }
0x44: {  	_ =	shalt  }
0x45: {  	_ =	shalt  }
0x46: {  	_ =	shalt  }
0x47: {  	_ =	shalt  }
0x48: {  	_ =	shalt  }
0x49: {  	_ =	shalt  }
0x4a: {  	_ =	shalt  }
0x4b: {  	_ =	shalt  }
0x4c: {  	_ =	shalt  }
0x4d: {  	_ =	shalt  }
0x4e: {  	_ =	shalt  }
0x4f: {  	_ =	shalt  }
0x50: {  	_ =	shalt  }
0x51: {  	_ =	shalt  }
0x52: {  	_ =	shalt  }
0x53: {  	_ =	shalt  }
0x54: {  	_ =	shalt  }
0x55: {  	_ =	shalt  }
0x56: {  	_ =	shalt  }
0x57: {  	_ =	shalt  }
0x58: {  	_ =	shalt  }
0x59: {  	_ =	shalt  }
0x5a: {  	_ =	shalt  }
0x5b: {  	_ =	shalt  }
0x5c: {  	_ =	shalt  }
0x5d: {  	_ =	shalt  }
0x5e: {  	_ =	shalt  }
0x5f: {  	_ =	shalt  }
0x60: {  	_ =	shalt  }
0x61: {  	_ =	shalt  }
0x62: {  	_ =	shalt  }
0x63: {  	_ =	shalt  }
0x64: {  	_ =	shalt  }
0x65: {  	_ =	shalt  }
0x66: {  	_ =	shalt  }
0x67: {  	_ =	shalt  }
0x68: {  	_ =	shalt  }
0x69: {  	_ =	shalt  }
0x6a: {  	_ =	shalt  }
0x6b: {  	_ =	shalt  }
0x6c: {  	_ =	shalt  }
0x6d: {  	_ =	shalt  }
0x6e: {  	_ =	shalt  }
0x6f: {  	_ =	shalt  }
0x70: {  	_ =	shalt  }
0x71: {  	_ =	shalt  }
0x72: {  	_ =	shalt  }
0x73: {  	_ =	shalt  }
0x74: {  	_ =	shalt  }
0x75: {  	_ =	shalt  }
0x76: {  	_ =	shalt  }
0x77: {  	_ =	shalt  }
0x78: {  	_ =	shalt  }
0x79: {  	_ =	shalt  }
0x7a: {  	_ =	shalt  }
0x7b: {  	_ =	shalt  }
0x7c: {  	_ =	shalt  }
0x7d: {  	_ =	shalt  }
0x7e: {  	_ =	shalt  }
0x7f: {  	_ =	shalt  }
0x80: {  	_ =	shalt  }
0x81: {  	_ =	shalt  }
0x82: {  	_ =	shalt  }
0x83: {  	_ =	shalt  }
0x84: {  	_ =	shalt  }
0x85: {  	_ =	shalt  }
0x86: {  	_ =	shalt  }
0x87: {  	_ =	shalt  }
.Lfunc_end0:
.L_simem_size_0:
called_computation.1_lowered:
.L_overlay_start_0:
0x88: {  	s2 =	sld [smem:$0x3FD9]  }
0x89: {  	s3 =	sld [smem:$0x3FFE];
	_ =	sdelay $0x1  }
0x8a: {  	s1 =	srdreg.scid  }
0x8b: {  	s0 =	sand.u32 $0x1, s1  }
0x8c: {  	s13 =	sshll.u32 s0, $0xA;
	s2 =	sadd.s32 s3, s2  }
0x8d: {  	s2 =	sadd.s32 s2, s13  }
0x8e: {  	[smem:$0x3FB1] =	sst s2  }
0x8f: {  	_ = 	snop  }
0x90: {  	s2 =	sld [smem:$0x3FD0];
	_ =	sdelay $0x2  }
0x91: {  	s14 =	simm.s32 $0xC;
	s4 =	simm.s32 $0x10  }
0x92: {  	[smem:s4], [sflag:s14] =	dma.local [hbm:s2], $0x1  }
0x93: {  	_ =	swait.eq [sflag:s14], $0x1  }
0x94: {  	[sflag:s14] =	ssyncset.done $0x0  }
0x95: {  	[sflag:s14] =	ssyncadd.s32 $0xFFFFFFFF  }
0x96: {  	s15 =	sld [smem:$0x12];
	(tm) =	ssettm $0x1  }
0x97: {  	s16 =	sld [smem:$0x3FFB];
	_ =	sdelay $0x3  }
0x98: {  	_ =	strace s16  }
0x99: {  	s3 =	sld [smem:$0x3FFC];
	_ =	sdelay $0x3  }
0x9a: {  	_ =	strace s3  }
0x9b: {  	s3 =	sld [smem:$0x3FFD];
	_ =	sdelay $0x3  }
0x9c: {  	_ =	strace s3  }
0x9d: {  	_ =	strace $0x8FFFFFFF  }
0x9e: {  	s17 =	sld [smem:$0x3FDB];
	_ =	sdelay $0x1  }
0x9f: {  	s18 =	simm.s32 $_scs_section_size  }
0xa0: {  	s5 =	simm.s32 $_size__tile_overlayer_lowered;
	s6 =	simm.s32 $_tile_overlayer_lowered  }
0xa1: {  	s21 =	simm.s32 $0x1BFF;
	s20 =	sshll.u32 s6, $0x1;
	s3 =	sadd.s32 s18, s17  }
0xa2: {  	s7 =	simm.s32 $0x0;
	s19 =	sshll.u32 s5, $0x1;
	s5 =	sadd.s32 s20, s3  }
0xa3: {  	[timem:s7], [sflag:s21] =	dma.local [hbm:s5], s19  }
0xa4: {  	_ =	swait.ge [sflag:s21], s19  }
0xa5: {  	s4 =	ssub.s32 $0x0, s19;
	[sflag:s21] =	ssyncset.done $0x0  }
0xa6: {  	[sflag:s21] =	ssyncadd.s32 s4;
	_ =	sdelay $0x1  }
0xa7: {  	s22 =	simm.s32 $0x1B8B  }
0xa8: {  	_ =	swait.ge [sflag:s22], $0x1  }
0xa9: {  	[sflag:s22] =	ssyncset.done $0x0  }
0xaa: {  	s23 =	sld [smem:$0x3FFE];
	[sflag:s22] =	ssyncadd.s32 $0xFFFFFFFF  }
0xab: {  	s25 =	simm.s32 $0x1B8E;
	s24 =	sld [smem:$0x0]  }
0xac: {  	s26 =	simm.s32 $execute0_lowered;
	[smem:$0x3FD2] =	sst s25  }
0xad: {  	s6 =	sshll.u32 s26, $0x1;
	_ =	strace $0x8000005B;
	[dreg:$0x1] =	wrdreg $0xFFFFFFFF  }
0xae: {  	s28 =	simm.s32 $_size_execute0_lowered;
	s3 =	sadd.s32 s3, s6;
	[dreg:$0x0] =	wrdreg $0x0  }
0xaf: {  	s6 =	sshll.u32 s28, $0x1;
	[dreg:$0x2] =	wrdreg s3  }
0xb0: {  	[dreg:$0x3] =	wrdreg s6  }
0xb1: {  	[dreg:$0x4] =	wrdreg $0xC0  }
0xb2: {  	_ =	task [dreg:s7], $0x5FFFF  }
0xb3: {  	[dreg:$0x1] =	wrdreg $0xFFFFFFFF  }
0xb4: {  	[dreg:$0x0] =	wrdreg $0x60  }
0xb5: {  	[dreg:$0x2] =	wrdreg s23  }
0xb6: {  	[dreg:$0x3] =	wrdreg s15  }
0xb7: {  	[dreg:$0x4] =	wrdreg s1  }
0xb8: {  	[dreg:$0x5] =	wrdreg s24  }
0xb9: {  	[dreg:$0x6] =	wrdreg $0x9  }
0xba: {  	_ =	task.clear_ibuf [dreg:s7], $0x7FFFF;
	_ =	strace $0x9000005B  }
0xbb: {  	s29 =	simm.s32 $0x9;
	_ =	strace $0x8000005D  }
0xbc: {  	_ =	swait.ge [sflag:s29], $0x1  }
0xbd: {  	[sflag:s29] =	ssyncadd.s32 $0xFFFFFFFF  }
0xbe: {  	_ =	strace $0x9000005D  }
0xbf: {  	_ =	sfence  }
0xc0: {  	s30 =	sld [smem:$0x0];
	_ =	sdelay $0x2  }
0xc1: {  	s31 =	sshll.u32 s1, $0xD;
	s1 =	sshrl.u32 s1, $0x2  }
0xc2: {  	s3 =	sand.u32 $0x4000, s31;
	s1 =	sadd.s32 s1, s30  }
0xc3: {  	s0 =	sor.u32 s3, s0;
	s1 =	sshll.u32 s1, $0x11  }
0xc4: {  	s0 =	sor.u32 s1, s0  }
0xc5: {  	s0 =	sadd.s32 $0x8F2B, s0  }
0xc6: {  	[sflag:s0] =	ssyncadd.remote.s32 $0x1  }
0xc7: {  	_ =	sfence.sel $0xFFFF  }
0xc8: {  	[dreg:$0x0] =	wrdreg $0xFFFFFFFF;
	(pc) =	sbr.abs _section_cstart, $3  }
0xc9: {  	[dreg:$0x1] =	wrdreg $0xFFFFFFFF  }
0xca: {  	_ =	task.clear_ibuf [dreg:s7], $0x2FFFF;
	_ =	strace $0x9FFFFFFF  }
0xcb: {  	(tm) =	ssettm $0x7FFFFFFF  }
tec
execute0_lowered:
.L_overlay_start_1:
0x0: {  	(tag) =	ssettag $0x1  }
0x1: {  	s2 =	rddreg [dreg:$0x0]  }
0x2: {  	s15 =	rddreg [dreg:$0x1]  }
0x3: {  	s3 =	rddreg [dreg:$0x2];
	_ =	strace $0x8000005C;
	s0 =	simm.s32 $0x1  }
0x4: {  	v0 =	vimm.s32 $0x0;
	[sflag:s0] =	ssyncpa.u1 $0x0;
	s0 =	simm.s32 $0x108  }
0x5: {  	[tilespmem:s0+$0x70] =	vst v0  }
0x6: {  	[tilespmem:s0+$0x60] =	vst v0  }
0x7: {  	[tilespmem:s0+$0x50] =	vst v0  }
0x8: {  	[tilespmem:s0+$0x40] =	vst v0  }
0x9: {  	[tilespmem:s0+$0x30] =	vst v0  }
0xa: {  	s1 =	sadd.s32 $0xC77800, s2;
	s6 =	sadd.s32 $0xEF2600, s2;
	[tilespmem:s0+$0x20] =	vst v0  }
0xb: {  	s14 =	sadd.s32 $0xEE8800, s2;
	s5 =	sand.u32 $0x1, s3;
	s3 =	simm.s32 $0x40;
	[tilespmem:s0+$0x10] =	vst v0  }
.LBB2_1:
0xc: {  	s3 =	sadd.s32 $0x40, s3;
	[tilespmem:s0+$0x0] =	vst v0;
	s0 =	sadd.s32 $0x80, s0  }
0xd: {  	p0 =	slt.u32 s3, $0x3C40;
	[tilespmem:s0+$0x70] =	vst v0  }
0xe: {  	[tilespmem:s0+$0x60] =	vst v0  }
.Ltmp0:
0xf: {  	[tilespmem:s0+$0x50] =	vst v0;
	(pc) =	sbr.rel @p0 .LBB2_1-.Ltmp0, $4  }
0x10: {  	[tilespmem:s0+$0x40] =	vst v0  }
0x11: {  	[tilespmem:s0+$0x30] =	vst v0  }
0x12: {  	[tilespmem:s0+$0x20] =	vst v0  }
0x13: {  	[tilespmem:s0+$0x10] =	vst v0  }
0x14: {  	s9 =	stileid.u32  }
0x15: {  	s2 =	smul.u32 $0x29, s9  }
0x16: {  	s3 =	smin.u32 s9, $0xB  }
0x17: {  	s2 =	sadd.s32 s3, s2  }
0x18: {  	p0 =	slt.u32 s9, $0xB;
	s7 =	smul.u32 $0xF0, s2;
	s2 =	simm.s32 $0x2760  }
0x19: {  	s2 =	simm.s32 @!p0 $0x2670  }
0x1a: {  	s2 =	sadd.s32 s2, s7  }
0x1b: {  	s8 =	smin.u32 s2, $0x27100  }
0x1c: {  	s2 =	ssub.s32 s8, s7  }
0x1d: {  	p0 =	sgt.s32 s2, $0x0  }
0x1e: {  	s29 =	simm.s32 $0x2;
	s10 =	simm.s32 $0x9;
	s2 =	simm.s32 @!p0 $0x0  }
0x1f: {  	s4 =	simm.s32 $0xA;
	s11 =	simm.s32 $0xB;
	s28 =	smulhi.u32 $0x88888889, s2  }
0x20: {  	[dreg:$0x5] =	wrdreg s5;
	s31 =	smul.u32 $0x4E20, s5;
	s12 =	simm.s32 $0x1  }
0x21: {  	s22 =	simm.s32 $0x0;
	s18 =	simm.s32 $0xC;
	s30 =	sshrl.u32 s28, $0x7  }
0x22: {  	s20 =	simm.s32 $0x0;
	s21 =	simm.s32 $0x0;
	s3 =	smul.u32 $0xF0, s30  }
.Ltmp1:
0x23: {  	[tilespmem:s0+$0x0] =	vst v0;
	v0 =	vimm.s32 $0xFFFFFFFF;
	[sflag:s29] =	ssyncpa.u1 $0x0;
	s16 =	sshll.u32 s9, $0x8;
	(pc) =	sbr.rel .LBB2_3-.Ltmp1, $4  }
0x24: {  	[tilespmem:$0xF208] =	vst v0;
	[sflag:s10] =	ssyncpa.u1 $0x0;
	p0 =	sne.s32 s2, s3;
	s2 =	simm.s32 $0x1  }
0x25: {  	s14 =	sadd.s32 s31, s14;
	[sflag:s4] =	ssyncpa.u1 $0x0;
	s2 =	simm.s32 @!p0 $0x0  }
0x26: {  	s15 =	sadd.s32 s31, s15;
	[sflag:s11] =	ssyncpa.u1 $0x0;
	s13 =	sadd.s32 s2, s30  }
0x27: {  	v0 =	vlaneseq.u32;
	s19 =	smov.u32 s7;
	p0 =	por $0x0, $0x0;
	s17 =	sadd.s32 $0x1, s13  }
.LBB2_18:
0x28: {  	s0 =	sshrl.u32 s31, $0x2  }
.LBB2_20:
0x29: {  	_ =	swait.ge [sflag:s18], s0  }
0x2a: {  	s31 =	ssub.s32 $0x0, s0;
	v1 =	vmov s24;
	vm0 =	veq.s32 v0, $0x0;
	[sflag:s18] =	ssyncset.done $0x0  }
0x2b: {  	vm15 =	veq.s32 v0, $0x2;
	v1 =	vsel vm0, s30, v1;
	[sflag:s18] =	ssyncadd.s32 s31  }
0x2c: {  	v1 =	vsel vm15, s22, v1;
	[sflag:s18] =	ssyncpa.u1 $0x1  }
0x2d: {  	[tilespmem:$0xF208] =	vst v1  }
.LBB2_21:
0x2e: {  	s0 =	sadd.s32 $0xF0, s19  }
0x2f: {  	s2 =	smov.u32 s7;
	p1 =	slt.s32 s0, s8  }
0x30: {  	s2 =	smov.u32 @p1 s0;
	p1 =	sne.s32 s21, s17  }
.Ltmp2:
0x31: {  	_ = 	snop;
	(pc) =	sbr.rel @!p1 .LBB2_22-.Ltmp2, $3  }
0x32: {  	_ =	sdelay $0x1  }
0x33: {  	s22 =	smov.u32 s20;
	s31 =	sadd.s32 $0x1, s21;
	s20 =	smov.u32 s19  }
0x34: {  	p0 =	por !p0, !p0;
	s21 =	smov.u32 s31;
	s19 =	smov.u32 s2  }
.LBB2_3:
0x35: {  	p1 =	sge.u32 s21, s13  }
0x36: {  	s0 =	smulhi.u32 @!p1 $0xAAAAAAAB, s21  }
0x37: {  	s2 =	smov.u32 s19;
	p2 =	sgt.s32 @!p1 s19, $0x27010  }
0x38: {  	s3 =	sshra.s32 @!p1 s19, $0x1F;
	p2 =	por !p2, p1;
	s0 =	sshrl.u32 @!p1 s0, $0x1  }
0x39: {  	s3 =	sand.u32 @!p1 s3, s19;
	s2 =	simm.s32 @p2 $0x27010;
	s0 =	smul.u32 @!p1 $0x3, s0  }
0x3a: {  	s2 =	ssub.s32 @!p1 s2, s3  }
0x3b: {  	s2 =	sadd.s32 @!p1 $0xFFFD8FF0, s2;
	s0 =	ssub.s32 @!p1 s21, s0  }
0x3c: {  	s3 =	sshll.u32 @!p1 s2, $0x2;
	p2 =	sgt.s32 @!p1 s2, $0xEF;
	s0 =	smul.u32 @!p1 $0x3C0, s0  }
0x3d: {  	s4 =	sand.u32 @!p1 $0x7, s19;
	s2 =	ssub.s32 @!p1 $0x3C0, s3;
	p2 =	por !p2, p1  }
0x3e: {  	s3 =	sshrl.u32 @!p1 s19, $0x3;
	s2 =	sshrl.u32 @!p1 s2, $0x2;
	s0 =	sshrl.u32 @!p1 s0, $0x2  }
0x3f: {  	s3 =	sadd.s32 @!p1 s3, s14;
	s2 =	simm.s32 @!p2 $0x0;
	s0 =	sadd.s32 @!p1 $0x10248, s0  }
0x40: {  	[tilespmem:s0], [sflag:$0xA] =	stream.linear.gather @!p1 [hbm4b:s3+s4], s2, $0x38;
	[tilespmem:$0x1F6F8] =	vst v63  }
0x41: {  	s0 =	sadd.s32 $0xFFFFFFFF, s21  }
0x42: {  	p1 =	sge.u32 s0, s13  }
0x43: {  	p2 =	sgt.s32 @!p1 s20, $0x27010  }
0x44: {  	s2 =	smov.u32 s20;
	s3 =	sshra.s32 @!p1 s20, $0x1F;
	p2 =	por !p2, p1  }
0x45: {  	s3 =	sand.u32 @!p1 s3, s20;
	s2 =	simm.s32 @p2 $0x27010  }
0x46: {  	s2 =	ssub.s32 @!p1 s2, s3  }
0x47: {  	s2 =	sadd.s32 @!p1 $0xFFFD8FF0, s2  }
0x48: {  	s4 =	sand.u32 @!p1 $0x1, s0;
	s3 =	sshll.u32 @!p1 s2, $0x2  }
0x49: {  	p2 =	sgt.s32 @!p1 s2, $0xEF;
	s2 =	ssub.s32 @!p1 $0x3C0, s3;
	s3 =	smulhi.u32 @!p1 $0xAAAAAAAB, s0  }
0x4a: {  	s23 =	smul.u32 @!p1 $0x3C0, s4;
	p2 =	por !p2, p1;
	s2 =	sshrl.u32 @!p1 s2, $0x2  }
0x4b: {  	s5 =	simm.s32 @!p1 $0xA;
	s2 =	simm.s32 @!p2 $0x0;
	s3 =	sshrl.u32 @!p1 s3, $0x1  }
0x4c: {  	s23 =	sshrl.u32 @!p1 s23, $0x2;
	_ =	swait.ge @!p1 [sflag:s5], s2;
	s3 =	smul.u32 @!p1 $0x3, s3  }
0x4d: {  	s23 =	sadd.s32 @!p1 $0x10518, s23;
	s24 =	ssub.s32 @!p1 $0x0, s2;
	[sflag:s5] =	ssyncset.done @!p1 $0x0  }
0x4e: {  	[sflag:s5] =	ssyncadd.s32 @!p1 s24;
	s5 =	sshrl.u32 @!p1 s20, $0x3;
	s0 =	ssub.s32 @!p1 s0, s3  }
0x4f: {  	s24 =	sand.u32 @!p1 $0x7, s20;
	s5 =	sadd.s32 @!p1 s5, s15;
	s0 =	smul.u32 @!p1 $0x3C0, s0  }
0x50: {  	[tilespmem:s23], [sflag:$0xB] =	stream.linear.gather @!p1 [hbm4b:s5+s24], s2, $0x38;
	[tilespmem:$0x1F6F8] =	vst v63  }
0x51: {  	s3 =	ssub.s32 @!p1 $0x27100, s20;
	s2 =	smul.u32 @!p1 $0x1E000, s4  }
0x52: {  	p2 =	slt.s32 @!p1 s3, $0xF0  }
0x53: {  	p2 =	por !p2, p1;
	s0 =	sshrl.u32 @!p1 s0, $0x2;
	s2 =	sshrl.u32 @!p1 s2, $0x2  }
0x54: {  	s3 =	simm.s32 @p2 $0xF0;
	s0 =	sadd.s32 @!p1 $0x10248, s0;
	s2 =	sor.u32 @!p1 $0x106F8, s2  }
0x55: {  	[tilespmem:s2], [sflag:$0x9] =	stream.indirect.gather @!p1 [hbm4b:s6+s3], $0x80, s0, s3, $0xb8;
	[tilespmem:$0x1F6F8] =	vst v63  }
0x56: {  	p1 =	slt.u32 s21, $0x2  }
.Ltmp3:
0x57: {  	_ = 	snop;
	(pc) =	sbr.rel @p1 .LBB2_21-.Ltmp3, $1  }
0x58: {  	_ =	sdelay $0x3  }
0x59: {  	p1 =	sgt.s32 s22, $0x27010  }
0x5a: {  	s0 =	smov.u32 s22;
	s2 =	sshra.s32 s22, $0x1F;
	s3 =	ssub.s32 $0x27100, s22  }
0x5b: {  	s0 =	simm.s32 @!p1 $0x27010;
	s2 =	sand.u32 s2, s22;
	p1 =	slt.s32 s3, $0xF0  }
0x5c: {  	s0 =	ssub.s32 s0, s2;
	s3 =	simm.s32 @!p1 $0xF0  }
0x5d: {  	s0 =	sadd.s32 $0xFFFD8FF0, s0;
	s25 =	sshll.u32 s3, $0x7  }
0x5e: {  	s26 =	sshll.u32 s0, $0x2;
	s2 =	sand.u32 $0x3FFFFF80, s25  }
0x5f: {  	p1 =	sgt.s32 s0, $0xEF;
	s29 =	ssub.s32 $0x3C0, s26;
	_ =	swait.ge [sflag:s10], s2  }
0x60: {  	s2 =	ssub.s32 $0x0, s2;
	[sflag:s10] =	ssyncset.done $0x0;
	s0 =	sshrl.u32 s29, $0x2  }
0x61: {  	[sflag:s10] =	ssyncadd.s32 s2;
	s0 =	simm.s32 @p1 $0x0  }
0x62: {  	_ =	swait.ge [sflag:s11], s0  }
0x63: {  	s0 =	ssub.s32 $0x0, s0;
	[sflag:s11] =	ssyncset.done $0x0  }
0x64: {  	[sflag:s11] =	ssyncadd.s32 s0  }
0x65: {  	v1 =	vld [tilespmem:$0xF208];
	_ =	sdelay $0x4  }
0x66: {  	(v2sf) =	vpush v1, $0x0  }
0x67: {  	(v2sf) =	vpush v1, $0x1  }
0x68: {  	(v2sf) =	vpush v1, $0x2;
	_ =	sdelay $0x3  }
0x69: {  	s0 =	sadd.s32 $0xF0, s22  }
0x6a: {  	s2 =	ssub.s32 $0x4E200, s22;
	p1 =	slt.s32 s8, s0  }
0x6b: {  	s0 =	smov.u32 @p1 s8;
	p1 =	sgt.s32 s2, $0x0  }
0x6c: {  	s26 =	ssub.s32 s0, s22;
	s2 =	simm.s32 @!p1 $0x0  }
0x6d: {  	p1 =	slt.s32 s2, s26  }
0x6e: {  	s26 =	smov.u32 @p1 s2  }
0x6f: {  	s25 =	simm.s32 $0x1;
	p1 =	slt.s32 s26, $0x1  }
.Ltmp4:
0x70: {  	s25 =	simm.s32 @!p0 $0x0;
	(pc) =	sbr.rel @p1 .LBB2_8-.Ltmp4, $4  }
0x71: {  	s31 =	smul.u32 $0x3C0, s25  }
0x72: {  	s28 =	spop (v2sf)  }
0x73: {  	s0 =	sshrl.u32 s31, $0x2;
	s30 =	spop (v2sf)  }
0x74: {  	s23 =	sadd.s32 $0x10518, s0;
	s22 =	spop (v2sf)  }
0x75: {  	s0 =	smin.u32 s26, $0x10  }
0x76: {  	v1 =	vmov s0  }
0x77: {  	p2 =	sgt.s32 s26, $0x10;
	vm1 =	vgt.u32 v1, v0  }
.Ltmp5:
0x78: {  	_ = 	snop;
	(pc) =	sbr.rel @!p2 .LBB2_7-.Ltmp5, $2  }
0x79: {  	_ =	sdelay $0x2  }
0x7a: {  	s4 =	simm.s32 $0x10;
	s24 =	sadd.s32 $0xFFFFFFF0, s26;
	s0 =	smov.u32 s23;
	vm0 =	vmmov vm1  }
.LBB2_6:
0x7b: {  	s2 =	smin.u32 s24, $0x10;
	s4 =	sadd.s32 $0x10, s4;
	v1 =	vld.msk [tilespmem:s0+$0x0 ss:$0x1], vm1  }
0x7c: {  	v2 =	vmov s2;
	p2 =	slt.s32 s4, s26  }
0x7d: {  	vm1 =	vgt.u32 v2, v0  }
.Ltmp6:
0x7e: {  	(pc) =	sbr.rel @p2 .LBB2_6-.Ltmp6, $3  }
0x7f: {  	_ =	sdelay $0x1  }
0x80: {  	v1 =	vshll.u32 v1, $0x4  }
0x81: {  	s24 =	sadd.s32 $0xFFFFFFF0, s24;
	[tilespmem:s0+$0x0] =	vst.msk vm0, v1;
	s0 =	sadd.s32 $0x10, s0;
	vm0 =	vmmov vm1  }
.LBB2_7:
0x82: {  	_ =	sdelay $0x4  }
0x83: {  	v1 =	vld.msk [tilespmem:s0+$0x0 ss:$0x1], vm1;
	_ =	sdelay $0x4  }
0x84: {  	v1 =	vshll.u32 v1, $0x4  }
0x85: {  	[tilespmem:s0+$0x0] =	vst.msk vm0, v1  }
.LBB2_8:
0x86: {  	s0 =	sand.u32 $0x1, s21  }
0x87: {  	s0 =	smul.u32 $0xF0, s0  }
0x88: {  	p2 =	sne.s32 s30, $0xFFFFFFFF  }
0x89: {  	v1 =	vld.msk @!p2 [tilespmem:s0+$0x10518], $0x1;
	_ =	sdelay $0x4  }
0x8a: {  	(v2sf) =	vpush @!p2 v1, $0x0;
	_ =	sdelay $0xc  }
.Ltmp7:
0x8b: {  	_ = 	snop;
	(pc) =	sbr.rel @p1 .LBB2_19-.Ltmp7, $4  }
0x8c: {  	_ = 	snop  }
0x8d: {  	s29 =	spop @!p2 (v2sf)  }
0x8e: {  	s22 =	simm.s32 @!p2 $0x0;
	s24 =	smov.u32 s29  }
0x8f: {  	[sflag:s18] =	ssyncpa.u1 $0x0;
	s29 =	smov.u32 @p2 s28;
	s24 =	smov.u32 @p2 s30  }
0x90: {  	v1 =	vld.msk [tilespmem:s23+$0x0], $0x1;
	_ =	sdelay $0x4  }
0x91: {  	(v2sf) =	vpush v1, $0x0;
	_ =	sdelay $0xe  }
0x92: {  	s2 =	smul.u32 $0x1E000, s25;
	s0 =	spop (v2sf)  }
0x93: {  	s26 =	ssub.s32 $0x0, s26;
	p1 =	seq.s32 s29, s0  }
0x94: {  	s30 =	sadd.s32 $0x1, s26;
	s2 =	sshrl.u32 s2, $0x2;
	p2 =	sgt.s32 @!p1 s29, $0x0  }
0x95: {  	s25 =	sor.u32 $0x10738, s2;
	s2 =	smov.u32 s29;
	p2 =	por !p2, p1  }
0x96: {  	s2 =	simm.s32 @p2 $0x0;
	p2 =	seq.s32 s30, $0x0  }
.Ltmp8:
0x97: {  	_ = 	snop;
	(pc) =	sbr.rel @p2 .LBB2_11-.Ltmp8, $4  }
0x98: {  	_ = 	snop  }
0x99: {  	s28 =	simm.s32 $0x0;
	s31 =	sadd.s32 $0x1, s23;
	s2 =	smin.u32 @!p1 s2, $0x270FF0  }
0x9a: {  	s4 =	simm.s32 @!p1 $0x1;
	s5 =	simm.s32 @!p1 $0x7988;
	s3 =	sand.u32 @!p1 $0x3FFFF8, s2  }
0x9b: {  	s4 =	smov.u32 @p1 s28;
	s2 =	sand.u32 @!p1 $0x7, s2;
	s3 =	sadd.s32 @!p1 s1, s3  }
.LBB2_10:
0x9c: {  	s9 =	smov.u32 s4  }
0x9d: {  	[tilespmem:s5], [sflag:$0x2] =	stream.linear.gather @!p1 [hbm4b:s3+s2], $0x80, $0x38;
	[tilespmem:$0x1F6F8] =	vst v63  }
0x9e: {  	s30 =	sadd.s32 $0x1, s30;
	s2 =	smov.u32 s0;
	v1 =	vld.msk [tilespmem:s31+$0x0], $0x1  }
0x9f: {  	p2 =	seq.s32 s30, $0x0;
	_ =	sdelay $0x3  }
0xa0: {  	(v2sf) =	vpush v1, $0x0;
	_ =	sdelay $0xe  }
0xa1: {  	s0 =	spop (v2sf)  }
0xa2: {  	p1 =	seq.s32 s2, s0  }
0xa3: {  	p3 =	sgt.s32 @!p1 s2, $0x0;
	s3 =	sshll.u32 @!p1 s4, $0x9;
	s4 =	sadd.s32 @!p1 $0x1, s4  }
.Ltmp9:
0xa4: {  	p3 =	por !p3, p1;
	s3 =	sshra.s32 @!p1 s3, $0x2;
	(pc) =	sbr.rel @!p2 .LBB2_10-.Ltmp9, $4  }
0xa5: {  	s4 =	smov.u32 @p1 s9;
	s2 =	simm.s32 @p3 $0x0;
	s5 =	sadd.s32 @!p1 $0x7988, s3  }
0xa6: {  	s2 =	smin.u32 @!p1 s2, $0x270FF0  }
0xa7: {  	s3 =	sand.u32 @!p1 $0x3FFFF8, s2;
	s2 =	sand.u32 @!p1 $0x7, s2  }
0xa8: {  	s31 =	sadd.s32 $0x1, s31;
	s3 =	sadd.s32 @!p1 s1, s3  }
.LBB2_11:
0xa9: {  	[tilespmem:s5], [sflag:$0x2] =	stream.linear.gather @!p1 [hbm4b:s3+s2], $0x80, $0x38;
	[tilespmem:$0x1F6F8] =	vst v63  }
.Ltmp10:
0xaa: {  	s0 =	sshll.u32 s4, $0x7;
	(pc) =	sbr.rel .LBB2_12-.Ltmp10, $4  }
0xab: {  	s30 =	simm.s32 $0x2;
	s0 =	sand.u32 $0x3FFFFF80, s0  }
0xac: {  	_ =	swait.ge [sflag:s30], s0  }
0xad: {  	s0 =	ssub.s32 $0x0, s0;
	[sflag:s30] =	ssyncset.done $0x0  }
0xae: {  	s31 =	simm.s32 $0x0;
	[sflag:s30] =	ssyncadd.s32 s0  }
.LBB2_13:
0xaf: {  	v1 =	vld [tilespmem:s25+$0xFFFFFFC0];
	_ =	sdelay $0x3  }
0xb0: {  	s0 =	sshra.s32 s0, $0x2  }
0xb1: {  	[tilespmem:s0+$0x108] =	vst.add.f32.msk $0xffff, v1  }
0xb2: {  	v1 =	vld [tilespmem:s25+$0xFFFFFFD0];
	_ =	sdelay $0x4  }
0xb3: {  	[tilespmem:s0+$0x118] =	vst.add.f32.msk $0xffff, v1  }
0xb4: {  	v1 =	vld [tilespmem:s25+$0xFFFFFFE0];
	_ =	sdelay $0x4  }
0xb5: {  	[tilespmem:s0+$0x128] =	vst.add.f32.msk $0xffff, v1  }
0xb6: {  	v1 =	vld [tilespmem:s25+$0xFFFFFFF0];
	_ =	sdelay $0x4  }
0xb7: {  	[tilespmem:s0+$0x138] =	vst.add.f32.msk $0xffff, v1  }
0xb8: {  	v1 =	vld [tilespmem:s25+$0x0];
	_ =	sdelay $0x4  }
0xb9: {  	[tilespmem:s0+$0x148] =	vst.add.f32.msk $0xffff, v1  }
0xba: {  	v1 =	vld [tilespmem:s25+$0x10];
	_ =	sdelay $0x4  }
0xbb: {  	[tilespmem:s0+$0x158] =	vst.add.f32.msk $0xffff, v1  }
0xbc: {  	v1 =	vld [tilespmem:s25+$0x20];
	_ =	sdelay $0x4  }
0xbd: {  	[tilespmem:s0+$0x168] =	vst.add.f32.msk $0xffff, v1  }
0xbe: {  	v1 =	vld [tilespmem:s25+$0x30];
	_ =	sdelay $0x4  }
0xbf: {  	[tilespmem:s0+$0x178] =	vst.add.f32.msk $0xffff, v1  }
.LBB2_17:
0xc0: {  	s26 =	sadd.s32 $0x1, s26  }
0xc1: {  	p1 =	seq.s32 s26, $0x0  }
.Ltmp11:
0xc2: {  	_ = 	snop;
	(pc) =	sbr.rel @p1 .LBB2_18-.Ltmp11, $2  }
0xc3: {  	_ =	sdelay $0x2  }
0xc4: {  	s23 =	sadd.s32 $0x1, s23;
	s25 =	sadd.s32 $0x80, s25;
	s29 =	smov.u32 s30  }
.LBB2_12:
0xc5: {  	v1 =	vld.msk [tilespmem:s23+$0x0], $0x1;
	_ =	sdelay $0x4  }
0xc6: {  	(v2sf) =	vpush v1, $0x0;
	_ =	sdelay $0xe  }
0xc7: {  	s30 =	spop (v2sf)  }
0xc8: {  	p1 =	sne.s32 s29, s30  }
.Ltmp12:
0xc9: {  	_ = 	snop;
	(pc) =	sbr.rel @!p1 .LBB2_13-.Ltmp12, $2  }
0xca: {  	_ =	sdelay $0x2  }
0xcb: {  	s0 =	sshll.u32 s22, $0x9  }
0xcc: {  	p1 =	seq.s32 s29, s24  }
.Ltmp13:
0xcd: {  	_ = 	snop;
	(pc) =	sbr.rel @!p1 .LBB2_15-.Ltmp13, $1  }
0xce: {  	_ =	sdelay $0x3  }
0xcf: {  	s0 =	sshra.s32 s0, $0x2  }
.Ltmp14:
0xd0: {  	s0 =	sadd.s32 $0x108, s0;
	(pc) =	sbr.rel .LBB2_16-.Ltmp14, $4  }
0xd1: {  	[spmem:s16] =	stream.linear.scatter [tilespmem:s0], [sflag:$0x1], $0x80, $0x38;
	[tilespmem:$0x1F6F8] =	vst v63  }
0xd2: {  	_ =	swait.ge [sflag:s12], $0x80  }
0xd3: {  	[sflag:s12] =	ssyncset.done $0x0  }
0xd4: {  	[sflag:s12] =	ssyncadd.s32 $0xFFFFFF80  }
.LBB2_15:
0xd5: {  	s2 =	sshll.u32 s28, $0x9  }
0xd6: {  	s2 =	sshra.s32 s2, $0x2  }
0xd7: {  	v1 =	vld [tilespmem:s2+$0x7988];
	_ =	sdelay $0x3  }
0xd8: {  	s0 =	sshra.s32 s0, $0x2  }
0xd9: {  	[tilespmem:s0+$0x108] =	vst.add.f32.msk $0xffff, v1  }
0xda: {  	v1 =	vld [tilespmem:s2+$0x7998];
	_ =	sdelay $0x4  }
0xdb: {  	[tilespmem:s0+$0x118] =	vst.add.f32.msk $0xffff, v1  }
0xdc: {  	v1 =	vld [tilespmem:s2+$0x79A8];
	_ =	sdelay $0x4  }
0xdd: {  	[tilespmem:s0+$0x128] =	vst.add.f32.msk $0xffff, v1  }
0xde: {  	v1 =	vld [tilespmem:s2+$0x79B8];
	_ =	sdelay $0x4  }
0xdf: {  	[tilespmem:s0+$0x138] =	vst.add.f32.msk $0xffff, v1  }
0xe0: {  	v1 =	vld [tilespmem:s2+$0x79C8];
	_ =	sdelay $0x4  }
0xe1: {  	[tilespmem:s0+$0x148] =	vst.add.f32.msk $0xffff, v1  }
0xe2: {  	v1 =	vld [tilespmem:s2+$0x79D8];
	_ =	sdelay $0x4  }
0xe3: {  	[tilespmem:s0+$0x158] =	vst.add.f32.msk $0xffff, v1  }
0xe4: {  	v1 =	vld [tilespmem:s2+$0x79E8];
	_ =	sdelay $0x4  }
0xe5: {  	[tilespmem:s0+$0x168] =	vst.add.f32.msk $0xffff, v1  }
0xe6: {  	v1 =	vld [tilespmem:s2+$0x79F8];
	_ =	sdelay $0x2  }
0xe7: {  	p1 =	sgt.u32 s29, $0x270FF0  }
0xe8: {  	s2 =	sand.u32 @!p1 $0x3FFFF8, s29  }
0xe9: {  	s3 =	sadd.s32 $0x108, s0;
	[tilespmem:s0+$0x178] =	vst.add.f32.msk $0xffff, v1;
	s0 =	sadd.s32 @!p1 s1, s2;
	s2 =	sand.u32 @!p1 $0x7, s29  }
0xea: {  	[hbm4b:s0+s2] =	stream.linear.scatter @!p1 [tilespmem:s3], [sflag:$0xC], $0x80, $0x38;
	[tilespmem:$0x1F6F8] =	vst v63  }
0xeb: {  	s0 =	simm.s32 $0x0  }
0xec: {  	s0 =	simm.s32 @!p1 $0x200  }
0xed: {  	s31 =	sadd.s32 s0, s31  }
.LBB2_16:
0xee: {  	s0 =	sadd.s32 $0x1, s22  }
0xef: {  	s2 =	smulhi.u32 $0x88888889, s0;
	_ =	sdelay $0x1  }
0xf0: {  	v1 =	vld [tilespmem:s25+$0xFFFFFFC0];
	s2 =	sshrl.u32 s2, $0x7  }
0xf1: {  	s2 =	smul.u32 $0xF0, s2;
	_ =	sdelay $0x1  }
0xf2: {  	s22 =	ssub.s32 s0, s2  }
0xf3: {  	s0 =	sshll.u32 s22, $0x7  }
0xf4: {  	[tilespmem:s0+$0x108] =	vst v1  }
0xf5: {  	v1 =	vld [tilespmem:s25+$0xFFFFFFD0];
	_ =	sdelay $0x4  }
0xf6: {  	[tilespmem:s0+$0x118] =	vst v1  }
0xf7: {  	v1 =	vld [tilespmem:s25+$0xFFFFFFE0];
	_ =	sdelay $0x4  }
0xf8: {  	[tilespmem:s0+$0x128] =	vst v1  }
0xf9: {  	v1 =	vld [tilespmem:s25+$0xFFFFFFF0];
	_ =	sdelay $0x4  }
0xfa: {  	[tilespmem:s0+$0x138] =	vst v1  }
0xfb: {  	v1 =	vld [tilespmem:s25+$0x0];
	_ =	sdelay $0x4  }
0xfc: {  	[tilespmem:s0+$0x148] =	vst v1  }
0xfd: {  	v1 =	vld [tilespmem:s25+$0x10];
	_ =	sdelay $0x4  }
0xfe: {  	[tilespmem:s0+$0x158] =	vst v1  }
0xff: {  	v1 =	vld [tilespmem:s25+$0x20];
	_ =	sdelay $0x4  }
0x100: {  	[tilespmem:s0+$0x168] =	vst v1  }
0x101: {  	v1 =	vld [tilespmem:s25+$0x30]  }
.Ltmp15:
0x102: {  	_ = 	snop;
	(pc) =	sbr.rel .LBB2_17-.Ltmp15, $2  }
0x103: {  	_ =	sdelay $0x2  }
0x104: {  	s28 =	sadd.s32 $0x1, s28;
	[tilespmem:s0+$0x178] =	vst v1  }
.LBB2_19:
.Ltmp16:
0x105: {  	(pc) =	sbr.rel .LBB2_20-.Ltmp16, $4  }
0x106: {  	_ = 	snop  }
0x107: {  	s0 =	simm.s32 $0x2  }
0x108: {  	_ =	swait.ge [sflag:s0], $0x0  }
0x109: {  	s30 =	smov.u32 s29;
	[sflag:s0] =	ssyncset.done $0x0;
	s0 =	simm.s32 $0x0  }
.LBB2_22:
0x10a: {  	_ =	sfence.sel $0x180000  }
0x10b: {  	s0 =	simm.s32 $0x9;
	[bflag:$0x0] =	sbarrier.arrive $0xFFFF  }
0x10c: {  	s24 =	simm.s32 $0xA;
	[sflag:s0] =	ssyncpa.u1 $0x1  }
0x10d: {  	s25 =	simm.s32 $0xB;
	[sflag:s24] =	ssyncpa.u1 $0x1  }
0x10e: {  	s26 =	simm.s32 $0x2;
	[sflag:s25] =	ssyncpa.u1 $0x1  }
0x10f: {  	[sflag:s26] =	ssyncpa.u1 $0x1  }
0x110: {  	v0 =	vld [tilespmem:$0xF208];
	_ =	sdelay $0x4  }
0x111: {  	(v2sf) =	vpush v0, $0x0  }
0x112: {  	(v2sf) =	vpush v0, $0x1;
	_ =	sdelay $0x1  }
0x113: {  	(v2sf) =	vpush v0, $0x2;
	_ =	sdelay $0xb  }
0x114: {  	s0 =	spop (v2sf)  }
0x115: {  	s2 =	spop (v2sf)  }
0x116: {  	s3 =	smov.u32 s0;
	p0 =	sne.s32 s0, s2  }
0x117: {  	s4 =	spop (v2sf);
	s3 =	simm.s32 @!p0 $0xFFFFFFFF  }
0x118: {  	v2 =	vimm.s32 $0x1;
	v3 =	vlaneseq.u32;
	p0 =	seq.s32 s4, $0xFFFFFFFF;
	v1 =	vmov s3  }
0x119: {  	s16 =	stileid.u32;
	v0 =	vperm.xlane v0, v2;
	p1 =	sne.s32 @!p0 s0, s2;
	v1 =	vperm.xlane v1, v3  }
0x11a: {  	vm0 =	vcmask $0x3F04;
	s6 =	simm.s32 $0xF208;
	s0 =	simm.s32 @!p0 $0x1;
	p1 =	por !p1, p0  }
0x11b: {  	s3 =	sshll.u32 s16, $0x1;
	s2 =	sshll.u32 @!p0 s4, $0x9;
	s0 =	simm.s32 @p1 $0x0;
	v0 =	vsel vm0, v1, v0  }
0x11c: {  	s5 =	sor.u32 $0x1000, s3;
	s2 =	sshra.s32 @!p0 s2, $0x2;
	s0 =	sor.u32 @!p0 s0, s3;
	[tilespmem:$0xF208] =	vst v0  }
0x11d: {  	[spmem:s5] =	stream.linear.scatter [tilespmem:s6], [sflag:$0x1], $0x2, $0x38;
	[tilespmem:$0x1F6F8] =	vst v63  }
0x11e: {  	s2 =	sadd.s32 @!p0 $0x108, s2;
	s0 =	sshll.u32 @!p0 s0, $0x7  }
0x11f: {  	[spmem:s0] =	stream.linear.scatter @!p0 [tilespmem:s2], [sflag:$0x1], $0x80, $0x38;
	[tilespmem:$0x1F6F8] =	vst v63  }
0x120: {  	s0 =	simm.s32 @!p0 $0x82  }
0x121: {  	s28 =	simm.s32 $0x1;
	s0 =	simm.s32 @p0 $0x2  }
0x122: {  	_ =	swait.ge [sflag:s28], s0  }
0x123: {  	s0 =	ssub.s32 $0x0, s0;
	[sflag:s28] =	ssyncset.done $0x0  }
0x124: {  	p0 =	sne.s32 s16, $0x0;
	[sflag:s28] =	ssyncadd.s32 s0  }
.Ltmp17:
0x125: {  	_ =	sfence.stream.spmem;
	(pc) =	sbr.rel @p0 .LBB2_39-.Ltmp17, $4  }
0x126: {  	s29 =	simm.s32 $0x3;
	[bflag:$0x0] =	sbarrier.arrive $0xFFFF  }
0x127: {  	s30 =	simm.s32 $0x4;
	[sflag:s29] =	ssyncpa.u1 $0x1  }
0x128: {  	s31 =	simm.s32 $0x3C;
	[sflag:s30] =	ssyncpa.u1 $0x1  }
0x129: {  	s15 =	rddreg [dreg:$0x5];
	[sflag:s31] =	ssyncpa.u1 $0x1  }
0x12a: {  	_ =	sfence.stream.spmem;
	s0 =	simm.s32 $0x5  }
0x12b: {  	s2 =	simm.s32 $0x1000;
	s3 =	simm.s32 $0xF218;
	[sflag:s0] =	ssyncpa.u1 $0x0  }
0x12c: {  	[tilespmem:s3], [sflag:$0x5] =	stream.linear.gather [spmem:s2], $0x20, $0x38;
	[tilespmem:$0x1F6F8] =	vst v63  }
0x12d: {  	s26 =	simm.s32 $0x0;
	s28 =	simm.s32 $0xF238  }
0x12e: {  	[tilespmem:s28], [sflag:$0x5] =	stream.linear.gather [spmem:s26], $0x1000, $0x38;
	[tilespmem:$0x1F6F8] =	vst v63  }
0x12f: {  	_ =	swait.ge [sflag:s0], $0x1020  }
0x130: {  	[sflag:s0] =	ssyncset.done $0x0  }
0x131: {  	s29 =	simm.s32 $0x0;
	[sflag:s0] =	ssyncadd.s32 $0xFFFFEFE0  }
0x132: {  	v0 =	vld.msk [tilespmem:s29+$0xF218], $0x1;
	_ =	sdelay $0x1  }
0x133: {  	s30 =	simm.s32 $0x1  }
0x134: {  	v1 =	vld.msk [tilespmem:s30+$0xF218], $0x1;
	_ =	sdelay $0x1  }
0x135: {  	(v2sf) =	vpush v0, $0x0;
	_ =	sdelay $0x2  }
0x136: {  	(v2sf) =	vpush v1, $0x0;
	_ =	sdelay $0x2  }
0x137: {  	s31 =	simm.s32 $0x2  }
0x138: {  	v0 =	vld.msk [tilespmem:s31+$0xF218], $0x1;
	_ =	sdelay $0x2  }
0x139: {  	s4 =	simm.s32 $0xFFFFFFFF;
	s5 =	simm.s32 $0xFFFFFFFF;
	s0 =	simm.s32 $0xC  }
.LBB2_24:
0x13a: {  	s2 =	smov.u32 s5;
	s3 =	smov.u32 s4  }
0x13b: {  	s4 =	sshra.s32 s0, $0x2;
	p1 =	sne.s32 s0, $0x7C;
	s0 =	sadd.s32 $0x4, s0;
	(v2sf) =	vpush v0, $0x0  }
0x13c: {  	v0 =	vld.msk [tilespmem:s4+$0xF218], $0x1  }
.Ltmp18:
0x13d: {  	(pc) =	sbr.rel @p1 .LBB2_24-.Ltmp18, $4  }
0x13e: {  	s5 =	spop (v2sf)  }
0x13f: {  	p2 =	sne.s32 s3, $0xFFFFFFFF;
	s4 =	smov.u32 s5  }
0x140: {  	p3 =	seq.s32 s5, $0xFFFFFFFF;
	s4 =	smov.u32 @p2 s3  }
0x141: {  	s5 =	smov.u32 @p3 s2;
	s4 =	smov.u32 @p3 s3  }
0x142: {  	(v2sf) =	vpush v0, $0x0;
	_ =	sdelay $0x8  }
0x143: {  	s0 =	spop (v2sf)  }
0x144: {  	p1 =	sne.s32 s4, $0xFFFFFFFF;
	s2 =	smov.u32 s0  }
0x145: {  	s9 =	simm.s32 $0x6;
	p2 =	seq.s32 s0, $0xFFFFFFFF;
	s2 =	smov.u32 @p1 s4  }
0x146: {  	s6 =	simm.s32 $0x0;
	s2 =	smov.u32 @p2 s4;
	s3 =	spop (v2sf)  }
0x147: {  	s0 =	smov.u32 @p2 s5;
	p1 =	sne.s32 s2, $0xFFFFFFFF;
	s4 =	smov.u32 s3  }
.Ltmp19:
0x148: {  	p2 =	seq.s32 s3, $0xFFFFFFFF;
	s4 =	smov.u32 @p1 s2;
	(pc) =	sbr.rel .LBB2_26-.Ltmp19, $4  }
0x149: {  	s10 =	simm.s32 $0xF188;
	s4 =	smov.u32 @p2 s2;
	s7 =	spop (v2sf)  }
0x14a: {  	s11 =	simm.s32 $0x0;
	p1 =	sne.s32 s4, $0xFFFFFFFF;
	s8 =	smov.u32 s7  }
0x14b: {  	s3 =	smov.u32 @p2 s0;
	p2 =	seq.s32 s7, $0xFFFFFFFF;
	s8 =	smov.u32 @p1 s4  }
0x14c: {  	[sflag:s9] =	ssyncpa.u1 $0x0;
	s7 =	smov.u32 @p2 s3;
	s8 =	smov.u32 @p2 s4  }
.LBB2_32:
0x14d: {  	p1 =	sgt.u32 s12, $0x270FF0  }
0x14e: {  	p2 =	seq.s32 @!p1 s12, s8  }
0x14f: {  	p1 =	por p1, p2  }
0x150: {  	p2 =	sne.s32 @!p1 s12, s7  }
0x151: {  	p1 =	por p1, !p2  }
0x152: {  	s0 =	sshll.u32 @p1 s11, $0x9  }
0x153: {  	s0 =	sand.u32 @!p1 $0x3FFFF8, s12  }
0x154: {  	s2 =	sand.u32 @!p1 $0x7, s12;
	s0 =	sadd.s32 @!p1 s1, s0  }
0x155: {  	[tilespmem:s10], [sflag:$0x6] =	stream.linear.gather @!p1 [hbm4b:s0+s2], $0x80, $0x38;
	[tilespmem:$0x1F6F8] =	vst v63  }
0x156: {  	_ =	swait.ge @!p1 [sflag:s9], $0x80  }
0x157: {  	[sflag:s9] =	ssyncset.done @!p1 $0x0  }
0x158: {  	[sflag:s9] =	ssyncadd.s32 @!p1 $0xFFFFFF80  }
0x159: {  	v1 =	vld @!p1 [tilespmem:$0xF188];
	_ =	sdelay $0x2  }
0x15a: {  	s0 =	sshll.u32 @!p1 s11, $0x9  }
0x15b: {  	s2 =	sshrl.u32 @!p1 s0, $0x2  }
0x15c: {  	[tilespmem:s2+$0xF238] =	vst.add.f32.msk @!p1 $0xffff, v1  }
0x15d: {  	v1 =	vld @!p1 [tilespmem:$0xF198];
	_ =	sdelay $0x4  }
0x15e: {  	[tilespmem:s2+$0xF248] =	vst.add.f32.msk @!p1 $0xffff, v1  }
0x15f: {  	v1 =	vld @!p1 [tilespmem:$0xF1A8];
	_ =	sdelay $0x4  }
0x160: {  	[tilespmem:s2+$0xF258] =	vst.add.f32.msk @!p1 $0xffff, v1  }
0x161: {  	v1 =	vld @!p1 [tilespmem:$0xF1B8];
	_ =	sdelay $0x4  }
0x162: {  	[tilespmem:s2+$0xF268] =	vst.add.f32.msk @!p1 $0xffff, v1  }
0x163: {  	v1 =	vld @!p1 [tilespmem:$0xF1C8];
	_ =	sdelay $0x4  }
0x164: {  	[tilespmem:s2+$0xF278] =	vst.add.f32.msk @!p1 $0xffff, v1  }
0x165: {  	v1 =	vld @!p1 [tilespmem:$0xF1D8];
	_ =	sdelay $0x4  }
0x166: {  	[tilespmem:s2+$0xF288] =	vst.add.f32.msk @!p1 $0xffff, v1  }
0x167: {  	v1 =	vld @!p1 [tilespmem:$0xF1E8];
	_ =	sdelay $0x4  }
0x168: {  	[tilespmem:s2+$0xF298] =	vst.add.f32.msk @!p1 $0xffff, v1  }
0x169: {  	v1 =	vld @!p1 [tilespmem:$0xF1F8];
	_ =	sdelay $0x4  }
0x16a: {  	[tilespmem:s2+$0xF2A8] =	vst.add.f32.msk @!p1 $0xffff, v1  }
0x16b: {  	s0 =	sshrl.u32 s0, $0x2;
	[tilespmem:s6+$0xF218] =	vst.msk $0x1, v0  }
0x16c: {  	v0 =	vld [tilespmem:s0+$0xF238];
	_ =	sdelay $0x2  }
0x16d: {  	s31 =	sshll.u32 s6, $0x9  }
0x16e: {  	s2 =	sshra.s32 s31, $0x2  }
0x16f: {  	[tilespmem:s2+$0xF238] =	vst v0  }
0x170: {  	v0 =	vld [tilespmem:s0+$0xF248];
	_ =	sdelay $0x4  }
0x171: {  	[tilespmem:s2+$0xF248] =	vst v0  }
0x172: {  	v0 =	vld [tilespmem:s0+$0xF258];
	_ =	sdelay $0x4  }
0x173: {  	[tilespmem:s2+$0xF258] =	vst v0  }
0x174: {  	v0 =	vld [tilespmem:s0+$0xF268];
	_ =	sdelay $0x4  }
0x175: {  	[tilespmem:s2+$0xF268] =	vst v0  }
0x176: {  	v0 =	vld [tilespmem:s0+$0xF278];
	_ =	sdelay $0x4  }
0x177: {  	[tilespmem:s2+$0xF278] =	vst v0  }
0x178: {  	v0 =	vld [tilespmem:s0+$0xF288];
	_ =	sdelay $0x4  }
0x179: {  	[tilespmem:s2+$0xF288] =	vst v0  }
0x17a: {  	v0 =	vld [tilespmem:s0+$0xF298];
	_ =	sdelay $0x4  }
0x17b: {  	[tilespmem:s2+$0xF298] =	vst v0  }
0x17c: {  	v0 =	vld [tilespmem:s0+$0xF2A8];
	_ =	sdelay $0x4  }
0x17d: {  	s6 =	sadd.s32 $0x1, s6;
	[tilespmem:s2+$0xF2A8] =	vst v0  }
.LBB2_33:
0x17e: {  	s11 =	sadd.s32 $0x1, s11  }
0x17f: {  	p1 =	sne.s32 s11, $0x20  }
.Ltmp20:
0x180: {  	_ = 	snop;
	(pc) =	sbr.rel @!p1 .LBB2_34-.Ltmp20, $1  }
0x181: {  	_ =	sdelay $0x3  }
.LBB2_26:
0x182: {  	v0 =	vld.msk [tilespmem:s11+$0xF218], $0x1;
	_ =	sdelay $0x4  }
0x183: {  	(v2sf) =	vpush v0, $0x0;
	_ =	sdelay $0xe  }
0x184: {  	s12 =	spop (v2sf)  }
0x185: {  	p1 =	seq.s32 s12, $0xFFFFFFFF  }
.Ltmp21:
0x186: {  	_ = 	snop;
	(pc) =	sbr.rel @p1 .LBB2_33-.Ltmp21, $1  }
0x187: {  	_ =	sdelay $0x3  }
0x188: {  	p1 =	slt.s32 s6, $0x1  }
.Ltmp22:
0x189: {  	_ = 	snop;
	(pc) =	sbr.rel @p1 .LBB2_32-.Ltmp22, $1  }
0x18a: {  	_ =	sdelay $0x3  }
0x18b: {  	s13 =	simm.s32 $0xF218;
	p1 =	por $0x0, $0x0  }
0x18c: {  	v1 =	vld.msk @!p1 [tilespmem:s13+$0x0], $0x1;
	_ =	sdelay $0x4  }
0x18d: {  	(v2sf) =	vpush @!p1 v1, $0x0;
	_ =	sdelay $0xd  }
0x18e: {  	p3 =	sne.s32 s6, $0x1  }
.Ltmp23:
0x18f: {  	s0 =	spop @!p1 (v2sf);
	(pc) =	sbr.rel @!p3 .LBB2_30-.Ltmp23, $4  }
0x190: {  	p2 =	seq.s32 @!p1 s12, s0  }
0x191: {  	s14 =	simm.s32 $0x0;
	p2 =	por !p2, p1  }
0x192: {  	s2 =	simm.s32 $0xFFFFFFFF;
	s14 =	simm.s32 @p2 $0xFFFFFFFF  }
0x193: {  	s0 =	simm.s32 $0x1;
	s14 =	smov.u32 @p1 s2  }
.LBB2_29:
0x194: {  	s2 =	smov.u32 s14;
	p1 =	sne.s32 s14, $0xFFFFFFFF  }
0x195: {  	s13 =	sadd.s32 $0x1, s13;
	s14 =	smov.u32 s0;
	s0 =	sadd.s32 $0x1, s0  }
0x196: {  	p2 =	sne.s32 s6, s0;
	v1 =	vld.msk @!p1 [tilespmem:s13+$0x0], $0x1;
	_ =	sdelay $0x4  }
0x197: {  	(v2sf) =	vpush @!p1 v1, $0x0;
	_ =	sdelay $0xe  }
.Ltmp24:
0x198: {  	s3 =	spop @!p1 (v2sf);
	(pc) =	sbr.rel @p2 .LBB2_29-.Ltmp24, $4  }
0x199: {  	p3 =	seq.s32 @!p1 s12, s3  }
0x19a: {  	p3 =	por !p3, p1  }
0x19b: {  	s14 =	simm.s32 @p3 $0xFFFFFFFF  }
0x19c: {  	s14 =	smov.u32 @p1 s2  }
.LBB2_30:
0x19d: {  	p1 =	seq.s32 s14, $0xFFFFFFFF  }
.Ltmp25:
0x19e: {  	_ = 	snop;
	(pc) =	sbr.rel @p1 .LBB2_32-.Ltmp25, $1  }
0x19f: {  	_ =	sdelay $0x3  }
0x1a0: {  	s0 =	sshll.u32 s11, $0x7  }
0x1a1: {  	s0 =	sand.u32 $0x3FFFFF80, s0  }
0x1a2: {  	v0 =	vld [tilespmem:s0+$0xF238];
	_ =	sdelay $0x2  }
0x1a3: {  	s2 =	sshll.u32 s14, $0x9  }
0x1a4: {  	s2 =	sshra.s32 s2, $0x2  }
0x1a5: {  	[tilespmem:s2+$0xF238] =	vst.add.f32.msk $0xffff, v0  }
0x1a6: {  	v0 =	vld [tilespmem:s0+$0xF248];
	_ =	sdelay $0x4  }
0x1a7: {  	[tilespmem:s2+$0xF248] =	vst.add.f32.msk $0xffff, v0  }
0x1a8: {  	v0 =	vld [tilespmem:s0+$0xF258];
	_ =	sdelay $0x4  }
0x1a9: {  	[tilespmem:s2+$0xF258] =	vst.add.f32.msk $0xffff, v0  }
0x1aa: {  	v0 =	vld [tilespmem:s0+$0xF268];
	_ =	sdelay $0x4  }
0x1ab: {  	[tilespmem:s2+$0xF268] =	vst.add.f32.msk $0xffff, v0  }
0x1ac: {  	v0 =	vld [tilespmem:s0+$0xF278];
	_ =	sdelay $0x4  }
0x1ad: {  	[tilespmem:s2+$0xF278] =	vst.add.f32.msk $0xffff, v0  }
0x1ae: {  	v0 =	vld [tilespmem:s0+$0xF288];
	_ =	sdelay $0x4  }
0x1af: {  	[tilespmem:s2+$0xF288] =	vst.add.f32.msk $0xffff, v0  }
0x1b0: {  	v0 =	vld [tilespmem:s0+$0xF298];
	_ =	sdelay $0x4  }
0x1b1: {  	[tilespmem:s2+$0xF298] =	vst.add.f32.msk $0xffff, v0  }
0x1b2: {  	v0 =	vld [tilespmem:s0+$0xF2A8]  }
.Ltmp26:
0x1b3: {  	_ = 	snop;
	(pc) =	sbr.rel .LBB2_33-.Ltmp26, $2  }
0x1b4: {  	_ =	sdelay $0x2  }
0x1b5: {  	[tilespmem:s2+$0xF2A8] =	vst.add.f32.msk $0xffff, v0  }
.LBB2_34:
0x1b6: {  	s0 =	simm.s32 $0x6;
	p1 =	seq.s32 s6, $0x0  }
0x1b7: {  	[sflag:s0] =	ssyncpa.u1 $0x1;
	v0 =	vimm.s32 @p1 $0xFFFFFFFF  }
0x1b8: {  	s9 =	sadd.s32 $0xFFFFFFFF, s6;
	[tilespmem:$0x10238] =	vst @p1 v0  }
0x1b9: {  	v0 =	vld.msk @!p1 [tilespmem:s9+$0xF218], $0x1;
	_ =	sdelay $0x1  }
0x1ba: {  	v1 =	vld.msk @!p1 [tilespmem:$0xF218], $0x1;
	_ =	sdelay $0x2  }
0x1bb: {  	p2 =	seq.s32 @!p1 s9, $0x0;
	v0 =	vbroadcast @!p1 v0, $0x0  }
0x1bc: {  	vm0 =	vmmov @!p1 $0x1;
	p2 =	por !p2, p1  }
0x1bd: {  	v1 =	vnsel @!p1 vm0, $0xFFFFFFFF, v1;
	vm0 =	vcmask @!p1 $0x308;
	v0 =	vpsel !p2, $0xFFFFFFFF, v0  }
0x1be: {  	p2 =	sne.s32 @!p1 s8, s7;
	v0 =	vsel @!p1 vm0, v1, v0  }
0x1bf: {  	s0 =	simm.s32 @!p1 $0xF238;
	s2 =	simm.s32 @!p1 $0x0;
	p3 =	por !p2, p1;
	[tilespmem:$0x10238] =	vst @!p1 v0  }
0x1c0: {  	[spmem:s2] =	stream.linear.scatter @!p1 [tilespmem:s0], [sflag:$0x1], $0x80, $0x38;
	[tilespmem:$0x1F6F8] =	vst v63  }
0x1c1: {  	s0 =	sshll.u32 @!p3 s9, $0x9  }
0x1c2: {  	s0 =	sshra.s32 @!p3 s0, $0x2  }
0x1c3: {  	s2 =	simm.s32 @!p3 $0x80;
	s0 =	sadd.s32 @!p3 $0xF238, s0  }
0x1c4: {  	[spmem:s2] =	stream.linear.scatter @!p3 [tilespmem:s0], [sflag:$0x1], $0x80, $0x38;
	[tilespmem:$0x1F6F8] =	vst v63  }
0x1c5: {  	s0 =	simm.s32 @!p3 $0x1  }
0x1c6: {  	_ =	swait.ge @!p3 [sflag:s0], $0x100  }
0x1c7: {  	p1 =	por p2, p1;
	[sflag:s0] =	ssyncset.done @!p3 $0x0  }
0x1c8: {  	[sflag:s0] =	ssyncadd.s32 @!p3 $0xFFFFFF00;
	s0 =	simm.s32 @!p1 $0x1  }
0x1c9: {  	_ =	swait.ge @!p1 [sflag:s0], $0x80  }
0x1ca: {  	s29 =	simm.s32 $0x10238;
	[sflag:s0] =	ssyncset.done @!p1 $0x0  }
0x1cb: {  	s30 =	simm.s32 $0x1000;
	s31 =	simm.s32 $0x1;
	[sflag:s0] =	ssyncadd.s32 @!p1 $0xFFFFFF80  }
0x1cc: {  	[spmem:s30] =	stream.linear.scatter [tilespmem:s29], [sflag:$0x1], $0x10, $0x38;
	[tilespmem:$0x1F6F8] =	vst v63  }
0x1cd: {  	_ =	swait.ge [sflag:s31], $0x10  }
0x1ce: {  	[sflag:s31] =	ssyncset.done $0x0  }
0x1cf: {  	p1 =	seq.s32 s15, $0x0;
	s8 =	rddreg [dreg:$0x2];
	[sflag:s31] =	ssyncadd.s32 $0xFFFFFFF0  }
0x1d0: {  	s2 =	sshll.u32 @p1 s8, $0xE;
	s7 =	rddreg [dreg:$0x3]  }
0x1d1: {  	s0 =	sadd.s32 @p1 $0x15C3C, s2;
	s2 =	sshll.u32 @p1 s7, $0x11  }
0x1d2: {  	_ =	sfence.stream.spmem;
	s0 =	sor.u32 @p1 s2, s0  }
0x1d3: {  	[sflag:s0] =	ssyncadd.remote.s32 @p1 $0x1;
	s0 =	simm.s32 @p1 $0x4  }
0x1d4: {  	s3 =	simm.s32 @!p1 $0x3C;
	s2 =	sand.u32 $0xFFFFFFFE, s8;
	_ =	swait.ge @p1 [sflag:s0], $0x22  }
0x1d5: {  	s4 =	simm.s32 @!p1 $0x0;
	s2 =	sadd.s32 @!p1 $0x4, s2;
	[sflag:s0] =	ssyncset.done @p1 $0x0  }
0x1d6: {  	s5 =	simm.s32 @!p1 $0x100;
	[sflag:s0] =	ssyncadd.s32 @p1 $0xFFFFFFDE;
	s0 =	sshll.u32 @!p1 s2, $0x1A  }
0x1d7: {  	s2 =	sshll.u32 @!p1 s2, $0xD;
	s0 =	sor.u32 @!p1 s0, s7;
	_ =	swait.eq @!p1 [sflag:s3], $0x1  }
0x1d8: {  	s2 =	sor.u32 @!p1 $0x1C04, s2;
	s3 =	simm.s32 @!p1 $0x1C03;
	s0 =	sor.u32 @!p1 $0x80004000, s0  }
0x1d9: {  	[spmem:s5], [sflag:s2] =	dma.general @!p1 [spmem:s4], [sflag:s3], length:$0x20, [dreg:$0x0], stride_count:$0x0, ici_dest:s0, dma_misc:DstOpCode:WRITE  }
0x1da: {  	p2 =	slt.s32 s9, $0x2;
	s4 =	simm.s32 @!p1 $0x200;
	s5 =	simm.s32 @!p1 $0x202  }
0x1db: {  	[spmem:s5], [sflag:s2] =	dma.general @!p1 [spmem:s4], [sflag:s3], length:$0x2, [dreg:$0x0], stride_count:$0x0, ici_dest:s0, dma_misc:DstOpCode:WRITE  }
.Ltmp27:
0x1dc: {  	s0 =	simm.s32 @!p1 $0x3;
	(pc) =	sbr.rel @p2 .LBB2_38-.Ltmp27, $4  }
0x1dd: {  	s2 =	sshll.u32 @!p1 s8, $0xE;
	_ =	swait.ge @!p1 [sflag:s0], $0x22  }
0x1de: {  	s3 =	sshll.u32 @!p1 s7, $0x11;
	s2 =	sadd.s32 @!p1 $0x11C3C, s2;
	[sflag:s0] =	ssyncset.done @!p1 $0x0  }
0x1df: {  	[sflag:s0] =	ssyncadd.s32 @!p1 $0xFFFFFFDE;
	s0 =	sor.u32 @!p1 s3, s2  }
0x1e0: {  	[sflag:s0] =	ssyncadd.remote.s32 @!p1 $0xFFFFFFFF;
	s0 =	simm.s32 $0x0  }
0x1e1: {  	s0 =	simm.s32 $0xF219  }
0x1e2: {  	v0 =	vld.msk [tilespmem:s0+$0x0], $0x1;
	_ =	sdelay $0x4  }
0x1e3: {  	(v2sf) =	vpush v0, $0x0;
	_ =	sdelay $0xb  }
0x1e4: {  	s31 =	sadd.s32 $0xFFFFFFFE, s6  }
0x1e5: {  	s0 =	sadd.s32 $0xFFFFFFFF, s31  }
0x1e6: {  	p2 =	sne.s32 s0, $0x0  }
.Ltmp28:
0x1e7: {  	s2 =	spop (v2sf);
	(pc) =	sbr.rel @!p2 .LBB2_37-.Ltmp28, $4  }
0x1e8: {  	s4 =	simm.s32 $0xF2B8;
	s7 =	simm.s32 $0x0;
	p1 =	sgt.u32 s2, $0x270FF0  }
0x1e9: {  	s5 =	simm.s32 $0x0;
	s6 =	simm.s32 $0xF21A;
	s3 =	sand.u32 @!p1 $0x3FFFF8, s2  }
0x1ea: {  	s2 =	sand.u32 @!p1 $0x7, s2;
	s7 =	simm.s32 @!p1 $0x200;
	s3 =	sadd.s32 @!p1 s1, s3  }
0x1eb: {  	[hbm4b:s3+s2] =	stream.linear.scatter @!p1 [tilespmem:s4], [sflag:$0x5], $0x80, $0x38;
	[tilespmem:$0x1F6F8] =	vst v63  }
.LBB2_36:
0x1ec: {  	v0 =	vld.msk [tilespmem:s6+$0x0], $0x1;
	s0 =	sadd.s32 $0xFFFFFFFF, s0;
	s5 =	sadd.s32 s5, s7  }
0x1ed: {  	p1 =	sne.s32 s0, $0x0;
	_ =	sdelay $0x3  }
0x1ee: {  	(v2sf) =	vpush v0, $0x0;
	_ =	sdelay $0xe  }
.Ltmp29:
0x1ef: {  	s2 =	spop (v2sf);
	(pc) =	sbr.rel @p1 .LBB2_36-.Ltmp29, $4  }
0x1f0: {  	s7 =	simm.s32 $0x0;
	p2 =	sgt.u32 s2, $0x270FF0  }
0x1f1: {  	s4 =	sadd.s32 $0x80, s4;
	s7 =	simm.s32 @!p2 $0x200;
	s3 =	sand.u32 @!p2 $0x3FFFF8, s2  }
0x1f2: {  	s6 =	sadd.s32 $0x1, s6;
	s2 =	sand.u32 @!p2 $0x7, s2;
	s3 =	sadd.s32 @!p2 s1, s3  }
0x1f3: {  	[hbm4b:s3+s2] =	stream.linear.scatter @!p2 [tilespmem:s4], [sflag:$0x5], $0x80, $0x38;
	[tilespmem:$0x1F6F8] =	vst v63  }
.LBB2_37:
0x1f4: {  	s0 =	sadd.s32 s5, s7  }
0x1f5: {  	s0 =	sshrl.u32 s0, $0x2  }
.LBB2_38:
0x1f6: {  	s2 =	simm.s32 $0x5  }
0x1f7: {  	_ =	swait.ge [sflag:s2], s0  }
0x1f8: {  	s31 =	ssub.s32 $0x0, s0;
	[sflag:s2] =	ssyncset.done $0x0  }
0x1f9: {  	[sflag:s2] =	ssyncadd.s32 s31  }
0x1fa: {  	[sflag:s2] =	ssyncpa.u1 $0x1  }
.LBB2_39:
0x1fb: {  	s0 =	sor.u32 s15, s16  }
0x1fc: {  	p1 =	sne.s32 s0, $0x0  }
.Ltmp30:
0x1fd: {  	_ = 	snop;
	(pc) =	sbr.rel @p1 .LBB2_54-.Ltmp30, $3  }
0x1fe: {  	_ =	sdelay $0x1  }
0x1ff: {  	[bflag:$0x0] =	sbarrier.arrive $0xFFFF  }
0x200: {  	_ =	sfence  }
0x201: {  	s0 =	simm.s32 $0x7  }
0x202: {  	s2 =	simm.s32 $0x1000;
	s3 =	simm.s32 $0xF218;
	[sflag:s0] =	ssyncpa.u1 $0x0  }
0x203: {  	[tilespmem:s3], [sflag:$0x7] =	stream.linear.gather [spmem:s2], $0x20, $0x38;
	[tilespmem:$0x1F6F8] =	vst v63  }
0x204: {  	s30 =	simm.s32 $0xF238;
	s2 =	simm.s32 $0x0  }
0x205: {  	[tilespmem:s30], [sflag:$0x7] =	stream.linear.gather [spmem:s2], $0x1000, $0x38;
	[tilespmem:$0x1F6F8] =	vst v63  }
.Ltmp31:
0x206: {  	_ = 	snop;
	(pc) =	sbr.rel .LBB2_41-.Ltmp31, $4  }
0x207: {  	_ =	swait.ge [sflag:s0], $0x1020  }
0x208: {  	[sflag:s0] =	ssyncset.done $0x0  }
0x209: {  	s31 =	simm.s32 $0x8;
	[sflag:s0] =	ssyncadd.s32 $0xFFFFEFE0  }
0x20a: {  	s3 =	simm.s32 $0x0;
	[sflag:s31] =	ssyncpa.u1 $0x0  }
.LBB2_47:
0x20b: {  	p1 =	slt.u32 s4, $0x270FF1  }
0x20c: {  	s0 =	sand.u32 @p1 $0x3FFFF8, s4  }
0x20d: {  	s4 =	sand.u32 @p1 $0x7, s4;
	s5 =	simm.s32 @p1 $0xF188;
	s0 =	sadd.s32 @p1 s1, s0  }
0x20e: {  	[tilespmem:s5], [sflag:$0x8] =	stream.linear.gather @p1 [hbm4b:s0+s4], $0x80, $0x38;
	[tilespmem:$0x1F6F8] =	vst v63  }
0x20f: {  	s0 =	simm.s32 @p1 $0x8  }
0x210: {  	_ =	swait.ge @p1 [sflag:s0], $0x80  }
0x211: {  	[sflag:s0] =	ssyncset.done @p1 $0x0  }
0x212: {  	[sflag:s0] =	ssyncadd.s32 @p1 $0xFFFFFF80  }
0x213: {  	v1 =	vld @p1 [tilespmem:$0xF188];
	_ =	sdelay $0x2  }
0x214: {  	s0 =	sshll.u32 @p1 s3, $0x9  }
0x215: {  	s4 =	sshrl.u32 @p1 s0, $0x2  }
0x216: {  	[tilespmem:s4+$0xF238] =	vst.add.f32.msk @p1 $0xffff, v1  }
0x217: {  	v1 =	vld @p1 [tilespmem:$0xF198];
	_ =	sdelay $0x4  }
0x218: {  	[tilespmem:s4+$0xF248] =	vst.add.f32.msk @p1 $0xffff, v1  }
0x219: {  	v1 =	vld @p1 [tilespmem:$0xF1A8];
	_ =	sdelay $0x4  }
0x21a: {  	[tilespmem:s4+$0xF258] =	vst.add.f32.msk @p1 $0xffff, v1  }
0x21b: {  	v1 =	vld @p1 [tilespmem:$0xF1B8];
	_ =	sdelay $0x4  }
0x21c: {  	[tilespmem:s4+$0xF268] =	vst.add.f32.msk @p1 $0xffff, v1  }
0x21d: {  	v1 =	vld @p1 [tilespmem:$0xF1C8];
	_ =	sdelay $0x4  }
0x21e: {  	[tilespmem:s4+$0xF278] =	vst.add.f32.msk @p1 $0xffff, v1  }
0x21f: {  	v1 =	vld @p1 [tilespmem:$0xF1D8];
	_ =	sdelay $0x4  }
0x220: {  	[tilespmem:s4+$0xF288] =	vst.add.f32.msk @p1 $0xffff, v1  }
0x221: {  	v1 =	vld @p1 [tilespmem:$0xF1E8];
	_ =	sdelay $0x4  }
0x222: {  	[tilespmem:s4+$0xF298] =	vst.add.f32.msk @p1 $0xffff, v1  }
0x223: {  	v1 =	vld @p1 [tilespmem:$0xF1F8];
	_ =	sdelay $0x3  }
0x224: {  	s5 =	sshll.u32 @!p1 s3, $0x9  }
0x225: {  	s5 =	smov.u32 @p1 s0;
	[tilespmem:s4+$0xF2A8] =	vst.add.f32.msk @p1 $0xffff, v1  }
0x226: {  	s0 =	sshrl.u32 s5, $0x2;
	[tilespmem:s2+$0xF218] =	vst.msk $0x1, v0  }
0x227: {  	v0 =	vld [tilespmem:s0+$0xF238];
	_ =	sdelay $0x2  }
0x228: {  	s31 =	sshll.u32 s2, $0x9  }
0x229: {  	s4 =	sshra.s32 s31, $0x2  }
0x22a: {  	[tilespmem:s4+$0xF238] =	vst v0  }
0x22b: {  	v0 =	vld [tilespmem:s0+$0xF248];
	_ =	sdelay $0x4  }
0x22c: {  	[tilespmem:s4+$0xF248] =	vst v0  }
0x22d: {  	v0 =	vld [tilespmem:s0+$0xF258];
	_ =	sdelay $0x4  }
0x22e: {  	[tilespmem:s4+$0xF258] =	vst v0  }
0x22f: {  	v0 =	vld [tilespmem:s0+$0xF268];
	_ =	sdelay $0x4  }
0x230: {  	[tilespmem:s4+$0xF268] =	vst v0  }
0x231: {  	v0 =	vld [tilespmem:s0+$0xF278];
	_ =	sdelay $0x4  }
0x232: {  	[tilespmem:s4+$0xF278] =	vst v0  }
0x233: {  	v0 =	vld [tilespmem:s0+$0xF288];
	_ =	sdelay $0x4  }
0x234: {  	[tilespmem:s4+$0xF288] =	vst v0  }
0x235: {  	v0 =	vld [tilespmem:s0+$0xF298];
	_ =	sdelay $0x4  }
0x236: {  	[tilespmem:s4+$0xF298] =	vst v0  }
0x237: {  	v0 =	vld [tilespmem:s0+$0xF2A8];
	_ =	sdelay $0x4  }
0x238: {  	s2 =	sadd.s32 $0x1, s2;
	[tilespmem:s4+$0xF2A8] =	vst v0  }
.LBB2_48:
0x239: {  	s3 =	sadd.s32 $0x1, s3  }
0x23a: {  	p1 =	sne.s32 s3, $0x20  }
.Ltmp32:
0x23b: {  	_ = 	snop;
	(pc) =	sbr.rel @!p1 .LBB2_49-.Ltmp32, $1  }
0x23c: {  	_ =	sdelay $0x3  }
.LBB2_41:
0x23d: {  	v0 =	vld.msk [tilespmem:s3+$0xF218], $0x1;
	_ =	sdelay $0x4  }
0x23e: {  	(v2sf) =	vpush v0, $0x0;
	_ =	sdelay $0xe  }
0x23f: {  	s4 =	spop (v2sf)  }
0x240: {  	p1 =	seq.s32 s4, $0xFFFFFFFF  }
.Ltmp33:
0x241: {  	_ = 	snop;
	(pc) =	sbr.rel @p1 .LBB2_48-.Ltmp33, $1  }
0x242: {  	_ =	sdelay $0x3  }
0x243: {  	p1 =	slt.s32 s2, $0x1  }
.Ltmp34:
0x244: {  	_ = 	snop;
	(pc) =	sbr.rel @p1 .LBB2_47-.Ltmp34, $1  }
0x245: {  	_ =	sdelay $0x3  }
0x246: {  	s5 =	simm.s32 $0xF218;
	p1 =	por $0x0, $0x0  }
0x247: {  	v1 =	vld.msk @!p1 [tilespmem:s5+$0x0], $0x1;
	_ =	sdelay $0x4  }
0x248: {  	(v2sf) =	vpush @!p1 v1, $0x0;
	_ =	sdelay $0xd  }
0x249: {  	p3 =	sne.s32 s2, $0x1  }
.Ltmp35:
0x24a: {  	s0 =	spop @!p1 (v2sf);
	(pc) =	sbr.rel @!p3 .LBB2_45-.Ltmp35, $4  }
0x24b: {  	p2 =	seq.s32 @!p1 s4, s0  }
0x24c: {  	s6 =	simm.s32 $0x0;
	p2 =	por !p2, p1  }
0x24d: {  	s7 =	simm.s32 $0xFFFFFFFF;
	s6 =	simm.s32 @p2 $0xFFFFFFFF  }
0x24e: {  	s0 =	simm.s32 $0x1;
	s6 =	smov.u32 @p1 s7  }
.LBB2_44:
0x24f: {  	s7 =	smov.u32 s6;
	p1 =	sne.s32 s6, $0xFFFFFFFF  }
0x250: {  	s5 =	sadd.s32 $0x1, s5;
	s6 =	smov.u32 s0;
	s0 =	sadd.s32 $0x1, s0  }
0x251: {  	p2 =	sne.s32 s2, s0;
	v1 =	vld.msk @!p1 [tilespmem:s5+$0x0], $0x1;
	_ =	sdelay $0x4  }
0x252: {  	(v2sf) =	vpush @!p1 v1, $0x0;
	_ =	sdelay $0xe  }
.Ltmp36:
0x253: {  	s8 =	spop @!p1 (v2sf);
	(pc) =	sbr.rel @p2 .LBB2_44-.Ltmp36, $4  }
0x254: {  	p3 =	seq.s32 @!p1 s4, s8  }
0x255: {  	p3 =	por !p3, p1  }
0x256: {  	s6 =	simm.s32 @p3 $0xFFFFFFFF  }
0x257: {  	s6 =	smov.u32 @p1 s7  }
.LBB2_45:
0x258: {  	p1 =	seq.s32 s6, $0xFFFFFFFF  }
.Ltmp37:
0x259: {  	_ = 	snop;
	(pc) =	sbr.rel @p1 .LBB2_47-.Ltmp37, $1  }
0x25a: {  	_ =	sdelay $0x3  }
0x25b: {  	s0 =	sshll.u32 s3, $0x7  }
0x25c: {  	s0 =	sand.u32 $0x3FFFFF80, s0  }
0x25d: {  	v0 =	vld [tilespmem:s0+$0xF238];
	_ =	sdelay $0x2  }
0x25e: {  	s4 =	sshll.u32 s6, $0x9  }
0x25f: {  	s4 =	sshra.s32 s4, $0x2  }
0x260: {  	[tilespmem:s4+$0xF238] =	vst.add.f32.msk $0xffff, v0  }
0x261: {  	v0 =	vld [tilespmem:s0+$0xF248];
	_ =	sdelay $0x4  }
0x262: {  	[tilespmem:s4+$0xF248] =	vst.add.f32.msk $0xffff, v0  }
0x263: {  	v0 =	vld [tilespmem:s0+$0xF258];
	_ =	sdelay $0x4  }
0x264: {  	[tilespmem:s4+$0xF258] =	vst.add.f32.msk $0xffff, v0  }
0x265: {  	v0 =	vld [tilespmem:s0+$0xF268];
	_ =	sdelay $0x4  }
0x266: {  	[tilespmem:s4+$0xF268] =	vst.add.f32.msk $0xffff, v0  }
0x267: {  	v0 =	vld [tilespmem:s0+$0xF278];
	_ =	sdelay $0x4  }
0x268: {  	[tilespmem:s4+$0xF278] =	vst.add.f32.msk $0xffff, v0  }
0x269: {  	v0 =	vld [tilespmem:s0+$0xF288];
	_ =	sdelay $0x4  }
0x26a: {  	[tilespmem:s4+$0xF288] =	vst.add.f32.msk $0xffff, v0  }
0x26b: {  	v0 =	vld [tilespmem:s0+$0xF298];
	_ =	sdelay $0x4  }
0x26c: {  	[tilespmem:s4+$0xF298] =	vst.add.f32.msk $0xffff, v0  }
0x26d: {  	v0 =	vld [tilespmem:s0+$0xF2A8]  }
.Ltmp38:
0x26e: {  	_ = 	snop;
	(pc) =	sbr.rel .LBB2_48-.Ltmp38, $2  }
0x26f: {  	_ =	sdelay $0x2  }
0x270: {  	[tilespmem:s4+$0xF2A8] =	vst.add.f32.msk $0xffff, v0  }
.LBB2_49:
0x271: {  	p1 =	slt.s32 s2, $0x1  }
.Ltmp39:
0x272: {  	_ = 	snop;
	(pc) =	sbr.rel @p1 .LBB2_53-.Ltmp39, $3  }
0x273: {  	_ =	sdelay $0x1  }
0x274: {  	s0 =	simm.s32 $0x8  }
0x275: {  	s3 =	simm.s32 $0x0;
	[sflag:s0] =	ssyncpa.u1 $0x1  }
0x276: {  	s0 =	simm.s32 $0xF218  }
0x277: {  	v0 =	vld.msk [tilespmem:s0+$0x0], $0x1;
	_ =	sdelay $0x4  }
0x278: {  	(v2sf) =	vpush v0, $0x0;
	_ =	sdelay $0xe  }
0x279: {  	s0 =	sadd.s32 $0xFFFFFFFF, s2;
	s5 =	spop (v2sf)  }
0x27a: {  	p2 =	sne.s32 s0, $0x0;
	p1 =	sgt.u32 s5, $0x270FF0  }
.Ltmp40:
0x27b: {  	s6 =	sand.u32 @!p1 $0x3FFFF8, s5;
	(pc) =	sbr.rel @!p2 .LBB2_52-.Ltmp40, $4  }
0x27c: {  	s4 =	simm.s32 $0xF238;
	s5 =	sand.u32 @!p1 $0x7, s5;
	s2 =	sadd.s32 @!p1 s1, s6  }
0x27d: {  	[hbm4b:s2+s5] =	stream.linear.scatter @!p1 [tilespmem:s4], [sflag:$0x7], $0x80, $0x38;
	[tilespmem:$0x1F6F8] =	vst v63  }
0x27e: {  	s5 =	simm.s32 $0x0  }
0x27f: {  	s2 =	simm.s32 $0xF219;
	s5 =	simm.s32 @!p1 $0x200  }
.LBB2_51:
0x280: {  	v0 =	vld.msk [tilespmem:s2+$0x0], $0x1;
	s0 =	sadd.s32 $0xFFFFFFFF, s0;
	s3 =	sadd.s32 s3, s5  }
0x281: {  	p1 =	sne.s32 s0, $0x0;
	_ =	sdelay $0x3  }
0x282: {  	(v2sf) =	vpush v0, $0x0;
	_ =	sdelay $0xe  }
.Ltmp41:
0x283: {  	s6 =	spop (v2sf);
	(pc) =	sbr.rel @p1 .LBB2_51-.Ltmp41, $4  }
0x284: {  	s5 =	simm.s32 $0x0;
	p2 =	sgt.u32 s6, $0x270FF0  }
0x285: {  	s4 =	sadd.s32 $0x80, s4;
	s5 =	simm.s32 @!p2 $0x200;
	s7 =	sand.u32 @!p2 $0x3FFFF8, s6  }
0x286: {  	s2 =	sadd.s32 $0x1, s2;
	s6 =	sand.u32 @!p2 $0x7, s6;
	s7 =	sadd.s32 @!p2 s1, s7  }
0x287: {  	[hbm4b:s7+s6] =	stream.linear.scatter @!p2 [tilespmem:s4], [sflag:$0x7], $0x80, $0x38;
	[tilespmem:$0x1F6F8] =	vst v63  }
.LBB2_52:
0x288: {  	s0 =	sadd.s32 s3, s5  }
0x289: {  	s3 =	sshrl.u32 s0, $0x2  }
.LBB2_53:
0x28a: {  	s0 =	simm.s32 $0x7  }
0x28b: {  	_ =	swait.ge [sflag:s0], s3  }
0x28c: {  	s1 =	ssub.s32 $0x0, s3;
	[sflag:s0] =	ssyncset.done $0x0  }
0x28d: {  	[sflag:s0] =	ssyncadd.s32 s1  }
0x28e: {  	[sflag:s0] =	ssyncpa.u1 $0x1  }
.LBB2_54:
0x28f: {  	_ =	sfence;
	s0 =	simm.s32 $0x1  }
0x290: {  	[sflag:s0] =	ssyncpa.u1 $0x1  }
0x291: {  	_ =	strace $0x9000005C  }
0x292: {  	[bflag:$0x2] =	sbarrier.arrive $0xFFFF  }
0x293: {  	s0 =	rddreg [dreg:$0x4]  }
0x294: {  	s0 =	sadd.s32 @!p0 $0x100000, s0  }
0x295: {  	[sflag:s0] =	ssyncadd.tile.s32 @!p0 $0x1;
	_ =	shalt  }
.Lfunc_end2:
_tile_overlayer_lowered:
.L_overlay_start_2:
0x296: {  	(tag) =	ssettag $0x2  }
0x297: {  	s0 =	rddreg [dreg:$0x0];
	s2 =	stileid.u32  }
0x298: {  	s1 =	rddreg [dreg:$0x1];
	p0 =	sne.s32 s2, $0x0  }
0x299: {  	s3 =	rddreg [dreg:$0x2];
	[bflag:$0x3] =	sbarrier.arrive $0xFFFF;
	s2 =	simm.s32 @!p0 $0x1C01  }
0x29a: {  	[timem:s3], [sflag:s2] =	dma.local @!p0 [hbm:s0], s1  }
0x29b: {  	s0 =	simm.s32 @!p0 $0x1  }
0x29c: {  	_ =	swait.ge @!p0 [sflag:s0], s1  }
0x29d: {  	s1 =	ssub.s32 @!p0 $0x0, s1;
	[sflag:s0] =	ssyncset.done @!p0 $0x0  }
0x29e: {  	[sflag:s0] =	ssyncadd.s32 @!p0 s1  }
0x29f: {  	[bflag:$0x3] =	sbarrier.arrive $0xFFFF  }
0x2a0: {  	_ =	shalt  }

// kernel: scatter_offload_async_start
scs
__scs_entry_jumppad:
0x0: {  	(pc) =	sbr.rel $0x88, $3  }
0x1: {  	(tag) =	ssettag $0x0;
	lr =	simm.s32 $0x1  }
0x2: {  	[smem:$0x3F8A] =	sst lr;
	_ =	strace $0xD0000000  }
0x3: {  	_ = 	snop  }
0x4: {  	_ = 	snop  }
0x5: {  	_ = 	snop  }
0x6: {  	_ = 	snop  }
0x7: {  	_ = 	snop  }
__scs_overlays_trampoline_lowered:
0x8: {  	[smem:$0x3F99] =	sst s0  }
0x9: {  	[smem:$0x3F9A] =	sst s1  }
0xa: {  	[smem:$0x3F9B] =	sst s2  }
0xb: {  	[smem:$0x3F9C] =	sst s3  }
0xc: {  	[smem:$0x3F9D] =	sst s4  }
0xd: {  	[smem:$0x3F9E] =	sst s5  }
0xe: {  	[smem:$0x3F9F] =	sst s6  }
0xf: {  	[smem:$0x3FA0] =	sst s7  }
0x10: {  	[smem:$0x3FA1] =	sst s8  }
0x11: {  	[smem:$0x3FA2] =	sst s9;
	s0 =	simm.s32 @!p0 $0x0  }
0x12: {  	s1 =	sld [smem:$0x3F88];
	s0 =	simm.s32 @p0 $0x1  }
0x13: {  	[smem:$0x3FA3] =	sst s0;
	s0 =	simm.s32 @!p1 $0x0  }
0x14: {  	s2 =	sld [smem:$0x3F87];
	s0 =	simm.s32 @p1 $0x1  }
0x15: {  	[smem:$0x3FA4] =	sst s0;
	s0 =	simm.s32 @!p2 $0x0  }
0x16: {  	s3 =	sld [smem:$0x3FDB];
	s0 =	simm.s32 @p2 $0x1  }
0x17: {  	s4 =	simm.s32 $0x1BF5;
	[smem:$0x3FA6] =	sst s0  }
0x18: {  	s0 =	sld [smem:$0x3F89];
	_ =	swait.ge [sflag:s4], $0x0  }
0x19: {  	s7 =	sld [smem:$0x3F8A]  }
0x1a: {  	s8 =	sadd.s32 $0xFFFFE003, lr  }
0x1b: {  	s9 =	sadd.s32 $0xFFFFFEF7, lr;
	s5 =	simm.s32 $0xFFFFFFFF;
	p2 =	slt.u32 s8, $0xFFFFF086  }
0x1c: {  	p1 =	slt.u32 s9, $0xF7A;
	s5 =	simm.s32 @!p2 $0x0  }
0x1d: {  	s5 =	simm.s32 @p1 $0x1;
	p0 =	seq.s32 s7, s2  }
0x1e: {  	s7 =	smul.u32 @!p0 $0xF7A, s2;
	p2 =	seq.s32 @!p0 s5, $0x0  }
0x1f: {  	s9 =	smul.u32 $0xF7A, s1;
	s8 =	simm.s32 @!p0 $0x1BF5;
	p2 =	por !p2, p0  }
0x20: {  	[sflag:s8] =	ssyncset.s32 @!p0 $0xFFFFF086;
	s6 =	sadd.s32 @!p0 s3, s7;
	s7 =	simm.s32 @!p0 $0x108  }
0x21: {  	s3 =	sadd.s32 s3, s9;
	s6 =	sadd.s32 @!p0 $0x88, s6;
	s7 =	simm.s32 @p2 $0x1082  }
0x22: {  	[simem:s7], [sflag:s8] =	dma.local @!p0 [hbm:s6], $0xF7A  }
0x23: {  	s9 =	sor.u32 $0xD0000000, s2;
	s6 =	simm.s32 $0x108;
	_ =	swait.ge @!p0 [sflag:s8], $0x0  }
0x24: {  	s3 =	sadd.s32 $0x88, s3;
	s6 =	simm.s32 @!p1 $0x1082;
	[sflag:s4] =	ssyncset.s32 $0xFFFFF086  }
0x25: {  	[simem:s6], [sflag:s4] =	dma.local [hbm:s3], $0xF7A  }
0x26: {  	[smem:$0x3F8A] =	sst s1;
	(tag) =	ssettag s2;
	_ =	strace s9  }
0x27: {  	s1 =	sld [smem:$0x3F9A]  }
0x28: {  	s2 =	sld [smem:$0x3F9B]  }
0x29: {  	s4 =	sld [smem:$0x3F9D]  }
0x2a: {  	p0 =	seq.s32 s5, $0x0;
	s5 =	sld [smem:$0x3F9E]  }
0x2b: {  	s6 =	sld [smem:$0x3F9F]  }
0x2c: {  	s7 =	sld [smem:$0x3FA0]  }
0x2d: {  	s3 =	simm.s32 $0x108;
	s8 =	sld [smem:$0x3FA1]  }
0x2e: {  	s3 =	simm.s32 @!p0 $0x1082;
	s9 =	sld [smem:$0x3FA2]  }
0x2f: {  	lr =	sadd.s32 s0, s3;
	s0 =	sld [smem:$0x3F99]  }
0x30: {  	s3 =	sld [smem:$0x3F9C]  }
0x31: {  	[smem:$0x3FA5] =	sst s10  }
0x32: {  	s10 =	sld [smem:$0x3FA3];
	_ =	sdelay $0x3  }
0x33: {  	p0 =	seq.s32 s10, $0x1;
	s10 =	sld [smem:$0x3FA5];
	_ =	sdelay $0x3  }
0x34: {  	[smem:$0x3FA5] =	sst s10  }
0x35: {  	s10 =	sld [smem:$0x3FA4];
	_ =	sdelay $0x3  }
0x36: {  	p1 =	seq.s32 s10, $0x1;
	s10 =	sld [smem:$0x3FA5];
	_ =	sdelay $0x3  }
0x37: {  	[smem:$0x3FA5] =	sst s10  }
0x38: {  	s10 =	sld [smem:$0x3FA6]  }
0x39: {  	_ = 	snop;
	(pc) =	sbr.ind lr, $3  }
0x3a: {  	_ = 	snop  }
0x3b: {  	_ = 	snop  }
0x3c: {  	p2 =	seq.s32 s10, $0x1;
	s10 =	sld [smem:$0x3FA5]  }
0x3d: {  	_ =	shalt  }
0x3e: {  	_ =	shalt  }
0x3f: {  	_ =	shalt  }
0x40: {  	_ =	shalt  }
0x41: {  	_ =	shalt  }
0x42: {  	_ =	shalt  }
0x43: {  	_ =	shalt  }
0x44: {  	_ =	shalt  }
0x45: {  	_ =	shalt  }
0x46: {  	_ =	shalt  }
0x47: {  	_ =	shalt  }
0x48: {  	_ =	shalt  }
0x49: {  	_ =	shalt  }
0x4a: {  	_ =	shalt  }
0x4b: {  	_ =	shalt  }
0x4c: {  	_ =	shalt  }
0x4d: {  	_ =	shalt  }
0x4e: {  	_ =	shalt  }
0x4f: {  	_ =	shalt  }
0x50: {  	_ =	shalt  }
0x51: {  	_ =	shalt  }
0x52: {  	_ =	shalt  }
0x53: {  	_ =	shalt  }
0x54: {  	_ =	shalt  }
0x55: {  	_ =	shalt  }
0x56: {  	_ =	shalt  }
0x57: {  	_ =	shalt  }
0x58: {  	_ =	shalt  }
0x59: {  	_ =	shalt  }
0x5a: {  	_ =	shalt  }
0x5b: {  	_ =	shalt  }
0x5c: {  	_ =	shalt  }
0x5d: {  	_ =	shalt  }
0x5e: {  	_ =	shalt  }
0x5f: {  	_ =	shalt  }
0x60: {  	_ =	shalt  }
0x61: {  	_ =	shalt  }
0x62: {  	_ =	shalt  }
0x63: {  	_ =	shalt  }
0x64: {  	_ =	shalt  }
0x65: {  	_ =	shalt  }
0x66: {  	_ =	shalt  }
0x67: {  	_ =	shalt  }
0x68: {  	_ =	shalt  }
0x69: {  	_ =	shalt  }
0x6a: {  	_ =	shalt  }
0x6b: {  	_ =	shalt  }
0x6c: {  	_ =	shalt  }
0x6d: {  	_ =	shalt  }
0x6e: {  	_ =	shalt  }
0x6f: {  	_ =	shalt  }
0x70: {  	_ =	shalt  }
0x71: {  	_ =	shalt  }
0x72: {  	_ =	shalt  }
0x73: {  	_ =	shalt  }
0x74: {  	_ =	shalt  }
0x75: {  	_ =	shalt  }
0x76: {  	_ =	shalt  }
0x77: {  	_ =	shalt  }
0x78: {  	_ =	shalt  }
0x79: {  	_ =	shalt  }
0x7a: {  	_ =	shalt  }
0x7b: {  	_ =	shalt  }
0x7c: {  	_ =	shalt  }
0x7d: {  	_ =	shalt  }
0x7e: {  	_ =	shalt  }
0x7f: {  	_ =	shalt  }
0x80: {  	_ =	shalt  }
0x81: {  	_ =	shalt  }
0x82: {  	_ =	shalt  }
0x83: {  	_ =	shalt  }
0x84: {  	_ =	shalt  }
0x85: {  	_ =	shalt  }
0x86: {  	_ =	shalt  }
0x87: {  	_ =	shalt  }
.Lfunc_end0:
.L_simem_size_0:
called_computation_lowered:
.L_overlay_start_0:
0x88: {  	s2 =	sld [smem:$0x3FD9]  }
0x89: {  	s3 =	sld [smem:$0x3FFE];
	_ =	sdelay $0x1  }
0x8a: {  	s1 =	srdreg.scid  }
0x8b: {  	s0 =	sand.u32 $0x1, s1  }
0x8c: {  	s15 =	sshll.u32 s0, $0xA;
	s2 =	sadd.s32 s3, s2  }
0x8d: {  	s2 =	sadd.s32 s2, s15  }
0x8e: {  	[smem:$0x3FB1] =	sst s2  }
0x8f: {  	_ = 	snop  }
0x90: {  	(tm) =	ssettm $0x1  }
0x91: {  	s16 =	sld [smem:$0x3FFB];
	_ =	sdelay $0x3  }
0x92: {  	_ =	strace s16  }
0x93: {  	s2 =	sld [smem:$0x3FFC];
	_ =	sdelay $0x3  }
0x94: {  	_ =	strace s2  }
0x95: {  	s2 =	sld [smem:$0x3FFD];
	_ =	sdelay $0x3  }
0x96: {  	_ =	strace s2  }
0x97: {  	_ =	strace $0x8FFFFFFF  }
0x98: {  	s17 =	sld [smem:$0x3FDB];
	_ =	sdelay $0x1  }
0x99: {  	s18 =	simm.s32 $_scs_section_size  }
0x9a: {  	s4 =	simm.s32 $_size__tile_overlayer_lowered;
	s5 =	simm.s32 $_tile_overlayer_lowered  }
0x9b: {  	s6 =	simm.s32 $0x1BFF;
	s19 =	sshll.u32 s5, $0x1;
	s3 =	sadd.s32 s18, s17  }
0x9c: {  	s20 =	simm.s32 $0x0;
	s4 =	sshll.u32 s4, $0x1;
	s5 =	sadd.s32 s19, s3  }
0x9d: {  	[timem:s20], [sflag:s6] =	dma.local [hbm:s5], s4  }
0x9e: {  	_ =	swait.ge [sflag:s6], s4  }
0x9f: {  	s4 =	ssub.s32 $0x0, s4;
	[sflag:s6] =	ssyncset.done $0x0  }
0xa0: {  	[sflag:s6] =	ssyncadd.s32 s4;
	_ =	sdelay $0x1  }
0xa1: {  	s21 =	simm.s32 $0x1B8B  }
0xa2: {  	_ =	swait.ge [sflag:s21], $0x1  }
0xa3: {  	[sflag:s21] =	ssyncset.done $0x0  }
0xa4: {  	s22 =	sld [smem:$0x3FFE];
	[sflag:s21] =	ssyncadd.s32 $0xFFFFFFFF  }
0xa5: {  	s24 =	simm.s32 $0x1B8E;
	s23 =	sld [smem:$0x0]  }
0xa6: {  	s25 =	simm.s32 $execute0_lowered;
	[smem:$0x3FD2] =	sst s24  }
0xa7: {  	s6 =	sshll.u32 s25, $0x1;
	_ =	strace $0x80000052;
	[dreg:$0x1] =	wrdreg $0xFFFFFFFF  }
0xa8: {  	s7 =	simm.s32 $_size_execute0_lowered;
	s6 =	sadd.s32 s3, s6;
	[dreg:$0x0] =	wrdreg $0x0  }
0xa9: {  	s7 =	sshll.u32 s7, $0x1;
	[dreg:$0x2] =	wrdreg s6  }
0xaa: {  	[dreg:$0x3] =	wrdreg s7  }
0xab: {  	[dreg:$0x4] =	wrdreg $0xC0  }
0xac: {  	s26 =	simm.s32 $execute1_lowered;
	_ =	task [dreg:s20], $0x5FFFF  }
0xad: {  	s6 =	sshll.u32 s26, $0x1;
	[dreg:$0x1] =	wrdreg $0xFFFFFFFF  }
0xae: {  	s3 =	sadd.s32 s3, s6;
	[dreg:$0x0] =	wrdreg $0x60  }
0xaf: {  	[dreg:$0x2] =	wrdreg s3  }
0xb0: {  	[dreg:$0x3] =	wrdreg s22  }
0xb1: {  	[dreg:$0x4] =	wrdreg $0x9  }
0xb2: {  	_ =	task.clear_ibuf [dreg:s20], $0x5FFFF;
	_ =	strace $0x90000052  }
0xb3: {  	s28 =	simm.s32 $0x9;
	_ =	strace $0x80000054  }
0xb4: {  	_ =	swait.ge [sflag:s28], $0x1  }
0xb5: {  	[sflag:s28] =	ssyncadd.s32 $0xFFFFFFFF  }
0xb6: {  	_ =	strace $0x90000054  }
0xb7: {  	s3 =	sld [smem:$0x0]  }
0xb8: {  	s6 =	sand.u32 $0xFFFFFFFE, s1  }
0xb9: {  	p0 =	sne.s32 s1, s6  }
0xba: {  	s6 =	sshll.u32 @p0 s6, $0xE  }
0xbb: {  	s6 =	sadd.s32 @p0 $0x11BF3, s6;
	s7 =	sshll.u32 @p0 s3, $0x11  }
0xbc: {  	s6 =	sor.u32 @p0 s7, s6  }
0xbd: {  	[sflag:s6] =	ssyncadd.remote.s32 @p0 $0x1;
	_ =	sdelay $0x1  }
0xbe: {  	s6 =	simm.s32 @p0 $0x1BF3  }
0xbf: {  	_ =	swait.eq @p0 [sflag:s6], $0x1  }
0xc0: {  	[sflag:s6] =	ssyncadd.s32 @p0 $0xFFFFFFFF  }
0xc1: {  	s7 =	sshll.u32 @!p0 s1, $0xE  }
0xc2: {  	s7 =	sor.u32 @!p0 $0x4000, s7;
	s6 =	simm.s32 @!p0 $0x1BF3  }
0xc3: {  	s3 =	sshll.u32 @!p0 s3, $0x11;
	s7 =	sadd.s32 @!p0 $0x11BF3, s7;
	_ =	swait.eq @!p0 [sflag:s6], $0x1  }
0xc4: {  	s3 =	sor.u32 @!p0 s3, s7;
	[sflag:s6] =	ssyncadd.s32 @!p0 $0xFFFFFFFF  }
0xc5: {  	[sflag:s3] =	ssyncadd.remote.s32 @!p0 $0x1  }
0xc6: {  	_ =	strace $0x80000055;
	[dreg:$0x1] =	wrdreg $0xFFFFFFFF  }
0xc7: {  	[dreg:$0x0] =	wrdreg $0x2030  }
0xc8: {  	[dreg:$0x2] =	wrdreg s22  }
0xc9: {  	[dreg:$0x3] =	wrdreg s1  }
0xca: {  	[dreg:$0x4] =	wrdreg s23  }
0xcb: {  	[dreg:$0x5] =	wrdreg $0xA  }
0xcc: {  	_ =	task.clear_ibuf [dreg:s20], $0x6FFFF;
	_ =	strace $0x90000055  }
0xcd: {  	s29 =	simm.s32 $0xA;
	_ =	strace $0x80000057  }
0xce: {  	_ =	swait.ge [sflag:s29], $0x1  }
0xcf: {  	[sflag:s29] =	ssyncadd.s32 $0xFFFFFFFF  }
0xd0: {  	_ =	strace $0x90000057  }
0xd1: {  	_ =	sfence  }
0xd2: {  	s30 =	sld [smem:$0x0];
	_ =	sdelay $0x2  }
0xd3: {  	s31 =	sshll.u32 s1, $0xD;
	s1 =	sshrl.u32 s1, $0x2  }
0xd4: {  	s4 =	sand.u32 $0x4000, s31;
	s1 =	sadd.s32 s1, s30  }
0xd5: {  	s0 =	sor.u32 s4, s0;
	s1 =	sshll.u32 s1, $0x11  }
0xd6: {  	s0 =	sor.u32 s1, s0  }
0xd7: {  	s0 =	sadd.s32 $0x8F2B, s0  }
0xd8: {  	[sflag:s0] =	ssyncadd.remote.s32 $0x1  }
0xd9: {  	_ =	sfence.sel $0xFFFF  }
0xda: {  	[dreg:$0x0] =	wrdreg $0xFFFFFFFF;
	(pc) =	sbr.abs _section_cstart, $3  }
0xdb: {  	[dreg:$0x1] =	wrdreg $0xFFFFFFFF  }
0xdc: {  	_ =	task.clear_ibuf [dreg:s20], $0x2FFFF;
	_ =	strace $0x9FFFFFFF  }
0xdd: {  	(tm) =	ssettm $0x7FFFFFFF  }
tec
execute0_lowered:
.L_overlay_start_1:
0x0: {  	(tag) =	ssettag $0x1  }
0x1: {  	s2 =	rddreg [dreg:$0x0]  }
0x2: {  	s4 =	rddreg [dreg:$0x1]  }
0x3: {  	s0 =	rddreg [dreg:$0x2];
	s3 =	stileid.u32;
	[bflag:$0x3] =	sbarrier.arrive $0xFFFF  }
0x4: {  	s1 =	simm.s32 $_size_execute1_lowered;
	s29 =	srdreg.scid;
	p0 =	sne.s32 s3, $0x0  }
0x5: {  	s1 =	sshll.u32 s1, $0x1;
	s5 =	simm.s32 @!p0 $0x1C3F;
	s6 =	simm.s32 @!p0 $0x4060  }
0x6: {  	[timem:s6], [sflag:s5] =	dma.local @!p0 [hbm:s2], s1  }
0x7: {  	s2 =	sshll.u32 s29, $0x7  }
0x8: {  	s7 =	simm.s32 $0x1;
	s3 =	sshll.u32 s3, $0x8;
	s2 =	sand.u32 $0x80, s2  }
0x9: {  	s8 =	simm.s32 $0x2;
	s9 =	simm.s32 $0x0;
	s2 =	sor.u32 s3, s2  }
0xa: {  	s12 =	simm.s32 $0x0;
	s11 =	simm.s32 $0x0;
	s30 =	ssub.s32 $0x27100, s2  }
.Ltmp0:
0xb: {  	s5 =	simm.s32 $0x1;
	s31 =	sand.u32 $0xF80, s30;
	(pc) =	sbr.rel .LBB2_1-.Ltmp0, $4  }
0xc: {  	_ =	strace $0x80000053;
	s3 =	sadd.s32 $0xC77800, s4;
	p1 =	sne.s32 s31, $0x0  }
0xd: {  	[sflag:s5] =	ssyncpa.u1 $0x0;
	s6 =	sshrl.u32 s30, $0xC;
	s7 =	simm.s32 @!p1 $0x0  }
0xe: {  	s4 =	sadd.s32 $0xEFC400, s4;
	[sflag:s8] =	ssyncpa.u1 $0x0;
	s6 =	sadd.s32 s7, s6  }
0xf: {  	s8 =	simm.s32 $0x0;
	s10 =	smov.u32 s2;
	s7 =	sadd.s32 $0x1, s6  }
.LBB2_4:
0x10: {  	_ =	sdelay $0x3  }
0x11: {  	[tilespmem:v0+s14+$0xFFFFFFA0 ss:$0x1] =	vst.idx.msk $0xffff, v6  }
0x12: {  	v56 =	vld.idx.msk [tilespmem:v1+s15+$0x30 ss:$0x1], $0xffff;
	[tilespmem:v0+s14+$0xFFFFFFB0 ss:$0x1] =	vst.idx.msk $0xffff, v4  }
0x13: {  	v57 =	vld.idx.msk [tilespmem:v1+s15+$0xFFFFFFC0 ss:$0x1], $0xffff;
	[tilespmem:v0+s14+$0xFFFFFFC0 ss:$0x1] =	vst.idx.msk $0xffff, v2  }
0x14: {  	v58 =	vld.idx.msk [tilespmem:v1+s15+$0xFFFFFFD0 ss:$0x1], $0xffff;
	[tilespmem:v0+s14+$0xFFFFFFD0 ss:$0x1] =	vst.idx.msk $0xffff, v3  }
0x15: {  	v59 =	vld.idx.msk [tilespmem:v1+s15+$0xFFFFFFE0 ss:$0x1], $0xffff;
	[tilespmem:v0+s14+$0xFFFFFFE0 ss:$0x1] =	vst.idx.msk $0xffff, v5  }
0x16: {  	v60 =	vld.idx.msk [tilespmem:v1+s15+$0xFFFFFFF0 ss:$0x1], $0xffff;
	[tilespmem:v0+s14+$0xFFFFFFF0 ss:$0x1] =	vst.idx.msk $0xffff, v7;
	s12 =	sand.u32 $0x1FFFFFF, s12  }
0x17: {  	v61 =	vld.idx.msk [tilespmem:v1+s15+$0x0 ss:$0x1], $0xffff;
	s31 =	smulhi.u32 $0x1A36E2F, s12;
	[tilespmem:v0+s15+$0x0 ss:$0x1] =	vst.idx.msk $0xffff, v56  }
0x18: {  	v62 =	vld.idx.msk [tilespmem:v1+s15+$0x10 ss:$0x1], $0xffff;
	[tilespmem:v0+s15+$0xFFFFFF90 ss:$0x1] =	vst.idx.msk $0xffff, v57  }
0x19: {  	v63 =	vld.idx.msk [tilespmem:v1+s15+$0x20 ss:$0x1], $0xffff;
	s14 =	sshrl.u32 s31, $0xA;
	[tilespmem:v0+s15+$0xFFFFFFA0 ss:$0x1] =	vst.idx.msk $0xffff, v58  }
0x1a: {  	s14 =	smul.u32 $0x27100, s14;
	[tilespmem:v0+s15+$0xFFFFFFB0 ss:$0x1] =	vst.idx.msk $0xffff, v59  }
0x1b: {  	[tilespmem:v0+s15+$0xFFFFFFC0 ss:$0x1] =	vst.idx.msk $0xffff, v60  }
0x1c: {  	[tilespmem:v0+s15+$0xFFFFFFD0 ss:$0x1] =	vst.idx.msk $0xffff, v61;
	s12 =	ssub.s32 s12, s14  }
0x1d: {  	[tilespmem:v0+s15+$0xFFFFFFE0 ss:$0x1] =	vst.idx.msk $0xffff, v62;
	s12 =	sshll.u32 s12, $0x4  }
0x1e: {  	[tilespmem:v0+s15+$0xFFFFFFF0 ss:$0x1] =	vst.idx.msk $0xffff, v63;
	s12 =	sadd.s32 s4, s12  }
0x1f: {  	[hbm4b:s12+s8] =	stream.linear.scatter [tilespmem:s13], [sflag:$0x2], $0x4000, $0x38;
	[tilespmem:$0x10000] =	vst v63  }
.LBB2_5:
0x20: {  	s14 =	sadd.s32 $0x1000, s10  }
0x21: {  	p2 =	sgt.s32 s14, $0x270FF  }
0x22: {  	s14 =	smov.u32 @p2 s2;
	p2 =	sne.s32 s11, s7  }
.Ltmp1:
0x23: {  	p1 =	slt.u32 s11, $0x2;
	(pc) =	sbr.rel @!p2 .LBB2_6-.Ltmp1, $4  }
0x24: {  	s13 =	simm.s32 @!p1 $0x2  }
0x25: {  	s15 =	sadd.s32 $0x1, s11;
	_ =	swait.ge @!p1 [sflag:s13], $0x4000  }
0x26: {  	s12 =	smov.u32 s10;
	s9 =	sadd.s32 $0x4000, s9;
	[sflag:s13] =	ssyncset.done @!p1 $0x0  }
0x27: {  	s11 =	smov.u32 s15;
	s10 =	smov.u32 s14;
	[sflag:s13] =	ssyncadd.s32 @!p1 $0xFFFFC000  }
.LBB2_1:
0x28: {  	p1 =	sge.u32 s11, s6  }
0x29: {  	s13 =	sand.u32 @!p1 $0x1FFFFFF, s10  }
0x2a: {  	s14 =	smulhi.u32 @!p1 $0x1A36E2F, s13;
	_ =	sdelay $0x1  }
0x2b: {  	s14 =	sshrl.u32 @!p1 s14, $0xA  }
0x2c: {  	s14 =	smul.u32 @!p1 $0x27100, s14;
	_ =	sdelay $0x1  }
0x2d: {  	s15 =	sxor.u32 @!p1 $0xFFFFFFFF, s11;
	s13 =	ssub.s32 @!p1 s13, s14  }
0x2e: {  	s31 =	sadd.s32 $0xFFFFFFFF, s11;
	s14 =	sshll.u32 @!p1 s15, $0xE;
	s13 =	sshll.u32 @!p1 s13, $0x4  }
0x2f: {  	s15 =	simm.s32 @!p1 $0x0;
	s14 =	sand.u32 @!p1 $0x4000, s14;
	s13 =	sadd.s32 @!p1 s3, s13  }
0x30: {  	[tilespmem:s14], [sflag:$0x1] =	stream.linear.gather @!p1 [hbm4b:s13+s15], $0x4000, $0x38;
	[tilespmem:$0x10000] =	vst v63  }
0x31: {  	p1 =	sge.u32 s31, s6  }
.Ltmp2:
0x32: {  	_ = 	snop;
	(pc) =	sbr.rel @p1 .LBB2_5-.Ltmp2, $1  }
0x33: {  	_ =	sdelay $0x3  }
0x34: {  	s13 =	sand.u32 $0x4000, s9  }
0x35: {  	s14 =	sor.u32 $0x40, s13  }
0x36: {  	v1 =	vmov s14;
	_ =	sdelay $0x1  }
0x37: {  	_ =	swait.ge [sflag:s5], $0x4000  }
0x38: {  	[sflag:s5] =	ssyncset.done $0x0  }
0x39: {  	[sflag:s5] =	ssyncadd.s32 $0xFFFFC000;
	s14 =	simm.s32 $0x0  }
0x3a: {  	s13 =	sor.u32 $0x8070, s13;
	v7 =	vld.idx.msk [tilespmem:v1+s14+$0x30 ss:$0x1], $0xffff  }
0x3b: {  	v0 =	vmov s13;
	v8 =	vld.idx.msk [tilespmem:v1+s14+$0xFFFFFFC0 ss:$0x1], $0xffff  }
0x3c: {  	v6 =	vld.idx.msk [tilespmem:v1+s14+$0xFFFFFFD0 ss:$0x1], $0xffff  }
0x3d: {  	v4 =	vld.idx.msk [tilespmem:v1+s14+$0xFFFFFFE0 ss:$0x1], $0xffff  }
0x3e: {  	v2 =	vld.idx.msk [tilespmem:v1+s14+$0xFFFFFFF0 ss:$0x1], $0xffff  }
0x3f: {  	s31 =	sshll.u32 s11, $0xE;
	v3 =	vld.idx.msk [tilespmem:v1+s14+$0x0 ss:$0x1], $0xffff  }
0x40: {  	s13 =	sand.u32 $0x4000, s31;
	v5 =	vld.idx.msk [tilespmem:v1+s14+$0x10 ss:$0x1], $0xffff;
	[tilespmem:v0+s14+$0x0 ss:$0x1] =	vst.idx.msk $0xffff, v7  }
0x41: {  	s15 =	simm.s32 $0x80;
	s16 =	simm.s32 $0x400;
	s13 =	sor.u32 $0x8000, s13;
	[tilespmem:v0+s14+$0xFFFFFF90 ss:$0x1] =	vst.idx.msk $0xffff, v8;
	v7 =	vld.idx.msk [tilespmem:v1+s14+$0x20 ss:$0x1], $0xffff  }
.LBB2_3:
0x42: {  	p1 =	sne.s32 s16, $0xFE00;
	v8 =	vld.idx.msk [tilespmem:v1+s15+$0x30 ss:$0x1], $0xffff;
	[tilespmem:v0+s14+$0xFFFFFFA0 ss:$0x1] =	vst.idx.msk $0xffff, v6  }
0x43: {  	v9 =	vld.idx.msk [tilespmem:v1+s15+$0xFFFFFFC0 ss:$0x1], $0xffff;
	[tilespmem:v0+s14+$0xFFFFFFB0 ss:$0x1] =	vst.idx.msk $0xffff, v4  }
0x44: {  	v6 =	vld.idx.msk [tilespmem:v1+s15+$0xFFFFFFD0 ss:$0x1], $0xffff;
	[tilespmem:v0+s14+$0xFFFFFFC0 ss:$0x1] =	vst.idx.msk $0xffff, v2  }
.Ltmp3:
0x45: {  	v4 =	vld.idx.msk [tilespmem:v1+s15+$0xFFFFFFE0 ss:$0x1], $0xffff;
	[tilespmem:v0+s14+$0xFFFFFFD0 ss:$0x1] =	vst.idx.msk $0xffff, v3;
	(pc) =	sbr.rel @p1 .LBB2_3-.Ltmp3, $4  }
0x46: {  	v2 =	vld.idx.msk [tilespmem:v1+s15+$0xFFFFFFF0 ss:$0x1], $0xffff;
	[tilespmem:v0+s14+$0xFFFFFFE0 ss:$0x1] =	vst.idx.msk $0xffff, v5  }
0x47: {  	v3 =	vld.idx.msk [tilespmem:v1+s15+$0x0 ss:$0x1], $0xffff;
	[tilespmem:v0+s14+$0xFFFFFFF0 ss:$0x1] =	vst.idx.msk $0xffff, v7;
	s14 =	smov.u32 s15  }
0x48: {  	v5 =	vld.idx.msk [tilespmem:v1+s14+$0x10 ss:$0x1], $0xffff;
	[tilespmem:v0+s14+$0x0 ss:$0x1] =	vst.idx.msk $0xffff, v8  }
0x49: {  	s15 =	sshra.s32 s16, $0x2;
	s16 =	sadd.s32 $0x200, s16;
	[tilespmem:v0+s14+$0xFFFFFF90 ss:$0x1] =	vst.idx.msk $0xffff, v9;
	v7 =	vld.idx.msk [tilespmem:v1+s14+$0x20 ss:$0x1], $0xffff  }
.Ltmp4:
0x4a: {  	_ = 	snop;
	(pc) =	sbr.rel .LBB2_4-.Ltmp4, $1  }
0x4b: {  	_ =	sdelay $0x3  }
.LBB2_6:
0x4c: {  	_ =	sfence.sel $0x180000  }
0x4d: {  	s2 =	simm.s32 $0x1;
	[bflag:$0x0] =	sbarrier.arrive $0xFFFF  }
0x4e: {  	s31 =	simm.s32 $0x2;
	[sflag:s2] =	ssyncpa.u1 $0x1  }
0x4f: {  	[sflag:s31] =	ssyncpa.u1 $0x1  }
0x50: {  	_ =	strace $0x90000053  }
0x51: {  	s0 =	sadd.s32 @!p0 $0x100000, s0;
	[bflag:$0x2] =	sbarrier.arrive $0xFFFF  }
0x52: {  	[sflag:s0] =	ssyncadd.tile.s32 @!p0 $0x1;
	s0 =	simm.s32 @!p0 $0x3F  }
0x53: {  	_ =	swait.ge @!p0 [sflag:s0], s1  }
0x54: {  	s1 =	ssub.s32 @!p0 $0x0, s1;
	[sflag:s0] =	ssyncset.done @!p0 $0x0  }
0x55: {  	[sflag:s0] =	ssyncadd.s32 @!p0 s1  }
0x56: {  	[bflag:$0x3] =	sbarrier.arrive $0xFFFF  }
0x57: {  	_ =	shalt  }
.Lfunc_end2:
execute1_lowered:
.L_overlay_start_2:
0x58: {  	(tag) =	ssettag $0x2  }
0x59: {  	s2 =	rddreg [dreg:$0x0]  }
0x5a: {  	s3 =	rddreg [dreg:$0x1];
	_ =	strace $0x80000056;
	s0 =	simm.s32 $0x1  }
0x5b: {  	v0 =	vimm.s32 $0x0;
	[sflag:s0] =	ssyncpa.u1 $0x0;
	s0 =	simm.s32 $0x108  }
0x5c: {  	[tilespmem:s0+$0x70] =	vst v0  }
0x5d: {  	[tilespmem:s0+$0x60] =	vst v0  }
0x5e: {  	[tilespmem:s0+$0x50] =	vst v0  }
0x5f: {  	[tilespmem:s0+$0x40] =	vst v0  }
0x60: {  	s1 =	sadd.s32 $0xEFC400, s2;
	[tilespmem:s0+$0x30] =	vst v0  }
0x61: {  	s15 =	sadd.s32 $0xEE8800, s2;
	s6 =	sadd.s32 $0xC000, s2;
	[tilespmem:s0+$0x20] =	vst v0  }
0x62: {  	s14 =	sadd.s32 $0xEF2600, s2;
	s5 =	sand.u32 $0x1, s3;
	s3 =	simm.s32 $0x40;
	[tilespmem:s0+$0x10] =	vst v0  }
.LBB3_1:
0x63: {  	s3 =	sadd.s32 $0x40, s3;
	[tilespmem:s0+$0x0] =	vst v0;
	s0 =	sadd.s32 $0x80, s0  }
0x64: {  	p0 =	slt.u32 s3, $0x3C40;
	[tilespmem:s0+$0x70] =	vst v0  }
0x65: {  	[tilespmem:s0+$0x60] =	vst v0  }
.Ltmp5:
0x66: {  	[tilespmem:s0+$0x50] =	vst v0;
	(pc) =	sbr.rel @p0 .LBB3_1-.Ltmp5, $4  }
0x67: {  	[tilespmem:s0+$0x40] =	vst v0  }
0x68: {  	[tilespmem:s0+$0x30] =	vst v0  }
0x69: {  	[tilespmem:s0+$0x20] =	vst v0  }
0x6a: {  	[tilespmem:s0+$0x10] =	vst v0  }
0x6b: {  	s9 =	stileid.u32  }
0x6c: {  	s2 =	smul.u32 $0x29, s9  }
0x6d: {  	s3 =	smin.u32 s9, $0xB  }
0x6e: {  	s2 =	sadd.s32 s3, s2  }
0x6f: {  	p0 =	slt.u32 s9, $0xB;
	s7 =	smul.u32 $0xF0, s2;
	s2 =	simm.s32 $0x2760  }
0x70: {  	s2 =	simm.s32 @!p0 $0x2670  }
0x71: {  	s2 =	sadd.s32 s2, s7  }
0x72: {  	s8 =	smin.u32 s2, $0x27100  }
0x73: {  	s2 =	ssub.s32 s8, s7  }
0x74: {  	p0 =	sgt.s32 s2, $0x0  }
0x75: {  	s29 =	simm.s32 $0x2;
	s10 =	simm.s32 $0x9;
	s2 =	simm.s32 @!p0 $0x0  }
0x76: {  	s4 =	simm.s32 $0xA;
	s11 =	simm.s32 $0xB;
	s28 =	smulhi.u32 $0x88888889, s2  }
0x77: {  	[dreg:$0x4] =	wrdreg s5;
	s31 =	smul.u32 $0x4E20, s5;
	s12 =	simm.s32 $0x1  }
0x78: {  	s22 =	simm.s32 $0x0;
	s18 =	simm.s32 $0xC;
	s30 =	sshrl.u32 s28, $0x7  }
0x79: {  	s20 =	simm.s32 $0x0;
	s21 =	simm.s32 $0x0;
	s3 =	smul.u32 $0xF0, s30  }
.Ltmp6:
0x7a: {  	[tilespmem:s0+$0x0] =	vst v0;
	v0 =	vimm.s32 $0xFFFFFFFF;
	[sflag:s29] =	ssyncpa.u1 $0x0;
	s16 =	sshll.u32 s9, $0x8;
	(pc) =	sbr.rel .LBB3_3-.Ltmp6, $4  }
0x7b: {  	[tilespmem:$0xF208] =	vst v0;
	[sflag:s10] =	ssyncpa.u1 $0x0;
	p0 =	sne.s32 s2, s3;
	s2 =	simm.s32 $0x1  }
0x7c: {  	s14 =	sadd.s32 s31, s14;
	[sflag:s4] =	ssyncpa.u1 $0x0;
	s2 =	simm.s32 @!p0 $0x0  }
0x7d: {  	s15 =	sadd.s32 s31, s15;
	[sflag:s11] =	ssyncpa.u1 $0x0;
	s13 =	sadd.s32 s2, s30  }
0x7e: {  	v0 =	vlaneseq.u32;
	s19 =	smov.u32 s7;
	p0 =	por $0x0, $0x0;
	s17 =	sadd.s32 $0x1, s13  }
.LBB3_18:
0x7f: {  	s0 =	sshrl.u32 s31, $0x2  }
.LBB3_20:
0x80: {  	_ =	swait.ge [sflag:s18], s0  }
0x81: {  	s31 =	ssub.s32 $0x0, s0;
	v1 =	vmov s24;
	vm0 =	veq.s32 v0, $0x0;
	[sflag:s18] =	ssyncset.done $0x0  }
0x82: {  	vm15 =	veq.s32 v0, $0x2;
	v1 =	vsel vm0, s30, v1;
	[sflag:s18] =	ssyncadd.s32 s31  }
0x83: {  	v1 =	vsel vm15, s22, v1;
	[sflag:s18] =	ssyncpa.u1 $0x1  }
0x84: {  	[tilespmem:$0xF208] =	vst v1  }
.LBB3_21:
0x85: {  	s0 =	sadd.s32 $0xF0, s19  }
0x86: {  	s2 =	smov.u32 s7;
	p1 =	slt.s32 s0, s8  }
0x87: {  	s2 =	smov.u32 @p1 s0;
	p1 =	sne.s32 s21, s17  }
.Ltmp7:
0x88: {  	_ = 	snop;
	(pc) =	sbr.rel @!p1 .LBB3_22-.Ltmp7, $3  }
0x89: {  	_ =	sdelay $0x1  }
0x8a: {  	s22 =	smov.u32 s20;
	s31 =	sadd.s32 $0x1, s21;
	s20 =	smov.u32 s19  }
0x8b: {  	p0 =	por !p0, !p0;
	s21 =	smov.u32 s31;
	s19 =	smov.u32 s2  }
.LBB3_3:
0x8c: {  	p1 =	sge.u32 s21, s13  }
0x8d: {  	s0 =	smulhi.u32 @!p1 $0xAAAAAAAB, s21  }
0x8e: {  	s2 =	smov.u32 s19;
	p2 =	sgt.s32 @!p1 s19, $0x27010  }
0x8f: {  	s3 =	sshra.s32 @!p1 s19, $0x1F;
	p2 =	por !p2, p1;
	s0 =	sshrl.u32 @!p1 s0, $0x1  }
0x90: {  	s3 =	sand.u32 @!p1 s3, s19;
	s2 =	simm.s32 @p2 $0x27010;
	s0 =	smul.u32 @!p1 $0x3, s0  }
0x91: {  	s2 =	ssub.s32 @!p1 s2, s3  }
0x92: {  	s2 =	sadd.s32 @!p1 $0xFFFD8FF0, s2;
	s0 =	ssub.s32 @!p1 s21, s0  }
0x93: {  	s3 =	sshll.u32 @!p1 s2, $0x2;
	p2 =	sgt.s32 @!p1 s2, $0xEF;
	s0 =	smul.u32 @!p1 $0x3C0, s0  }
0x94: {  	s4 =	sand.u32 @!p1 $0x7, s19;
	s2 =	ssub.s32 @!p1 $0x3C0, s3;
	p2 =	por !p2, p1  }
0x95: {  	s3 =	sshrl.u32 @!p1 s19, $0x3;
	s2 =	sshrl.u32 @!p1 s2, $0x2;
	s0 =	sshrl.u32 @!p1 s0, $0x2  }
0x96: {  	s3 =	sadd.s32 @!p1 s3, s14;
	s2 =	simm.s32 @!p2 $0x0;
	s0 =	sadd.s32 @!p1 $0x10248, s0  }
0x97: {  	[tilespmem:s0], [sflag:$0xA] =	stream.linear.gather @!p1 [hbm4b:s3+s4], s2, $0x38;
	[tilespmem:$0x1F6F8] =	vst v63  }
0x98: {  	s0 =	sadd.s32 $0xFFFFFFFF, s21  }
0x99: {  	p1 =	sge.u32 s0, s13  }
0x9a: {  	p2 =	sgt.s32 @!p1 s20, $0x27010  }
0x9b: {  	s2 =	smov.u32 s20;
	s3 =	sshra.s32 @!p1 s20, $0x1F;
	p2 =	por !p2, p1  }
0x9c: {  	s3 =	sand.u32 @!p1 s3, s20;
	s2 =	simm.s32 @p2 $0x27010  }
0x9d: {  	s2 =	ssub.s32 @!p1 s2, s3  }
0x9e: {  	s2 =	sadd.s32 @!p1 $0xFFFD8FF0, s2  }
0x9f: {  	s4 =	sand.u32 @!p1 $0x1, s0;
	s3 =	sshll.u32 @!p1 s2, $0x2  }
0xa0: {  	p2 =	sgt.s32 @!p1 s2, $0xEF;
	s2 =	ssub.s32 @!p1 $0x3C0, s3;
	s3 =	smulhi.u32 @!p1 $0xAAAAAAAB, s0  }
0xa1: {  	s23 =	smul.u32 @!p1 $0x3C0, s4;
	p2 =	por !p2, p1;
	s2 =	sshrl.u32 @!p1 s2, $0x2  }
0xa2: {  	s5 =	simm.s32 @!p1 $0xA;
	s2 =	simm.s32 @!p2 $0x0;
	s3 =	sshrl.u32 @!p1 s3, $0x1  }
0xa3: {  	s23 =	sshrl.u32 @!p1 s23, $0x2;
	_ =	swait.ge @!p1 [sflag:s5], s2;
	s3 =	smul.u32 @!p1 $0x3, s3  }
0xa4: {  	s23 =	sadd.s32 @!p1 $0x10518, s23;
	s24 =	ssub.s32 @!p1 $0x0, s2;
	[sflag:s5] =	ssyncset.done @!p1 $0x0  }
0xa5: {  	[sflag:s5] =	ssyncadd.s32 @!p1 s24;
	s5 =	sshrl.u32 @!p1 s20, $0x3;
	s0 =	ssub.s32 @!p1 s0, s3  }
0xa6: {  	s24 =	sand.u32 @!p1 $0x7, s20;
	s5 =	sadd.s32 @!p1 s5, s15;
	s0 =	smul.u32 @!p1 $0x3C0, s0  }
0xa7: {  	[tilespmem:s23], [sflag:$0xB] =	stream.linear.gather @!p1 [hbm4b:s5+s24], s2, $0x38;
	[tilespmem:$0x1F6F8] =	vst v63  }
0xa8: {  	s3 =	ssub.s32 @!p1 $0x27100, s20;
	s2 =	smul.u32 @!p1 $0x1E000, s4  }
0xa9: {  	p2 =	slt.s32 @!p1 s3, $0xF0  }
0xaa: {  	p2 =	por !p2, p1;
	s0 =	sshrl.u32 @!p1 s0, $0x2;
	s2 =	sshrl.u32 @!p1 s2, $0x2  }
0xab: {  	s3 =	simm.s32 @p2 $0xF0;
	s0 =	sadd.s32 @!p1 $0x10248, s0;
	s2 =	sor.u32 @!p1 $0x106F8, s2  }
0xac: {  	[tilespmem:s2], [sflag:$0x9] =	stream.indirect.gather @!p1 [hbm4b:s6+s3], $0x80, s0, s3, $0xb8;
	[tilespmem:$0x1F6F8] =	vst v63  }
0xad: {  	p1 =	slt.u32 s21, $0x2  }
.Ltmp8:
0xae: {  	_ = 	snop;
	(pc) =	sbr.rel @p1 .LBB3_21-.Ltmp8, $1  }
0xaf: {  	_ =	sdelay $0x3  }
0xb0: {  	p1 =	sgt.s32 s22, $0x27010  }
0xb1: {  	s0 =	smov.u32 s22;
	s2 =	sshra.s32 s22, $0x1F;
	s3 =	ssub.s32 $0x27100, s22  }
0xb2: {  	s0 =	simm.s32 @!p1 $0x27010;
	s2 =	sand.u32 s2, s22;
	p1 =	slt.s32 s3, $0xF0  }
0xb3: {  	s0 =	ssub.s32 s0, s2;
	s3 =	simm.s32 @!p1 $0xF0  }
0xb4: {  	s0 =	sadd.s32 $0xFFFD8FF0, s0;
	s25 =	sshll.u32 s3, $0x7  }
0xb5: {  	s26 =	sshll.u32 s0, $0x2;
	s2 =	sand.u32 $0x3FFFFF80, s25  }
0xb6: {  	p1 =	sgt.s32 s0, $0xEF;
	s29 =	ssub.s32 $0x3C0, s26;
	_ =	swait.ge [sflag:s10], s2  }
0xb7: {  	s2 =	ssub.s32 $0x0, s2;
	[sflag:s10] =	ssyncset.done $0x0;
	s0 =	sshrl.u32 s29, $0x2  }
0xb8: {  	[sflag:s10] =	ssyncadd.s32 s2;
	s0 =	simm.s32 @p1 $0x0  }
0xb9: {  	_ =	swait.ge [sflag:s11], s0  }
0xba: {  	s0 =	ssub.s32 $0x0, s0;
	[sflag:s11] =	ssyncset.done $0x0  }
0xbb: {  	[sflag:s11] =	ssyncadd.s32 s0  }
0xbc: {  	v1 =	vld [tilespmem:$0xF208];
	_ =	sdelay $0x4  }
0xbd: {  	(v2sf) =	vpush v1, $0x0  }
0xbe: {  	(v2sf) =	vpush v1, $0x1  }
0xbf: {  	(v2sf) =	vpush v1, $0x2;
	_ =	sdelay $0x3  }
0xc0: {  	s0 =	sadd.s32 $0xF0, s22  }
0xc1: {  	s2 =	ssub.s32 $0x4E200, s22;
	p1 =	slt.s32 s8, s0  }
0xc2: {  	s0 =	smov.u32 @p1 s8;
	p1 =	sgt.s32 s2, $0x0  }
0xc3: {  	s26 =	ssub.s32 s0, s22;
	s2 =	simm.s32 @!p1 $0x0  }
0xc4: {  	p1 =	slt.s32 s2, s26  }
0xc5: {  	s26 =	smov.u32 @p1 s2  }
0xc6: {  	s25 =	simm.s32 $0x1;
	p1 =	slt.s32 s26, $0x1  }
.Ltmp9:
0xc7: {  	s25 =	simm.s32 @!p0 $0x0;
	(pc) =	sbr.rel @p1 .LBB3_8-.Ltmp9, $4  }
0xc8: {  	s31 =	smul.u32 $0x3C0, s25  }
0xc9: {  	s28 =	spop (v2sf)  }
0xca: {  	s0 =	sshrl.u32 s31, $0x2;
	s30 =	spop (v2sf)  }
0xcb: {  	s23 =	sadd.s32 $0x10518, s0;
	s22 =	spop (v2sf)  }
0xcc: {  	s0 =	smin.u32 s26, $0x10  }
0xcd: {  	v1 =	vmov s0  }
0xce: {  	p2 =	sgt.s32 s26, $0x10;
	vm1 =	vgt.u32 v1, v0  }
.Ltmp10:
0xcf: {  	_ = 	snop;
	(pc) =	sbr.rel @!p2 .LBB3_7-.Ltmp10, $2  }
0xd0: {  	_ =	sdelay $0x2  }
0xd1: {  	s4 =	simm.s32 $0x10;
	s24 =	sadd.s32 $0xFFFFFFF0, s26;
	s0 =	smov.u32 s23;
	vm0 =	vmmov vm1  }
.LBB3_6:
0xd2: {  	s2 =	smin.u32 s24, $0x10;
	s4 =	sadd.s32 $0x10, s4;
	v1 =	vld.msk [tilespmem:s0+$0x0 ss:$0x1], vm1  }
0xd3: {  	v2 =	vmov s2;
	p2 =	slt.s32 s4, s26  }
0xd4: {  	vm1 =	vgt.u32 v2, v0  }
.Ltmp11:
0xd5: {  	(pc) =	sbr.rel @p2 .LBB3_6-.Ltmp11, $3  }
0xd6: {  	_ =	sdelay $0x1  }
0xd7: {  	v1 =	vshll.u32 v1, $0x4  }
0xd8: {  	s24 =	sadd.s32 $0xFFFFFFF0, s24;
	[tilespmem:s0+$0x0] =	vst.msk vm0, v1;
	s0 =	sadd.s32 $0x10, s0;
	vm0 =	vmmov vm1  }
.LBB3_7:
0xd9: {  	_ =	sdelay $0x4  }
0xda: {  	v1 =	vld.msk [tilespmem:s0+$0x0 ss:$0x1], vm1;
	_ =	sdelay $0x4  }
0xdb: {  	v1 =	vshll.u32 v1, $0x4  }
0xdc: {  	[tilespmem:s0+$0x0] =	vst.msk vm0, v1  }
.LBB3_8:
0xdd: {  	s0 =	sand.u32 $0x1, s21  }
0xde: {  	s0 =	smul.u32 $0xF0, s0  }
0xdf: {  	p2 =	sne.s32 s30, $0xFFFFFFFF  }
0xe0: {  	v1 =	vld.msk @!p2 [tilespmem:s0+$0x10518], $0x1;
	_ =	sdelay $0x4  }
0xe1: {  	(v2sf) =	vpush @!p2 v1, $0x0;
	_ =	sdelay $0xc  }
.Ltmp12:
0xe2: {  	_ = 	snop;
	(pc) =	sbr.rel @p1 .LBB3_19-.Ltmp12, $4  }
0xe3: {  	_ = 	snop  }
0xe4: {  	s29 =	spop @!p2 (v2sf)  }
0xe5: {  	s22 =	simm.s32 @!p2 $0x0;
	s24 =	smov.u32 s29  }
0xe6: {  	[sflag:s18] =	ssyncpa.u1 $0x0;
	s29 =	smov.u32 @p2 s28;
	s24 =	smov.u32 @p2 s30  }
0xe7: {  	v1 =	vld.msk [tilespmem:s23+$0x0], $0x1;
	_ =	sdelay $0x4  }
0xe8: {  	(v2sf) =	vpush v1, $0x0;
	_ =	sdelay $0xe  }
0xe9: {  	s2 =	smul.u32 $0x1E000, s25;
	s0 =	spop (v2sf)  }
0xea: {  	s26 =	ssub.s32 $0x0, s26;
	p1 =	seq.s32 s29, s0  }
0xeb: {  	s30 =	sadd.s32 $0x1, s26;
	s2 =	sshrl.u32 s2, $0x2;
	p2 =	sgt.s32 @!p1 s29, $0x0  }
0xec: {  	s25 =	sor.u32 $0x10738, s2;
	s2 =	smov.u32 s29;
	p2 =	por !p2, p1  }
0xed: {  	s2 =	simm.s32 @p2 $0x0;
	p2 =	seq.s32 s30, $0x0  }
.Ltmp13:
0xee: {  	_ = 	snop;
	(pc) =	sbr.rel @p2 .LBB3_11-.Ltmp13, $4  }
0xef: {  	_ = 	snop  }
0xf0: {  	s28 =	simm.s32 $0x0;
	s31 =	sadd.s32 $0x1, s23;
	s2 =	smin.u32 @!p1 s2, $0x270FF0  }
0xf1: {  	s4 =	simm.s32 @!p1 $0x1;
	s5 =	simm.s32 @!p1 $0x7988;
	s3 =	sand.u32 @!p1 $0x3FFFF8, s2  }
0xf2: {  	s4 =	smov.u32 @p1 s28;
	s2 =	sand.u32 @!p1 $0x7, s2;
	s3 =	sadd.s32 @!p1 s1, s3  }
.LBB3_10:
0xf3: {  	s9 =	smov.u32 s4  }
0xf4: {  	[tilespmem:s5], [sflag:$0x2] =	stream.linear.gather @!p1 [hbm4b:s3+s2], $0x80, $0x38;
	[tilespmem:$0x1F6F8] =	vst v63  }
0xf5: {  	s30 =	sadd.s32 $0x1, s30;
	s2 =	smov.u32 s0;
	v1 =	vld.msk [tilespmem:s31+$0x0], $0x1  }
0xf6: {  	p2 =	seq.s32 s30, $0x0;
	_ =	sdelay $0x3  }
0xf7: {  	(v2sf) =	vpush v1, $0x0;
	_ =	sdelay $0xe  }
0xf8: {  	s0 =	spop (v2sf)  }
0xf9: {  	p1 =	seq.s32 s2, s0  }
0xfa: {  	p3 =	sgt.s32 @!p1 s2, $0x0;
	s3 =	sshll.u32 @!p1 s4, $0x9;
	s4 =	sadd.s32 @!p1 $0x1, s4  }
.Ltmp14:
0xfb: {  	p3 =	por !p3, p1;
	s3 =	sshra.s32 @!p1 s3, $0x2;
	(pc) =	sbr.rel @!p2 .LBB3_10-.Ltmp14, $4  }
0xfc: {  	s4 =	smov.u32 @p1 s9;
	s2 =	simm.s32 @p3 $0x0;
	s5 =	sadd.s32 @!p1 $0x7988, s3  }
0xfd: {  	s2 =	smin.u32 @!p1 s2, $0x270FF0  }
0xfe: {  	s3 =	sand.u32 @!p1 $0x3FFFF8, s2;
	s2 =	sand.u32 @!p1 $0x7, s2  }
0xff: {  	s31 =	sadd.s32 $0x1, s31;
	s3 =	sadd.s32 @!p1 s1, s3  }
.LBB3_11:
0x100: {  	[tilespmem:s5], [sflag:$0x2] =	stream.linear.gather @!p1 [hbm4b:s3+s2], $0x80, $0x38;
	[tilespmem:$0x1F6F8] =	vst v63  }
.Ltmp15:
0x101: {  	s0 =	sshll.u32 s4, $0x7;
	(pc) =	sbr.rel .LBB3_12-.Ltmp15, $4  }
0x102: {  	s30 =	simm.s32 $0x2;
	s0 =	sand.u32 $0x3FFFFF80, s0  }
0x103: {  	_ =	swait.ge [sflag:s30], s0  }
0x104: {  	s0 =	ssub.s32 $0x0, s0;
	[sflag:s30] =	ssyncset.done $0x0  }
0x105: {  	s31 =	simm.s32 $0x0;
	[sflag:s30] =	ssyncadd.s32 s0  }
.LBB3_13:
0x106: {  	v1 =	vld [tilespmem:s25+$0xFFFFFFC0];
	_ =	sdelay $0x3  }
0x107: {  	s0 =	sshra.s32 s0, $0x2  }
0x108: {  	[tilespmem:s0+$0x108] =	vst.add.f32.msk $0xffff, v1  }
0x109: {  	v1 =	vld [tilespmem:s25+$0xFFFFFFD0];
	_ =	sdelay $0x4  }
0x10a: {  	[tilespmem:s0+$0x118] =	vst.add.f32.msk $0xffff, v1  }
0x10b: {  	v1 =	vld [tilespmem:s25+$0xFFFFFFE0];
	_ =	sdelay $0x4  }
0x10c: {  	[tilespmem:s0+$0x128] =	vst.add.f32.msk $0xffff, v1  }
0x10d: {  	v1 =	vld [tilespmem:s25+$0xFFFFFFF0];
	_ =	sdelay $0x4  }
0x10e: {  	[tilespmem:s0+$0x138] =	vst.add.f32.msk $0xffff, v1  }
0x10f: {  	v1 =	vld [tilespmem:s25+$0x0];
	_ =	sdelay $0x4  }
0x110: {  	[tilespmem:s0+$0x148] =	vst.add.f32.msk $0xffff, v1  }
0x111: {  	v1 =	vld [tilespmem:s25+$0x10];
	_ =	sdelay $0x4  }
0x112: {  	[tilespmem:s0+$0x158] =	vst.add.f32.msk $0xffff, v1  }
0x113: {  	v1 =	vld [tilespmem:s25+$0x20];
	_ =	sdelay $0x4  }
0x114: {  	[tilespmem:s0+$0x168] =	vst.add.f32.msk $0xffff, v1  }
0x115: {  	v1 =	vld [tilespmem:s25+$0x30];
	_ =	sdelay $0x4  }
0x116: {  	[tilespmem:s0+$0x178] =	vst.add.f32.msk $0xffff, v1  }
.LBB3_17:
0x117: {  	s26 =	sadd.s32 $0x1, s26  }
0x118: {  	p1 =	seq.s32 s26, $0x0  }
.Ltmp16:
0x119: {  	_ = 	snop;
	(pc) =	sbr.rel @p1 .LBB3_18-.Ltmp16, $2  }
0x11a: {  	_ =	sdelay $0x2  }
0x11b: {  	s23 =	sadd.s32 $0x1, s23;
	s25 =	sadd.s32 $0x80, s25;
	s29 =	smov.u32 s30  }
.LBB3_12:
0x11c: {  	v1 =	vld.msk [tilespmem:s23+$0x0], $0x1;
	_ =	sdelay $0x4  }
0x11d: {  	(v2sf) =	vpush v1, $0x0;
	_ =	sdelay $0xe  }
0x11e: {  	s30 =	spop (v2sf)  }
0x11f: {  	p1 =	sne.s32 s29, s30  }
.Ltmp17:
0x120: {  	_ = 	snop;
	(pc) =	sbr.rel @!p1 .LBB3_13-.Ltmp17, $2  }
0x121: {  	_ =	sdelay $0x2  }
0x122: {  	s0 =	sshll.u32 s22, $0x9  }
0x123: {  	p1 =	seq.s32 s29, s24  }
.Ltmp18:
0x124: {  	_ = 	snop;
	(pc) =	sbr.rel @!p1 .LBB3_15-.Ltmp18, $1  }
0x125: {  	_ =	sdelay $0x3  }
0x126: {  	s0 =	sshra.s32 s0, $0x2  }
.Ltmp19:
0x127: {  	s0 =	sadd.s32 $0x108, s0;
	(pc) =	sbr.rel .LBB3_16-.Ltmp19, $4  }
0x128: {  	[spmem:s16] =	stream.linear.scatter [tilespmem:s0], [sflag:$0x1], $0x80, $0x38;
	[tilespmem:$0x1F6F8] =	vst v63  }
0x129: {  	_ =	swait.ge [sflag:s12], $0x80  }
0x12a: {  	[sflag:s12] =	ssyncset.done $0x0  }
0x12b: {  	[sflag:s12] =	ssyncadd.s32 $0xFFFFFF80  }
.LBB3_15:
0x12c: {  	s2 =	sshll.u32 s28, $0x9  }
0x12d: {  	s2 =	sshra.s32 s2, $0x2  }
0x12e: {  	v1 =	vld [tilespmem:s2+$0x7988];
	_ =	sdelay $0x3  }
0x12f: {  	s0 =	sshra.s32 s0, $0x2  }
0x130: {  	[tilespmem:s0+$0x108] =	vst.add.f32.msk $0xffff, v1  }
0x131: {  	v1 =	vld [tilespmem:s2+$0x7998];
	_ =	sdelay $0x4  }
0x132: {  	[tilespmem:s0+$0x118] =	vst.add.f32.msk $0xffff, v1  }
0x133: {  	v1 =	vld [tilespmem:s2+$0x79A8];
	_ =	sdelay $0x4  }
0x134: {  	[tilespmem:s0+$0x128] =	vst.add.f32.msk $0xffff, v1  }
0x135: {  	v1 =	vld [tilespmem:s2+$0x79B8];
	_ =	sdelay $0x4  }
0x136: {  	[tilespmem:s0+$0x138] =	vst.add.f32.msk $0xffff, v1  }
0x137: {  	v1 =	vld [tilespmem:s2+$0x79C8];
	_ =	sdelay $0x4  }
0x138: {  	[tilespmem:s0+$0x148] =	vst.add.f32.msk $0xffff, v1  }
0x139: {  	v1 =	vld [tilespmem:s2+$0x79D8];
	_ =	sdelay $0x4  }
0x13a: {  	[tilespmem:s0+$0x158] =	vst.add.f32.msk $0xffff, v1  }
0x13b: {  	v1 =	vld [tilespmem:s2+$0x79E8];
	_ =	sdelay $0x4  }
0x13c: {  	[tilespmem:s0+$0x168] =	vst.add.f32.msk $0xffff, v1  }
0x13d: {  	v1 =	vld [tilespmem:s2+$0x79F8];
	_ =	sdelay $0x2  }
0x13e: {  	p1 =	sgt.u32 s29, $0x270FF0  }
0x13f: {  	s2 =	sand.u32 @!p1 $0x3FFFF8, s29  }
0x140: {  	s3 =	sadd.s32 $0x108, s0;
	[tilespmem:s0+$0x178] =	vst.add.f32.msk $0xffff, v1;
	s0 =	sadd.s32 @!p1 s1, s2;
	s2 =	sand.u32 @!p1 $0x7, s29  }
0x141: {  	[hbm4b:s0+s2] =	stream.linear.scatter @!p1 [tilespmem:s3], [sflag:$0xC], $0x80, $0x38;
	[tilespmem:$0x1F6F8] =	vst v63  }
0x142: {  	s0 =	simm.s32 $0x0  }
0x143: {  	s0 =	simm.s32 @!p1 $0x200  }
0x144: {  	s31 =	sadd.s32 s0, s31  }
.LBB3_16:
0x145: {  	s0 =	sadd.s32 $0x1, s22  }
0x146: {  	s2 =	smulhi.u32 $0x88888889, s0;
	_ =	sdelay $0x1  }
0x147: {  	v1 =	vld [tilespmem:s25+$0xFFFFFFC0];
	s2 =	sshrl.u32 s2, $0x7  }
0x148: {  	s2 =	smul.u32 $0xF0, s2;
	_ =	sdelay $0x1  }
0x149: {  	s22 =	ssub.s32 s0, s2  }
0x14a: {  	s0 =	sshll.u32 s22, $0x7  }
0x14b: {  	[tilespmem:s0+$0x108] =	vst v1  }
0x14c: {  	v1 =	vld [tilespmem:s25+$0xFFFFFFD0];
	_ =	sdelay $0x4  }
0x14d: {  	[tilespmem:s0+$0x118] =	vst v1  }
0x14e: {  	v1 =	vld [tilespmem:s25+$0xFFFFFFE0];
	_ =	sdelay $0x4  }
0x14f: {  	[tilespmem:s0+$0x128] =	vst v1  }
0x150: {  	v1 =	vld [tilespmem:s25+$0xFFFFFFF0];
	_ =	sdelay $0x4  }
0x151: {  	[tilespmem:s0+$0x138] =	vst v1  }
0x152: {  	v1 =	vld [tilespmem:s25+$0x0];
	_ =	sdelay $0x4  }
0x153: {  	[tilespmem:s0+$0x148] =	vst v1  }
0x154: {  	v1 =	vld [tilespmem:s25+$0x10];
	_ =	sdelay $0x4  }
0x155: {  	[tilespmem:s0+$0x158] =	vst v1  }
0x156: {  	v1 =	vld [tilespmem:s25+$0x20];
	_ =	sdelay $0x4  }
0x157: {  	[tilespmem:s0+$0x168] =	vst v1  }
0x158: {  	v1 =	vld [tilespmem:s25+$0x30]  }
.Ltmp20:
0x159: {  	_ = 	snop;
	(pc) =	sbr.rel .LBB3_17-.Ltmp20, $2  }
0x15a: {  	_ =	sdelay $0x2  }
0x15b: {  	s28 =	sadd.s32 $0x1, s28;
	[tilespmem:s0+$0x178] =	vst v1  }
.LBB3_19:
.Ltmp21:
0x15c: {  	(pc) =	sbr.rel .LBB3_20-.Ltmp21, $4  }
0x15d: {  	_ = 	snop  }
0x15e: {  	s0 =	simm.s32 $0x2  }
0x15f: {  	_ =	swait.ge [sflag:s0], $0x0  }
0x160: {  	s30 =	smov.u32 s29;
	[sflag:s0] =	ssyncset.done $0x0;
	s0 =	simm.s32 $0x0  }
.LBB3_22:
0x161: {  	_ =	sfence.sel $0x180000  }
0x162: {  	s0 =	simm.s32 $0x9;
	[bflag:$0x0] =	sbarrier.arrive $0xFFFF  }
0x163: {  	s24 =	simm.s32 $0xA;
	[sflag:s0] =	ssyncpa.u1 $0x1  }
0x164: {  	s25 =	simm.s32 $0xB;
	[sflag:s24] =	ssyncpa.u1 $0x1  }
0x165: {  	s26 =	simm.s32 $0x2;
	[sflag:s25] =	ssyncpa.u1 $0x1  }
0x166: {  	[sflag:s26] =	ssyncpa.u1 $0x1  }
0x167: {  	v0 =	vld [tilespmem:$0xF208];
	_ =	sdelay $0x4  }
0x168: {  	(v2sf) =	vpush v0, $0x0  }
0x169: {  	(v2sf) =	vpush v0, $0x1;
	_ =	sdelay $0x1  }
0x16a: {  	(v2sf) =	vpush v0, $0x2;
	_ =	sdelay $0xb  }
0x16b: {  	s0 =	spop (v2sf)  }
0x16c: {  	s2 =	spop (v2sf)  }
0x16d: {  	s3 =	smov.u32 s0;
	p0 =	sne.s32 s0, s2  }
0x16e: {  	s4 =	spop (v2sf);
	s3 =	simm.s32 @!p0 $0xFFFFFFFF  }
0x16f: {  	v2 =	vimm.s32 $0x1;
	v3 =	vlaneseq.u32;
	p0 =	seq.s32 s4, $0xFFFFFFFF;
	v1 =	vmov s3  }
0x170: {  	s16 =	stileid.u32;
	v0 =	vperm.xlane v0, v2;
	p1 =	sne.s32 @!p0 s0, s2;
	v1 =	vperm.xlane v1, v3  }
0x171: {  	vm0 =	vcmask $0x3F04;
	s6 =	simm.s32 $0xF208;
	s0 =	simm.s32 @!p0 $0x1;
	p1 =	por !p1, p0  }
0x172: {  	s3 =	sshll.u32 s16, $0x1;
	s2 =	sshll.u32 @!p0 s4, $0x9;
	s0 =	simm.s32 @p1 $0x0;
	v0 =	vsel vm0, v1, v0  }
0x173: {  	s5 =	sor.u32 $0x1000, s3;
	s2 =	sshra.s32 @!p0 s2, $0x2;
	s0 =	sor.u32 @!p0 s0, s3;
	[tilespmem:$0xF208] =	vst v0  }
0x174: {  	[spmem:s5] =	stream.linear.scatter [tilespmem:s6], [sflag:$0x1], $0x2, $0x38;
	[tilespmem:$0x1F6F8] =	vst v63  }
0x175: {  	s2 =	sadd.s32 @!p0 $0x108, s2;
	s0 =	sshll.u32 @!p0 s0, $0x7  }
0x176: {  	[spmem:s0] =	stream.linear.scatter @!p0 [tilespmem:s2], [sflag:$0x1], $0x80, $0x38;
	[tilespmem:$0x1F6F8] =	vst v63  }
0x177: {  	s0 =	simm.s32 @!p0 $0x82  }
0x178: {  	s28 =	simm.s32 $0x1;
	s0 =	simm.s32 @p0 $0x2  }
0x179: {  	_ =	swait.ge [sflag:s28], s0  }
0x17a: {  	s0 =	ssub.s32 $0x0, s0;
	[sflag:s28] =	ssyncset.done $0x0  }
0x17b: {  	p0 =	sne.s32 s16, $0x0;
	[sflag:s28] =	ssyncadd.s32 s0  }
.Ltmp22:
0x17c: {  	_ =	sfence.stream.spmem;
	(pc) =	sbr.rel @p0 .LBB3_39-.Ltmp22, $4  }
0x17d: {  	s29 =	simm.s32 $0x3;
	[bflag:$0x0] =	sbarrier.arrive $0xFFFF  }
0x17e: {  	s30 =	simm.s32 $0x4;
	[sflag:s29] =	ssyncpa.u1 $0x1  }
0x17f: {  	s31 =	simm.s32 $0x3C;
	[sflag:s30] =	ssyncpa.u1 $0x1  }
0x180: {  	s15 =	rddreg [dreg:$0x4];
	[sflag:s31] =	ssyncpa.u1 $0x1  }
0x181: {  	_ =	sfence.stream.spmem;
	s0 =	simm.s32 $0x5  }
0x182: {  	s2 =	simm.s32 $0x1000;
	s3 =	simm.s32 $0xF218;
	[sflag:s0] =	ssyncpa.u1 $0x0  }
0x183: {  	[tilespmem:s3], [sflag:$0x5] =	stream.linear.gather [spmem:s2], $0x20, $0x38;
	[tilespmem:$0x1F6F8] =	vst v63  }
0x184: {  	s26 =	simm.s32 $0x0;
	s28 =	simm.s32 $0xF238  }
0x185: {  	[tilespmem:s28], [sflag:$0x5] =	stream.linear.gather [spmem:s26], $0x1000, $0x38;
	[tilespmem:$0x1F6F8] =	vst v63  }
0x186: {  	_ =	swait.ge [sflag:s0], $0x1020  }
0x187: {  	[sflag:s0] =	ssyncset.done $0x0  }
0x188: {  	s29 =	simm.s32 $0x0;
	[sflag:s0] =	ssyncadd.s32 $0xFFFFEFE0  }
0x189: {  	v0 =	vld.msk [tilespmem:s29+$0xF218], $0x1;
	_ =	sdelay $0x1  }
0x18a: {  	s30 =	simm.s32 $0x1  }
0x18b: {  	v1 =	vld.msk [tilespmem:s30+$0xF218], $0x1;
	_ =	sdelay $0x1  }
0x18c: {  	(v2sf) =	vpush v0, $0x0;
	_ =	sdelay $0x2  }
0x18d: {  	(v2sf) =	vpush v1, $0x0;
	_ =	sdelay $0x2  }
0x18e: {  	s31 =	simm.s32 $0x2  }
0x18f: {  	v0 =	vld.msk [tilespmem:s31+$0xF218], $0x1;
	_ =	sdelay $0x2  }
0x190: {  	s4 =	simm.s32 $0xFFFFFFFF;
	s5 =	simm.s32 $0xFFFFFFFF;
	s0 =	simm.s32 $0xC  }
.LBB3_24:
0x191: {  	s2 =	smov.u32 s5;
	s3 =	smov.u32 s4  }
0x192: {  	s4 =	sshra.s32 s0, $0x2;
	p1 =	sne.s32 s0, $0x7C;
	s0 =	sadd.s32 $0x4, s0;
	(v2sf) =	vpush v0, $0x0  }
0x193: {  	v0 =	vld.msk [tilespmem:s4+$0xF218], $0x1  }
.Ltmp23:
0x194: {  	(pc) =	sbr.rel @p1 .LBB3_24-.Ltmp23, $4  }
0x195: {  	s5 =	spop (v2sf)  }
0x196: {  	p2 =	sne.s32 s3, $0xFFFFFFFF;
	s4 =	smov.u32 s5  }
0x197: {  	p3 =	seq.s32 s5, $0xFFFFFFFF;
	s4 =	smov.u32 @p2 s3  }
0x198: {  	s5 =	smov.u32 @p3 s2;
	s4 =	smov.u32 @p3 s3  }
0x199: {  	(v2sf) =	vpush v0, $0x0;
	_ =	sdelay $0x8  }
0x19a: {  	s0 =	spop (v2sf)  }
0x19b: {  	p1 =	sne.s32 s4, $0xFFFFFFFF;
	s2 =	smov.u32 s0  }
0x19c: {  	s9 =	simm.s32 $0x6;
	p2 =	seq.s32 s0, $0xFFFFFFFF;
	s2 =	smov.u32 @p1 s4  }
0x19d: {  	s6 =	simm.s32 $0x0;
	s2 =	smov.u32 @p2 s4;
	s3 =	spop (v2sf)  }
0x19e: {  	s0 =	smov.u32 @p2 s5;
	p1 =	sne.s32 s2, $0xFFFFFFFF;
	s4 =	smov.u32 s3  }
.Ltmp24:
0x19f: {  	p2 =	seq.s32 s3, $0xFFFFFFFF;
	s4 =	smov.u32 @p1 s2;
	(pc) =	sbr.rel .LBB3_26-.Ltmp24, $4  }
0x1a0: {  	s10 =	simm.s32 $0xF188;
	s4 =	smov.u32 @p2 s2;
	s7 =	spop (v2sf)  }
0x1a1: {  	s11 =	simm.s32 $0x0;
	p1 =	sne.s32 s4, $0xFFFFFFFF;
	s8 =	smov.u32 s7  }
0x1a2: {  	s3 =	smov.u32 @p2 s0;
	p2 =	seq.s32 s7, $0xFFFFFFFF;
	s8 =	smov.u32 @p1 s4  }
0x1a3: {  	[sflag:s9] =	ssyncpa.u1 $0x0;
	s7 =	smov.u32 @p2 s3;
	s8 =	smov.u32 @p2 s4  }
.LBB3_32:
0x1a4: {  	p1 =	sgt.u32 s12, $0x270FF0  }
0x1a5: {  	p2 =	seq.s32 @!p1 s12, s8  }
0x1a6: {  	p1 =	por p1, p2  }
0x1a7: {  	p2 =	sne.s32 @!p1 s12, s7  }
0x1a8: {  	p1 =	por p1, !p2  }
0x1a9: {  	s0 =	sshll.u32 @p1 s11, $0x9  }
0x1aa: {  	s0 =	sand.u32 @!p1 $0x3FFFF8, s12  }
0x1ab: {  	s2 =	sand.u32 @!p1 $0x7, s12;
	s0 =	sadd.s32 @!p1 s1, s0  }
0x1ac: {  	[tilespmem:s10], [sflag:$0x6] =	stream.linear.gather @!p1 [hbm4b:s0+s2], $0x80, $0x38;
	[tilespmem:$0x1F6F8] =	vst v63  }
0x1ad: {  	_ =	swait.ge @!p1 [sflag:s9], $0x80  }
0x1ae: {  	[sflag:s9] =	ssyncset.done @!p1 $0x0  }
0x1af: {  	[sflag:s9] =	ssyncadd.s32 @!p1 $0xFFFFFF80  }
0x1b0: {  	v1 =	vld @!p1 [tilespmem:$0xF188];
	_ =	sdelay $0x2  }
0x1b1: {  	s0 =	sshll.u32 @!p1 s11, $0x9  }
0x1b2: {  	s2 =	sshrl.u32 @!p1 s0, $0x2  }
0x1b3: {  	[tilespmem:s2+$0xF238] =	vst.add.f32.msk @!p1 $0xffff, v1  }
0x1b4: {  	v1 =	vld @!p1 [tilespmem:$0xF198];
	_ =	sdelay $0x4  }
0x1b5: {  	[tilespmem:s2+$0xF248] =	vst.add.f32.msk @!p1 $0xffff, v1  }
0x1b6: {  	v1 =	vld @!p1 [tilespmem:$0xF1A8];
	_ =	sdelay $0x4  }
0x1b7: {  	[tilespmem:s2+$0xF258] =	vst.add.f32.msk @!p1 $0xffff, v1  }
0x1b8: {  	v1 =	vld @!p1 [tilespmem:$0xF1B8];
	_ =	sdelay $0x4  }
0x1b9: {  	[tilespmem:s2+$0xF268] =	vst.add.f32.msk @!p1 $0xffff, v1  }
0x1ba: {  	v1 =	vld @!p1 [tilespmem:$0xF1C8];
	_ =	sdelay $0x4  }
0x1bb: {  	[tilespmem:s2+$0xF278] =	vst.add.f32.msk @!p1 $0xffff, v1  }
0x1bc: {  	v1 =	vld @!p1 [tilespmem:$0xF1D8];
	_ =	sdelay $0x4  }
0x1bd: {  	[tilespmem:s2+$0xF288] =	vst.add.f32.msk @!p1 $0xffff, v1  }
0x1be: {  	v1 =	vld @!p1 [tilespmem:$0xF1E8];
	_ =	sdelay $0x4  }
0x1bf: {  	[tilespmem:s2+$0xF298] =	vst.add.f32.msk @!p1 $0xffff, v1  }
0x1c0: {  	v1 =	vld @!p1 [tilespmem:$0xF1F8];
	_ =	sdelay $0x4  }
0x1c1: {  	[tilespmem:s2+$0xF2A8] =	vst.add.f32.msk @!p1 $0xffff, v1  }
0x1c2: {  	s0 =	sshrl.u32 s0, $0x2;
	[tilespmem:s6+$0xF218] =	vst.msk $0x1, v0  }
0x1c3: {  	v0 =	vld [tilespmem:s0+$0xF238];
	_ =	sdelay $0x2  }
0x1c4: {  	s31 =	sshll.u32 s6, $0x9  }
0x1c5: {  	s2 =	sshra.s32 s31, $0x2  }
0x1c6: {  	[tilespmem:s2+$0xF238] =	vst v0  }
0x1c7: {  	v0 =	vld [tilespmem:s0+$0xF248];
	_ =	sdelay $0x4  }
0x1c8: {  	[tilespmem:s2+$0xF248] =	vst v0  }
0x1c9: {  	v0 =	vld [tilespmem:s0+$0xF258];
	_ =	sdelay $0x4  }
0x1ca: {  	[tilespmem:s2+$0xF258] =	vst v0  }
0x1cb: {  	v0 =	vld [tilespmem:s0+$0xF268];
	_ =	sdelay $0x4  }
0x1cc: {  	[tilespmem:s2+$0xF268] =	vst v0  }
0x1cd: {  	v0 =	vld [tilespmem:s0+$0xF278];
	_ =	sdelay $0x4  }
0x1ce: {  	[tilespmem:s2+$0xF278] =	vst v0  }
0x1cf: {  	v0 =	vld [tilespmem:s0+$0xF288];
	_ =	sdelay $0x4  }
0x1d0: {  	[tilespmem:s2+$0xF288] =	vst v0  }
0x1d1: {  	v0 =	vld [tilespmem:s0+$0xF298];
	_ =	sdelay $0x4  }
0x1d2: {  	[tilespmem:s2+$0xF298] =	vst v0  }
0x1d3: {  	v0 =	vld [tilespmem:s0+$0xF2A8];
	_ =	sdelay $0x4  }
0x1d4: {  	s6 =	sadd.s32 $0x1, s6;
	[tilespmem:s2+$0xF2A8] =	vst v0  }
.LBB3_33:
0x1d5: {  	s11 =	sadd.s32 $0x1, s11  }
0x1d6: {  	p1 =	sne.s32 s11, $0x20  }
.Ltmp25:
0x1d7: {  	_ = 	snop;
	(pc) =	sbr.rel @!p1 .LBB3_34-.Ltmp25, $1  }
0x1d8: {  	_ =	sdelay $0x3  }
.LBB3_26:
0x1d9: {  	v0 =	vld.msk [tilespmem:s11+$0xF218], $0x1;
	_ =	sdelay $0x4  }
0x1da: {  	(v2sf) =	vpush v0, $0x0;
	_ =	sdelay $0xe  }
0x1db: {  	s12 =	spop (v2sf)  }
0x1dc: {  	p1 =	seq.s32 s12, $0xFFFFFFFF  }
.Ltmp26:
0x1dd: {  	_ = 	snop;
	(pc) =	sbr.rel @p1 .LBB3_33-.Ltmp26, $1  }
0x1de: {  	_ =	sdelay $0x3  }
0x1df: {  	p1 =	slt.s32 s6, $0x1  }
.Ltmp27:
0x1e0: {  	_ = 	snop;
	(pc) =	sbr.rel @p1 .LBB3_32-.Ltmp27, $1  }
0x1e1: {  	_ =	sdelay $0x3  }
0x1e2: {  	s13 =	simm.s32 $0xF218;
	p1 =	por $0x0, $0x0  }
0x1e3: {  	v1 =	vld.msk @!p1 [tilespmem:s13+$0x0], $0x1;
	_ =	sdelay $0x4  }
0x1e4: {  	(v2sf) =	vpush @!p1 v1, $0x0;
	_ =	sdelay $0xd  }
0x1e5: {  	p3 =	sne.s32 s6, $0x1  }
.Ltmp28:
0x1e6: {  	s0 =	spop @!p1 (v2sf);
	(pc) =	sbr.rel @!p3 .LBB3_30-.Ltmp28, $4  }
0x1e7: {  	p2 =	seq.s32 @!p1 s12, s0  }
0x1e8: {  	s14 =	simm.s32 $0x0;
	p2 =	por !p2, p1  }
0x1e9: {  	s2 =	simm.s32 $0xFFFFFFFF;
	s14 =	simm.s32 @p2 $0xFFFFFFFF  }
0x1ea: {  	s0 =	simm.s32 $0x1;
	s14 =	smov.u32 @p1 s2  }
.LBB3_29:
0x1eb: {  	s2 =	smov.u32 s14;
	p1 =	sne.s32 s14, $0xFFFFFFFF  }
0x1ec: {  	s13 =	sadd.s32 $0x1, s13;
	s14 =	smov.u32 s0;
	s0 =	sadd.s32 $0x1, s0  }
0x1ed: {  	p2 =	sne.s32 s6, s0;
	v1 =	vld.msk @!p1 [tilespmem:s13+$0x0], $0x1;
	_ =	sdelay $0x4  }
0x1ee: {  	(v2sf) =	vpush @!p1 v1, $0x0;
	_ =	sdelay $0xe  }
.Ltmp29:
0x1ef: {  	s3 =	spop @!p1 (v2sf);
	(pc) =	sbr.rel @p2 .LBB3_29-.Ltmp29, $4  }
0x1f0: {  	p3 =	seq.s32 @!p1 s12, s3  }
0x1f1: {  	p3 =	por !p3, p1  }
0x1f2: {  	s14 =	simm.s32 @p3 $0xFFFFFFFF  }
0x1f3: {  	s14 =	smov.u32 @p1 s2  }
.LBB3_30:
0x1f4: {  	p1 =	seq.s32 s14, $0xFFFFFFFF  }
.Ltmp30:
0x1f5: {  	_ = 	snop;
	(pc) =	sbr.rel @p1 .LBB3_32-.Ltmp30, $1  }
0x1f6: {  	_ =	sdelay $0x3  }
0x1f7: {  	s0 =	sshll.u32 s11, $0x7  }
0x1f8: {  	s0 =	sand.u32 $0x3FFFFF80, s0  }
0x1f9: {  	v0 =	vld [tilespmem:s0+$0xF238];
	_ =	sdelay $0x2  }
0x1fa: {  	s2 =	sshll.u32 s14, $0x9  }
0x1fb: {  	s2 =	sshra.s32 s2, $0x2  }
0x1fc: {  	[tilespmem:s2+$0xF238] =	vst.add.f32.msk $0xffff, v0  }
0x1fd: {  	v0 =	vld [tilespmem:s0+$0xF248];
	_ =	sdelay $0x4  }
0x1fe: {  	[tilespmem:s2+$0xF248] =	vst.add.f32.msk $0xffff, v0  }
0x1ff: {  	v0 =	vld [tilespmem:s0+$0xF258];
	_ =	sdelay $0x4  }
0x200: {  	[tilespmem:s2+$0xF258] =	vst.add.f32.msk $0xffff, v0  }
0x201: {  	v0 =	vld [tilespmem:s0+$0xF268];
	_ =	sdelay $0x4  }
0x202: {  	[tilespmem:s2+$0xF268] =	vst.add.f32.msk $0xffff, v0  }
0x203: {  	v0 =	vld [tilespmem:s0+$0xF278];
	_ =	sdelay $0x4  }
0x204: {  	[tilespmem:s2+$0xF278] =	vst.add.f32.msk $0xffff, v0  }
0x205: {  	v0 =	vld [tilespmem:s0+$0xF288];
	_ =	sdelay $0x4  }
0x206: {  	[tilespmem:s2+$0xF288] =	vst.add.f32.msk $0xffff, v0  }
0x207: {  	v0 =	vld [tilespmem:s0+$0xF298];
	_ =	sdelay $0x4  }
0x208: {  	[tilespmem:s2+$0xF298] =	vst.add.f32.msk $0xffff, v0  }
0x209: {  	v0 =	vld [tilespmem:s0+$0xF2A8]  }
.Ltmp31:
0x20a: {  	_ = 	snop;
	(pc) =	sbr.rel .LBB3_33-.Ltmp31, $2  }
0x20b: {  	_ =	sdelay $0x2  }
0x20c: {  	[tilespmem:s2+$0xF2A8] =	vst.add.f32.msk $0xffff, v0  }
.LBB3_34:
0x20d: {  	s0 =	simm.s32 $0x6;
	p1 =	seq.s32 s6, $0x0  }
0x20e: {  	[sflag:s0] =	ssyncpa.u1 $0x1;
	v0 =	vimm.s32 @p1 $0xFFFFFFFF  }
0x20f: {  	s9 =	sadd.s32 $0xFFFFFFFF, s6;
	[tilespmem:$0x10238] =	vst @p1 v0  }
0x210: {  	v0 =	vld.msk @!p1 [tilespmem:s9+$0xF218], $0x1;
	_ =	sdelay $0x1  }
0x211: {  	v1 =	vld.msk @!p1 [tilespmem:$0xF218], $0x1;
	_ =	sdelay $0x2  }
0x212: {  	p2 =	seq.s32 @!p1 s9, $0x0;
	v0 =	vbroadcast @!p1 v0, $0x0  }
0x213: {  	vm0 =	vmmov @!p1 $0x1;
	p2 =	por !p2, p1  }
0x214: {  	v1 =	vnsel @!p1 vm0, $0xFFFFFFFF, v1;
	vm0 =	vcmask @!p1 $0x308;
	v0 =	vpsel !p2, $0xFFFFFFFF, v0  }
0x215: {  	p2 =	sne.s32 @!p1 s8, s7;
	v0 =	vsel @!p1 vm0, v1, v0  }
0x216: {  	s0 =	simm.s32 @!p1 $0xF238;
	s2 =	simm.s32 @!p1 $0x0;
	p3 =	por !p2, p1;
	[tilespmem:$0x10238] =	vst @!p1 v0  }
0x217: {  	[spmem:s2] =	stream.linear.scatter @!p1 [tilespmem:s0], [sflag:$0x1], $0x80, $0x38;
	[tilespmem:$0x1F6F8] =	vst v63  }
0x218: {  	s0 =	sshll.u32 @!p3 s9, $0x9  }
0x219: {  	s0 =	sshra.s32 @!p3 s0, $0x2  }
0x21a: {  	s2 =	simm.s32 @!p3 $0x80;
	s0 =	sadd.s32 @!p3 $0xF238, s0  }
0x21b: {  	[spmem:s2] =	stream.linear.scatter @!p3 [tilespmem:s0], [sflag:$0x1], $0x80, $0x38;
	[tilespmem:$0x1F6F8] =	vst v63  }
0x21c: {  	s0 =	simm.s32 @!p3 $0x1  }
0x21d: {  	_ =	swait.ge @!p3 [sflag:s0], $0x100  }
0x21e: {  	p1 =	por p2, p1;
	[sflag:s0] =	ssyncset.done @!p3 $0x0  }
0x21f: {  	[sflag:s0] =	ssyncadd.s32 @!p3 $0xFFFFFF00;
	s0 =	simm.s32 @!p1 $0x1  }
0x220: {  	_ =	swait.ge @!p1 [sflag:s0], $0x80  }
0x221: {  	s29 =	simm.s32 $0x10238;
	[sflag:s0] =	ssyncset.done @!p1 $0x0  }
0x222: {  	s30 =	simm.s32 $0x1000;
	s31 =	simm.s32 $0x1;
	[sflag:s0] =	ssyncadd.s32 @!p1 $0xFFFFFF80  }
0x223: {  	[spmem:s30] =	stream.linear.scatter [tilespmem:s29], [sflag:$0x1], $0x10, $0x38;
	[tilespmem:$0x1F6F8] =	vst v63  }
0x224: {  	_ =	swait.ge [sflag:s31], $0x10  }
0x225: {  	[sflag:s31] =	ssyncset.done $0x0  }
0x226: {  	p1 =	seq.s32 s15, $0x0;
	s8 =	rddreg [dreg:$0x1];
	[sflag:s31] =	ssyncadd.s32 $0xFFFFFFF0  }
0x227: {  	s2 =	sshll.u32 @p1 s8, $0xE;
	s7 =	rddreg [dreg:$0x2]  }
0x228: {  	s0 =	sadd.s32 @p1 $0x15C3C, s2;
	s2 =	sshll.u32 @p1 s7, $0x11  }
0x229: {  	_ =	sfence.stream.spmem;
	s0 =	sor.u32 @p1 s2, s0  }
0x22a: {  	[sflag:s0] =	ssyncadd.remote.s32 @p1 $0x1;
	s0 =	simm.s32 @p1 $0x4  }
0x22b: {  	s3 =	simm.s32 @!p1 $0x3C;
	s2 =	sand.u32 $0xFFFFFFFE, s8;
	_ =	swait.ge @p1 [sflag:s0], $0x22  }
0x22c: {  	s4 =	simm.s32 @!p1 $0x0;
	s2 =	sadd.s32 @!p1 $0x4, s2;
	[sflag:s0] =	ssyncset.done @p1 $0x0  }
0x22d: {  	s5 =	simm.s32 @!p1 $0x100;
	[sflag:s0] =	ssyncadd.s32 @p1 $0xFFFFFFDE;
	s0 =	sshll.u32 @!p1 s2, $0x1A  }
0x22e: {  	s2 =	sshll.u32 @!p1 s2, $0xD;
	s0 =	sor.u32 @!p1 s0, s7;
	_ =	swait.eq @!p1 [sflag:s3], $0x1  }
0x22f: {  	s2 =	sor.u32 @!p1 $0x1C04, s2;
	s3 =	simm.s32 @!p1 $0x1C03;
	s0 =	sor.u32 @!p1 $0x80004000, s0  }
0x230: {  	[spmem:s5], [sflag:s2] =	dma.general @!p1 [spmem:s4], [sflag:s3], length:$0x20, [dreg:$0x0], stride_count:$0x0, ici_dest:s0, dma_misc:DstOpCode:WRITE  }
0x231: {  	p2 =	slt.s32 s9, $0x2;
	s4 =	simm.s32 @!p1 $0x200;
	s5 =	simm.s32 @!p1 $0x202  }
0x232: {  	[spmem:s5], [sflag:s2] =	dma.general @!p1 [spmem:s4], [sflag:s3], length:$0x2, [dreg:$0x0], stride_count:$0x0, ici_dest:s0, dma_misc:DstOpCode:WRITE  }
.Ltmp32:
0x233: {  	s0 =	simm.s32 @!p1 $0x3;
	(pc) =	sbr.rel @p2 .LBB3_38-.Ltmp32, $4  }
0x234: {  	s2 =	sshll.u32 @!p1 s8, $0xE;
	_ =	swait.ge @!p1 [sflag:s0], $0x22  }
0x235: {  	s3 =	sshll.u32 @!p1 s7, $0x11;
	s2 =	sadd.s32 @!p1 $0x11C3C, s2;
	[sflag:s0] =	ssyncset.done @!p1 $0x0  }
0x236: {  	[sflag:s0] =	ssyncadd.s32 @!p1 $0xFFFFFFDE;
	s0 =	sor.u32 @!p1 s3, s2  }
0x237: {  	[sflag:s0] =	ssyncadd.remote.s32 @!p1 $0xFFFFFFFF;
	s0 =	simm.s32 $0x0  }
0x238: {  	s0 =	simm.s32 $0xF219  }
0x239: {  	v0 =	vld.msk [tilespmem:s0+$0x0], $0x1;
	_ =	sdelay $0x4  }
0x23a: {  	(v2sf) =	vpush v0, $0x0;
	_ =	sdelay $0xb  }
0x23b: {  	s31 =	sadd.s32 $0xFFFFFFFE, s6  }
0x23c: {  	s0 =	sadd.s32 $0xFFFFFFFF, s31  }
0x23d: {  	p2 =	sne.s32 s0, $0x0  }
.Ltmp33:
0x23e: {  	s2 =	spop (v2sf);
	(pc) =	sbr.rel @!p2 .LBB3_37-.Ltmp33, $4  }
0x23f: {  	s4 =	simm.s32 $0xF2B8;
	s7 =	simm.s32 $0x0;
	p1 =	sgt.u32 s2, $0x270FF0  }
0x240: {  	s5 =	simm.s32 $0x0;
	s6 =	simm.s32 $0xF21A;
	s3 =	sand.u32 @!p1 $0x3FFFF8, s2  }
0x241: {  	s2 =	sand.u32 @!p1 $0x7, s2;
	s7 =	simm.s32 @!p1 $0x200;
	s3 =	sadd.s32 @!p1 s1, s3  }
0x242: {  	[hbm4b:s3+s2] =	stream.linear.scatter @!p1 [tilespmem:s4], [sflag:$0x5], $0x80, $0x38;
	[tilespmem:$0x1F6F8] =	vst v63  }
.LBB3_36:
0x243: {  	v0 =	vld.msk [tilespmem:s6+$0x0], $0x1;
	s0 =	sadd.s32 $0xFFFFFFFF, s0;
	s5 =	sadd.s32 s5, s7  }
0x244: {  	p1 =	sne.s32 s0, $0x0;
	_ =	sdelay $0x3  }
0x245: {  	(v2sf) =	vpush v0, $0x0;
	_ =	sdelay $0xe  }
.Ltmp34:
0x246: {  	s2 =	spop (v2sf);
	(pc) =	sbr.rel @p1 .LBB3_36-.Ltmp34, $4  }
0x247: {  	s7 =	simm.s32 $0x0;
	p2 =	sgt.u32 s2, $0x270FF0  }
0x248: {  	s4 =	sadd.s32 $0x80, s4;
	s7 =	simm.s32 @!p2 $0x200;
	s3 =	sand.u32 @!p2 $0x3FFFF8, s2  }
0x249: {  	s6 =	sadd.s32 $0x1, s6;
	s2 =	sand.u32 @!p2 $0x7, s2;
	s3 =	sadd.s32 @!p2 s1, s3  }
0x24a: {  	[hbm4b:s3+s2] =	stream.linear.scatter @!p2 [tilespmem:s4], [sflag:$0x5], $0x80, $0x38;
	[tilespmem:$0x1F6F8] =	vst v63  }
.LBB3_37:
0x24b: {  	s0 =	sadd.s32 s5, s7  }
0x24c: {  	s0 =	sshrl.u32 s0, $0x2  }
.LBB3_38:
0x24d: {  	s2 =	simm.s32 $0x5  }
0x24e: {  	_ =	swait.ge [sflag:s2], s0  }
0x24f: {  	s31 =	ssub.s32 $0x0, s0;
	[sflag:s2] =	ssyncset.done $0x0  }
0x250: {  	[sflag:s2] =	ssyncadd.s32 s31  }
0x251: {  	[sflag:s2] =	ssyncpa.u1 $0x1  }
.LBB3_39:
0x252: {  	s0 =	sor.u32 s15, s16  }
0x253: {  	p1 =	sne.s32 s0, $0x0  }
.Ltmp35:
0x254: {  	_ = 	snop;
	(pc) =	sbr.rel @p1 .LBB3_54-.Ltmp35, $3  }
0x255: {  	_ =	sdelay $0x1  }
0x256: {  	[bflag:$0x0] =	sbarrier.arrive $0xFFFF  }
0x257: {  	_ =	sfence  }
0x258: {  	s0 =	simm.s32 $0x7  }
0x259: {  	s2 =	simm.s32 $0x1000;
	s3 =	simm.s32 $0xF218;
	[sflag:s0] =	ssyncpa.u1 $0x0  }
0x25a: {  	[tilespmem:s3], [sflag:$0x7] =	stream.linear.gather [spmem:s2], $0x20, $0x38;
	[tilespmem:$0x1F6F8] =	vst v63  }
0x25b: {  	s30 =	simm.s32 $0xF238;
	s2 =	simm.s32 $0x0  }
0x25c: {  	[tilespmem:s30], [sflag:$0x7] =	stream.linear.gather [spmem:s2], $0x1000, $0x38;
	[tilespmem:$0x1F6F8] =	vst v63  }
.Ltmp36:
0x25d: {  	_ = 	snop;
	(pc) =	sbr.rel .LBB3_41-.Ltmp36, $4  }
0x25e: {  	_ =	swait.ge [sflag:s0], $0x1020  }
0x25f: {  	[sflag:s0] =	ssyncset.done $0x0  }
0x260: {  	s31 =	simm.s32 $0x8;
	[sflag:s0] =	ssyncadd.s32 $0xFFFFEFE0  }
0x261: {  	s3 =	simm.s32 $0x0;
	[sflag:s31] =	ssyncpa.u1 $0x0  }
.LBB3_47:
0x262: {  	p1 =	slt.u32 s4, $0x270FF1  }
0x263: {  	s0 =	sand.u32 @p1 $0x3FFFF8, s4  }
0x264: {  	s4 =	sand.u32 @p1 $0x7, s4;
	s5 =	simm.s32 @p1 $0xF188;
	s0 =	sadd.s32 @p1 s1, s0  }
0x265: {  	[tilespmem:s5], [sflag:$0x8] =	stream.linear.gather @p1 [hbm4b:s0+s4], $0x80, $0x38;
	[tilespmem:$0x1F6F8] =	vst v63  }
0x266: {  	s0 =	simm.s32 @p1 $0x8  }
0x267: {  	_ =	swait.ge @p1 [sflag:s0], $0x80  }
0x268: {  	[sflag:s0] =	ssyncset.done @p1 $0x0  }
0x269: {  	[sflag:s0] =	ssyncadd.s32 @p1 $0xFFFFFF80  }
0x26a: {  	v1 =	vld @p1 [tilespmem:$0xF188];
	_ =	sdelay $0x2  }
0x26b: {  	s0 =	sshll.u32 @p1 s3, $0x9  }
0x26c: {  	s4 =	sshrl.u32 @p1 s0, $0x2  }
0x26d: {  	[tilespmem:s4+$0xF238] =	vst.add.f32.msk @p1 $0xffff, v1  }
0x26e: {  	v1 =	vld @p1 [tilespmem:$0xF198];
	_ =	sdelay $0x4  }
0x26f: {  	[tilespmem:s4+$0xF248] =	vst.add.f32.msk @p1 $0xffff, v1  }
0x270: {  	v1 =	vld @p1 [tilespmem:$0xF1A8];
	_ =	sdelay $0x4  }
0x271: {  	[tilespmem:s4+$0xF258] =	vst.add.f32.msk @p1 $0xffff, v1  }
0x272: {  	v1 =	vld @p1 [tilespmem:$0xF1B8];
	_ =	sdelay $0x4  }
0x273: {  	[tilespmem:s4+$0xF268] =	vst.add.f32.msk @p1 $0xffff, v1  }
0x274: {  	v1 =	vld @p1 [tilespmem:$0xF1C8];
	_ =	sdelay $0x4  }
0x275: {  	[tilespmem:s4+$0xF278] =	vst.add.f32.msk @p1 $0xffff, v1  }
0x276: {  	v1 =	vld @p1 [tilespmem:$0xF1D8];
	_ =	sdelay $0x4  }
0x277: {  	[tilespmem:s4+$0xF288] =	vst.add.f32.msk @p1 $0xffff, v1  }
0x278: {  	v1 =	vld @p1 [tilespmem:$0xF1E8];
	_ =	sdelay $0x4  }
0x279: {  	[tilespmem:s4+$0xF298] =	vst.add.f32.msk @p1 $0xffff, v1  }
0x27a: {  	v1 =	vld @p1 [tilespmem:$0xF1F8];
	_ =	sdelay $0x3  }
0x27b: {  	s5 =	sshll.u32 @!p1 s3, $0x9  }
0x27c: {  	s5 =	smov.u32 @p1 s0;
	[tilespmem:s4+$0xF2A8] =	vst.add.f32.msk @p1 $0xffff, v1  }
0x27d: {  	s0 =	sshrl.u32 s5, $0x2;
	[tilespmem:s2+$0xF218] =	vst.msk $0x1, v0  }
0x27e: {  	v0 =	vld [tilespmem:s0+$0xF238];
	_ =	sdelay $0x2  }
0x27f: {  	s31 =	sshll.u32 s2, $0x9  }
0x280: {  	s4 =	sshra.s32 s31, $0x2  }
0x281: {  	[tilespmem:s4+$0xF238] =	vst v0  }
0x282: {  	v0 =	vld [tilespmem:s0+$0xF248];
	_ =	sdelay $0x4  }
0x283: {  	[tilespmem:s4+$0xF248] =	vst v0  }
0x284: {  	v0 =	vld [tilespmem:s0+$0xF258];
	_ =	sdelay $0x4  }
0x285: {  	[tilespmem:s4+$0xF258] =	vst v0  }
0x286: {  	v0 =	vld [tilespmem:s0+$0xF268];
	_ =	sdelay $0x4  }
0x287: {  	[tilespmem:s4+$0xF268] =	vst v0  }
0x288: {  	v0 =	vld [tilespmem:s0+$0xF278];
	_ =	sdelay $0x4  }
0x289: {  	[tilespmem:s4+$0xF278] =	vst v0  }
0x28a: {  	v0 =	vld [tilespmem:s0+$0xF288];
	_ =	sdelay $0x4  }
0x28b: {  	[tilespmem:s4+$0xF288] =	vst v0  }
0x28c: {  	v0 =	vld [tilespmem:s0+$0xF298];
	_ =	sdelay $0x4  }
0x28d: {  	[tilespmem:s4+$0xF298] =	vst v0  }
0x28e: {  	v0 =	vld [tilespmem:s0+$0xF2A8];
	_ =	sdelay $0x4  }
0x28f: {  	s2 =	sadd.s32 $0x1, s2;
	[tilespmem:s4+$0xF2A8] =	vst v0  }
.LBB3_48:
0x290: {  	s3 =	sadd.s32 $0x1, s3  }
0x291: {  	p1 =	sne.s32 s3, $0x20  }
.Ltmp37:
0x292: {  	_ = 	snop;
	(pc) =	sbr.rel @!p1 .LBB3_49-.Ltmp37, $1  }
0x293: {  	_ =	sdelay $0x3  }
.LBB3_41:
0x294: {  	v0 =	vld.msk [tilespmem:s3+$0xF218], $0x1;
	_ =	sdelay $0x4  }
0x295: {  	(v2sf) =	vpush v0, $0x0;
	_ =	sdelay $0xe  }
0x296: {  	s4 =	spop (v2sf)  }
0x297: {  	p1 =	seq.s32 s4, $0xFFFFFFFF  }
.Ltmp38:
0x298: {  	_ = 	snop;
	(pc) =	sbr.rel @p1 .LBB3_48-.Ltmp38, $1  }
0x299: {  	_ =	sdelay $0x3  }
0x29a: {  	p1 =	slt.s32 s2, $0x1  }
.Ltmp39:
0x29b: {  	_ = 	snop;
	(pc) =	sbr.rel @p1 .LBB3_47-.Ltmp39, $1  }
0x29c: {  	_ =	sdelay $0x3  }
0x29d: {  	s5 =	simm.s32 $0xF218;
	p1 =	por $0x0, $0x0  }
0x29e: {  	v1 =	vld.msk @!p1 [tilespmem:s5+$0x0], $0x1;
	_ =	sdelay $0x4  }
0x29f: {  	(v2sf) =	vpush @!p1 v1, $0x0;
	_ =	sdelay $0xd  }
0x2a0: {  	p3 =	sne.s32 s2, $0x1  }
.Ltmp40:
0x2a1: {  	s0 =	spop @!p1 (v2sf);
	(pc) =	sbr.rel @!p3 .LBB3_45-.Ltmp40, $4  }
0x2a2: {  	p2 =	seq.s32 @!p1 s4, s0  }
0x2a3: {  	s6 =	simm.s32 $0x0;
	p2 =	por !p2, p1  }
0x2a4: {  	s7 =	simm.s32 $0xFFFFFFFF;
	s6 =	simm.s32 @p2 $0xFFFFFFFF  }
0x2a5: {  	s0 =	simm.s32 $0x1;
	s6 =	smov.u32 @p1 s7  }
.LBB3_44:
0x2a6: {  	s7 =	smov.u32 s6;
	p1 =	sne.s32 s6, $0xFFFFFFFF  }
0x2a7: {  	s5 =	sadd.s32 $0x1, s5;
	s6 =	smov.u32 s0;
	s0 =	sadd.s32 $0x1, s0  }
0x2a8: {  	p2 =	sne.s32 s2, s0;
	v1 =	vld.msk @!p1 [tilespmem:s5+$0x0], $0x1;
	_ =	sdelay $0x4  }
0x2a9: {  	(v2sf) =	vpush @!p1 v1, $0x0;
	_ =	sdelay $0xe  }
.Ltmp41:
0x2aa: {  	s8 =	spop @!p1 (v2sf);
	(pc) =	sbr.rel @p2 .LBB3_44-.Ltmp41, $4  }
0x2ab: {  	p3 =	seq.s32 @!p1 s4, s8  }
0x2ac: {  	p3 =	por !p3, p1  }
0x2ad: {  	s6 =	simm.s32 @p3 $0xFFFFFFFF  }
0x2ae: {  	s6 =	smov.u32 @p1 s7  }
.LBB3_45:
0x2af: {  	p1 =	seq.s32 s6, $0xFFFFFFFF  }
.Ltmp42:
0x2b0: {  	_ = 	snop;
	(pc) =	sbr.rel @p1 .LBB3_47-.Ltmp42, $1  }
0x2b1: {  	_ =	sdelay $0x3  }
0x2b2: {  	s0 =	sshll.u32 s3, $0x7  }
0x2b3: {  	s0 =	sand.u32 $0x3FFFFF80, s0  }
0x2b4: {  	v0 =	vld [tilespmem:s0+$0xF238];
	_ =	sdelay $0x2  }
0x2b5: {  	s4 =	sshll.u32 s6, $0x9  }
0x2b6: {  	s4 =	sshra.s32 s4, $0x2  }
0x2b7: {  	[tilespmem:s4+$0xF238] =	vst.add.f32.msk $0xffff, v0  }
0x2b8: {  	v0 =	vld [tilespmem:s0+$0xF248];
	_ =	sdelay $0x4  }
0x2b9: {  	[tilespmem:s4+$0xF248] =	vst.add.f32.msk $0xffff, v0  }
0x2ba: {  	v0 =	vld [tilespmem:s0+$0xF258];
	_ =	sdelay $0x4  }
0x2bb: {  	[tilespmem:s4+$0xF258] =	vst.add.f32.msk $0xffff, v0  }
0x2bc: {  	v0 =	vld [tilespmem:s0+$0xF268];
	_ =	sdelay $0x4  }
0x2bd: {  	[tilespmem:s4+$0xF268] =	vst.add.f32.msk $0xffff, v0  }
0x2be: {  	v0 =	vld [tilespmem:s0+$0xF278];
	_ =	sdelay $0x4  }
0x2bf: {  	[tilespmem:s4+$0xF278] =	vst.add.f32.msk $0xffff, v0  }
0x2c0: {  	v0 =	vld [tilespmem:s0+$0xF288];
	_ =	sdelay $0x4  }
0x2c1: {  	[tilespmem:s4+$0xF288] =	vst.add.f32.msk $0xffff, v0  }
0x2c2: {  	v0 =	vld [tilespmem:s0+$0xF298];
	_ =	sdelay $0x4  }
0x2c3: {  	[tilespmem:s4+$0xF298] =	vst.add.f32.msk $0xffff, v0  }
0x2c4: {  	v0 =	vld [tilespmem:s0+$0xF2A8]  }
.Ltmp43:
0x2c5: {  	_ = 	snop;
	(pc) =	sbr.rel .LBB3_48-.Ltmp43, $2  }
0x2c6: {  	_ =	sdelay $0x2  }
0x2c7: {  	[tilespmem:s4+$0xF2A8] =	vst.add.f32.msk $0xffff, v0  }
.LBB3_49:
0x2c8: {  	p1 =	slt.s32 s2, $0x1  }
.Ltmp44:
0x2c9: {  	_ = 	snop;
	(pc) =	sbr.rel @p1 .LBB3_53-.Ltmp44, $3  }
0x2ca: {  	_ =	sdelay $0x1  }
0x2cb: {  	s0 =	simm.s32 $0x8  }
0x2cc: {  	s3 =	simm.s32 $0x0;
	[sflag:s0] =	ssyncpa.u1 $0x1  }
0x2cd: {  	s0 =	simm.s32 $0xF218  }
0x2ce: {  	v0 =	vld.msk [tilespmem:s0+$0x0], $0x1;
	_ =	sdelay $0x4  }
0x2cf: {  	(v2sf) =	vpush v0, $0x0;
	_ =	sdelay $0xe  }
0x2d0: {  	s0 =	sadd.s32 $0xFFFFFFFF, s2;
	s5 =	spop (v2sf)  }
0x2d1: {  	p2 =	sne.s32 s0, $0x0;
	p1 =	sgt.u32 s5, $0x270FF0  }
.Ltmp45:
0x2d2: {  	s6 =	sand.u32 @!p1 $0x3FFFF8, s5;
	(pc) =	sbr.rel @!p2 .LBB3_52-.Ltmp45, $4  }
0x2d3: {  	s4 =	simm.s32 $0xF238;
	s5 =	sand.u32 @!p1 $0x7, s5;
	s2 =	sadd.s32 @!p1 s1, s6  }
0x2d4: {  	[hbm4b:s2+s5] =	stream.linear.scatter @!p1 [tilespmem:s4], [sflag:$0x7], $0x80, $0x38;
	[tilespmem:$0x1F6F8] =	vst v63  }
0x2d5: {  	s5 =	simm.s32 $0x0  }
0x2d6: {  	s2 =	simm.s32 $0xF219;
	s5 =	simm.s32 @!p1 $0x200  }
.LBB3_51:
0x2d7: {  	v0 =	vld.msk [tilespmem:s2+$0x0], $0x1;
	s0 =	sadd.s32 $0xFFFFFFFF, s0;
	s3 =	sadd.s32 s3, s5  }
0x2d8: {  	p1 =	sne.s32 s0, $0x0;
	_ =	sdelay $0x3  }
0x2d9: {  	(v2sf) =	vpush v0, $0x0;
	_ =	sdelay $0xe  }
.Ltmp46:
0x2da: {  	s6 =	spop (v2sf);
	(pc) =	sbr.rel @p1 .LBB3_51-.Ltmp46, $4  }
0x2db: {  	s5 =	simm.s32 $0x0;
	p2 =	sgt.u32 s6, $0x270FF0  }
0x2dc: {  	s4 =	sadd.s32 $0x80, s4;
	s5 =	simm.s32 @!p2 $0x200;
	s7 =	sand.u32 @!p2 $0x3FFFF8, s6  }
0x2dd: {  	s2 =	sadd.s32 $0x1, s2;
	s6 =	sand.u32 @!p2 $0x7, s6;
	s7 =	sadd.s32 @!p2 s1, s7  }
0x2de: {  	[hbm4b:s7+s6] =	stream.linear.scatter @!p2 [tilespmem:s4], [sflag:$0x7], $0x80, $0x38;
	[tilespmem:$0x1F6F8] =	vst v63  }
.LBB3_52:
0x2df: {  	s0 =	sadd.s32 s3, s5  }
0x2e0: {  	s3 =	sshrl.u32 s0, $0x2  }
.LBB3_53:
0x2e1: {  	s0 =	simm.s32 $0x7  }
0x2e2: {  	_ =	swait.ge [sflag:s0], s3  }
0x2e3: {  	s1 =	ssub.s32 $0x0, s3;
	[sflag:s0] =	ssyncset.done $0x0  }
0x2e4: {  	[sflag:s0] =	ssyncadd.s32 s1  }
0x2e5: {  	[sflag:s0] =	ssyncpa.u1 $0x1  }
.LBB3_54:
0x2e6: {  	_ =	sfence;
	s0 =	simm.s32 $0x1  }
0x2e7: {  	[sflag:s0] =	ssyncpa.u1 $0x1  }
0x2e8: {  	_ =	strace $0x90000056  }
0x2e9: {  	[bflag:$0x2] =	sbarrier.arrive $0xFFFF  }
0x2ea: {  	s0 =	rddreg [dreg:$0x3]  }
0x2eb: {  	s0 =	sadd.s32 @!p0 $0x100000, s0  }
0x2ec: {  	[sflag:s0] =	ssyncadd.tile.s32 @!p0 $0x1;
	_ =	shalt  }
.Lfunc_end3:
_tile_overlayer_lowered:
.L_overlay_start_3:
0x2ed: {  	(tag) =	ssettag $0x3  }
0x2ee: {  	s0 =	rddreg [dreg:$0x0];
	s2 =	stileid.u32  }
0x2ef: {  	s1 =	rddreg [dreg:$0x1];
	p0 =	sne.s32 s2, $0x0  }
0x2f0: {  	s3 =	rddreg [dreg:$0x2];
	[bflag:$0x3] =	sbarrier.arrive $0xFFFF;
	s2 =	simm.s32 @!p0 $0x1C01  }
0x2f1: {  	[timem:s3], [sflag:s2] =	dma.local @!p0 [hbm:s0], s1  }
0x2f2: {  	s0 =	simm.s32 @!p0 $0x1  }
0x2f3: {  	_ =	swait.ge @!p0 [sflag:s0], s1  }
0x2f4: {  	s1 =	ssub.s32 @!p0 $0x0, s1;
	[sflag:s0] =	ssyncset.done @!p0 $0x0  }
0x2f5: {  	[sflag:s0] =	ssyncadd.s32 @!p0 s1  }
0x2f6: {  	[bflag:$0x3] =	sbarrier.arrive $0xFFFF  }
0x2f7: {  	_ =	shalt  }

</sc_bundles>
